<compile_context>
chip_gen: v7x
topology: tpu7x:2x2x1
jax: 0.10.2.dev20260603
libtpu: 0.0.44.dev20260713+nightly
codegen_flags: <defaults>
</compile_context>

<pallas_src>
import functools

import jax
import jax.numpy as jnp
from jax import lax
from jax.experimental import pallas as pl
from jax.experimental.pallas import tpu as pltpu
from jax.experimental.pallas import tpu_sc as plsc

N_CORES = 2
N_SUB = 16
NW = N_CORES * N_SUB
NBUF = 4
IDXBLK = 40
SPMEM_WORDS = 2 ** 21 - 1


def _sc_partial_sums(x, ei, chunk, chunks, acc_rows):
    d_feat = x.shape[1]
    rows_per_tile = acc_rows // N_SUB
    mesh = plsc.VectorSubcoreMesh(core_axis_name="c", subcore_axis_name="s")

    @functools.partial(
        pl.kernel,
        mesh=mesh,
        out_type=jax.ShapeDtypeStruct((N_CORES, acc_rows, d_feat), jnp.float32),
        scratch_types=(
            [
                pltpu.VMEM((2, IDXBLK, chunk), jnp.int32),
                pltpu.VMEM((2, IDXBLK, chunk), jnp.int32),
            ]
            + [pltpu.VMEM((chunk, d_feat), jnp.float32) for _ in range(NBUF)]
            + [pltpu.VMEM_SHARED((acc_rows, d_feat), jnp.float32)]
            + [pltpu.SemaphoreType.DMA for _ in range(2 * NBUF + 1)]
        ),
    )
    def k(x_hbm, ei_hbm, out_hbm, src_v, dst_v, *rest):
        rows = rest[:NBUF]
        acc = rest[NBUF]
        gsem = rest[NBUF + 1:NBUF + 1 + NBUF]
        ssem = rest[NBUF + 1 + NBUF:NBUF + 1 + 2 * NBUF]
        isem = rest[NBUF + 1 + 2 * NBUF]
        c = lax.axis_index("c")
        s = lax.axis_index("s")
        wid = c * N_SUB + s
        cstart = wid * chunks

        pltpu.async_copy(ei_hbm.at[0, pl.ds(cstart, IDXBLK)], src_v.at[0], isem)
        pltpu.async_copy(ei_hbm.at[1, pl.ds(cstart, IDXBLK)], dst_v.at[0], isem)

        def zrow(i, carry):
            for j in range(d_feat // 16):
                rows[0][i, pl.ds(j * 16, 16)] = jnp.zeros((16,), jnp.float32)
            return carry

        lax.fori_loop(0, chunk, zrow, 0)
        base = s * rows_per_tile
        n_full = rows_per_tile // chunk
        zhandles = []
        for kk in range(n_full):
            zhandles.append(pltpu.async_copy(
                rows[0], acc.at[pl.ds(base + kk * chunk, chunk)], ssem[0]))
        rem = rows_per_tile % chunk
        if rem:
            zhandles.append(pltpu.async_copy(
                rows[0].at[pl.ds(0, rem)],
                acc.at[pl.ds(base + n_full * chunk, rem)], ssem[0]))
        for h in zhandles:
            h.wait()
        plsc.subcore_barrier()

        n_groups = IDXBLK // NBUF
        n_blk = chunks // IDXBLK
        for blk in range(n_blk):
            sl = blk % 2
            bs = cstart + blk * IDXBLK
            pltpu.make_async_copy(
                ei_hbm.at[0, pl.ds(bs, IDXBLK)], src_v.at[sl], isem).wait()
            pltpu.make_async_copy(
                ei_hbm.at[1, pl.ds(bs, IDXBLK)], dst_v.at[sl], isem).wait()
            if blk + 1 < n_blk:
                nbs = cstart + (blk + 1) * IDXBLK
                pltpu.async_copy(ei_hbm.at[0, pl.ds(nbs, IDXBLK)],
                                 src_v.at[1 - sl], isem)
                pltpu.async_copy(ei_hbm.at[1, pl.ds(nbs, IDXBLK)],
                                 dst_v.at[1 - sl], isem)
            sv = src_v.at[sl]
            dv = dst_v.at[sl]

            for b in range(NBUF):
                pltpu.async_copy(x_hbm.at[sv.at[b]], rows[b], gsem[b])

            def body(g, carry):
                jprev = (g - 1) * NBUF
                handles = []
                for b in range(NBUF):
                    pltpu.make_async_copy(
                        x_hbm.at[sv.at[jprev + b]], rows[b], gsem[b]).wait()
                    handles.append(pltpu.async_copy(
                        rows[b], acc.at[dv.at[jprev + b]], ssem[b], add=True))
                for b in range(NBUF):
                    handles[b].wait()
                    pltpu.async_copy(
                        x_hbm.at[sv.at[g * NBUF + b]], rows[b], gsem[b])
                return carry

            lax.fori_loop(1, n_groups, body, 0)

            jlast = (n_groups - 1) * NBUF
            handles = []
            for b in range(NBUF):
                pltpu.make_async_copy(
                    x_hbm.at[sv.at[jlast + b]], rows[b], gsem[b]).wait()
                handles.append(pltpu.async_copy(
                    rows[b], acc.at[dv.at[jlast + b]], ssem[b], add=True))
            for b in range(NBUF):
                handles[b].wait()
        plsc.subcore_barrier()

        pltpu.sync_copy(acc.at[pl.ds(base, rows_per_tile)],
                        out_hbm.at[c, pl.ds(base, rows_per_tile)])

    return k(x, ei)


def _tc_add(partials, num_nodes, block_rows):
    d_feat = partials.shape[-1]
    grid = num_nodes // block_rows

    def body(a_ref, o_ref):
        o_ref[...] = a_ref[0] + a_ref[1]

    return pl.pallas_call(
        body,
        grid=(grid,),
        in_specs=[pl.BlockSpec((2, block_rows, d_feat), lambda i: (0, i, 0))],
        out_specs=pl.BlockSpec((block_rows, d_feat), lambda i: (i, 0)),
        out_shape=jax.ShapeDtypeStruct((num_nodes, d_feat), jnp.float32),
    )(partials)


def _pick_chunk(per_tile, acc_rows, d_feat):
    budget = (SPMEM_WORDS - acc_rows * d_feat) // N_SUB
    for chunk in range(128, 0, -1):
        if per_tile % chunk or (per_tile // chunk) % IDXBLK:
            continue
        scratch = NBUF * chunk * d_feat + 2 * 2 * IDXBLK * chunk
        if scratch <= budget:
            return chunk
    raise ValueError(f"no chunking for per-tile edge count {per_tile}")


def kernel(x, edge_index, num_nodes):
    n = x.shape[0]
    n_edges = edge_index.shape[1]
    assert n_edges % NW == 0 and n % N_SUB == 0
    per_tile = n_edges // NW

    acc_rows = -(-n // (N_SUB * 8)) * (N_SUB * 8)
    chunk = _pick_chunk(per_tile, acc_rows, x.shape[1])
    chunks = per_tile // chunk

    ei = edge_index.reshape(2, NW * chunks, chunk)
    partials = _sc_partial_sums(x, ei, chunk, chunks, acc_rows)

    block_rows = 400 if n % 400 == 0 else n
    return _tc_add(partials, n, block_rows)

# --- scband reference (transcript-rebuilt; emitter-appended) ---
"""Pipeline reference for scband-message-passing-10453950398871 (READ-ONLY COPY).

The authoritative reference and input builder live on the scoring server;
editing this copy changes nothing except your own understanding.
"""

import jax, jax.numpy as jnp
import numpy as np

N_NODES = 10000
N_EDGES = 320000
D_FEAT = 128


def setup_inputs(seed: int = 0) -> dict:
    key = jax.random.key(seed)
    k1, k2 = jax.random.split(key)
    x = jax.random.normal(k1, (N_NODES, D_FEAT), dtype=jnp.float32)
    edge_index = jax.random.randint(k2, (2, N_EDGES), 0, N_NODES, dtype=jnp.int32)
    return {"x": x, "edge_index": edge_index, "num_nodes": N_NODES}


def reference(x, edge_index, num_nodes):
    # node_feature_expand_based_on_index: gather target (x_i) and source (x_j) features
    target_node_edge_index = jnp.mod(edge_index[1], num_nodes)
    source_node_edge_index = edge_index[0]
    x_i = jnp.take(x, target_node_edge_index, axis=0)
    x_j = jnp.take(x, source_node_edge_index, axis=0)
    # message: base class leaves this abstract; canonical MP convention is to pass
    # the source-node representation x_j through unchanged (identity message)
    msg = x_j
    # aggregation ('sum'): scatter-add messages onto destination nodes
    node_representation = jax.ops.segment_sum(msg, target_node_edge_index, num_segments=x.shape[0])
    # update: identity
    out = node_representation
    return out

if __name__ == "__main__":
    import jax
    _d = setup_inputs()
    print(jax.jit(kernel)(*tuple(_d.values())))

</pallas_src>

<mosaic_0001>
#map = affine_map<(d0, d1) -> (0, 0)>
#map1 = affine_map<(d0, d1) -> (0, 0, 0)>
module attributes {stable_mosaic.version = 14 : i64} {
  func.func @k(%arg0: i32, %arg1: i32, %arg2: memref<10000x128xf32, #tpu.memory_space<hbm>>, %arg3: memref<2x6400x50xi32, #tpu.memory_space<hbm>>, %arg4: memref<2x10112x128xf32, #tpu.memory_space<hbm>>, %arg5: memref<2x40x50xi32, #tpu.memory_space<vmem>>, %arg6: memref<2x40x50xi32, #tpu.memory_space<vmem>>, %arg7: memref<50x128xf32, #tpu.memory_space<vmem>>, %arg8: memref<50x128xf32, #tpu.memory_space<vmem>>, %arg9: memref<50x128xf32, #tpu.memory_space<vmem>>, %arg10: memref<50x128xf32, #tpu.memory_space<vmem>>, %arg11: memref<10112x128xf32, #tpu.memory_space<vmem_shared>>, %arg12: memref<!tpu.dma_semaphore, #tpu.memory_space<semaphore_mem>>, %arg13: memref<!tpu.dma_semaphore, #tpu.memory_space<semaphore_mem>>, %arg14: memref<!tpu.dma_semaphore, #tpu.memory_space<semaphore_mem>>, %arg15: memref<!tpu.dma_semaphore, #tpu.memory_space<semaphore_mem>>, %arg16: memref<!tpu.dma_semaphore, #tpu.memory_space<semaphore_mem>>, %arg17: memref<!tpu.dma_semaphore, #tpu.memory_space<semaphore_mem>>, %arg18: memref<!tpu.dma_semaphore, #tpu.memory_space<semaphore_mem>>, %arg19: memref<!tpu.dma_semaphore, #tpu.memory_space<semaphore_mem>>, %arg20: memref<!tpu.dma_semaphore, #tpu.memory_space<semaphore_mem>>) attributes {dimension_semantics = [#tpu.dimension_semantics<core_parallel>, #tpu.dimension_semantics<subcore_parallel>], iteration_bounds = array<i64: 2, 16>, scalar_prefetch = 0 : i64, scratch_operands = 16 : i64, tpu.core_type = #tpu.core_type<sc_vector_subcore>, window_params = [{transform_indices = #map}, {transform_indices = #map1}, {transform_indices = #map1}]} {
    %mul3A = arith.constant 16 : i32
    %mul3A_0 = arith.muli %arg0, %mul3A : i32
    %add3A = arith.addi %mul3A_0, %arg1 : i32
    %mul3A_1 = arith.constant 200 : i32
    %mul3A_2 = arith.muli %add3A, %mul3A_1 : i32
    %dma_start3A = arith.constant 0 : i32
    %dma_start3A_3 = arith.constant 0 : i32
    %dma_start3A_4 = arith.constant 0 : i32
    %dma_start3A_5 = arith.constant 0 : i32
    %dma_start3A_6 = tpu.memref_slice %arg5[%dma_start3A_3, %dma_start3A_4, %dma_start3A_5] : memref<2x40x50xi32, #tpu.memory_space<vmem>> -> memref<1x40x50xi32, #tpu.memory_space<vmem>>
    %dma_start3A_7 = tpu.memref_squeeze %dma_start3A_6 : memref<1x40x50xi32, #tpu.memory_space<vmem>> -> memref<40x50xi32, #tpu.memory_space<vmem>>
    %dma_start3A_8 = arith.constant 0 : i32
    %dma_start3A_9 = tpu.memref_slice %arg3[%dma_start3A, %mul3A_2, %dma_start3A_8] : memref<2x6400x50xi32, #tpu.memory_space<hbm>> -> memref<1x40x50xi32, #tpu.memory_space<hbm>>
    %dma_start3A_10 = tpu.memref_squeeze %dma_start3A_9 : memref<1x40x50xi32, #tpu.memory_space<hbm>> -> memref<40x50xi32, #tpu.memory_space<hbm>>
    %dma_start3A_11 = arith.constant 0 : i32
    %dma_start3A_12 = arith.constant 0 : i32
    %dma_start3A_13 = tpu.memref_slice %arg5[%dma_start3A_3, %dma_start3A_11, %dma_start3A_12] : memref<2x40x50xi32, #tpu.memory_space<vmem>> -> memref<1x40x50xi32, #tpu.memory_space<vmem>>
    %dma_start3A_14 = tpu.memref_squeeze %dma_start3A_13 : memref<1x40x50xi32, #tpu.memory_space<vmem>> -> memref<40x50xi32, #tpu.memory_space<vmem>>
    %dma_start3A_15 = arith.constant 0 : i32
    %dma_start3A_16 = tpu.memref_slice %arg3[%dma_start3A, %mul3A_2, %dma_start3A_15] : memref<2x6400x50xi32, #tpu.memory_space<hbm>> -> memref<1x40x50xi32, #tpu.memory_space<hbm>>
    %dma_start3A_17 = tpu.memref_squeeze %dma_start3A_16 : memref<1x40x50xi32, #tpu.memory_space<hbm>> -> memref<40x50xi32, #tpu.memory_space<hbm>>
    tpu.enqueue_dma source(%dma_start3A_17 : memref<40x50xi32, #tpu.memory_space<hbm>>) target(%dma_start3A_14 : memref<40x50xi32, #tpu.memory_space<vmem>>) target_semaphore(%arg20 : memref<!tpu.dma_semaphore, #tpu.memory_space<semaphore_mem>>)
    %dma_start3A_18 = arith.constant 1 : i32
    %dma_start3A_19 = arith.constant 0 : i32
    %dma_start3A_20 = arith.constant 0 : i32
    %dma_start3A_21 = arith.constant 0 : i32
    %dma_start3A_22 = tpu.memref_slice %arg6[%dma_start3A_19, %dma_start3A_20, %dma_start3A_21] : memref<2x40x50xi32, #tpu.memory_space<vmem>> -> memref<1x40x50xi32, #tpu.memory_space<vmem>>
    %dma_start3A_23 = tpu.memref_squeeze %dma_start3A_22 : memref<1x40x50xi32, #tpu.memory_space<vmem>> -> memref<40x50xi32, #tpu.memory_space<vmem>>
    %dma_start3A_24 = arith.constant 0 : i32
    %dma_start3A_25 = tpu.memref_slice %arg3[%dma_start3A_18, %mul3A_2, %dma_start3A_24] : memref<2x6400x50xi32, #tpu.memory_space<hbm>> -> memref<1x40x50xi32, #tpu.memory_space<hbm>>
    %dma_start3A_26 = tpu.memref_squeeze %dma_start3A_25 : memref<1x40x50xi32, #tpu.memory_space<hbm>> -> memref<40x50xi32, #tpu.memory_space<hbm>>
    %dma_start3A_27 = arith.constant 0 : i32
    %dma_start3A_28 = arith.constant 0 : i32
    %dma_start3A_29 = tpu.memref_slice %arg6[%dma_start3A_19, %dma_start3A_27, %dma_start3A_28] : memref<2x40x50xi32, #tpu.memory_space<vmem>> -> memref<1x40x50xi32, #tpu.memory_space<vmem>>
    %dma_start3A_30 = tpu.memref_squeeze %dma_start3A_29 : memref<1x40x50xi32, #tpu.memory_space<vmem>> -> memref<40x50xi32, #tpu.memory_space<vmem>>
    %dma_start3A_31 = arith.constant 0 : i32
    %dma_start3A_32 = tpu.memref_slice %arg3[%dma_start3A_18, %mul3A_2, %dma_start3A_31] : memref<2x6400x50xi32, #tpu.memory_space<hbm>> -> memref<1x40x50xi32, #tpu.memory_space<hbm>>
    %dma_start3A_33 = tpu.memref_squeeze %dma_start3A_32 : memref<1x40x50xi32, #tpu.memory_space<hbm>> -> memref<40x50xi32, #tpu.memory_space<hbm>>
    tpu.enqueue_dma source(%dma_start3A_33 : memref<40x50xi32, #tpu.memory_space<hbm>>) target(%dma_start3A_30 : memref<40x50xi32, #tpu.memory_space<vmem>>) target_semaphore(%arg20 : memref<!tpu.dma_semaphore, #tpu.memory_space<semaphore_mem>>)
    %scan3A = arith.constant 0 : i32
    %scan3A_34 = arith.constant 0 : i32
    %scan3A_35 = arith.constant 50 : i32
    %scan3A_36 = arith.addi %scan3A_34, %scan3A_35 : i32
    %scan3A_37 = arith.constant 1 : i32
    scf.for %scan3A_1489 = %scan3A_34 to %scan3A_36 step %scan3A_37  : i32 {
      %broadcast_in_dim3A = arith.constant 0.000000e+00 : f32
      %broadcast_in_dim3A_1490 = vector.broadcast %broadcast_in_dim3A : f32 to vector<16xf32>
      %swap3A = arith.index_cast %scan3A_1489 : i32 to index
      %swap3A_1491 = arith.constant 0 : index
      %swap3A_1492 = tpu.vector_load %arg7[%swap3A, %swap3A_1491] {strides = array<i32>} : memref<50x128xf32, #tpu.memory_space<vmem>>, vector<1x16xf32>,
      %swap3A_1493 = vector.shape_cast %swap3A_1492 : vector<1x16xf32> to vector<16xf32>
      %swap3A_1494 = vector.shape_cast %broadcast_in_dim3A_1490 : vector<16xf32> to vector<1x16xf32>
      tpu.vector_store %arg7[%swap3A, %swap3A_1491], %swap3A_1494 {strides = array<i32>} : memref<50x128xf32, #tpu.memory_space<vmem>>, vector<1x16xf32>,
      %broadcast_in_dim3A_1495 = arith.constant 0.000000e+00 : f32
      %broadcast_in_dim3A_1496 = vector.broadcast %broadcast_in_dim3A_1495 : f32 to vector<16xf32>
      %swap3A_1497 = arith.index_cast %scan3A_1489 : i32 to index
      %swap3A_1498 = arith.constant 16 : index
      %swap3A_1499 = tpu.vector_load %arg7[%swap3A_1497, %swap3A_1498] {strides = array<i32>} : memref<50x128xf32, #tpu.memory_space<vmem>>, vector<1x16xf32>,
      %swap3A_1500 = vector.shape_cast %swap3A_1499 : vector<1x16xf32> to vector<16xf32>
      %swap3A_1501 = vector.shape_cast %broadcast_in_dim3A_1496 : vector<16xf32> to vector<1x16xf32>
      tpu.vector_store %arg7[%swap3A_1497, %swap3A_1498], %swap3A_1501 {strides = array<i32>} : memref<50x128xf32, #tpu.memory_space<vmem>>, vector<1x16xf32>,
      %broadcast_in_dim3A_1502 = arith.constant 0.000000e+00 : f32
      %broadcast_in_dim3A_1503 = vector.broadcast %broadcast_in_dim3A_1502 : f32 to vector<16xf32>
      %swap3A_1504 = arith.index_cast %scan3A_1489 : i32 to index
      %swap3A_1505 = arith.constant 32 : index
      %swap3A_1506 = tpu.vector_load %arg7[%swap3A_1504, %swap3A_1505] {strides = array<i32>} : memref<50x128xf32, #tpu.memory_space<vmem>>, vector<1x16xf32>,
      %swap3A_1507 = vector.shape_cast %swap3A_1506 : vector<1x16xf32> to vector<16xf32>
      %swap3A_1508 = vector.shape_cast %broadcast_in_dim3A_1503 : vector<16xf32> to vector<1x16xf32>
      tpu.vector_store %arg7[%swap3A_1504, %swap3A_1505], %swap3A_1508 {strides = array<i32>} : memref<50x128xf32, #tpu.memory_space<vmem>>, vector<1x16xf32>,
      %broadcast_in_dim3A_1509 = arith.constant 0.000000e+00 : f32
      %broadcast_in_dim3A_1510 = vector.broadcast %broadcast_in_dim3A_1509 : f32 to vector<16xf32>
      %swap3A_1511 = arith.index_cast %scan3A_1489 : i32 to index
      %swap3A_1512 = arith.constant 48 : index
      %swap3A_1513 = tpu.vector_load %arg7[%swap3A_1511, %swap3A_1512] {strides = array<i32>} : memref<50x128xf32, #tpu.memory_space<vmem>>, vector<1x16xf32>,
      %swap3A_1514 = vector.shape_cast %swap3A_1513 : vector<1x16xf32> to vector<16xf32>
      %swap3A_1515 = vector.shape_cast %broadcast_in_dim3A_1510 : vector<16xf32> to vector<1x16xf32>
      tpu.vector_store %arg7[%swap3A_1511, %swap3A_1512], %swap3A_1515 {strides = array<i32>} : memref<50x128xf32, #tpu.memory_space<vmem>>, vector<1x16xf32>,
      %broadcast_in_dim3A_1516 = arith.constant 0.000000e+00 : f32
      %broadcast_in_dim3A_1517 = vector.broadcast %broadcast_in_dim3A_1516 : f32 to vector<16xf32>
      %swap3A_1518 = arith.index_cast %scan3A_1489 : i32 to index
      %swap3A_1519 = arith.constant 64 : index
      %swap3A_1520 = tpu.vector_load %arg7[%swap3A_1518, %swap3A_1519] {strides = array<i32>} : memref<50x128xf32, #tpu.memory_space<vmem>>, vector<1x16xf32>,
      %swap3A_1521 = vector.shape_cast %swap3A_1520 : vector<1x16xf32> to vector<16xf32>
      %swap3A_1522 = vector.shape_cast %broadcast_in_dim3A_1517 : vector<16xf32> to vector<1x16xf32>
      tpu.vector_store %arg7[%swap3A_1518, %swap3A_1519], %swap3A_1522 {strides = array<i32>} : memref<50x128xf32, #tpu.memory_space<vmem>>, vector<1x16xf32>,
      %broadcast_in_dim3A_1523 = arith.constant 0.000000e+00 : f32
      %broadcast_in_dim3A_1524 = vector.broadcast %broadcast_in_dim3A_1523 : f32 to vector<16xf32>
      %swap3A_1525 = arith.index_cast %scan3A_1489 : i32 to index
      %swap3A_1526 = arith.constant 80 : index
      %swap3A_1527 = tpu.vector_load %arg7[%swap3A_1525, %swap3A_1526] {strides = array<i32>} : memref<50x128xf32, #tpu.memory_space<vmem>>, vector<1x16xf32>,
      %swap3A_1528 = vector.shape_cast %swap3A_1527 : vector<1x16xf32> to vector<16xf32>
      %swap3A_1529 = vector.shape_cast %broadcast_in_dim3A_1524 : vector<16xf32> to vector<1x16xf32>
      tpu.vector_store %arg7[%swap3A_1525, %swap3A_1526], %swap3A_1529 {strides = array<i32>} : memref<50x128xf32, #tpu.memory_space<vmem>>, vector<1x16xf32>,
      %broadcast_in_dim3A_1530 = arith.constant 0.000000e+00 : f32
      %broadcast_in_dim3A_1531 = vector.broadcast %broadcast_in_dim3A_1530 : f32 to vector<16xf32>
      %swap3A_1532 = arith.index_cast %scan3A_1489 : i32 to index
      %swap3A_1533 = arith.constant 96 : index
      %swap3A_1534 = tpu.vector_load %arg7[%swap3A_1532, %swap3A_1533] {strides = array<i32>} : memref<50x128xf32, #tpu.memory_space<vmem>>, vector<1x16xf32>,
      %swap3A_1535 = vector.shape_cast %swap3A_1534 : vector<1x16xf32> to vector<16xf32>
      %swap3A_1536 = vector.shape_cast %broadcast_in_dim3A_1531 : vector<16xf32> to vector<1x16xf32>
      tpu.vector_store %arg7[%swap3A_1532, %swap3A_1533], %swap3A_1536 {strides = array<i32>} : memref<50x128xf32, #tpu.memory_space<vmem>>, vector<1x16xf32>,
      %broadcast_in_dim3A_1537 = arith.constant 0.000000e+00 : f32
      %broadcast_in_dim3A_1538 = vector.broadcast %broadcast_in_dim3A_1537 : f32 to vector<16xf32>
      %swap3A_1539 = arith.index_cast %scan3A_1489 : i32 to index
      %swap3A_1540 = arith.constant 112 : index
      %swap3A_1541 = tpu.vector_load %arg7[%swap3A_1539, %swap3A_1540] {strides = array<i32>} : memref<50x128xf32, #tpu.memory_space<vmem>>, vector<1x16xf32>,
      %swap3A_1542 = vector.shape_cast %swap3A_1541 : vector<1x16xf32> to vector<16xf32>
      %swap3A_1543 = vector.shape_cast %broadcast_in_dim3A_1538 : vector<16xf32> to vector<1x16xf32>
      tpu.vector_store %arg7[%swap3A_1539, %swap3A_1540], %swap3A_1543 {strides = array<i32>} : memref<50x128xf32, #tpu.memory_space<vmem>>, vector<1x16xf32>,
    }
    %scan3A_38 = arith.constant 50 : i32
    %mul3A_39 = arith.constant 632 : i32
    %mul3A_40 = arith.muli %arg1, %mul3A_39 : i32
    %add3A_41 = arith.constant 0 : i32
    %add3A_42 = arith.addi %mul3A_40, %add3A_41 : i32
    %dma_start3A_43 = arith.constant 0 : i32
    %dma_start3A_44 = tpu.memref_slice %arg11[%add3A_42, %dma_start3A_43] : memref<10112x128xf32, #tpu.memory_space<vmem_shared>> -> memref<50x128xf32, #tpu.memory_space<vmem_shared>>
    %dma_start3A_45 = arith.constant 0 : i32
    %dma_start3A_46 = tpu.memref_slice %arg11[%add3A_42, %dma_start3A_45] : memref<10112x128xf32, #tpu.memory_space<vmem_shared>> -> memref<50x128xf32, #tpu.memory_space<vmem_shared>>
    tpu.enqueue_dma source(%arg7 : memref<50x128xf32, #tpu.memory_space<vmem>>) target(%dma_start3A_46 : memref<50x128xf32, #tpu.memory_space<vmem_shared>>) target_semaphore(%arg16 : memref<!tpu.dma_semaphore, #tpu.memory_space<semaphore_mem>>)
    %add3A_47 = arith.constant 50 : i32
    %add3A_48 = arith.addi %mul3A_40, %add3A_47 : i32
    %dma_start3A_49 = arith.constant 0 : i32
    %dma_start3A_50 = tpu.memref_slice %arg11[%add3A_48, %dma_start3A_49] : memref<10112x128xf32, #tpu.memory_space<vmem_shared>> -> memref<50x128xf32, #tpu.memory_space<vmem_shared>>
    %dma_start3A_51 = arith.constant 0 : i32
    %dma_start3A_52 = tpu.memref_slice %arg11[%add3A_48, %dma_start3A_51] : memref<10112x128xf32, #tpu.memory_space<vmem_shared>> -> memref<50x128xf32, #tpu.memory_space<vmem_shared>>
    tpu.enqueue_dma source(%arg7 : memref<50x128xf32, #tpu.memory_space<vmem>>) target(%dma_start3A_52 : memref<50x128xf32, #tpu.memory_space<vmem_shared>>) target_semaphore(%arg16 : memref<!tpu.dma_semaphore, #tpu.memory_space<semaphore_mem>>)
    %add3A_53 = arith.constant 100 : i32
    %add3A_54 = arith.addi %mul3A_40, %add3A_53 : i32
    %dma_start3A_55 = arith.constant 0 : i32
    %dma_start3A_56 = tpu.memref_slice %arg11[%add3A_54, %dma_start3A_55] : memref<10112x128xf32, #tpu.memory_space<vmem_shared>> -> memref<50x128xf32, #tpu.memory_space<vmem_shared>>
    %dma_start3A_57 = arith.constant 0 : i32
    %dma_start3A_58 = tpu.memref_slice %arg11[%add3A_54, %dma_start3A_57] : memref<10112x128xf32, #tpu.memory_space<vmem_shared>> -> memref<50x128xf32, #tpu.memory_space<vmem_shared>>
    tpu.enqueue_dma source(%arg7 : memref<50x128xf32, #tpu.memory_space<vmem>>) target(%dma_start3A_58 : memref<50x128xf32, #tpu.memory_space<vmem_shared>>) target_semaphore(%arg16 : memref<!tpu.dma_semaphore, #tpu.memory_space<semaphore_mem>>)
    %add3A_59 = arith.constant 150 : i32
    %add3A_60 = arith.addi %mul3A_40, %add3A_59 : i32
    %dma_start3A_61 = arith.constant 0 : i32
    %dma_start3A_62 = tpu.memref_slice %arg11[%add3A_60, %dma_start3A_61] : memref<10112x128xf32, #tpu.memory_space<vmem_shared>> -> memref<50x128xf32, #tpu.memory_space<vmem_shared>>
    %dma_start3A_63 = arith.constant 0 : i32
    %dma_start3A_64 = tpu.memref_slice %arg11[%add3A_60, %dma_start3A_63] : memref<10112x128xf32, #tpu.memory_space<vmem_shared>> -> memref<50x128xf32, #tpu.memory_space<vmem_shared>>
    tpu.enqueue_dma source(%arg7 : memref<50x128xf32, #tpu.memory_space<vmem>>) target(%dma_start3A_64 : memref<50x128xf32, #tpu.memory_space<vmem_shared>>) target_semaphore(%arg16 : memref<!tpu.dma_semaphore, #tpu.memory_space<semaphore_mem>>)
    %add3A_65 = arith.constant 200 : i32
    %add3A_66 = arith.addi %mul3A_40, %add3A_65 : i32
    %dma_start3A_67 = arith.constant 0 : i32
    %dma_start3A_68 = tpu.memref_slice %arg11[%add3A_66, %dma_start3A_67] : memref<10112x128xf32, #tpu.memory_space<vmem_shared>> -> memref<50x128xf32, #tpu.memory_space<vmem_shared>>
    %dma_start3A_69 = arith.constant 0 : i32
    %dma_start3A_70 = tpu.memref_slice %arg11[%add3A_66, %dma_start3A_69] : memref<10112x128xf32, #tpu.memory_space<vmem_shared>> -> memref<50x128xf32, #tpu.memory_space<vmem_shared>>
    tpu.enqueue_dma source(%arg7 : memref<50x128xf32, #tpu.memory_space<vmem>>) target(%dma_start3A_70 : memref<50x128xf32, #tpu.memory_space<vmem_shared>>) target_semaphore(%arg16 : memref<!tpu.dma_semaphore, #tpu.memory_space<semaphore_mem>>)
    %add3A_71 = arith.constant 250 : i32
    %add3A_72 = arith.addi %mul3A_40, %add3A_71 : i32
    %dma_start3A_73 = arith.constant 0 : i32
    %dma_start3A_74 = tpu.memref_slice %arg11[%add3A_72, %dma_start3A_73] : memref<10112x128xf32, #tpu.memory_space<vmem_shared>> -> memref<50x128xf32, #tpu.memory_space<vmem_shared>>
    %dma_start3A_75 = arith.constant 0 : i32
    %dma_start3A_76 = tpu.memref_slice %arg11[%add3A_72, %dma_start3A_75] : memref<10112x128xf32, #tpu.memory_space<vmem_shared>> -> memref<50x128xf32, #tpu.memory_space<vmem_shared>>
    tpu.enqueue_dma source(%arg7 : memref<50x128xf32, #tpu.memory_space<vmem>>) target(%dma_start3A_76 : memref<50x128xf32, #tpu.memory_space<vmem_shared>>) target_semaphore(%arg16 : memref<!tpu.dma_semaphore, #tpu.memory_space<semaphore_mem>>)
    %add3A_77 = arith.constant 300 : i32
    %add3A_78 = arith.addi %mul3A_40, %add3A_77 : i32
    %dma_start3A_79 = arith.constant 0 : i32
    %dma_start3A_80 = tpu.memref_slice %arg11[%add3A_78, %dma_start3A_79] : memref<10112x128xf32, #tpu.memory_space<vmem_shared>> -> memref<50x128xf32, #tpu.memory_space<vmem_shared>>
    %dma_start3A_81 = arith.constant 0 : i32
    %dma_start3A_82 = tpu.memref_slice %arg11[%add3A_78, %dma_start3A_81] : memref<10112x128xf32, #tpu.memory_space<vmem_shared>> -> memref<50x128xf32, #tpu.memory_space<vmem_shared>>
    tpu.enqueue_dma source(%arg7 : memref<50x128xf32, #tpu.memory_space<vmem>>) target(%dma_start3A_82 : memref<50x128xf32, #tpu.memory_space<vmem_shared>>) target_semaphore(%arg16 : memref<!tpu.dma_semaphore, #tpu.memory_space<semaphore_mem>>)
    %add3A_83 = arith.constant 350 : i32
    %add3A_84 = arith.addi %mul3A_40, %add3A_83 : i32
    %dma_start3A_85 = arith.constant 0 : i32
    %dma_start3A_86 = tpu.memref_slice %arg11[%add3A_84, %dma_start3A_85] : memref<10112x128xf32, #tpu.memory_space<vmem_shared>> -> memref<50x128xf32, #tpu.memory_space<vmem_shared>>
    %dma_start3A_87 = arith.constant 0 : i32
    %dma_start3A_88 = tpu.memref_slice %arg11[%add3A_84, %dma_start3A_87] : memref<10112x128xf32, #tpu.memory_space<vmem_shared>> -> memref<50x128xf32, #tpu.memory_space<vmem_shared>>
    tpu.enqueue_dma source(%arg7 : memref<50x128xf32, #tpu.memory_space<vmem>>) target(%dma_start3A_88 : memref<50x128xf32, #tpu.memory_space<vmem_shared>>) target_semaphore(%arg16 : memref<!tpu.dma_semaphore, #tpu.memory_space<semaphore_mem>>)
    %add3A_89 = arith.constant 400 : i32
    %add3A_90 = arith.addi %mul3A_40, %add3A_89 : i32
    %dma_start3A_91 = arith.constant 0 : i32
    %dma_start3A_92 = tpu.memref_slice %arg11[%add3A_90, %dma_start3A_91] : memref<10112x128xf32, #tpu.memory_space<vmem_shared>> -> memref<50x128xf32, #tpu.memory_space<vmem_shared>>
    %dma_start3A_93 = arith.constant 0 : i32
    %dma_start3A_94 = tpu.memref_slice %arg11[%add3A_90, %dma_start3A_93] : memref<10112x128xf32, #tpu.memory_space<vmem_shared>> -> memref<50x128xf32, #tpu.memory_space<vmem_shared>>
    tpu.enqueue_dma source(%arg7 : memref<50x128xf32, #tpu.memory_space<vmem>>) target(%dma_start3A_94 : memref<50x128xf32, #tpu.memory_space<vmem_shared>>) target_semaphore(%arg16 : memref<!tpu.dma_semaphore, #tpu.memory_space<semaphore_mem>>)
    %add3A_95 = arith.constant 450 : i32
    %add3A_96 = arith.addi %mul3A_40, %add3A_95 : i32
    %dma_start3A_97 = arith.constant 0 : i32
    %dma_start3A_98 = tpu.memref_slice %arg11[%add3A_96, %dma_start3A_97] : memref<10112x128xf32, #tpu.memory_space<vmem_shared>> -> memref<50x128xf32, #tpu.memory_space<vmem_shared>>
    %dma_start3A_99 = arith.constant 0 : i32
    %dma_start3A_100 = tpu.memref_slice %arg11[%add3A_96, %dma_start3A_99] : memref<10112x128xf32, #tpu.memory_space<vmem_shared>> -> memref<50x128xf32, #tpu.memory_space<vmem_shared>>
    tpu.enqueue_dma source(%arg7 : memref<50x128xf32, #tpu.memory_space<vmem>>) target(%dma_start3A_100 : memref<50x128xf32, #tpu.memory_space<vmem_shared>>) target_semaphore(%arg16 : memref<!tpu.dma_semaphore, #tpu.memory_space<semaphore_mem>>)
    %add3A_101 = arith.constant 500 : i32
    %add3A_102 = arith.addi %mul3A_40, %add3A_101 : i32
    %dma_start3A_103 = arith.constant 0 : i32
    %dma_start3A_104 = tpu.memref_slice %arg11[%add3A_102, %dma_start3A_103] : memref<10112x128xf32, #tpu.memory_space<vmem_shared>> -> memref<50x128xf32, #tpu.memory_space<vmem_shared>>
    %dma_start3A_105 = arith.constant 0 : i32
    %dma_start3A_106 = tpu.memref_slice %arg11[%add3A_102, %dma_start3A_105] : memref<10112x128xf32, #tpu.memory_space<vmem_shared>> -> memref<50x128xf32, #tpu.memory_space<vmem_shared>>
    tpu.enqueue_dma source(%arg7 : memref<50x128xf32, #tpu.memory_space<vmem>>) target(%dma_start3A_106 : memref<50x128xf32, #tpu.memory_space<vmem_shared>>) target_semaphore(%arg16 : memref<!tpu.dma_semaphore, #tpu.memory_space<semaphore_mem>>)
    %add3A_107 = arith.constant 550 : i32
    %add3A_108 = arith.addi %mul3A_40, %add3A_107 : i32
    %dma_start3A_109 = arith.constant 0 : i32
    %dma_start3A_110 = tpu.memref_slice %arg11[%add3A_108, %dma_start3A_109] : memref<10112x128xf32, #tpu.memory_space<vmem_shared>> -> memref<50x128xf32, #tpu.memory_space<vmem_shared>>
    %dma_start3A_111 = arith.constant 0 : i32
    %dma_start3A_112 = tpu.memref_slice %arg11[%add3A_108, %dma_start3A_111] : memref<10112x128xf32, #tpu.memory_space<vmem_shared>> -> memref<50x128xf32, #tpu.memory_space<vmem_shared>>
    tpu.enqueue_dma source(%arg7 : memref<50x128xf32, #tpu.memory_space<vmem>>) target(%dma_start3A_112 : memref<50x128xf32, #tpu.memory_space<vmem_shared>>) target_semaphore(%arg16 : memref<!tpu.dma_semaphore, #tpu.memory_space<semaphore_mem>>)
    %add3A_113 = arith.constant 600 : i32
    %add3A_114 = arith.addi %mul3A_40, %add3A_113 : i32
    %dma_start3A_115 = arith.constant 0 : i32
    %dma_start3A_116 = arith.constant 0 : i32
    %dma_start3A_117 = tpu.memref_slice %arg7[%dma_start3A_115, %dma_start3A_116] : memref<50x128xf32, #tpu.memory_space<vmem>> -> memref<32x128xf32, #tpu.memory_space<vmem>>
    %dma_start3A_118 = arith.constant 0 : i32
    %dma_start3A_119 = tpu.memref_slice %arg11[%add3A_114, %dma_start3A_118] : memref<10112x128xf32, #tpu.memory_space<vmem_shared>> -> memref<32x128xf32, #tpu.memory_space<vmem_shared>>
    %dma_start3A_120 = arith.constant 0 : i32
    %dma_start3A_121 = tpu.memref_slice %arg11[%add3A_114, %dma_start3A_120] : memref<10112x128xf32, #tpu.memory_space<vmem_shared>> -> memref<32x128xf32, #tpu.memory_space<vmem_shared>>
    %dma_start3A_122 = arith.constant 0 : i32
    %dma_start3A_123 = arith.constant 0 : i32
    %dma_start3A_124 = tpu.memref_slice %arg7[%dma_start3A_122, %dma_start3A_123] : memref<50x128xf32, #tpu.memory_space<vmem>> -> memref<32x128xf32, #tpu.memory_space<vmem>>
    tpu.enqueue_dma source(%dma_start3A_124 : memref<32x128xf32, #tpu.memory_space<vmem>>) target(%dma_start3A_121 : memref<32x128xf32, #tpu.memory_space<vmem_shared>>) target_semaphore(%arg16 : memref<!tpu.dma_semaphore, #tpu.memory_space<semaphore_mem>>)
    %dma_wait3A = arith.constant 0 : i32
    %dma_wait3A_125 = tpu.memref_slice %arg11[%add3A_42, %dma_wait3A] : memref<10112x128xf32, #tpu.memory_space<vmem_shared>> -> memref<50x128xf32, #tpu.memory_space<vmem_shared>>
    %dma_wait3A_126 = arith.constant 0 : i32
    %dma_wait3A_127 = tpu.memref_slice %arg11[%add3A_42, %dma_wait3A_126] : memref<10112x128xf32, #tpu.memory_space<vmem_shared>> -> memref<50x128xf32, #tpu.memory_space<vmem_shared>>
    tpu.wait_dma2 semaphore(%arg16 : memref<!tpu.dma_semaphore, #tpu.memory_space<semaphore_mem>>) src(%arg7 : memref<50x128xf32, #tpu.memory_space<vmem>>) dst(%dma_wait3A_127 : memref<50x128xf32, #tpu.memory_space<vmem_shared>>)
    %dma_wait3A_128 = arith.constant 0 : i32
    %dma_wait3A_129 = tpu.memref_slice %arg11[%add3A_48, %dma_wait3A_128] : memref<10112x128xf32, #tpu.memory_space<vmem_shared>> -> memref<50x128xf32, #tpu.memory_space<vmem_shared>>
    %dma_wait3A_130 = arith.constant 0 : i32
    %dma_wait3A_131 = tpu.memref_slice %arg11[%add3A_48, %dma_wait3A_130] : memref<10112x128xf32, #tpu.memory_space<vmem_shared>> -> memref<50x128xf32, #tpu.memory_space<vmem_shared>>
    tpu.wait_dma2 semaphore(%arg16 : memref<!tpu.dma_semaphore, #tpu.memory_space<semaphore_mem>>) src(%arg7 : memref<50x128xf32, #tpu.memory_space<vmem>>) dst(%dma_wait3A_131 : memref<50x128xf32, #tpu.memory_space<vmem_shared>>)
    %dma_wait3A_132 = arith.constant 0 : i32
    %dma_wait3A_133 = tpu.memref_slice %arg11[%add3A_54, %dma_wait3A_132] : memref<10112x128xf32, #tpu.memory_space<vmem_shared>> -> memref<50x128xf32, #tpu.memory_space<vmem_shared>>
    %dma_wait3A_134 = arith.constant 0 : i32
    %dma_wait3A_135 = tpu.memref_slice %arg11[%add3A_54, %dma_wait3A_134] : memref<10112x128xf32, #tpu.memory_space<vmem_shared>> -> memref<50x128xf32, #tpu.memory_space<vmem_shared>>
    tpu.wait_dma2 semaphore(%arg16 : memref<!tpu.dma_semaphore, #tpu.memory_space<semaphore_mem>>) src(%arg7 : memref<50x128xf32, #tpu.memory_space<vmem>>) dst(%dma_wait3A_135 : memref<50x128xf32, #tpu.memory_space<vmem_shared>>)
    %dma_wait3A_136 = arith.constant 0 : i32
    %dma_wait3A_137 = tpu.memref_slice %arg11[%add3A_60, %dma_wait3A_136] : memref<10112x128xf32, #tpu.memory_space<vmem_shared>> -> memref<50x128xf32, #tpu.memory_space<vmem_shared>>
    %dma_wait3A_138 = arith.constant 0 : i32
    %dma_wait3A_139 = tpu.memref_slice %arg11[%add3A_60, %dma_wait3A_138] : memref<10112x128xf32, #tpu.memory_space<vmem_shared>> -> memref<50x128xf32, #tpu.memory_space<vmem_shared>>
    tpu.wait_dma2 semaphore(%arg16 : memref<!tpu.dma_semaphore, #tpu.memory_space<semaphore_mem>>) src(%arg7 : memref<50x128xf32, #tpu.memory_space<vmem>>) dst(%dma_wait3A_139 : memref<50x128xf32, #tpu.memory_space<vmem_shared>>)
    %dma_wait3A_140 = arith.constant 0 : i32
    %dma_wait3A_141 = tpu.memref_slice %arg11[%add3A_66, %dma_wait3A_140] : memref<10112x128xf32, #tpu.memory_space<vmem_shared>> -> memref<50x128xf32, #tpu.memory_space<vmem_shared>>
    %dma_wait3A_142 = arith.constant 0 : i32
    %dma_wait3A_143 = tpu.memref_slice %arg11[%add3A_66, %dma_wait3A_142] : memref<10112x128xf32, #tpu.memory_space<vmem_shared>> -> memref<50x128xf32, #tpu.memory_space<vmem_shared>>
    tpu.wait_dma2 semaphore(%arg16 : memref<!tpu.dma_semaphore, #tpu.memory_space<semaphore_mem>>) src(%arg7 : memref<50x128xf32, #tpu.memory_space<vmem>>) dst(%dma_wait3A_143 : memref<50x128xf32, #tpu.memory_space<vmem_shared>>)
    %dma_wait3A_144 = arith.constant 0 : i32
    %dma_wait3A_145 = tpu.memref_slice %arg11[%add3A_72, %dma_wait3A_144] : memref<10112x128xf32, #tpu.memory_space<vmem_shared>> -> memref<50x128xf32, #tpu.memory_space<vmem_shared>>
    %dma_wait3A_146 = arith.constant 0 : i32
    %dma_wait3A_147 = tpu.memref_slice %arg11[%add3A_72, %dma_wait3A_146] : memref<10112x128xf32, #tpu.memory_space<vmem_shared>> -> memref<50x128xf32, #tpu.memory_space<vmem_shared>>
    tpu.wait_dma2 semaphore(%arg16 : memref<!tpu.dma_semaphore, #tpu.memory_space<semaphore_mem>>) src(%arg7 : memref<50x128xf32, #tpu.memory_space<vmem>>) dst(%dma_wait3A_147 : memref<50x128xf32, #tpu.memory_space<vmem_shared>>)
    %dma_wait3A_148 = arith.constant 0 : i32
    %dma_wait3A_149 = tpu.memref_slice %arg11[%add3A_78, %dma_wait3A_148] : memref<10112x128xf32, #tpu.memory_space<vmem_shared>> -> memref<50x128xf32, #tpu.memory_space<vmem_shared>>
    %dma_wait3A_150 = arith.constant 0 : i32
    %dma_wait3A_151 = tpu.memref_slice %arg11[%add3A_78, %dma_wait3A_150] : memref<10112x128xf32, #tpu.memory_space<vmem_shared>> -> memref<50x128xf32, #tpu.memory_space<vmem_shared>>
    tpu.wait_dma2 semaphore(%arg16 : memref<!tpu.dma_semaphore, #tpu.memory_space<semaphore_mem>>) src(%arg7 : memref<50x128xf32, #tpu.memory_space<vmem>>) dst(%dma_wait3A_151 : memref<50x128xf32, #tpu.memory_space<vmem_shared>>)
    %dma_wait3A_152 = arith.constant 0 : i32
    %dma_wait3A_153 = tpu.memref_slice %arg11[%add3A_84, %dma_wait3A_152] : memref<10112x128xf32, #tpu.memory_space<vmem_shared>> -> memref<50x128xf32, #tpu.memory_space<vmem_shared>>
    %dma_wait3A_154 = arith.constant 0 : i32
    %dma_wait3A_155 = tpu.memref_slice %arg11[%add3A_84, %dma_wait3A_154] : memref<10112x128xf32, #tpu.memory_space<vmem_shared>> -> memref<50x128xf32, #tpu.memory_space<vmem_shared>>
    tpu.wait_dma2 semaphore(%arg16 : memref<!tpu.dma_semaphore, #tpu.memory_space<semaphore_mem>>) src(%arg7 : memref<50x128xf32, #tpu.memory_space<vmem>>) dst(%dma_wait3A_155 : memref<50x128xf32, #tpu.memory_space<vmem_shared>>)
    %dma_wait3A_156 = arith.constant 0 : i32
    %dma_wait3A_157 = tpu.memref_slice %arg11[%add3A_90, %dma_wait3A_156] : memref<10112x128xf32, #tpu.memory_space<vmem_shared>> -> memref<50x128xf32, #tpu.memory_space<vmem_shared>>
    %dma_wait3A_158 = arith.constant 0 : i32
    %dma_wait3A_159 = tpu.memref_slice %arg11[%add3A_90, %dma_wait3A_158] : memref<10112x128xf32, #tpu.memory_space<vmem_shared>> -> memref<50x128xf32, #tpu.memory_space<vmem_shared>>
    tpu.wait_dma2 semaphore(%arg16 : memref<!tpu.dma_semaphore, #tpu.memory_space<semaphore_mem>>) src(%arg7 : memref<50x128xf32, #tpu.memory_space<vmem>>) dst(%dma_wait3A_159 : memref<50x128xf32, #tpu.memory_space<vmem_shared>>)
    %dma_wait3A_160 = arith.constant 0 : i32
    %dma_wait3A_161 = tpu.memref_slice %arg11[%add3A_96, %dma_wait3A_160] : memref<10112x128xf32, #tpu.memory_space<vmem_shared>> -> memref<50x128xf32, #tpu.memory_space<vmem_shared>>
    %dma_wait3A_162 = arith.constant 0 : i32
    %dma_wait3A_163 = tpu.memref_slice %arg11[%add3A_96, %dma_wait3A_162] : memref<10112x128xf32, #tpu.memory_space<vmem_shared>> -> memref<50x128xf32, #tpu.memory_space<vmem_shared>>
    tpu.wait_dma2 semaphore(%arg16 : memref<!tpu.dma_semaphore, #tpu.memory_space<semaphore_mem>>) src(%arg7 : memref<50x128xf32, #tpu.memory_space<vmem>>) dst(%dma_wait3A_163 : memref<50x128xf32, #tpu.memory_space<vmem_shared>>)
    %dma_wait3A_164 = arith.constant 0 : i32
    %dma_wait3A_165 = tpu.memref_slice %arg11[%add3A_102, %dma_wait3A_164] : memref<10112x128xf32, #tpu.memory_space<vmem_shared>> -> memref<50x128xf32, #tpu.memory_space<vmem_shared>>
    %dma_wait3A_166 = arith.constant 0 : i32
    %dma_wait3A_167 = tpu.memref_slice %arg11[%add3A_102, %dma_wait3A_166] : memref<10112x128xf32, #tpu.memory_space<vmem_shared>> -> memref<50x128xf32, #tpu.memory_space<vmem_shared>>
    tpu.wait_dma2 semaphore(%arg16 : memref<!tpu.dma_semaphore, #tpu.memory_space<semaphore_mem>>) src(%arg7 : memref<50x128xf32, #tpu.memory_space<vmem>>) dst(%dma_wait3A_167 : memref<50x128xf32, #tpu.memory_space<vmem_shared>>)
    %dma_wait3A_168 = arith.constant 0 : i32
    %dma_wait3A_169 = tpu.memref_slice %arg11[%add3A_108, %dma_wait3A_168] : memref<10112x128xf32, #tpu.memory_space<vmem_shared>> -> memref<50x128xf32, #tpu.memory_space<vmem_shared>>
    %dma_wait3A_170 = arith.constant 0 : i32
    %dma_wait3A_171 = tpu.memref_slice %arg11[%add3A_108, %dma_wait3A_170] : memref<10112x128xf32, #tpu.memory_space<vmem_shared>> -> memref<50x128xf32, #tpu.memory_space<vmem_shared>>
    tpu.wait_dma2 semaphore(%arg16 : memref<!tpu.dma_semaphore, #tpu.memory_space<semaphore_mem>>) src(%arg7 : memref<50x128xf32, #tpu.memory_space<vmem>>) dst(%dma_wait3A_171 : memref<50x128xf32, #tpu.memory_space<vmem_shared>>)
    %dma_wait3A_172 = arith.constant 0 : i32
    %dma_wait3A_173 = arith.constant 0 : i32
    %dma_wait3A_174 = tpu.memref_slice %arg7[%dma_wait3A_172, %dma_wait3A_173] : memref<50x128xf32, #tpu.memory_space<vmem>> -> memref<32x128xf32, #tpu.memory_space<vmem>>
    %dma_wait3A_175 = arith.constant 0 : i32
    %dma_wait3A_176 = tpu.memref_slice %arg11[%add3A_114, %dma_wait3A_175] : memref<10112x128xf32, #tpu.memory_space<vmem_shared>> -> memref<32x128xf32, #tpu.memory_space<vmem_shared>>
    %dma_wait3A_177 = arith.constant 0 : i32
    %dma_wait3A_178 = tpu.memref_slice %arg11[%add3A_114, %dma_wait3A_177] : memref<10112x128xf32, #tpu.memory_space<vmem_shared>> -> memref<32x128xf32, #tpu.memory_space<vmem_shared>>
    %dma_wait3A_179 = arith.constant 0 : i32
    %dma_wait3A_180 = arith.constant 0 : i32
    %dma_wait3A_181 = tpu.memref_slice %arg7[%dma_wait3A_179, %dma_wait3A_180] : memref<50x128xf32, #tpu.memory_space<vmem>> -> memref<32x128xf32, #tpu.memory_space<vmem>>
    tpu.wait_dma2 semaphore(%arg16 : memref<!tpu.dma_semaphore, #tpu.memory_space<semaphore_mem>>) src(%dma_wait3A_181 : memref<32x128xf32, #tpu.memory_space<vmem>>) dst(%dma_wait3A_178 : memref<32x128xf32, #tpu.memory_space<vmem_shared>>)
    %barrier3A = arith.constant 0 : index
    tpu.barrier barrier_id(%barrier3A)
    %add3A_182 = arith.constant 0 : i32
    %add3A_183 = arith.addi %mul3A_2, %add3A_182 : i32
    %dma_wait3A_184 = arith.constant 0 : i32
    %dma_wait3A_185 = arith.constant 0 : i32
    %dma_wait3A_186 = arith.constant 0 : i32
    %dma_wait3A_187 = arith.constant 0 : i32
    %dma_wait3A_188 = tpu.memref_slice %arg5[%dma_wait3A_185, %dma_wait3A_186, %dma_wait3A_187] : memref<2x40x50xi32, #tpu.memory_space<vmem>> -> memref<1x40x50xi32, #tpu.memory_space<vmem>>
    %dma_wait3A_189 = tpu.memref_squeeze %dma_wait3A_188 : memref<1x40x50xi32, #tpu.memory_space<vmem>> -> memref<40x50xi32, #tpu.memory_space<vmem>>
    %dma_wait3A_190 = arith.constant 0 : i32
    %dma_wait3A_191 = tpu.memref_slice %arg3[%dma_wait3A_184, %add3A_183, %dma_wait3A_190] : memref<2x6400x50xi32, #tpu.memory_space<hbm>> -> memref<1x40x50xi32, #tpu.memory_space<hbm>>
    %dma_wait3A_192 = tpu.memref_squeeze %dma_wait3A_191 : memref<1x40x50xi32, #tpu.memory_space<hbm>> -> memref<40x50xi32, #tpu.memory_space<hbm>>
    %dma_wait3A_193 = arith.constant 0 : i32
    %dma_wait3A_194 = arith.constant 0 : i32
    %dma_wait3A_195 = tpu.memref_slice %arg5[%dma_wait3A_185, %dma_wait3A_193, %dma_wait3A_194] : memref<2x40x50xi32, #tpu.memory_space<vmem>> -> memref<1x40x50xi32, #tpu.memory_space<vmem>>
    %dma_wait3A_196 = tpu.memref_squeeze %dma_wait3A_195 : memref<1x40x50xi32, #tpu.memory_space<vmem>> -> memref<40x50xi32, #tpu.memory_space<vmem>>
    %dma_wait3A_197 = arith.constant 0 : i32
    %dma_wait3A_198 = tpu.memref_slice %arg3[%dma_wait3A_184, %add3A_183, %dma_wait3A_197] : memref<2x6400x50xi32, #tpu.memory_space<hbm>> -> memref<1x40x50xi32, #tpu.memory_space<hbm>>
    %dma_wait3A_199 = tpu.memref_squeeze %dma_wait3A_198 : memref<1x40x50xi32, #tpu.memory_space<hbm>> -> memref<40x50xi32, #tpu.memory_space<hbm>>
    tpu.wait_dma2 semaphore(%arg20 : memref<!tpu.dma_semaphore, #tpu.memory_space<semaphore_mem>>) src(%dma_wait3A_199 : memref<40x50xi32, #tpu.memory_space<hbm>>) dst(%dma_wait3A_196 : memref<40x50xi32, #tpu.memory_space<vmem>>)
    %dma_wait3A_200 = arith.constant 1 : i32
    %dma_wait3A_201 = arith.constant 0 : i32
    %dma_wait3A_202 = arith.constant 0 : i32
    %dma_wait3A_203 = arith.constant 0 : i32
    %dma_wait3A_204 = tpu.memref_slice %arg6[%dma_wait3A_201, %dma_wait3A_202, %dma_wait3A_203] : memref<2x40x50xi32, #tpu.memory_space<vmem>> -> memref<1x40x50xi32, #tpu.memory_space<vmem>>
    %dma_wait3A_205 = tpu.memref_squeeze %dma_wait3A_204 : memref<1x40x50xi32, #tpu.memory_space<vmem>> -> memref<40x50xi32, #tpu.memory_space<vmem>>
    %dma_wait3A_206 = arith.constant 0 : i32
    %dma_wait3A_207 = tpu.memref_slice %arg3[%dma_wait3A_200, %add3A_183, %dma_wait3A_206] : memref<2x6400x50xi32, #tpu.memory_space<hbm>> -> memref<1x40x50xi32, #tpu.memory_space<hbm>>
    %dma_wait3A_208 = tpu.memref_squeeze %dma_wait3A_207 : memref<1x40x50xi32, #tpu.memory_space<hbm>> -> memref<40x50xi32, #tpu.memory_space<hbm>>
    %dma_wait3A_209 = arith.constant 0 : i32
    %dma_wait3A_210 = arith.constant 0 : i32
    %dma_wait3A_211 = tpu.memref_slice %arg6[%dma_wait3A_201, %dma_wait3A_209, %dma_wait3A_210] : memref<2x40x50xi32, #tpu.memory_space<vmem>> -> memref<1x40x50xi32, #tpu.memory_space<vmem>>
    %dma_wait3A_212 = tpu.memref_squeeze %dma_wait3A_211 : memref<1x40x50xi32, #tpu.memory_space<vmem>> -> memref<40x50xi32, #tpu.memory_space<vmem>>
    %dma_wait3A_213 = arith.constant 0 : i32
    %dma_wait3A_214 = tpu.memref_slice %arg3[%dma_wait3A_200, %add3A_183, %dma_wait3A_213] : memref<2x6400x50xi32, #tpu.memory_space<hbm>> -> memref<1x40x50xi32, #tpu.memory_space<hbm>>
    %dma_wait3A_215 = tpu.memref_squeeze %dma_wait3A_214 : memref<1x40x50xi32, #tpu.memory_space<hbm>> -> memref<40x50xi32, #tpu.memory_space<hbm>>
    tpu.wait_dma2 semaphore(%arg20 : memref<!tpu.dma_semaphore, #tpu.memory_space<semaphore_mem>>) src(%dma_wait3A_215 : memref<40x50xi32, #tpu.memory_space<hbm>>) dst(%dma_wait3A_212 : memref<40x50xi32, #tpu.memory_space<vmem>>)
    %add3A_216 = arith.constant 40 : i32
    %add3A_217 = arith.addi %mul3A_2, %add3A_216 : i32
    %dma_start3A_218 = arith.constant 0 : i32
    %dma_start3A_219 = arith.constant 1 : i32
    %dma_start3A_220 = arith.constant 0 : i32
    %dma_start3A_221 = arith.constant 0 : i32
    %dma_start3A_222 = tpu.memref_slice %arg5[%dma_start3A_219, %dma_start3A_220, %dma_start3A_221] : memref<2x40x50xi32, #tpu.memory_space<vmem>> -> memref<1x40x50xi32, #tpu.memory_space<vmem>>
    %dma_start3A_223 = tpu.memref_squeeze %dma_start3A_222 : memref<1x40x50xi32, #tpu.memory_space<vmem>> -> memref<40x50xi32, #tpu.memory_space<vmem>>
    %dma_start3A_224 = arith.constant 0 : i32
    %dma_start3A_225 = tpu.memref_slice %arg3[%dma_start3A_218, %add3A_217, %dma_start3A_224] : memref<2x6400x50xi32, #tpu.memory_space<hbm>> -> memref<1x40x50xi32, #tpu.memory_space<hbm>>
    %dma_start3A_226 = tpu.memref_squeeze %dma_start3A_225 : memref<1x40x50xi32, #tpu.memory_space<hbm>> -> memref<40x50xi32, #tpu.memory_space<hbm>>
    %dma_start3A_227 = arith.constant 0 : i32
    %dma_start3A_228 = arith.constant 0 : i32
    %dma_start3A_229 = tpu.memref_slice %arg5[%dma_start3A_219, %dma_start3A_227, %dma_start3A_228] : memref<2x40x50xi32, #tpu.memory_space<vmem>> -> memref<1x40x50xi32, #tpu.memory_space<vmem>>
    %dma_start3A_230 = tpu.memref_squeeze %dma_start3A_229 : memref<1x40x50xi32, #tpu.memory_space<vmem>> -> memref<40x50xi32, #tpu.memory_space<vmem>>
    %dma_start3A_231 = arith.constant 0 : i32
    %dma_start3A_232 = tpu.memref_slice %arg3[%dma_start3A_218, %add3A_217, %dma_start3A_231] : memref<2x6400x50xi32, #tpu.memory_space<hbm>> -> memref<1x40x50xi32, #tpu.memory_space<hbm>>
    %dma_start3A_233 = tpu.memref_squeeze %dma_start3A_232 : memref<1x40x50xi32, #tpu.memory_space<hbm>> -> memref<40x50xi32, #tpu.memory_space<hbm>>
    tpu.enqueue_dma source(%dma_start3A_233 : memref<40x50xi32, #tpu.memory_space<hbm>>) target(%dma_start3A_230 : memref<40x50xi32, #tpu.memory_space<vmem>>) target_semaphore(%arg20 : memref<!tpu.dma_semaphore, #tpu.memory_space<semaphore_mem>>)
    %dma_start3A_234 = arith.constant 1 : i32
    %dma_start3A_235 = arith.constant 1 : i32
    %dma_start3A_236 = arith.constant 0 : i32
    %dma_start3A_237 = arith.constant 0 : i32
    %dma_start3A_238 = tpu.memref_slice %arg6[%dma_start3A_235, %dma_start3A_236, %dma_start3A_237] : memref<2x40x50xi32, #tpu.memory_space<vmem>> -> memref<1x40x50xi32, #tpu.memory_space<vmem>>
    %dma_start3A_239 = tpu.memref_squeeze %dma_start3A_238 : memref<1x40x50xi32, #tpu.memory_space<vmem>> -> memref<40x50xi32, #tpu.memory_space<vmem>>
    %dma_start3A_240 = arith.constant 0 : i32
    %dma_start3A_241 = tpu.memref_slice %arg3[%dma_start3A_234, %add3A_217, %dma_start3A_240] : memref<2x6400x50xi32, #tpu.memory_space<hbm>> -> memref<1x40x50xi32, #tpu.memory_space<hbm>>
    %dma_start3A_242 = tpu.memref_squeeze %dma_start3A_241 : memref<1x40x50xi32, #tpu.memory_space<hbm>> -> memref<40x50xi32, #tpu.memory_space<hbm>>
    %dma_start3A_243 = arith.constant 0 : i32
    %dma_start3A_244 = arith.constant 0 : i32
    %dma_start3A_245 = tpu.memref_slice %arg6[%dma_start3A_235, %dma_start3A_243, %dma_start3A_244] : memref<2x40x50xi32, #tpu.memory_space<vmem>> -> memref<1x40x50xi32, #tpu.memory_space<vmem>>
    %dma_start3A_246 = tpu.memref_squeeze %dma_start3A_245 : memref<1x40x50xi32, #tpu.memory_space<vmem>> -> memref<40x50xi32, #tpu.memory_space<vmem>>
    %dma_start3A_247 = arith.constant 0 : i32
    %dma_start3A_248 = tpu.memref_slice %arg3[%dma_start3A_234, %add3A_217, %dma_start3A_247] : memref<2x6400x50xi32, #tpu.memory_space<hbm>> -> memref<1x40x50xi32, #tpu.memory_space<hbm>>
    %dma_start3A_249 = tpu.memref_squeeze %dma_start3A_248 : memref<1x40x50xi32, #tpu.memory_space<hbm>> -> memref<40x50xi32, #tpu.memory_space<hbm>>
    tpu.enqueue_dma source(%dma_start3A_249 : memref<40x50xi32, #tpu.memory_space<hbm>>) target(%dma_start3A_246 : memref<40x50xi32, #tpu.memory_space<vmem>>) target_semaphore(%arg20 : memref<!tpu.dma_semaphore, #tpu.memory_space<semaphore_mem>>)
    %dma_start3A_250 = arith.constant 0 : i32
    %dma_start3A_251 = arith.constant 0 : i32
    %dma_start3A_252 = arith.constant 0 : i32
    %dma_start3A_253 = arith.constant 0 : i32
    %dma_start3A_254 = tpu.memref_slice %arg5[%dma_start3A_250, %dma_start3A_252, %dma_start3A_253] : memref<2x40x50xi32, #tpu.memory_space<vmem>> -> memref<1x40x50xi32, #tpu.memory_space<vmem>>
    %dma_start3A_255 = tpu.memref_squeeze %dma_start3A_254 : memref<1x40x50xi32, #tpu.memory_space<vmem>> -> memref<40x50xi32, #tpu.memory_space<vmem>>
    %dma_start3A_256 = arith.constant 0 : i32
    %dma_start3A_257 = tpu.memref_slice %dma_start3A_255[%dma_start3A_251, %dma_start3A_256] : memref<40x50xi32, #tpu.memory_space<vmem>> -> memref<1x50xi32, #tpu.memory_space<vmem>>
    %dma_start3A_258 = tpu.memref_squeeze %dma_start3A_257 : memref<1x50xi32, #tpu.memory_space<vmem>> -> memref<50xi32, #tpu.memory_space<vmem>>
    %dma_start3A_259 = arith.constant 0 : i32
    %dma_start3A_260 = arith.constant 0 : i32
    %dma_start3A_261 = tpu.memref_slice %arg2[%dma_start3A_259, %dma_start3A_260] : memref<10000x128xf32, #tpu.memory_space<hbm>> -> memref<10000x128xf32, #tpu.memory_space<hbm>>
    tpu.enqueue_indirect_dma source(%dma_start3A_261 : memref<10000x128xf32, #tpu.memory_space<hbm>>) target(%arg7 : memref<50x128xf32, #tpu.memory_space<vmem>>) offsets(%dma_start3A_258 : memref<50xi32, #tpu.memory_space<vmem>>) semaphore(%arg12 : memref<!tpu.dma_semaphore, #tpu.memory_space<semaphore_mem>>)
    %dma_start3A_262 = arith.constant 0 : i32
    %dma_start3A_263 = arith.constant 1 : i32
    %dma_start3A_264 = arith.constant 0 : i32
    %dma_start3A_265 = arith.constant 0 : i32
    %dma_start3A_266 = tpu.memref_slice %arg5[%dma_start3A_262, %dma_start3A_264, %dma_start3A_265] : memref<2x40x50xi32, #tpu.memory_space<vmem>> -> memref<1x40x50xi32, #tpu.memory_space<vmem>>
    %dma_start3A_267 = tpu.memref_squeeze %dma_start3A_266 : memref<1x40x50xi32, #tpu.memory_space<vmem>> -> memref<40x50xi32, #tpu.memory_space<vmem>>
    %dma_start3A_268 = arith.constant 0 : i32
    %dma_start3A_269 = tpu.memref_slice %dma_start3A_267[%dma_start3A_263, %dma_start3A_268] : memref<40x50xi32, #tpu.memory_space<vmem>> -> memref<1x50xi32, #tpu.memory_space<vmem>>
    %dma_start3A_270 = tpu.memref_squeeze %dma_start3A_269 : memref<1x50xi32, #tpu.memory_space<vmem>> -> memref<50xi32, #tpu.memory_space<vmem>>
    %dma_start3A_271 = arith.constant 0 : i32
    %dma_start3A_272 = arith.constant 0 : i32
    %dma_start3A_273 = tpu.memref_slice %arg2[%dma_start3A_271, %dma_start3A_272] : memref<10000x128xf32, #tpu.memory_space<hbm>> -> memref<10000x128xf32, #tpu.memory_space<hbm>>
    tpu.enqueue_indirect_dma source(%dma_start3A_273 : memref<10000x128xf32, #tpu.memory_space<hbm>>) target(%arg8 : memref<50x128xf32, #tpu.memory_space<vmem>>) offsets(%dma_start3A_270 : memref<50xi32, #tpu.memory_space<vmem>>) semaphore(%arg13 : memref<!tpu.dma_semaphore, #tpu.memory_space<semaphore_mem>>)
    %dma_start3A_274 = arith.constant 0 : i32
    %dma_start3A_275 = arith.constant 2 : i32
    %dma_start3A_276 = arith.constant 0 : i32
    %dma_start3A_277 = arith.constant 0 : i32
    %dma_start3A_278 = tpu.memref_slice %arg5[%dma_start3A_274, %dma_start3A_276, %dma_start3A_277] : memref<2x40x50xi32, #tpu.memory_space<vmem>> -> memref<1x40x50xi32, #tpu.memory_space<vmem>>
    %dma_start3A_279 = tpu.memref_squeeze %dma_start3A_278 : memref<1x40x50xi32, #tpu.memory_space<vmem>> -> memref<40x50xi32, #tpu.memory_space<vmem>>
    %dma_start3A_280 = arith.constant 0 : i32
    %dma_start3A_281 = tpu.memref_slice %dma_start3A_279[%dma_start3A_275, %dma_start3A_280] : memref<40x50xi32, #tpu.memory_space<vmem>> -> memref<1x50xi32, #tpu.memory_space<vmem>>
    %dma_start3A_282 = tpu.memref_squeeze %dma_start3A_281 : memref<1x50xi32, #tpu.memory_space<vmem>> -> memref<50xi32, #tpu.memory_space<vmem>>
    %dma_start3A_283 = arith.constant 0 : i32
    %dma_start3A_284 = arith.constant 0 : i32
    %dma_start3A_285 = tpu.memref_slice %arg2[%dma_start3A_283, %dma_start3A_284] : memref<10000x128xf32, #tpu.memory_space<hbm>> -> memref<10000x128xf32, #tpu.memory_space<hbm>>
    tpu.enqueue_indirect_dma source(%dma_start3A_285 : memref<10000x128xf32, #tpu.memory_space<hbm>>) target(%arg9 : memref<50x128xf32, #tpu.memory_space<vmem>>) offsets(%dma_start3A_282 : memref<50xi32, #tpu.memory_space<vmem>>) semaphore(%arg14 : memref<!tpu.dma_semaphore, #tpu.memory_space<semaphore_mem>>)
    %dma_start3A_286 = arith.constant 0 : i32
    %dma_start3A_287 = arith.constant 3 : i32
    %dma_start3A_288 = arith.constant 0 : i32
    %dma_start3A_289 = arith.constant 0 : i32
    %dma_start3A_290 = tpu.memref_slice %arg5[%dma_start3A_286, %dma_start3A_288, %dma_start3A_289] : memref<2x40x50xi32, #tpu.memory_space<vmem>> -> memref<1x40x50xi32, #tpu.memory_space<vmem>>
    %dma_start3A_291 = tpu.memref_squeeze %dma_start3A_290 : memref<1x40x50xi32, #tpu.memory_space<vmem>> -> memref<40x50xi32, #tpu.memory_space<vmem>>
    %dma_start3A_292 = arith.constant 0 : i32
    %dma_start3A_293 = tpu.memref_slice %dma_start3A_291[%dma_start3A_287, %dma_start3A_292] : memref<40x50xi32, #tpu.memory_space<vmem>> -> memref<1x50xi32, #tpu.memory_space<vmem>>
    %dma_start3A_294 = tpu.memref_squeeze %dma_start3A_293 : memref<1x50xi32, #tpu.memory_space<vmem>> -> memref<50xi32, #tpu.memory_space<vmem>>
    %dma_start3A_295 = arith.constant 0 : i32
    %dma_start3A_296 = arith.constant 0 : i32
    %dma_start3A_297 = tpu.memref_slice %arg2[%dma_start3A_295, %dma_start3A_296] : memref<10000x128xf32, #tpu.memory_space<hbm>> -> memref<10000x128xf32, #tpu.memory_space<hbm>>
    tpu.enqueue_indirect_dma source(%dma_start3A_297 : memref<10000x128xf32, #tpu.memory_space<hbm>>) target(%arg10 : memref<50x128xf32, #tpu.memory_space<vmem>>) offsets(%dma_start3A_294 : memref<50xi32, #tpu.memory_space<vmem>>) semaphore(%arg15 : memref<!tpu.dma_semaphore, #tpu.memory_space<semaphore_mem>>)
    %scan3A_298 = arith.constant 0 : i32
    %scan3A_299 = arith.constant 0 : i32
    %scan3A_300 = arith.constant 0 : i32
    %scan3A_301 = arith.constant 1 : i32
    %scan3A_302 = arith.constant 9 : i32
    %scan3A_303 = arith.addi %scan3A_301, %scan3A_302 : i32
    %scan3A_304 = arith.constant 1 : i32
    scf.for %scan3A_1489 = %scan3A_301 to %scan3A_303 step %scan3A_304  : i32 {
      %sub3A = arith.constant 1 : i32
      %sub3A_1490 = arith.subi %scan3A_1489, %sub3A : i32
      %mul3A_1491 = arith.constant 4 : i32
      %mul3A_1492 = arith.muli %sub3A_1490, %mul3A_1491 : i32
      %add3A_1493 = arith.constant 0 : i32
      %add3A_1494 = arith.addi %mul3A_1492, %add3A_1493 : i32
      %dma_wait3A_1495 = arith.constant 0 : i32
      %dma_wait3A_1496 = arith.constant 0 : i32
      %dma_wait3A_1497 = tpu.memref_slice %arg5[%scan3A_299, %dma_wait3A_1495, %dma_wait3A_1496] : memref<2x40x50xi32, #tpu.memory_space<vmem>> -> memref<1x40x50xi32, #tpu.memory_space<vmem>>
      %dma_wait3A_1498 = tpu.memref_squeeze %dma_wait3A_1497 : memref<1x40x50xi32, #tpu.memory_space<vmem>> -> memref<40x50xi32, #tpu.memory_space<vmem>>
      %dma_wait3A_1499 = arith.constant 0 : i32
      %dma_wait3A_1500 = tpu.memref_slice %dma_wait3A_1498[%add3A_1494, %dma_wait3A_1499] : memref<40x50xi32, #tpu.memory_space<vmem>> -> memref<1x50xi32, #tpu.memory_space<vmem>>
      %dma_wait3A_1501 = tpu.memref_squeeze %dma_wait3A_1500 : memref<1x50xi32, #tpu.memory_space<vmem>> -> memref<50xi32, #tpu.memory_space<vmem>>
      %dma_wait3A_1502 = arith.constant 0 : i32
      %dma_wait3A_1503 = arith.constant 0 : i32
      %dma_wait3A_1504 = tpu.memref_slice %arg2[%dma_wait3A_1502, %dma_wait3A_1503] : memref<10000x128xf32, #tpu.memory_space<hbm>> -> memref<10000x128xf32, #tpu.memory_space<hbm>>
      tpu.wait_indirect_dma semaphore(%arg12 : memref<!tpu.dma_semaphore, #tpu.memory_space<semaphore_mem>>) src(%dma_wait3A_1504 : memref<10000x128xf32, #tpu.memory_space<hbm>>) dst(%arg7 : memref<50x128xf32, #tpu.memory_space<vmem>>)
      %add3A_1505 = arith.constant 0 : i32
      %add3A_1506 = arith.addi %mul3A_1492, %add3A_1505 : i32
      %dma_start3A_1507 = arith.constant 0 : i32
      %dma_start3A_1508 = arith.constant 0 : i32
      %dma_start3A_1509 = tpu.memref_slice %arg6[%scan3A_300, %dma_start3A_1507, %dma_start3A_1508] : memref<2x40x50xi32, #tpu.memory_space<vmem>> -> memref<1x40x50xi32, #tpu.memory_space<vmem>>
      %dma_start3A_1510 = tpu.memref_squeeze %dma_start3A_1509 : memref<1x40x50xi32, #tpu.memory_space<vmem>> -> memref<40x50xi32, #tpu.memory_space<vmem>>
      %dma_start3A_1511 = arith.constant 0 : i32
      %dma_start3A_1512 = tpu.memref_slice %dma_start3A_1510[%add3A_1506, %dma_start3A_1511] : memref<40x50xi32, #tpu.memory_space<vmem>> -> memref<1x50xi32, #tpu.memory_space<vmem>>
      %dma_start3A_1513 = tpu.memref_squeeze %dma_start3A_1512 : memref<1x50xi32, #tpu.memory_space<vmem>> -> memref<50xi32, #tpu.memory_space<vmem>>
      %dma_start3A_1514 = arith.constant 0 : i32
      %dma_start3A_1515 = arith.constant 0 : i32
      %dma_start3A_1516 = tpu.memref_slice %arg11[%dma_start3A_1514, %dma_start3A_1515] : memref<10112x128xf32, #tpu.memory_space<vmem_shared>> -> memref<10112x128xf32, #tpu.memory_space<vmem_shared>>
      tpu.enqueue_indirect_dma source(%arg7 : memref<50x128xf32, #tpu.memory_space<vmem>>) target(%dma_start3A_1516 : memref<10112x128xf32, #tpu.memory_space<vmem_shared>>) offsets(%dma_start3A_1513 : memref<50xi32, #tpu.memory_space<vmem>>) semaphore(%arg16 : memref<!tpu.dma_semaphore, #tpu.memory_space<semaphore_mem>>) {add = true}
      %add3A_1517 = arith.constant 1 : i32
      %add3A_1518 = arith.addi %mul3A_1492, %add3A_1517 : i32
      %dma_wait3A_1519 = arith.constant 0 : i32
      %dma_wait3A_1520 = arith.constant 0 : i32
      %dma_wait3A_1521 = tpu.memref_slice %arg5[%scan3A_299, %dma_wait3A_1519, %dma_wait3A_1520] : memref<2x40x50xi32, #tpu.memory_space<vmem>> -> memref<1x40x50xi32, #tpu.memory_space<vmem>>
      %dma_wait3A_1522 = tpu.memref_squeeze %dma_wait3A_1521 : memref<1x40x50xi32, #tpu.memory_space<vmem>> -> memref<40x50xi32, #tpu.memory_space<vmem>>
      %dma_wait3A_1523 = arith.constant 0 : i32
      %dma_wait3A_1524 = tpu.memref_slice %dma_wait3A_1522[%add3A_1518, %dma_wait3A_1523] : memref<40x50xi32, #tpu.memory_space<vmem>> -> memref<1x50xi32, #tpu.memory_space<vmem>>
      %dma_wait3A_1525 = tpu.memref_squeeze %dma_wait3A_1524 : memref<1x50xi32, #tpu.memory_space<vmem>> -> memref<50xi32, #tpu.memory_space<vmem>>
      %dma_wait3A_1526 = arith.constant 0 : i32
      %dma_wait3A_1527 = arith.constant 0 : i32
      %dma_wait3A_1528 = tpu.memref_slice %arg2[%dma_wait3A_1526, %dma_wait3A_1527] : memref<10000x128xf32, #tpu.memory_space<hbm>> -> memref<10000x128xf32, #tpu.memory_space<hbm>>
      tpu.wait_indirect_dma semaphore(%arg13 : memref<!tpu.dma_semaphore, #tpu.memory_space<semaphore_mem>>) src(%dma_wait3A_1528 : memref<10000x128xf32, #tpu.memory_space<hbm>>) dst(%arg8 : memref<50x128xf32, #tpu.memory_space<vmem>>)
      %add3A_1529 = arith.constant 1 : i32
      %add3A_1530 = arith.addi %mul3A_1492, %add3A_1529 : i32
      %dma_start3A_1531 = arith.constant 0 : i32
      %dma_start3A_1532 = arith.constant 0 : i32
      %dma_start3A_1533 = tpu.memref_slice %arg6[%scan3A_300, %dma_start3A_1531, %dma_start3A_1532] : memref<2x40x50xi32, #tpu.memory_space<vmem>> -> memref<1x40x50xi32, #tpu.memory_space<vmem>>
      %dma_start3A_1534 = tpu.memref_squeeze %dma_start3A_1533 : memref<1x40x50xi32, #tpu.memory_space<vmem>> -> memref<40x50xi32, #tpu.memory_space<vmem>>
      %dma_start3A_1535 = arith.constant 0 : i32
      %dma_start3A_1536 = tpu.memref_slice %dma_start3A_1534[%add3A_1530, %dma_start3A_1535] : memref<40x50xi32, #tpu.memory_space<vmem>> -> memref<1x50xi32, #tpu.memory_space<vmem>>
      %dma_start3A_1537 = tpu.memref_squeeze %dma_start3A_1536 : memref<1x50xi32, #tpu.memory_space<vmem>> -> memref<50xi32, #tpu.memory_space<vmem>>
      %dma_start3A_1538 = arith.constant 0 : i32
      %dma_start3A_1539 = arith.constant 0 : i32
      %dma_start3A_1540 = tpu.memref_slice %arg11[%dma_start3A_1538, %dma_start3A_1539] : memref<10112x128xf32, #tpu.memory_space<vmem_shared>> -> memref<10112x128xf32, #tpu.memory_space<vmem_shared>>
      tpu.enqueue_indirect_dma source(%arg8 : memref<50x128xf32, #tpu.memory_space<vmem>>) target(%dma_start3A_1540 : memref<10112x128xf32, #tpu.memory_space<vmem_shared>>) offsets(%dma_start3A_1537 : memref<50xi32, #tpu.memory_space<vmem>>) semaphore(%arg17 : memref<!tpu.dma_semaphore, #tpu.memory_space<semaphore_mem>>) {add = true}
      %add3A_1541 = arith.constant 2 : i32
      %add3A_1542 = arith.addi %mul3A_1492, %add3A_1541 : i32
      %dma_wait3A_1543 = arith.constant 0 : i32
      %dma_wait3A_1544 = arith.constant 0 : i32
      %dma_wait3A_1545 = tpu.memref_slice %arg5[%scan3A_299, %dma_wait3A_1543, %dma_wait3A_1544] : memref<2x40x50xi32, #tpu.memory_space<vmem>> -> memref<1x40x50xi32, #tpu.memory_space<vmem>>
      %dma_wait3A_1546 = tpu.memref_squeeze %dma_wait3A_1545 : memref<1x40x50xi32, #tpu.memory_space<vmem>> -> memref<40x50xi32, #tpu.memory_space<vmem>>
      %dma_wait3A_1547 = arith.constant 0 : i32
      %dma_wait3A_1548 = tpu.memref_slice %dma_wait3A_1546[%add3A_1542, %dma_wait3A_1547] : memref<40x50xi32, #tpu.memory_space<vmem>> -> memref<1x50xi32, #tpu.memory_space<vmem>>
      %dma_wait3A_1549 = tpu.memref_squeeze %dma_wait3A_1548 : memref<1x50xi32, #tpu.memory_space<vmem>> -> memref<50xi32, #tpu.memory_space<vmem>>
      %dma_wait3A_1550 = arith.constant 0 : i32
      %dma_wait3A_1551 = arith.constant 0 : i32
      %dma_wait3A_1552 = tpu.memref_slice %arg2[%dma_wait3A_1550, %dma_wait3A_1551] : memref<10000x128xf32, #tpu.memory_space<hbm>> -> memref<10000x128xf32, #tpu.memory_space<hbm>>
      tpu.wait_indirect_dma semaphore(%arg14 : memref<!tpu.dma_semaphore, #tpu.memory_space<semaphore_mem>>) src(%dma_wait3A_1552 : memref<10000x128xf32, #tpu.memory_space<hbm>>) dst(%arg9 : memref<50x128xf32, #tpu.memory_space<vmem>>)
      %add3A_1553 = arith.constant 2 : i32
      %add3A_1554 = arith.addi %mul3A_1492, %add3A_1553 : i32
      %dma_start3A_1555 = arith.constant 0 : i32
      %dma_start3A_1556 = arith.constant 0 : i32
      %dma_start3A_1557 = tpu.memref_slice %arg6[%scan3A_300, %dma_start3A_1555, %dma_start3A_1556] : memref<2x40x50xi32, #tpu.memory_space<vmem>> -> memref<1x40x50xi32, #tpu.memory_space<vmem>>
      %dma_start3A_1558 = tpu.memref_squeeze %dma_start3A_1557 : memref<1x40x50xi32, #tpu.memory_space<vmem>> -> memref<40x50xi32, #tpu.memory_space<vmem>>
      %dma_start3A_1559 = arith.constant 0 : i32
      %dma_start3A_1560 = tpu.memref_slice %dma_start3A_1558[%add3A_1554, %dma_start3A_1559] : memref<40x50xi32, #tpu.memory_space<vmem>> -> memref<1x50xi32, #tpu.memory_space<vmem>>
      %dma_start3A_1561 = tpu.memref_squeeze %dma_start3A_1560 : memref<1x50xi32, #tpu.memory_space<vmem>> -> memref<50xi32, #tpu.memory_space<vmem>>
      %dma_start3A_1562 = arith.constant 0 : i32
      %dma_start3A_1563 = arith.constant 0 : i32
      %dma_start3A_1564 = tpu.memref_slice %arg11[%dma_start3A_1562, %dma_start3A_1563] : memref<10112x128xf32, #tpu.memory_space<vmem_shared>> -> memref<10112x128xf32, #tpu.memory_space<vmem_shared>>
      tpu.enqueue_indirect_dma source(%arg9 : memref<50x128xf32, #tpu.memory_space<vmem>>) target(%dma_start3A_1564 : memref<10112x128xf32, #tpu.memory_space<vmem_shared>>) offsets(%dma_start3A_1561 : memref<50xi32, #tpu.memory_space<vmem>>) semaphore(%arg18 : memref<!tpu.dma_semaphore, #tpu.memory_space<semaphore_mem>>) {add = true}
      %add3A_1565 = arith.constant 3 : i32
      %add3A_1566 = arith.addi %mul3A_1492, %add3A_1565 : i32
      %dma_wait3A_1567 = arith.constant 0 : i32
      %dma_wait3A_1568 = arith.constant 0 : i32
      %dma_wait3A_1569 = tpu.memref_slice %arg5[%scan3A_299, %dma_wait3A_1567, %dma_wait3A_1568] : memref<2x40x50xi32, #tpu.memory_space<vmem>> -> memref<1x40x50xi32, #tpu.memory_space<vmem>>
      %dma_wait3A_1570 = tpu.memref_squeeze %dma_wait3A_1569 : memref<1x40x50xi32, #tpu.memory_space<vmem>> -> memref<40x50xi32, #tpu.memory_space<vmem>>
      %dma_wait3A_1571 = arith.constant 0 : i32
      %dma_wait3A_1572 = tpu.memref_slice %dma_wait3A_1570[%add3A_1566, %dma_wait3A_1571] : memref<40x50xi32, #tpu.memory_space<vmem>> -> memref<1x50xi32, #tpu.memory_space<vmem>>
      %dma_wait3A_1573 = tpu.memref_squeeze %dma_wait3A_1572 : memref<1x50xi32, #tpu.memory_space<vmem>> -> memref<50xi32, #tpu.memory_space<vmem>>
      %dma_wait3A_1574 = arith.constant 0 : i32
      %dma_wait3A_1575 = arith.constant 0 : i32
      %dma_wait3A_1576 = tpu.memref_slice %arg2[%dma_wait3A_1574, %dma_wait3A_1575] : memref<10000x128xf32, #tpu.memory_space<hbm>> -> memref<10000x128xf32, #tpu.memory_space<hbm>>
      tpu.wait_indirect_dma semaphore(%arg15 : memref<!tpu.dma_semaphore, #tpu.memory_space<semaphore_mem>>) src(%dma_wait3A_1576 : memref<10000x128xf32, #tpu.memory_space<hbm>>) dst(%arg10 : memref<50x128xf32, #tpu.memory_space<vmem>>)
      %add3A_1577 = arith.constant 3 : i32
      %add3A_1578 = arith.addi %mul3A_1492, %add3A_1577 : i32
      %dma_start3A_1579 = arith.constant 0 : i32
      %dma_start3A_1580 = arith.constant 0 : i32
      %dma_start3A_1581 = tpu.memref_slice %arg6[%scan3A_300, %dma_start3A_1579, %dma_start3A_1580] : memref<2x40x50xi32, #tpu.memory_space<vmem>> -> memref<1x40x50xi32, #tpu.memory_space<vmem>>
      %dma_start3A_1582 = tpu.memref_squeeze %dma_start3A_1581 : memref<1x40x50xi32, #tpu.memory_space<vmem>> -> memref<40x50xi32, #tpu.memory_space<vmem>>
      %dma_start3A_1583 = arith.constant 0 : i32
      %dma_start3A_1584 = tpu.memref_slice %dma_start3A_1582[%add3A_1578, %dma_start3A_1583] : memref<40x50xi32, #tpu.memory_space<vmem>> -> memref<1x50xi32, #tpu.memory_space<vmem>>
      %dma_start3A_1585 = tpu.memref_squeeze %dma_start3A_1584 : memref<1x50xi32, #tpu.memory_space<vmem>> -> memref<50xi32, #tpu.memory_space<vmem>>
      %dma_start3A_1586 = arith.constant 0 : i32
      %dma_start3A_1587 = arith.constant 0 : i32
      %dma_start3A_1588 = tpu.memref_slice %arg11[%dma_start3A_1586, %dma_start3A_1587] : memref<10112x128xf32, #tpu.memory_space<vmem_shared>> -> memref<10112x128xf32, #tpu.memory_space<vmem_shared>>
      tpu.enqueue_indirect_dma source(%arg10 : memref<50x128xf32, #tpu.memory_space<vmem>>) target(%dma_start3A_1588 : memref<10112x128xf32, #tpu.memory_space<vmem_shared>>) offsets(%dma_start3A_1585 : memref<50xi32, #tpu.memory_space<vmem>>) semaphore(%arg19 : memref<!tpu.dma_semaphore, #tpu.memory_space<semaphore_mem>>) {add = true}
      %dma_wait3A_1589 = arith.constant 0 : i32
      %dma_wait3A_1590 = arith.constant 0 : i32
      %dma_wait3A_1591 = tpu.memref_slice %arg6[%scan3A_300, %dma_wait3A_1589, %dma_wait3A_1590] : memref<2x40x50xi32, #tpu.memory_space<vmem>> -> memref<1x40x50xi32, #tpu.memory_space<vmem>>
      %dma_wait3A_1592 = tpu.memref_squeeze %dma_wait3A_1591 : memref<1x40x50xi32, #tpu.memory_space<vmem>> -> memref<40x50xi32, #tpu.memory_space<vmem>>
      %dma_wait3A_1593 = arith.constant 0 : i32
      %dma_wait3A_1594 = tpu.memref_slice %dma_wait3A_1592[%add3A_1506, %dma_wait3A_1593] : memref<40x50xi32, #tpu.memory_space<vmem>> -> memref<1x50xi32, #tpu.memory_space<vmem>>
      %dma_wait3A_1595 = tpu.memref_squeeze %dma_wait3A_1594 : memref<1x50xi32, #tpu.memory_space<vmem>> -> memref<50xi32, #tpu.memory_space<vmem>>
      %dma_wait3A_1596 = arith.constant 0 : i32
      %dma_wait3A_1597 = arith.constant 0 : i32
      %dma_wait3A_1598 = tpu.memref_slice %arg11[%dma_wait3A_1596, %dma_wait3A_1597] : memref<10112x128xf32, #tpu.memory_space<vmem_shared>> -> memref<10112x128xf32, #tpu.memory_space<vmem_shared>>
      tpu.wait_indirect_dma semaphore(%arg16 : memref<!tpu.dma_semaphore, #tpu.memory_space<semaphore_mem>>) src(%arg7 : memref<50x128xf32, #tpu.memory_space<vmem>>) dst(%dma_wait3A_1598 : memref<10112x128xf32, #tpu.memory_space<vmem_shared>>)
      %mul3A_1599 = arith.constant 4 : i32
      %mul3A_1600 = arith.muli %scan3A_1489, %mul3A_1599 : i32
      %add3A_1601 = arith.constant 0 : i32
      %add3A_1602 = arith.addi %mul3A_1600, %add3A_1601 : i32
      %dma_start3A_1603 = arith.constant 0 : i32
      %dma_start3A_1604 = arith.constant 0 : i32
      %dma_start3A_1605 = tpu.memref_slice %arg5[%scan3A_299, %dma_start3A_1603, %dma_start3A_1604] : memref<2x40x50xi32, #tpu.memory_space<vmem>> -> memref<1x40x50xi32, #tpu.memory_space<vmem>>
      %dma_start3A_1606 = tpu.memref_squeeze %dma_start3A_1605 : memref<1x40x50xi32, #tpu.memory_space<vmem>> -> memref<40x50xi32, #tpu.memory_space<vmem>>
      %dma_start3A_1607 = arith.constant 0 : i32
      %dma_start3A_1608 = tpu.memref_slice %dma_start3A_1606[%add3A_1602, %dma_start3A_1607] : memref<40x50xi32, #tpu.memory_space<vmem>> -> memref<1x50xi32, #tpu.memory_space<vmem>>
      %dma_start3A_1609 = tpu.memref_squeeze %dma_start3A_1608 : memref<1x50xi32, #tpu.memory_space<vmem>> -> memref<50xi32, #tpu.memory_space<vmem>>
      %dma_start3A_1610 = arith.constant 0 : i32
      %dma_start3A_1611 = arith.constant 0 : i32
      %dma_start3A_1612 = tpu.memref_slice %arg2[%dma_start3A_1610, %dma_start3A_1611] : memref<10000x128xf32, #tpu.memory_space<hbm>> -> memref<10000x128xf32, #tpu.memory_space<hbm>>
      tpu.enqueue_indirect_dma source(%dma_start3A_1612 : memref<10000x128xf32, #tpu.memory_space<hbm>>) target(%arg7 : memref<50x128xf32, #tpu.memory_space<vmem>>) offsets(%dma_start3A_1609 : memref<50xi32, #tpu.memory_space<vmem>>) semaphore(%arg12 : memref<!tpu.dma_semaphore, #tpu.memory_space<semaphore_mem>>)
      %dma_wait3A_1613 = arith.constant 0 : i32
      %dma_wait3A_1614 = arith.constant 0 : i32
      %dma_wait3A_1615 = tpu.memref_slice %arg6[%scan3A_300, %dma_wait3A_1613, %dma_wait3A_1614] : memref<2x40x50xi32, #tpu.memory_space<vmem>> -> memref<1x40x50xi32, #tpu.memory_space<vmem>>
      %dma_wait3A_1616 = tpu.memref_squeeze %dma_wait3A_1615 : memref<1x40x50xi32, #tpu.memory_space<vmem>> -> memref<40x50xi32, #tpu.memory_space<vmem>>
      %dma_wait3A_1617 = arith.constant 0 : i32
      %dma_wait3A_1618 = tpu.memref_slice %dma_wait3A_1616[%add3A_1530, %dma_wait3A_1617] : memref<40x50xi32, #tpu.memory_space<vmem>> -> memref<1x50xi32, #tpu.memory_space<vmem>>
      %dma_wait3A_1619 = tpu.memref_squeeze %dma_wait3A_1618 : memref<1x50xi32, #tpu.memory_space<vmem>> -> memref<50xi32, #tpu.memory_space<vmem>>
      %dma_wait3A_1620 = arith.constant 0 : i32
      %dma_wait3A_1621 = arith.constant 0 : i32
      %dma_wait3A_1622 = tpu.memref_slice %arg11[%dma_wait3A_1620, %dma_wait3A_1621] : memref<10112x128xf32, #tpu.memory_space<vmem_shared>> -> memref<10112x128xf32, #tpu.memory_space<vmem_shared>>
      tpu.wait_indirect_dma semaphore(%arg17 : memref<!tpu.dma_semaphore, #tpu.memory_space<semaphore_mem>>) src(%arg8 : memref<50x128xf32, #tpu.memory_space<vmem>>) dst(%dma_wait3A_1622 : memref<10112x128xf32, #tpu.memory_space<vmem_shared>>)
      %mul3A_1623 = arith.constant 4 : i32
      %mul3A_1624 = arith.muli %scan3A_1489, %mul3A_1623 : i32
      %add3A_1625 = arith.constant 1 : i32
      %add3A_1626 = arith.addi %mul3A_1624, %add3A_1625 : i32
      %dma_start3A_1627 = arith.constant 0 : i32
      %dma_start3A_1628 = arith.constant 0 : i32
      %dma_start3A_1629 = tpu.memref_slice %arg5[%scan3A_299, %dma_start3A_1627, %dma_start3A_1628] : memref<2x40x50xi32, #tpu.memory_space<vmem>> -> memref<1x40x50xi32, #tpu.memory_space<vmem>>
      %dma_start3A_1630 = tpu.memref_squeeze %dma_start3A_1629 : memref<1x40x50xi32, #tpu.memory_space<vmem>> -> memref<40x50xi32, #tpu.memory_space<vmem>>
      %dma_start3A_1631 = arith.constant 0 : i32
      %dma_start3A_1632 = tpu.memref_slice %dma_start3A_1630[%add3A_1626, %dma_start3A_1631] : memref<40x50xi32, #tpu.memory_space<vmem>> -> memref<1x50xi32, #tpu.memory_space<vmem>>
      %dma_start3A_1633 = tpu.memref_squeeze %dma_start3A_1632 : memref<1x50xi32, #tpu.memory_space<vmem>> -> memref<50xi32, #tpu.memory_space<vmem>>
      %dma_start3A_1634 = arith.constant 0 : i32
      %dma_start3A_1635 = arith.constant 0 : i32
      %dma_start3A_1636 = tpu.memref_slice %arg2[%dma_start3A_1634, %dma_start3A_1635] : memref<10000x128xf32, #tpu.memory_space<hbm>> -> memref<10000x128xf32, #tpu.memory_space<hbm>>
      tpu.enqueue_indirect_dma source(%dma_start3A_1636 : memref<10000x128xf32, #tpu.memory_space<hbm>>) target(%arg8 : memref<50x128xf32, #tpu.memory_space<vmem>>) offsets(%dma_start3A_1633 : memref<50xi32, #tpu.memory_space<vmem>>) semaphore(%arg13 : memref<!tpu.dma_semaphore, #tpu.memory_space<semaphore_mem>>)
      %dma_wait3A_1637 = arith.constant 0 : i32
      %dma_wait3A_1638 = arith.constant 0 : i32
      %dma_wait3A_1639 = tpu.memref_slice %arg6[%scan3A_300, %dma_wait3A_1637, %dma_wait3A_1638] : memref<2x40x50xi32, #tpu.memory_space<vmem>> -> memref<1x40x50xi32, #tpu.memory_space<vmem>>
      %dma_wait3A_1640 = tpu.memref_squeeze %dma_wait3A_1639 : memref<1x40x50xi32, #tpu.memory_space<vmem>> -> memref<40x50xi32, #tpu.memory_space<vmem>>
      %dma_wait3A_1641 = arith.constant 0 : i32
      %dma_wait3A_1642 = tpu.memref_slice %dma_wait3A_1640[%add3A_1554, %dma_wait3A_1641] : memref<40x50xi32, #tpu.memory_space<vmem>> -> memref<1x50xi32, #tpu.memory_space<vmem>>
      %dma_wait3A_1643 = tpu.memref_squeeze %dma_wait3A_1642 : memref<1x50xi32, #tpu.memory_space<vmem>> -> memref<50xi32, #tpu.memory_space<vmem>>
      %dma_wait3A_1644 = arith.constant 0 : i32
      %dma_wait3A_1645 = arith.constant 0 : i32
      %dma_wait3A_1646 = tpu.memref_slice %arg11[%dma_wait3A_1644, %dma_wait3A_1645] : memref<10112x128xf32, #tpu.memory_space<vmem_shared>> -> memref<10112x128xf32, #tpu.memory_space<vmem_shared>>
      tpu.wait_indirect_dma semaphore(%arg18 : memref<!tpu.dma_semaphore, #tpu.memory_space<semaphore_mem>>) src(%arg9 : memref<50x128xf32, #tpu.memory_space<vmem>>) dst(%dma_wait3A_1646 : memref<10112x128xf32, #tpu.memory_space<vmem_shared>>)
      %mul3A_1647 = arith.constant 4 : i32
      %mul3A_1648 = arith.muli %scan3A_1489, %mul3A_1647 : i32
      %add3A_1649 = arith.constant 2 : i32
      %add3A_1650 = arith.addi %mul3A_1648, %add3A_1649 : i32
      %dma_start3A_1651 = arith.constant 0 : i32
      %dma_start3A_1652 = arith.constant 0 : i32
      %dma_start3A_1653 = tpu.memref_slice %arg5[%scan3A_299, %dma_start3A_1651, %dma_start3A_1652] : memref<2x40x50xi32, #tpu.memory_space<vmem>> -> memref<1x40x50xi32, #tpu.memory_space<vmem>>
      %dma_start3A_1654 = tpu.memref_squeeze %dma_start3A_1653 : memref<1x40x50xi32, #tpu.memory_space<vmem>> -> memref<40x50xi32, #tpu.memory_space<vmem>>
      %dma_start3A_1655 = arith.constant 0 : i32
      %dma_start3A_1656 = tpu.memref_slice %dma_start3A_1654[%add3A_1650, %dma_start3A_1655] : memref<40x50xi32, #tpu.memory_space<vmem>> -> memref<1x50xi32, #tpu.memory_space<vmem>>
      %dma_start3A_1657 = tpu.memref_squeeze %dma_start3A_1656 : memref<1x50xi32, #tpu.memory_space<vmem>> -> memref<50xi32, #tpu.memory_space<vmem>>
      %dma_start3A_1658 = arith.constant 0 : i32
      %dma_start3A_1659 = arith.constant 0 : i32
      %dma_start3A_1660 = tpu.memref_slice %arg2[%dma_start3A_1658, %dma_start3A_1659] : memref<10000x128xf32, #tpu.memory_space<hbm>> -> memref<10000x128xf32, #tpu.memory_space<hbm>>
      tpu.enqueue_indirect_dma source(%dma_start3A_1660 : memref<10000x128xf32, #tpu.memory_space<hbm>>) target(%arg9 : memref<50x128xf32, #tpu.memory_space<vmem>>) offsets(%dma_start3A_1657 : memref<50xi32, #tpu.memory_space<vmem>>) semaphore(%arg14 : memref<!tpu.dma_semaphore, #tpu.memory_space<semaphore_mem>>)
      %dma_wait3A_1661 = arith.constant 0 : i32
      %dma_wait3A_1662 = arith.constant 0 : i32
      %dma_wait3A_1663 = tpu.memref_slice %arg6[%scan3A_300, %dma_wait3A_1661, %dma_wait3A_1662] : memref<2x40x50xi32, #tpu.memory_space<vmem>> -> memref<1x40x50xi32, #tpu.memory_space<vmem>>
      %dma_wait3A_1664 = tpu.memref_squeeze %dma_wait3A_1663 : memref<1x40x50xi32, #tpu.memory_space<vmem>> -> memref<40x50xi32, #tpu.memory_space<vmem>>
      %dma_wait3A_1665 = arith.constant 0 : i32
      %dma_wait3A_1666 = tpu.memref_slice %dma_wait3A_1664[%add3A_1578, %dma_wait3A_1665] : memref<40x50xi32, #tpu.memory_space<vmem>> -> memref<1x50xi32, #tpu.memory_space<vmem>>
      %dma_wait3A_1667 = tpu.memref_squeeze %dma_wait3A_1666 : memref<1x50xi32, #tpu.memory_space<vmem>> -> memref<50xi32, #tpu.memory_space<vmem>>
      %dma_wait3A_1668 = arith.constant 0 : i32
      %dma_wait3A_1669 = arith.constant 0 : i32
      %dma_wait3A_1670 = tpu.memref_slice %arg11[%dma_wait3A_1668, %dma_wait3A_1669] : memref<10112x128xf32, #tpu.memory_space<vmem_shared>> -> memref<10112x128xf32, #tpu.memory_space<vmem_shared>>
      tpu.wait_indirect_dma semaphore(%arg19 : memref<!tpu.dma_semaphore, #tpu.memory_space<semaphore_mem>>) src(%arg10 : memref<50x128xf32, #tpu.memory_space<vmem>>) dst(%dma_wait3A_1670 : memref<10112x128xf32, #tpu.memory_space<vmem_shared>>)
      %mul3A_1671 = arith.constant 4 : i32
      %mul3A_1672 = arith.muli %scan3A_1489, %mul3A_1671 : i32
      %add3A_1673 = arith.constant 3 : i32
      %add3A_1674 = arith.addi %mul3A_1672, %add3A_1673 : i32
      %dma_start3A_1675 = arith.constant 0 : i32
      %dma_start3A_1676 = arith.constant 0 : i32
      %dma_start3A_1677 = tpu.memref_slice %arg5[%scan3A_299, %dma_start3A_1675, %dma_start3A_1676] : memref<2x40x50xi32, #tpu.memory_space<vmem>> -> memref<1x40x50xi32, #tpu.memory_space<vmem>>
      %dma_start3A_1678 = tpu.memref_squeeze %dma_start3A_1677 : memref<1x40x50xi32, #tpu.memory_space<vmem>> -> memref<40x50xi32, #tpu.memory_space<vmem>>
      %dma_start3A_1679 = arith.constant 0 : i32
      %dma_start3A_1680 = tpu.memref_slice %dma_start3A_1678[%add3A_1674, %dma_start3A_1679] : memref<40x50xi32, #tpu.memory_space<vmem>> -> memref<1x50xi32, #tpu.memory_space<vmem>>
      %dma_start3A_1681 = tpu.memref_squeeze %dma_start3A_1680 : memref<1x50xi32, #tpu.memory_space<vmem>> -> memref<50xi32, #tpu.memory_space<vmem>>
      %dma_start3A_1682 = arith.constant 0 : i32
      %dma_start3A_1683 = arith.constant 0 : i32
      %dma_start3A_1684 = tpu.memref_slice %arg2[%dma_start3A_1682, %dma_start3A_1683] : memref<10000x128xf32, #tpu.memory_space<hbm>> -> memref<10000x128xf32, #tpu.memory_space<hbm>>
      tpu.enqueue_indirect_dma source(%dma_start3A_1684 : memref<10000x128xf32, #tpu.memory_space<hbm>>) target(%arg10 : memref<50x128xf32, #tpu.memory_space<vmem>>) offsets(%dma_start3A_1681 : memref<50xi32, #tpu.memory_space<vmem>>) semaphore(%arg15 : memref<!tpu.dma_semaphore, #tpu.memory_space<semaphore_mem>>)
    }
    %scan3A_305 = arith.constant 9 : i32
    %dma_wait3A_306 = arith.constant 0 : i32
    %dma_wait3A_307 = arith.constant 36 : i32
    %dma_wait3A_308 = arith.constant 0 : i32
    %dma_wait3A_309 = arith.constant 0 : i32
    %dma_wait3A_310 = tpu.memref_slice %arg5[%dma_wait3A_306, %dma_wait3A_308, %dma_wait3A_309] : memref<2x40x50xi32, #tpu.memory_space<vmem>> -> memref<1x40x50xi32, #tpu.memory_space<vmem>>
    %dma_wait3A_311 = tpu.memref_squeeze %dma_wait3A_310 : memref<1x40x50xi32, #tpu.memory_space<vmem>> -> memref<40x50xi32, #tpu.memory_space<vmem>>
    %dma_wait3A_312 = arith.constant 0 : i32
    %dma_wait3A_313 = tpu.memref_slice %dma_wait3A_311[%dma_wait3A_307, %dma_wait3A_312] : memref<40x50xi32, #tpu.memory_space<vmem>> -> memref<1x50xi32, #tpu.memory_space<vmem>>
    %dma_wait3A_314 = tpu.memref_squeeze %dma_wait3A_313 : memref<1x50xi32, #tpu.memory_space<vmem>> -> memref<50xi32, #tpu.memory_space<vmem>>
    %dma_wait3A_315 = arith.constant 0 : i32
    %dma_wait3A_316 = arith.constant 0 : i32
    %dma_wait3A_317 = tpu.memref_slice %arg2[%dma_wait3A_315, %dma_wait3A_316] : memref<10000x128xf32, #tpu.memory_space<hbm>> -> memref<10000x128xf32, #tpu.memory_space<hbm>>
    tpu.wait_indirect_dma semaphore(%arg12 : memref<!tpu.dma_semaphore, #tpu.memory_space<semaphore_mem>>) src(%dma_wait3A_317 : memref<10000x128xf32, #tpu.memory_space<hbm>>) dst(%arg7 : memref<50x128xf32, #tpu.memory_space<vmem>>)
    %dma_start3A_318 = arith.constant 0 : i32
    %dma_start3A_319 = arith.constant 36 : i32
    %dma_start3A_320 = arith.constant 0 : i32
    %dma_start3A_321 = arith.constant 0 : i32
    %dma_start3A_322 = tpu.memref_slice %arg6[%dma_start3A_318, %dma_start3A_320, %dma_start3A_321] : memref<2x40x50xi32, #tpu.memory_space<vmem>> -> memref<1x40x50xi32, #tpu.memory_space<vmem>>
    %dma_start3A_323 = tpu.memref_squeeze %dma_start3A_322 : memref<1x40x50xi32, #tpu.memory_space<vmem>> -> memref<40x50xi32, #tpu.memory_space<vmem>>
    %dma_start3A_324 = arith.constant 0 : i32
    %dma_start3A_325 = tpu.memref_slice %dma_start3A_323[%dma_start3A_319, %dma_start3A_324] : memref<40x50xi32, #tpu.memory_space<vmem>> -> memref<1x50xi32, #tpu.memory_space<vmem>>
    %dma_start3A_326 = tpu.memref_squeeze %dma_start3A_325 : memref<1x50xi32, #tpu.memory_space<vmem>> -> memref<50xi32, #tpu.memory_space<vmem>>
    %dma_start3A_327 = arith.constant 0 : i32
    %dma_start3A_328 = arith.constant 0 : i32
    %dma_start3A_329 = tpu.memref_slice %arg11[%dma_start3A_327, %dma_start3A_328] : memref<10112x128xf32, #tpu.memory_space<vmem_shared>> -> memref<10112x128xf32, #tpu.memory_space<vmem_shared>>
    tpu.enqueue_indirect_dma source(%arg7 : memref<50x128xf32, #tpu.memory_space<vmem>>) target(%dma_start3A_329 : memref<10112x128xf32, #tpu.memory_space<vmem_shared>>) offsets(%dma_start3A_326 : memref<50xi32, #tpu.memory_space<vmem>>) semaphore(%arg16 : memref<!tpu.dma_semaphore, #tpu.memory_space<semaphore_mem>>) {add = true}
    %dma_wait3A_330 = arith.constant 0 : i32
    %dma_wait3A_331 = arith.constant 37 : i32
    %dma_wait3A_332 = arith.constant 0 : i32
    %dma_wait3A_333 = arith.constant 0 : i32
    %dma_wait3A_334 = tpu.memref_slice %arg5[%dma_wait3A_330, %dma_wait3A_332, %dma_wait3A_333] : memref<2x40x50xi32, #tpu.memory_space<vmem>> -> memref<1x40x50xi32, #tpu.memory_space<vmem>>
    %dma_wait3A_335 = tpu.memref_squeeze %dma_wait3A_334 : memref<1x40x50xi32, #tpu.memory_space<vmem>> -> memref<40x50xi32, #tpu.memory_space<vmem>>
    %dma_wait3A_336 = arith.constant 0 : i32
    %dma_wait3A_337 = tpu.memref_slice %dma_wait3A_335[%dma_wait3A_331, %dma_wait3A_336] : memref<40x50xi32, #tpu.memory_space<vmem>> -> memref<1x50xi32, #tpu.memory_space<vmem>>
    %dma_wait3A_338 = tpu.memref_squeeze %dma_wait3A_337 : memref<1x50xi32, #tpu.memory_space<vmem>> -> memref<50xi32, #tpu.memory_space<vmem>>
    %dma_wait3A_339 = arith.constant 0 : i32
    %dma_wait3A_340 = arith.constant 0 : i32
    %dma_wait3A_341 = tpu.memref_slice %arg2[%dma_wait3A_339, %dma_wait3A_340] : memref<10000x128xf32, #tpu.memory_space<hbm>> -> memref<10000x128xf32, #tpu.memory_space<hbm>>
    tpu.wait_indirect_dma semaphore(%arg13 : memref<!tpu.dma_semaphore, #tpu.memory_space<semaphore_mem>>) src(%dma_wait3A_341 : memref<10000x128xf32, #tpu.memory_space<hbm>>) dst(%arg8 : memref<50x128xf32, #tpu.memory_space<vmem>>)
    %dma_start3A_342 = arith.constant 0 : i32
    %dma_start3A_343 = arith.constant 37 : i32
    %dma_start3A_344 = arith.constant 0 : i32
    %dma_start3A_345 = arith.constant 0 : i32
    %dma_start3A_346 = tpu.memref_slice %arg6[%dma_start3A_342, %dma_start3A_344, %dma_start3A_345] : memref<2x40x50xi32, #tpu.memory_space<vmem>> -> memref<1x40x50xi32, #tpu.memory_space<vmem>>
    %dma_start3A_347 = tpu.memref_squeeze %dma_start3A_346 : memref<1x40x50xi32, #tpu.memory_space<vmem>> -> memref<40x50xi32, #tpu.memory_space<vmem>>
    %dma_start3A_348 = arith.constant 0 : i32
    %dma_start3A_349 = tpu.memref_slice %dma_start3A_347[%dma_start3A_343, %dma_start3A_348] : memref<40x50xi32, #tpu.memory_space<vmem>> -> memref<1x50xi32, #tpu.memory_space<vmem>>
    %dma_start3A_350 = tpu.memref_squeeze %dma_start3A_349 : memref<1x50xi32, #tpu.memory_space<vmem>> -> memref<50xi32, #tpu.memory_space<vmem>>
    %dma_start3A_351 = arith.constant 0 : i32
    %dma_start3A_352 = arith.constant 0 : i32
    %dma_start3A_353 = tpu.memref_slice %arg11[%dma_start3A_351, %dma_start3A_352] : memref<10112x128xf32, #tpu.memory_space<vmem_shared>> -> memref<10112x128xf32, #tpu.memory_space<vmem_shared>>
    tpu.enqueue_indirect_dma source(%arg8 : memref<50x128xf32, #tpu.memory_space<vmem>>) target(%dma_start3A_353 : memref<10112x128xf32, #tpu.memory_space<vmem_shared>>) offsets(%dma_start3A_350 : memref<50xi32, #tpu.memory_space<vmem>>) semaphore(%arg17 : memref<!tpu.dma_semaphore, #tpu.memory_space<semaphore_mem>>) {add = true}
    %dma_wait3A_354 = arith.constant 0 : i32
    %dma_wait3A_355 = arith.constant 38 : i32
    %dma_wait3A_356 = arith.constant 0 : i32
    %dma_wait3A_357 = arith.constant 0 : i32
    %dma_wait3A_358 = tpu.memref_slice %arg5[%dma_wait3A_354, %dma_wait3A_356, %dma_wait3A_357] : memref<2x40x50xi32, #tpu.memory_space<vmem>> -> memref<1x40x50xi32, #tpu.memory_space<vmem>>
    %dma_wait3A_359 = tpu.memref_squeeze %dma_wait3A_358 : memref<1x40x50xi32, #tpu.memory_space<vmem>> -> memref<40x50xi32, #tpu.memory_space<vmem>>
    %dma_wait3A_360 = arith.constant 0 : i32
    %dma_wait3A_361 = tpu.memref_slice %dma_wait3A_359[%dma_wait3A_355, %dma_wait3A_360] : memref<40x50xi32, #tpu.memory_space<vmem>> -> memref<1x50xi32, #tpu.memory_space<vmem>>
    %dma_wait3A_362 = tpu.memref_squeeze %dma_wait3A_361 : memref<1x50xi32, #tpu.memory_space<vmem>> -> memref<50xi32, #tpu.memory_space<vmem>>
    %dma_wait3A_363 = arith.constant 0 : i32
    %dma_wait3A_364 = arith.constant 0 : i32
    %dma_wait3A_365 = tpu.memref_slice %arg2[%dma_wait3A_363, %dma_wait3A_364] : memref<10000x128xf32, #tpu.memory_space<hbm>> -> memref<10000x128xf32, #tpu.memory_space<hbm>>
    tpu.wait_indirect_dma semaphore(%arg14 : memref<!tpu.dma_semaphore, #tpu.memory_space<semaphore_mem>>) src(%dma_wait3A_365 : memref<10000x128xf32, #tpu.memory_space<hbm>>) dst(%arg9 : memref<50x128xf32, #tpu.memory_space<vmem>>)
    %dma_start3A_366 = arith.constant 0 : i32
    %dma_start3A_367 = arith.constant 38 : i32
    %dma_start3A_368 = arith.constant 0 : i32
    %dma_start3A_369 = arith.constant 0 : i32
    %dma_start3A_370 = tpu.memref_slice %arg6[%dma_start3A_366, %dma_start3A_368, %dma_start3A_369] : memref<2x40x50xi32, #tpu.memory_space<vmem>> -> memref<1x40x50xi32, #tpu.memory_space<vmem>>
    %dma_start3A_371 = tpu.memref_squeeze %dma_start3A_370 : memref<1x40x50xi32, #tpu.memory_space<vmem>> -> memref<40x50xi32, #tpu.memory_space<vmem>>
    %dma_start3A_372 = arith.constant 0 : i32
    %dma_start3A_373 = tpu.memref_slice %dma_start3A_371[%dma_start3A_367, %dma_start3A_372] : memref<40x50xi32, #tpu.memory_space<vmem>> -> memref<1x50xi32, #tpu.memory_space<vmem>>
    %dma_start3A_374 = tpu.memref_squeeze %dma_start3A_373 : memref<1x50xi32, #tpu.memory_space<vmem>> -> memref<50xi32, #tpu.memory_space<vmem>>
    %dma_start3A_375 = arith.constant 0 : i32
    %dma_start3A_376 = arith.constant 0 : i32
    %dma_start3A_377 = tpu.memref_slice %arg11[%dma_start3A_375, %dma_start3A_376] : memref<10112x128xf32, #tpu.memory_space<vmem_shared>> -> memref<10112x128xf32, #tpu.memory_space<vmem_shared>>
    tpu.enqueue_indirect_dma source(%arg9 : memref<50x128xf32, #tpu.memory_space<vmem>>) target(%dma_start3A_377 : memref<10112x128xf32, #tpu.memory_space<vmem_shared>>) offsets(%dma_start3A_374 : memref<50xi32, #tpu.memory_space<vmem>>) semaphore(%arg18 : memref<!tpu.dma_semaphore, #tpu.memory_space<semaphore_mem>>) {add = true}
    %dma_wait3A_378 = arith.constant 0 : i32
    %dma_wait3A_379 = arith.constant 39 : i32
    %dma_wait3A_380 = arith.constant 0 : i32
    %dma_wait3A_381 = arith.constant 0 : i32
    %dma_wait3A_382 = tpu.memref_slice %arg5[%dma_wait3A_378, %dma_wait3A_380, %dma_wait3A_381] : memref<2x40x50xi32, #tpu.memory_space<vmem>> -> memref<1x40x50xi32, #tpu.memory_space<vmem>>
    %dma_wait3A_383 = tpu.memref_squeeze %dma_wait3A_382 : memref<1x40x50xi32, #tpu.memory_space<vmem>> -> memref<40x50xi32, #tpu.memory_space<vmem>>
    %dma_wait3A_384 = arith.constant 0 : i32
    %dma_wait3A_385 = tpu.memref_slice %dma_wait3A_383[%dma_wait3A_379, %dma_wait3A_384] : memref<40x50xi32, #tpu.memory_space<vmem>> -> memref<1x50xi32, #tpu.memory_space<vmem>>
    %dma_wait3A_386 = tpu.memref_squeeze %dma_wait3A_385 : memref<1x50xi32, #tpu.memory_space<vmem>> -> memref<50xi32, #tpu.memory_space<vmem>>
    %dma_wait3A_387 = arith.constant 0 : i32
    %dma_wait3A_388 = arith.constant 0 : i32
    %dma_wait3A_389 = tpu.memref_slice %arg2[%dma_wait3A_387, %dma_wait3A_388] : memref<10000x128xf32, #tpu.memory_space<hbm>> -> memref<10000x128xf32, #tpu.memory_space<hbm>>
    tpu.wait_indirect_dma semaphore(%arg15 : memref<!tpu.dma_semaphore, #tpu.memory_space<semaphore_mem>>) src(%dma_wait3A_389 : memref<10000x128xf32, #tpu.memory_space<hbm>>) dst(%arg10 : memref<50x128xf32, #tpu.memory_space<vmem>>)
    %dma_start3A_390 = arith.constant 0 : i32
    %dma_start3A_391 = arith.constant 39 : i32
    %dma_start3A_392 = arith.constant 0 : i32
    %dma_start3A_393 = arith.constant 0 : i32
    %dma_start3A_394 = tpu.memref_slice %arg6[%dma_start3A_390, %dma_start3A_392, %dma_start3A_393] : memref<2x40x50xi32, #tpu.memory_space<vmem>> -> memref<1x40x50xi32, #tpu.memory_space<vmem>>
    %dma_start3A_395 = tpu.memref_squeeze %dma_start3A_394 : memref<1x40x50xi32, #tpu.memory_space<vmem>> -> memref<40x50xi32, #tpu.memory_space<vmem>>
    %dma_start3A_396 = arith.constant 0 : i32
    %dma_start3A_397 = tpu.memref_slice %dma_start3A_395[%dma_start3A_391, %dma_start3A_396] : memref<40x50xi32, #tpu.memory_space<vmem>> -> memref<1x50xi32, #tpu.memory_space<vmem>>
    %dma_start3A_398 = tpu.memref_squeeze %dma_start3A_397 : memref<1x50xi32, #tpu.memory_space<vmem>> -> memref<50xi32, #tpu.memory_space<vmem>>
    %dma_start3A_399 = arith.constant 0 : i32
    %dma_start3A_400 = arith.constant 0 : i32
    %dma_start3A_401 = tpu.memref_slice %arg11[%dma_start3A_399, %dma_start3A_400] : memref<10112x128xf32, #tpu.memory_space<vmem_shared>> -> memref<10112x128xf32, #tpu.memory_space<vmem_shared>>
    tpu.enqueue_indirect_dma source(%arg10 : memref<50x128xf32, #tpu.memory_space<vmem>>) target(%dma_start3A_401 : memref<10112x128xf32, #tpu.memory_space<vmem_shared>>) offsets(%dma_start3A_398 : memref<50xi32, #tpu.memory_space<vmem>>) semaphore(%arg19 : memref<!tpu.dma_semaphore, #tpu.memory_space<semaphore_mem>>) {add = true}
    %dma_wait3A_402 = arith.constant 0 : i32
    %dma_wait3A_403 = arith.constant 36 : i32
    %dma_wait3A_404 = arith.constant 0 : i32
    %dma_wait3A_405 = arith.constant 0 : i32
    %dma_wait3A_406 = tpu.memref_slice %arg6[%dma_wait3A_402, %dma_wait3A_404, %dma_wait3A_405] : memref<2x40x50xi32, #tpu.memory_space<vmem>> -> memref<1x40x50xi32, #tpu.memory_space<vmem>>
    %dma_wait3A_407 = tpu.memref_squeeze %dma_wait3A_406 : memref<1x40x50xi32, #tpu.memory_space<vmem>> -> memref<40x50xi32, #tpu.memory_space<vmem>>
    %dma_wait3A_408 = arith.constant 0 : i32
    %dma_wait3A_409 = tpu.memref_slice %dma_wait3A_407[%dma_wait3A_403, %dma_wait3A_408] : memref<40x50xi32, #tpu.memory_space<vmem>> -> memref<1x50xi32, #tpu.memory_space<vmem>>
    %dma_wait3A_410 = tpu.memref_squeeze %dma_wait3A_409 : memref<1x50xi32, #tpu.memory_space<vmem>> -> memref<50xi32, #tpu.memory_space<vmem>>
    %dma_wait3A_411 = arith.constant 0 : i32
    %dma_wait3A_412 = arith.constant 0 : i32
    %dma_wait3A_413 = tpu.memref_slice %arg11[%dma_wait3A_411, %dma_wait3A_412] : memref<10112x128xf32, #tpu.memory_space<vmem_shared>> -> memref<10112x128xf32, #tpu.memory_space<vmem_shared>>
    tpu.wait_indirect_dma semaphore(%arg16 : memref<!tpu.dma_semaphore, #tpu.memory_space<semaphore_mem>>) src(%arg7 : memref<50x128xf32, #tpu.memory_space<vmem>>) dst(%dma_wait3A_413 : memref<10112x128xf32, #tpu.memory_space<vmem_shared>>)
    %dma_wait3A_414 = arith.constant 0 : i32
    %dma_wait3A_415 = arith.constant 37 : i32
    %dma_wait3A_416 = arith.constant 0 : i32
    %dma_wait3A_417 = arith.constant 0 : i32
    %dma_wait3A_418 = tpu.memref_slice %arg6[%dma_wait3A_414, %dma_wait3A_416, %dma_wait3A_417] : memref<2x40x50xi32, #tpu.memory_space<vmem>> -> memref<1x40x50xi32, #tpu.memory_space<vmem>>
    %dma_wait3A_419 = tpu.memref_squeeze %dma_wait3A_418 : memref<1x40x50xi32, #tpu.memory_space<vmem>> -> memref<40x50xi32, #tpu.memory_space<vmem>>
    %dma_wait3A_420 = arith.constant 0 : i32
    %dma_wait3A_421 = tpu.memref_slice %dma_wait3A_419[%dma_wait3A_415, %dma_wait3A_420] : memref<40x50xi32, #tpu.memory_space<vmem>> -> memref<1x50xi32, #tpu.memory_space<vmem>>
    %dma_wait3A_422 = tpu.memref_squeeze %dma_wait3A_421 : memref<1x50xi32, #tpu.memory_space<vmem>> -> memref<50xi32, #tpu.memory_space<vmem>>
    %dma_wait3A_423 = arith.constant 0 : i32
    %dma_wait3A_424 = arith.constant 0 : i32
    %dma_wait3A_425 = tpu.memref_slice %arg11[%dma_wait3A_423, %dma_wait3A_424] : memref<10112x128xf32, #tpu.memory_space<vmem_shared>> -> memref<10112x128xf32, #tpu.memory_space<vmem_shared>>
    tpu.wait_indirect_dma semaphore(%arg17 : memref<!tpu.dma_semaphore, #tpu.memory_space<semaphore_mem>>) src(%arg8 : memref<50x128xf32, #tpu.memory_space<vmem>>) dst(%dma_wait3A_425 : memref<10112x128xf32, #tpu.memory_space<vmem_shared>>)
    %dma_wait3A_426 = arith.constant 0 : i32
    %dma_wait3A_427 = arith.constant 38 : i32
    %dma_wait3A_428 = arith.constant 0 : i32
    %dma_wait3A_429 = arith.constant 0 : i32
    %dma_wait3A_430 = tpu.memref_slice %arg6[%dma_wait3A_426, %dma_wait3A_428, %dma_wait3A_429] : memref<2x40x50xi32, #tpu.memory_space<vmem>> -> memref<1x40x50xi32, #tpu.memory_space<vmem>>
    %dma_wait3A_431 = tpu.memref_squeeze %dma_wait3A_430 : memref<1x40x50xi32, #tpu.memory_space<vmem>> -> memref<40x50xi32, #tpu.memory_space<vmem>>
    %dma_wait3A_432 = arith.constant 0 : i32
    %dma_wait3A_433 = tpu.memref_slice %dma_wait3A_431[%dma_wait3A_427, %dma_wait3A_432] : memref<40x50xi32, #tpu.memory_space<vmem>> -> memref<1x50xi32, #tpu.memory_space<vmem>>
    %dma_wait3A_434 = tpu.memref_squeeze %dma_wait3A_433 : memref<1x50xi32, #tpu.memory_space<vmem>> -> memref<50xi32, #tpu.memory_space<vmem>>
    %dma_wait3A_435 = arith.constant 0 : i32
    %dma_wait3A_436 = arith.constant 0 : i32
    %dma_wait3A_437 = tpu.memref_slice %arg11[%dma_wait3A_435, %dma_wait3A_436] : memref<10112x128xf32, #tpu.memory_space<vmem_shared>> -> memref<10112x128xf32, #tpu.memory_space<vmem_shared>>
    tpu.wait_indirect_dma semaphore(%arg18 : memref<!tpu.dma_semaphore, #tpu.memory_space<semaphore_mem>>) src(%arg9 : memref<50x128xf32, #tpu.memory_space<vmem>>) dst(%dma_wait3A_437 : memref<10112x128xf32, #tpu.memory_space<vmem_shared>>)
    %dma_wait3A_438 = arith.constant 0 : i32
    %dma_wait3A_439 = arith.constant 39 : i32
    %dma_wait3A_440 = arith.constant 0 : i32
    %dma_wait3A_441 = arith.constant 0 : i32
    %dma_wait3A_442 = tpu.memref_slice %arg6[%dma_wait3A_438, %dma_wait3A_440, %dma_wait3A_441] : memref<2x40x50xi32, #tpu.memory_space<vmem>> -> memref<1x40x50xi32, #tpu.memory_space<vmem>>
    %dma_wait3A_443 = tpu.memref_squeeze %dma_wait3A_442 : memref<1x40x50xi32, #tpu.memory_space<vmem>> -> memref<40x50xi32, #tpu.memory_space<vmem>>
    %dma_wait3A_444 = arith.constant 0 : i32
    %dma_wait3A_445 = tpu.memref_slice %dma_wait3A_443[%dma_wait3A_439, %dma_wait3A_444] : memref<40x50xi32, #tpu.memory_space<vmem>> -> memref<1x50xi32, #tpu.memory_space<vmem>>
    %dma_wait3A_446 = tpu.memref_squeeze %dma_wait3A_445 : memref<1x50xi32, #tpu.memory_space<vmem>> -> memref<50xi32, #tpu.memory_space<vmem>>
    %dma_wait3A_447 = arith.constant 0 : i32
    %dma_wait3A_448 = arith.constant 0 : i32
    %dma_wait3A_449 = tpu.memref_slice %arg11[%dma_wait3A_447, %dma_wait3A_448] : memref<10112x128xf32, #tpu.memory_space<vmem_shared>> -> memref<10112x128xf32, #tpu.memory_space<vmem_shared>>
    tpu.wait_indirect_dma semaphore(%arg19 : memref<!tpu.dma_semaphore, #tpu.memory_space<semaphore_mem>>) src(%arg10 : memref<50x128xf32, #tpu.memory_space<vmem>>) dst(%dma_wait3A_449 : memref<10112x128xf32, #tpu.memory_space<vmem_shared>>)
    %add3A_450 = arith.constant 40 : i32
    %add3A_451 = arith.addi %mul3A_2, %add3A_450 : i32
    %dma_wait3A_452 = arith.constant 0 : i32
    %dma_wait3A_453 = arith.constant 1 : i32
    %dma_wait3A_454 = arith.constant 0 : i32
    %dma_wait3A_455 = arith.constant 0 : i32
    %dma_wait3A_456 = tpu.memref_slice %arg5[%dma_wait3A_453, %dma_wait3A_454, %dma_wait3A_455] : memref<2x40x50xi32, #tpu.memory_space<vmem>> -> memref<1x40x50xi32, #tpu.memory_space<vmem>>
    %dma_wait3A_457 = tpu.memref_squeeze %dma_wait3A_456 : memref<1x40x50xi32, #tpu.memory_space<vmem>> -> memref<40x50xi32, #tpu.memory_space<vmem>>
    %dma_wait3A_458 = arith.constant 0 : i32
    %dma_wait3A_459 = tpu.memref_slice %arg3[%dma_wait3A_452, %add3A_451, %dma_wait3A_458] : memref<2x6400x50xi32, #tpu.memory_space<hbm>> -> memref<1x40x50xi32, #tpu.memory_space<hbm>>
    %dma_wait3A_460 = tpu.memref_squeeze %dma_wait3A_459 : memref<1x40x50xi32, #tpu.memory_space<hbm>> -> memref<40x50xi32, #tpu.memory_space<hbm>>
    %dma_wait3A_461 = arith.constant 0 : i32
    %dma_wait3A_462 = arith.constant 0 : i32
    %dma_wait3A_463 = tpu.memref_slice %arg5[%dma_wait3A_453, %dma_wait3A_461, %dma_wait3A_462] : memref<2x40x50xi32, #tpu.memory_space<vmem>> -> memref<1x40x50xi32, #tpu.memory_space<vmem>>
    %dma_wait3A_464 = tpu.memref_squeeze %dma_wait3A_463 : memref<1x40x50xi32, #tpu.memory_space<vmem>> -> memref<40x50xi32, #tpu.memory_space<vmem>>
    %dma_wait3A_465 = arith.constant 0 : i32
    %dma_wait3A_466 = tpu.memref_slice %arg3[%dma_wait3A_452, %add3A_451, %dma_wait3A_465] : memref<2x6400x50xi32, #tpu.memory_space<hbm>> -> memref<1x40x50xi32, #tpu.memory_space<hbm>>
    %dma_wait3A_467 = tpu.memref_squeeze %dma_wait3A_466 : memref<1x40x50xi32, #tpu.memory_space<hbm>> -> memref<40x50xi32, #tpu.memory_space<hbm>>
    tpu.wait_dma2 semaphore(%arg20 : memref<!tpu.dma_semaphore, #tpu.memory_space<semaphore_mem>>) src(%dma_wait3A_467 : memref<40x50xi32, #tpu.memory_space<hbm>>) dst(%dma_wait3A_464 : memref<40x50xi32, #tpu.memory_space<vmem>>)
    %dma_wait3A_468 = arith.constant 1 : i32
    %dma_wait3A_469 = arith.constant 1 : i32
    %dma_wait3A_470 = arith.constant 0 : i32
    %dma_wait3A_471 = arith.constant 0 : i32
    %dma_wait3A_472 = tpu.memref_slice %arg6[%dma_wait3A_469, %dma_wait3A_470, %dma_wait3A_471] : memref<2x40x50xi32, #tpu.memory_space<vmem>> -> memref<1x40x50xi32, #tpu.memory_space<vmem>>
    %dma_wait3A_473 = tpu.memref_squeeze %dma_wait3A_472 : memref<1x40x50xi32, #tpu.memory_space<vmem>> -> memref<40x50xi32, #tpu.memory_space<vmem>>
    %dma_wait3A_474 = arith.constant 0 : i32
    %dma_wait3A_475 = tpu.memref_slice %arg3[%dma_wait3A_468, %add3A_451, %dma_wait3A_474] : memref<2x6400x50xi32, #tpu.memory_space<hbm>> -> memref<1x40x50xi32, #tpu.memory_space<hbm>>
    %dma_wait3A_476 = tpu.memref_squeeze %dma_wait3A_475 : memref<1x40x50xi32, #tpu.memory_space<hbm>> -> memref<40x50xi32, #tpu.memory_space<hbm>>
    %dma_wait3A_477 = arith.constant 0 : i32
    %dma_wait3A_478 = arith.constant 0 : i32
    %dma_wait3A_479 = tpu.memref_slice %arg6[%dma_wait3A_469, %dma_wait3A_477, %dma_wait3A_478] : memref<2x40x50xi32, #tpu.memory_space<vmem>> -> memref<1x40x50xi32, #tpu.memory_space<vmem>>
    %dma_wait3A_480 = tpu.memref_squeeze %dma_wait3A_479 : memref<1x40x50xi32, #tpu.memory_space<vmem>> -> memref<40x50xi32, #tpu.memory_space<vmem>>
    %dma_wait3A_481 = arith.constant 0 : i32
    %dma_wait3A_482 = tpu.memref_slice %arg3[%dma_wait3A_468, %add3A_451, %dma_wait3A_481] : memref<2x6400x50xi32, #tpu.memory_space<hbm>> -> memref<1x40x50xi32, #tpu.memory_space<hbm>>
    %dma_wait3A_483 = tpu.memref_squeeze %dma_wait3A_482 : memref<1x40x50xi32, #tpu.memory_space<hbm>> -> memref<40x50xi32, #tpu.memory_space<hbm>>
    tpu.wait_dma2 semaphore(%arg20 : memref<!tpu.dma_semaphore, #tpu.memory_space<semaphore_mem>>) src(%dma_wait3A_483 : memref<40x50xi32, #tpu.memory_space<hbm>>) dst(%dma_wait3A_480 : memref<40x50xi32, #tpu.memory_space<vmem>>)
    %add3A_484 = arith.constant 80 : i32
    %add3A_485 = arith.addi %mul3A_2, %add3A_484 : i32
    %dma_start3A_486 = arith.constant 0 : i32
    %dma_start3A_487 = arith.constant 0 : i32
    %dma_start3A_488 = arith.constant 0 : i32
    %dma_start3A_489 = arith.constant 0 : i32
    %dma_start3A_490 = tpu.memref_slice %arg5[%dma_start3A_487, %dma_start3A_488, %dma_start3A_489] : memref<2x40x50xi32, #tpu.memory_space<vmem>> -> memref<1x40x50xi32, #tpu.memory_space<vmem>>
    %dma_start3A_491 = tpu.memref_squeeze %dma_start3A_490 : memref<1x40x50xi32, #tpu.memory_space<vmem>> -> memref<40x50xi32, #tpu.memory_space<vmem>>
    %dma_start3A_492 = arith.constant 0 : i32
    %dma_start3A_493 = tpu.memref_slice %arg3[%dma_start3A_486, %add3A_485, %dma_start3A_492] : memref<2x6400x50xi32, #tpu.memory_space<hbm>> -> memref<1x40x50xi32, #tpu.memory_space<hbm>>
    %dma_start3A_494 = tpu.memref_squeeze %dma_start3A_493 : memref<1x40x50xi32, #tpu.memory_space<hbm>> -> memref<40x50xi32, #tpu.memory_space<hbm>>
    %dma_start3A_495 = arith.constant 0 : i32
    %dma_start3A_496 = arith.constant 0 : i32
    %dma_start3A_497 = tpu.memref_slice %arg5[%dma_start3A_487, %dma_start3A_495, %dma_start3A_496] : memref<2x40x50xi32, #tpu.memory_space<vmem>> -> memref<1x40x50xi32, #tpu.memory_space<vmem>>
    %dma_start3A_498 = tpu.memref_squeeze %dma_start3A_497 : memref<1x40x50xi32, #tpu.memory_space<vmem>> -> memref<40x50xi32, #tpu.memory_space<vmem>>
    %dma_start3A_499 = arith.constant 0 : i32
    %dma_start3A_500 = tpu.memref_slice %arg3[%dma_start3A_486, %add3A_485, %dma_start3A_499] : memref<2x6400x50xi32, #tpu.memory_space<hbm>> -> memref<1x40x50xi32, #tpu.memory_space<hbm>>
    %dma_start3A_501 = tpu.memref_squeeze %dma_start3A_500 : memref<1x40x50xi32, #tpu.memory_space<hbm>> -> memref<40x50xi32, #tpu.memory_space<hbm>>
    tpu.enqueue_dma source(%dma_start3A_501 : memref<40x50xi32, #tpu.memory_space<hbm>>) target(%dma_start3A_498 : memref<40x50xi32, #tpu.memory_space<vmem>>) target_semaphore(%arg20 : memref<!tpu.dma_semaphore, #tpu.memory_space<semaphore_mem>>)
    %dma_start3A_502 = arith.constant 1 : i32
    %dma_start3A_503 = arith.constant 0 : i32
    %dma_start3A_504 = arith.constant 0 : i32
    %dma_start3A_505 = arith.constant 0 : i32
    %dma_start3A_506 = tpu.memref_slice %arg6[%dma_start3A_503, %dma_start3A_504, %dma_start3A_505] : memref<2x40x50xi32, #tpu.memory_space<vmem>> -> memref<1x40x50xi32, #tpu.memory_space<vmem>>
    %dma_start3A_507 = tpu.memref_squeeze %dma_start3A_506 : memref<1x40x50xi32, #tpu.memory_space<vmem>> -> memref<40x50xi32, #tpu.memory_space<vmem>>
    %dma_start3A_508 = arith.constant 0 : i32
    %dma_start3A_509 = tpu.memref_slice %arg3[%dma_start3A_502, %add3A_485, %dma_start3A_508] : memref<2x6400x50xi32, #tpu.memory_space<hbm>> -> memref<1x40x50xi32, #tpu.memory_space<hbm>>
    %dma_start3A_510 = tpu.memref_squeeze %dma_start3A_509 : memref<1x40x50xi32, #tpu.memory_space<hbm>> -> memref<40x50xi32, #tpu.memory_space<hbm>>
    %dma_start3A_511 = arith.constant 0 : i32
    %dma_start3A_512 = arith.constant 0 : i32
    %dma_start3A_513 = tpu.memref_slice %arg6[%dma_start3A_503, %dma_start3A_511, %dma_start3A_512] : memref<2x40x50xi32, #tpu.memory_space<vmem>> -> memref<1x40x50xi32, #tpu.memory_space<vmem>>
    %dma_start3A_514 = tpu.memref_squeeze %dma_start3A_513 : memref<1x40x50xi32, #tpu.memory_space<vmem>> -> memref<40x50xi32, #tpu.memory_space<vmem>>
    %dma_start3A_515 = arith.constant 0 : i32
    %dma_start3A_516 = tpu.memref_slice %arg3[%dma_start3A_502, %add3A_485, %dma_start3A_515] : memref<2x6400x50xi32, #tpu.memory_space<hbm>> -> memref<1x40x50xi32, #tpu.memory_space<hbm>>
    %dma_start3A_517 = tpu.memref_squeeze %dma_start3A_516 : memref<1x40x50xi32, #tpu.memory_space<hbm>> -> memref<40x50xi32, #tpu.memory_space<hbm>>
    tpu.enqueue_dma source(%dma_start3A_517 : memref<40x50xi32, #tpu.memory_space<hbm>>) target(%dma_start3A_514 : memref<40x50xi32, #tpu.memory_space<vmem>>) target_semaphore(%arg20 : memref<!tpu.dma_semaphore, #tpu.memory_space<semaphore_mem>>)
    %dma_start3A_518 = arith.constant 1 : i32
    %dma_start3A_519 = arith.constant 0 : i32
    %dma_start3A_520 = arith.constant 0 : i32
    %dma_start3A_521 = arith.constant 0 : i32
    %dma_start3A_522 = tpu.memref_slice %arg5[%dma_start3A_518, %dma_start3A_520, %dma_start3A_521] : memref<2x40x50xi32, #tpu.memory_space<vmem>> -> memref<1x40x50xi32, #tpu.memory_space<vmem>>
    %dma_start3A_523 = tpu.memref_squeeze %dma_start3A_522 : memref<1x40x50xi32, #tpu.memory_space<vmem>> -> memref<40x50xi32, #tpu.memory_space<vmem>>
    %dma_start3A_524 = arith.constant 0 : i32
    %dma_start3A_525 = tpu.memref_slice %dma_start3A_523[%dma_start3A_519, %dma_start3A_524] : memref<40x50xi32, #tpu.memory_space<vmem>> -> memref<1x50xi32, #tpu.memory_space<vmem>>
    %dma_start3A_526 = tpu.memref_squeeze %dma_start3A_525 : memref<1x50xi32, #tpu.memory_space<vmem>> -> memref<50xi32, #tpu.memory_space<vmem>>
    %dma_start3A_527 = arith.constant 0 : i32
    %dma_start3A_528 = arith.constant 0 : i32
    %dma_start3A_529 = tpu.memref_slice %arg2[%dma_start3A_527, %dma_start3A_528] : memref<10000x128xf32, #tpu.memory_space<hbm>> -> memref<10000x128xf32, #tpu.memory_space<hbm>>
    tpu.enqueue_indirect_dma source(%dma_start3A_529 : memref<10000x128xf32, #tpu.memory_space<hbm>>) target(%arg7 : memref<50x128xf32, #tpu.memory_space<vmem>>) offsets(%dma_start3A_526 : memref<50xi32, #tpu.memory_space<vmem>>) semaphore(%arg12 : memref<!tpu.dma_semaphore, #tpu.memory_space<semaphore_mem>>)
    %dma_start3A_530 = arith.constant 1 : i32
    %dma_start3A_531 = arith.constant 1 : i32
    %dma_start3A_532 = arith.constant 0 : i32
    %dma_start3A_533 = arith.constant 0 : i32
    %dma_start3A_534 = tpu.memref_slice %arg5[%dma_start3A_530, %dma_start3A_532, %dma_start3A_533] : memref<2x40x50xi32, #tpu.memory_space<vmem>> -> memref<1x40x50xi32, #tpu.memory_space<vmem>>
    %dma_start3A_535 = tpu.memref_squeeze %dma_start3A_534 : memref<1x40x50xi32, #tpu.memory_space<vmem>> -> memref<40x50xi32, #tpu.memory_space<vmem>>
    %dma_start3A_536 = arith.constant 0 : i32
    %dma_start3A_537 = tpu.memref_slice %dma_start3A_535[%dma_start3A_531, %dma_start3A_536] : memref<40x50xi32, #tpu.memory_space<vmem>> -> memref<1x50xi32, #tpu.memory_space<vmem>>
    %dma_start3A_538 = tpu.memref_squeeze %dma_start3A_537 : memref<1x50xi32, #tpu.memory_space<vmem>> -> memref<50xi32, #tpu.memory_space<vmem>>
    %dma_start3A_539 = arith.constant 0 : i32
    %dma_start3A_540 = arith.constant 0 : i32
    %dma_start3A_541 = tpu.memref_slice %arg2[%dma_start3A_539, %dma_start3A_540] : memref<10000x128xf32, #tpu.memory_space<hbm>> -> memref<10000x128xf32, #tpu.memory_space<hbm>>
    tpu.enqueue_indirect_dma source(%dma_start3A_541 : memref<10000x128xf32, #tpu.memory_space<hbm>>) target(%arg8 : memref<50x128xf32, #tpu.memory_space<vmem>>) offsets(%dma_start3A_538 : memref<50xi32, #tpu.memory_space<vmem>>) semaphore(%arg13 : memref<!tpu.dma_semaphore, #tpu.memory_space<semaphore_mem>>)
    %dma_start3A_542 = arith.constant 1 : i32
    %dma_start3A_543 = arith.constant 2 : i32
    %dma_start3A_544 = arith.constant 0 : i32
    %dma_start3A_545 = arith.constant 0 : i32
    %dma_start3A_546 = tpu.memref_slice %arg5[%dma_start3A_542, %dma_start3A_544, %dma_start3A_545] : memref<2x40x50xi32, #tpu.memory_space<vmem>> -> memref<1x40x50xi32, #tpu.memory_space<vmem>>
    %dma_start3A_547 = tpu.memref_squeeze %dma_start3A_546 : memref<1x40x50xi32, #tpu.memory_space<vmem>> -> memref<40x50xi32, #tpu.memory_space<vmem>>
    %dma_start3A_548 = arith.constant 0 : i32
    %dma_start3A_549 = tpu.memref_slice %dma_start3A_547[%dma_start3A_543, %dma_start3A_548] : memref<40x50xi32, #tpu.memory_space<vmem>> -> memref<1x50xi32, #tpu.memory_space<vmem>>
    %dma_start3A_550 = tpu.memref_squeeze %dma_start3A_549 : memref<1x50xi32, #tpu.memory_space<vmem>> -> memref<50xi32, #tpu.memory_space<vmem>>
    %dma_start3A_551 = arith.constant 0 : i32
    %dma_start3A_552 = arith.constant 0 : i32
    %dma_start3A_553 = tpu.memref_slice %arg2[%dma_start3A_551, %dma_start3A_552] : memref<10000x128xf32, #tpu.memory_space<hbm>> -> memref<10000x128xf32, #tpu.memory_space<hbm>>
    tpu.enqueue_indirect_dma source(%dma_start3A_553 : memref<10000x128xf32, #tpu.memory_space<hbm>>) target(%arg9 : memref<50x128xf32, #tpu.memory_space<vmem>>) offsets(%dma_start3A_550 : memref<50xi32, #tpu.memory_space<vmem>>) semaphore(%arg14 : memref<!tpu.dma_semaphore, #tpu.memory_space<semaphore_mem>>)
    %dma_start3A_554 = arith.constant 1 : i32
    %dma_start3A_555 = arith.constant 3 : i32
    %dma_start3A_556 = arith.constant 0 : i32
    %dma_start3A_557 = arith.constant 0 : i32
    %dma_start3A_558 = tpu.memref_slice %arg5[%dma_start3A_554, %dma_start3A_556, %dma_start3A_557] : memref<2x40x50xi32, #tpu.memory_space<vmem>> -> memref<1x40x50xi32, #tpu.memory_space<vmem>>
    %dma_start3A_559 = tpu.memref_squeeze %dma_start3A_558 : memref<1x40x50xi32, #tpu.memory_space<vmem>> -> memref<40x50xi32, #tpu.memory_space<vmem>>
    %dma_start3A_560 = arith.constant 0 : i32
    %dma_start3A_561 = tpu.memref_slice %dma_start3A_559[%dma_start3A_555, %dma_start3A_560] : memref<40x50xi32, #tpu.memory_space<vmem>> -> memref<1x50xi32, #tpu.memory_space<vmem>>
    %dma_start3A_562 = tpu.memref_squeeze %dma_start3A_561 : memref<1x50xi32, #tpu.memory_space<vmem>> -> memref<50xi32, #tpu.memory_space<vmem>>
    %dma_start3A_563 = arith.constant 0 : i32
    %dma_start3A_564 = arith.constant 0 : i32
    %dma_start3A_565 = tpu.memref_slice %arg2[%dma_start3A_563, %dma_start3A_564] : memref<10000x128xf32, #tpu.memory_space<hbm>> -> memref<10000x128xf32, #tpu.memory_space<hbm>>
    tpu.enqueue_indirect_dma source(%dma_start3A_565 : memref<10000x128xf32, #tpu.memory_space<hbm>>) target(%arg10 : memref<50x128xf32, #tpu.memory_space<vmem>>) offsets(%dma_start3A_562 : memref<50xi32, #tpu.memory_space<vmem>>) semaphore(%arg15 : memref<!tpu.dma_semaphore, #tpu.memory_space<semaphore_mem>>)
    %scan3A_566 = arith.constant 0 : i32
    %scan3A_567 = arith.constant 1 : i32
    %scan3A_568 = arith.constant 1 : i32
    %scan3A_569 = arith.constant 1 : i32
    %scan3A_570 = arith.constant 9 : i32
    %scan3A_571 = arith.addi %scan3A_569, %scan3A_570 : i32
    %scan3A_572 = arith.constant 1 : i32
    scf.for %scan3A_1489 = %scan3A_569 to %scan3A_571 step %scan3A_572  : i32 {
      %sub3A = arith.constant 1 : i32
      %sub3A_1490 = arith.subi %scan3A_1489, %sub3A : i32
      %mul3A_1491 = arith.constant 4 : i32
      %mul3A_1492 = arith.muli %sub3A_1490, %mul3A_1491 : i32
      %add3A_1493 = arith.constant 0 : i32
      %add3A_1494 = arith.addi %mul3A_1492, %add3A_1493 : i32
      %dma_wait3A_1495 = arith.constant 0 : i32
      %dma_wait3A_1496 = arith.constant 0 : i32
      %dma_wait3A_1497 = tpu.memref_slice %arg5[%scan3A_567, %dma_wait3A_1495, %dma_wait3A_1496] : memref<2x40x50xi32, #tpu.memory_space<vmem>> -> memref<1x40x50xi32, #tpu.memory_space<vmem>>
      %dma_wait3A_1498 = tpu.memref_squeeze %dma_wait3A_1497 : memref<1x40x50xi32, #tpu.memory_space<vmem>> -> memref<40x50xi32, #tpu.memory_space<vmem>>
      %dma_wait3A_1499 = arith.constant 0 : i32
      %dma_wait3A_1500 = tpu.memref_slice %dma_wait3A_1498[%add3A_1494, %dma_wait3A_1499] : memref<40x50xi32, #tpu.memory_space<vmem>> -> memref<1x50xi32, #tpu.memory_space<vmem>>
      %dma_wait3A_1501 = tpu.memref_squeeze %dma_wait3A_1500 : memref<1x50xi32, #tpu.memory_space<vmem>> -> memref<50xi32, #tpu.memory_space<vmem>>
      %dma_wait3A_1502 = arith.constant 0 : i32
      %dma_wait3A_1503 = arith.constant 0 : i32
      %dma_wait3A_1504 = tpu.memref_slice %arg2[%dma_wait3A_1502, %dma_wait3A_1503] : memref<10000x128xf32, #tpu.memory_space<hbm>> -> memref<10000x128xf32, #tpu.memory_space<hbm>>
      tpu.wait_indirect_dma semaphore(%arg12 : memref<!tpu.dma_semaphore, #tpu.memory_space<semaphore_mem>>) src(%dma_wait3A_1504 : memref<10000x128xf32, #tpu.memory_space<hbm>>) dst(%arg7 : memref<50x128xf32, #tpu.memory_space<vmem>>)
      %add3A_1505 = arith.constant 0 : i32
      %add3A_1506 = arith.addi %mul3A_1492, %add3A_1505 : i32
      %dma_start3A_1507 = arith.constant 0 : i32
      %dma_start3A_1508 = arith.constant 0 : i32
      %dma_start3A_1509 = tpu.memref_slice %arg6[%scan3A_568, %dma_start3A_1507, %dma_start3A_1508] : memref<2x40x50xi32, #tpu.memory_space<vmem>> -> memref<1x40x50xi32, #tpu.memory_space<vmem>>
      %dma_start3A_1510 = tpu.memref_squeeze %dma_start3A_1509 : memref<1x40x50xi32, #tpu.memory_space<vmem>> -> memref<40x50xi32, #tpu.memory_space<vmem>>
      %dma_start3A_1511 = arith.constant 0 : i32
      %dma_start3A_1512 = tpu.memref_slice %dma_start3A_1510[%add3A_1506, %dma_start3A_1511] : memref<40x50xi32, #tpu.memory_space<vmem>> -> memref<1x50xi32, #tpu.memory_space<vmem>>
      %dma_start3A_1513 = tpu.memref_squeeze %dma_start3A_1512 : memref<1x50xi32, #tpu.memory_space<vmem>> -> memref<50xi32, #tpu.memory_space<vmem>>
      %dma_start3A_1514 = arith.constant 0 : i32
      %dma_start3A_1515 = arith.constant 0 : i32
      %dma_start3A_1516 = tpu.memref_slice %arg11[%dma_start3A_1514, %dma_start3A_1515] : memref<10112x128xf32, #tpu.memory_space<vmem_shared>> -> memref<10112x128xf32, #tpu.memory_space<vmem_shared>>
      tpu.enqueue_indirect_dma source(%arg7 : memref<50x128xf32, #tpu.memory_space<vmem>>) target(%dma_start3A_1516 : memref<10112x128xf32, #tpu.memory_space<vmem_shared>>) offsets(%dma_start3A_1513 : memref<50xi32, #tpu.memory_space<vmem>>) semaphore(%arg16 : memref<!tpu.dma_semaphore, #tpu.memory_space<semaphore_mem>>) {add = true}
      %add3A_1517 = arith.constant 1 : i32
      %add3A_1518 = arith.addi %mul3A_1492, %add3A_1517 : i32
      %dma_wait3A_1519 = arith.constant 0 : i32
      %dma_wait3A_1520 = arith.constant 0 : i32
      %dma_wait3A_1521 = tpu.memref_slice %arg5[%scan3A_567, %dma_wait3A_1519, %dma_wait3A_1520] : memref<2x40x50xi32, #tpu.memory_space<vmem>> -> memref<1x40x50xi32, #tpu.memory_space<vmem>>
      %dma_wait3A_1522 = tpu.memref_squeeze %dma_wait3A_1521 : memref<1x40x50xi32, #tpu.memory_space<vmem>> -> memref<40x50xi32, #tpu.memory_space<vmem>>
      %dma_wait3A_1523 = arith.constant 0 : i32
      %dma_wait3A_1524 = tpu.memref_slice %dma_wait3A_1522[%add3A_1518, %dma_wait3A_1523] : memref<40x50xi32, #tpu.memory_space<vmem>> -> memref<1x50xi32, #tpu.memory_space<vmem>>
      %dma_wait3A_1525 = tpu.memref_squeeze %dma_wait3A_1524 : memref<1x50xi32, #tpu.memory_space<vmem>> -> memref<50xi32, #tpu.memory_space<vmem>>
      %dma_wait3A_1526 = arith.constant 0 : i32
      %dma_wait3A_1527 = arith.constant 0 : i32
      %dma_wait3A_1528 = tpu.memref_slice %arg2[%dma_wait3A_1526, %dma_wait3A_1527] : memref<10000x128xf32, #tpu.memory_space<hbm>> -> memref<10000x128xf32, #tpu.memory_space<hbm>>
      tpu.wait_indirect_dma semaphore(%arg13 : memref<!tpu.dma_semaphore, #tpu.memory_space<semaphore_mem>>) src(%dma_wait3A_1528 : memref<10000x128xf32, #tpu.memory_space<hbm>>) dst(%arg8 : memref<50x128xf32, #tpu.memory_space<vmem>>)
      %add3A_1529 = arith.constant 1 : i32
      %add3A_1530 = arith.addi %mul3A_1492, %add3A_1529 : i32
      %dma_start3A_1531 = arith.constant 0 : i32
      %dma_start3A_1532 = arith.constant 0 : i32
      %dma_start3A_1533 = tpu.memref_slice %arg6[%scan3A_568, %dma_start3A_1531, %dma_start3A_1532] : memref<2x40x50xi32, #tpu.memory_space<vmem>> -> memref<1x40x50xi32, #tpu.memory_space<vmem>>
      %dma_start3A_1534 = tpu.memref_squeeze %dma_start3A_1533 : memref<1x40x50xi32, #tpu.memory_space<vmem>> -> memref<40x50xi32, #tpu.memory_space<vmem>>
      %dma_start3A_1535 = arith.constant 0 : i32
      %dma_start3A_1536 = tpu.memref_slice %dma_start3A_1534[%add3A_1530, %dma_start3A_1535] : memref<40x50xi32, #tpu.memory_space<vmem>> -> memref<1x50xi32, #tpu.memory_space<vmem>>
      %dma_start3A_1537 = tpu.memref_squeeze %dma_start3A_1536 : memref<1x50xi32, #tpu.memory_space<vmem>> -> memref<50xi32, #tpu.memory_space<vmem>>
      %dma_start3A_1538 = arith.constant 0 : i32
      %dma_start3A_1539 = arith.constant 0 : i32
      %dma_start3A_1540 = tpu.memref_slice %arg11[%dma_start3A_1538, %dma_start3A_1539] : memref<10112x128xf32, #tpu.memory_space<vmem_shared>> -> memref<10112x128xf32, #tpu.memory_space<vmem_shared>>
      tpu.enqueue_indirect_dma source(%arg8 : memref<50x128xf32, #tpu.memory_space<vmem>>) target(%dma_start3A_1540 : memref<10112x128xf32, #tpu.memory_space<vmem_shared>>) offsets(%dma_start3A_1537 : memref<50xi32, #tpu.memory_space<vmem>>) semaphore(%arg17 : memref<!tpu.dma_semaphore, #tpu.memory_space<semaphore_mem>>) {add = true}
      %add3A_1541 = arith.constant 2 : i32
      %add3A_1542 = arith.addi %mul3A_1492, %add3A_1541 : i32
      %dma_wait3A_1543 = arith.constant 0 : i32
      %dma_wait3A_1544 = arith.constant 0 : i32
      %dma_wait3A_1545 = tpu.memref_slice %arg5[%scan3A_567, %dma_wait3A_1543, %dma_wait3A_1544] : memref<2x40x50xi32, #tpu.memory_space<vmem>> -> memref<1x40x50xi32, #tpu.memory_space<vmem>>
      %dma_wait3A_1546 = tpu.memref_squeeze %dma_wait3A_1545 : memref<1x40x50xi32, #tpu.memory_space<vmem>> -> memref<40x50xi32, #tpu.memory_space<vmem>>
      %dma_wait3A_1547 = arith.constant 0 : i32
      %dma_wait3A_1548 = tpu.memref_slice %dma_wait3A_1546[%add3A_1542, %dma_wait3A_1547] : memref<40x50xi32, #tpu.memory_space<vmem>> -> memref<1x50xi32, #tpu.memory_space<vmem>>
      %dma_wait3A_1549 = tpu.memref_squeeze %dma_wait3A_1548 : memref<1x50xi32, #tpu.memory_space<vmem>> -> memref<50xi32, #tpu.memory_space<vmem>>
      %dma_wait3A_1550 = arith.constant 0 : i32
      %dma_wait3A_1551 = arith.constant 0 : i32
      %dma_wait3A_1552 = tpu.memref_slice %arg2[%dma_wait3A_1550, %dma_wait3A_1551] : memref<10000x128xf32, #tpu.memory_space<hbm>> -> memref<10000x128xf32, #tpu.memory_space<hbm>>
      tpu.wait_indirect_dma semaphore(%arg14 : memref<!tpu.dma_semaphore, #tpu.memory_space<semaphore_mem>>) src(%dma_wait3A_1552 : memref<10000x128xf32, #tpu.memory_space<hbm>>) dst(%arg9 : memref<50x128xf32, #tpu.memory_space<vmem>>)
      %add3A_1553 = arith.constant 2 : i32
      %add3A_1554 = arith.addi %mul3A_1492, %add3A_1553 : i32
      %dma_start3A_1555 = arith.constant 0 : i32
      %dma_start3A_1556 = arith.constant 0 : i32
      %dma_start3A_1557 = tpu.memref_slice %arg6[%scan3A_568, %dma_start3A_1555, %dma_start3A_1556] : memref<2x40x50xi32, #tpu.memory_space<vmem>> -> memref<1x40x50xi32, #tpu.memory_space<vmem>>
      %dma_start3A_1558 = tpu.memref_squeeze %dma_start3A_1557 : memref<1x40x50xi32, #tpu.memory_space<vmem>> -> memref<40x50xi32, #tpu.memory_space<vmem>>
      %dma_start3A_1559 = arith.constant 0 : i32
      %dma_start3A_1560 = tpu.memref_slice %dma_start3A_1558[%add3A_1554, %dma_start3A_1559] : memref<40x50xi32, #tpu.memory_space<vmem>> -> memref<1x50xi32, #tpu.memory_space<vmem>>
      %dma_start3A_1561 = tpu.memref_squeeze %dma_start3A_1560 : memref<1x50xi32, #tpu.memory_space<vmem>> -> memref<50xi32, #tpu.memory_space<vmem>>
      %dma_start3A_1562 = arith.constant 0 : i32
      %dma_start3A_1563 = arith.constant 0 : i32
      %dma_start3A_1564 = tpu.memref_slice %arg11[%dma_start3A_1562, %dma_start3A_1563] : memref<10112x128xf32, #tpu.memory_space<vmem_shared>> -> memref<10112x128xf32, #tpu.memory_space<vmem_shared>>
      tpu.enqueue_indirect_dma source(%arg9 : memref<50x128xf32, #tpu.memory_space<vmem>>) target(%dma_start3A_1564 : memref<10112x128xf32, #tpu.memory_space<vmem_shared>>) offsets(%dma_start3A_1561 : memref<50xi32, #tpu.memory_space<vmem>>) semaphore(%arg18 : memref<!tpu.dma_semaphore, #tpu.memory_space<semaphore_mem>>) {add = true}
      %add3A_1565 = arith.constant 3 : i32
      %add3A_1566 = arith.addi %mul3A_1492, %add3A_1565 : i32
      %dma_wait3A_1567 = arith.constant 0 : i32
      %dma_wait3A_1568 = arith.constant 0 : i32
      %dma_wait3A_1569 = tpu.memref_slice %arg5[%scan3A_567, %dma_wait3A_1567, %dma_wait3A_1568] : memref<2x40x50xi32, #tpu.memory_space<vmem>> -> memref<1x40x50xi32, #tpu.memory_space<vmem>>
      %dma_wait3A_1570 = tpu.memref_squeeze %dma_wait3A_1569 : memref<1x40x50xi32, #tpu.memory_space<vmem>> -> memref<40x50xi32, #tpu.memory_space<vmem>>
      %dma_wait3A_1571 = arith.constant 0 : i32
      %dma_wait3A_1572 = tpu.memref_slice %dma_wait3A_1570[%add3A_1566, %dma_wait3A_1571] : memref<40x50xi32, #tpu.memory_space<vmem>> -> memref<1x50xi32, #tpu.memory_space<vmem>>
      %dma_wait3A_1573 = tpu.memref_squeeze %dma_wait3A_1572 : memref<1x50xi32, #tpu.memory_space<vmem>> -> memref<50xi32, #tpu.memory_space<vmem>>
      %dma_wait3A_1574 = arith.constant 0 : i32
      %dma_wait3A_1575 = arith.constant 0 : i32
      %dma_wait3A_1576 = tpu.memref_slice %arg2[%dma_wait3A_1574, %dma_wait3A_1575] : memref<10000x128xf32, #tpu.memory_space<hbm>> -> memref<10000x128xf32, #tpu.memory_space<hbm>>
      tpu.wait_indirect_dma semaphore(%arg15 : memref<!tpu.dma_semaphore, #tpu.memory_space<semaphore_mem>>) src(%dma_wait3A_1576 : memref<10000x128xf32, #tpu.memory_space<hbm>>) dst(%arg10 : memref<50x128xf32, #tpu.memory_space<vmem>>)
      %add3A_1577 = arith.constant 3 : i32
      %add3A_1578 = arith.addi %mul3A_1492, %add3A_1577 : i32
      %dma_start3A_1579 = arith.constant 0 : i32
      %dma_start3A_1580 = arith.constant 0 : i32
      %dma_start3A_1581 = tpu.memref_slice %arg6[%scan3A_568, %dma_start3A_1579, %dma_start3A_1580] : memref<2x40x50xi32, #tpu.memory_space<vmem>> -> memref<1x40x50xi32, #tpu.memory_space<vmem>>
      %dma_start3A_1582 = tpu.memref_squeeze %dma_start3A_1581 : memref<1x40x50xi32, #tpu.memory_space<vmem>> -> memref<40x50xi32, #tpu.memory_space<vmem>>
      %dma_start3A_1583 = arith.constant 0 : i32
      %dma_start3A_1584 = tpu.memref_slice %dma_start3A_1582[%add3A_1578, %dma_start3A_1583] : memref<40x50xi32, #tpu.memory_space<vmem>> -> memref<1x50xi32, #tpu.memory_space<vmem>>
      %dma_start3A_1585 = tpu.memref_squeeze %dma_start3A_1584 : memref<1x50xi32, #tpu.memory_space<vmem>> -> memref<50xi32, #tpu.memory_space<vmem>>
      %dma_start3A_1586 = arith.constant 0 : i32
      %dma_start3A_1587 = arith.constant 0 : i32
      %dma_start3A_1588 = tpu.memref_slice %arg11[%dma_start3A_1586, %dma_start3A_1587] : memref<10112x128xf32, #tpu.memory_space<vmem_shared>> -> memref<10112x128xf32, #tpu.memory_space<vmem_shared>>
      tpu.enqueue_indirect_dma source(%arg10 : memref<50x128xf32, #tpu.memory_space<vmem>>) target(%dma_start3A_1588 : memref<10112x128xf32, #tpu.memory_space<vmem_shared>>) offsets(%dma_start3A_1585 : memref<50xi32, #tpu.memory_space<vmem>>) semaphore(%arg19 : memref<!tpu.dma_semaphore, #tpu.memory_space<semaphore_mem>>) {add = true}
      %dma_wait3A_1589 = arith.constant 0 : i32
      %dma_wait3A_1590 = arith.constant 0 : i32
      %dma_wait3A_1591 = tpu.memref_slice %arg6[%scan3A_568, %dma_wait3A_1589, %dma_wait3A_1590] : memref<2x40x50xi32, #tpu.memory_space<vmem>> -> memref<1x40x50xi32, #tpu.memory_space<vmem>>
      %dma_wait3A_1592 = tpu.memref_squeeze %dma_wait3A_1591 : memref<1x40x50xi32, #tpu.memory_space<vmem>> -> memref<40x50xi32, #tpu.memory_space<vmem>>
      %dma_wait3A_1593 = arith.constant 0 : i32
      %dma_wait3A_1594 = tpu.memref_slice %dma_wait3A_1592[%add3A_1506, %dma_wait3A_1593] : memref<40x50xi32, #tpu.memory_space<vmem>> -> memref<1x50xi32, #tpu.memory_space<vmem>>
      %dma_wait3A_1595 = tpu.memref_squeeze %dma_wait3A_1594 : memref<1x50xi32, #tpu.memory_space<vmem>> -> memref<50xi32, #tpu.memory_space<vmem>>
      %dma_wait3A_1596 = arith.constant 0 : i32
      %dma_wait3A_1597 = arith.constant 0 : i32
      %dma_wait3A_1598 = tpu.memref_slice %arg11[%dma_wait3A_1596, %dma_wait3A_1597] : memref<10112x128xf32, #tpu.memory_space<vmem_shared>> -> memref<10112x128xf32, #tpu.memory_space<vmem_shared>>
      tpu.wait_indirect_dma semaphore(%arg16 : memref<!tpu.dma_semaphore, #tpu.memory_space<semaphore_mem>>) src(%arg7 : memref<50x128xf32, #tpu.memory_space<vmem>>) dst(%dma_wait3A_1598 : memref<10112x128xf32, #tpu.memory_space<vmem_shared>>)
      %mul3A_1599 = arith.constant 4 : i32
      %mul3A_1600 = arith.muli %scan3A_1489, %mul3A_1599 : i32
      %add3A_1601 = arith.constant 0 : i32
      %add3A_1602 = arith.addi %mul3A_1600, %add3A_1601 : i32
      %dma_start3A_1603 = arith.constant 0 : i32
      %dma_start3A_1604 = arith.constant 0 : i32
      %dma_start3A_1605 = tpu.memref_slice %arg5[%scan3A_567, %dma_start3A_1603, %dma_start3A_1604] : memref<2x40x50xi32, #tpu.memory_space<vmem>> -> memref<1x40x50xi32, #tpu.memory_space<vmem>>
      %dma_start3A_1606 = tpu.memref_squeeze %dma_start3A_1605 : memref<1x40x50xi32, #tpu.memory_space<vmem>> -> memref<40x50xi32, #tpu.memory_space<vmem>>
      %dma_start3A_1607 = arith.constant 0 : i32
      %dma_start3A_1608 = tpu.memref_slice %dma_start3A_1606[%add3A_1602, %dma_start3A_1607] : memref<40x50xi32, #tpu.memory_space<vmem>> -> memref<1x50xi32, #tpu.memory_space<vmem>>
      %dma_start3A_1609 = tpu.memref_squeeze %dma_start3A_1608 : memref<1x50xi32, #tpu.memory_space<vmem>> -> memref<50xi32, #tpu.memory_space<vmem>>
      %dma_start3A_1610 = arith.constant 0 : i32
      %dma_start3A_1611 = arith.constant 0 : i32
      %dma_start3A_1612 = tpu.memref_slice %arg2[%dma_start3A_1610, %dma_start3A_1611] : memref<10000x128xf32, #tpu.memory_space<hbm>> -> memref<10000x128xf32, #tpu.memory_space<hbm>>
      tpu.enqueue_indirect_dma source(%dma_start3A_1612 : memref<10000x128xf32, #tpu.memory_space<hbm>>) target(%arg7 : memref<50x128xf32, #tpu.memory_space<vmem>>) offsets(%dma_start3A_1609 : memref<50xi32, #tpu.memory_space<vmem>>) semaphore(%arg12 : memref<!tpu.dma_semaphore, #tpu.memory_space<semaphore_mem>>)
      %dma_wait3A_1613 = arith.constant 0 : i32
      %dma_wait3A_1614 = arith.constant 0 : i32
      %dma_wait3A_1615 = tpu.memref_slice %arg6[%scan3A_568, %dma_wait3A_1613, %dma_wait3A_1614] : memref<2x40x50xi32, #tpu.memory_space<vmem>> -> memref<1x40x50xi32, #tpu.memory_space<vmem>>
      %dma_wait3A_1616 = tpu.memref_squeeze %dma_wait3A_1615 : memref<1x40x50xi32, #tpu.memory_space<vmem>> -> memref<40x50xi32, #tpu.memory_space<vmem>>
      %dma_wait3A_1617 = arith.constant 0 : i32
      %dma_wait3A_1618 = tpu.memref_slice %dma_wait3A_1616[%add3A_1530, %dma_wait3A_1617] : memref<40x50xi32, #tpu.memory_space<vmem>> -> memref<1x50xi32, #tpu.memory_space<vmem>>
      %dma_wait3A_1619 = tpu.memref_squeeze %dma_wait3A_1618 : memref<1x50xi32, #tpu.memory_space<vmem>> -> memref<50xi32, #tpu.memory_space<vmem>>
      %dma_wait3A_1620 = arith.constant 0 : i32
      %dma_wait3A_1621 = arith.constant 0 : i32
      %dma_wait3A_1622 = tpu.memref_slice %arg11[%dma_wait3A_1620, %dma_wait3A_1621] : memref<10112x128xf32, #tpu.memory_space<vmem_shared>> -> memref<10112x128xf32, #tpu.memory_space<vmem_shared>>
      tpu.wait_indirect_dma semaphore(%arg17 : memref<!tpu.dma_semaphore, #tpu.memory_space<semaphore_mem>>) src(%arg8 : memref<50x128xf32, #tpu.memory_space<vmem>>) dst(%dma_wait3A_1622 : memref<10112x128xf32, #tpu.memory_space<vmem_shared>>)
      %mul3A_1623 = arith.constant 4 : i32
      %mul3A_1624 = arith.muli %scan3A_1489, %mul3A_1623 : i32
      %add3A_1625 = arith.constant 1 : i32
      %add3A_1626 = arith.addi %mul3A_1624, %add3A_1625 : i32
      %dma_start3A_1627 = arith.constant 0 : i32
      %dma_start3A_1628 = arith.constant 0 : i32
      %dma_start3A_1629 = tpu.memref_slice %arg5[%scan3A_567, %dma_start3A_1627, %dma_start3A_1628] : memref<2x40x50xi32, #tpu.memory_space<vmem>> -> memref<1x40x50xi32, #tpu.memory_space<vmem>>
      %dma_start3A_1630 = tpu.memref_squeeze %dma_start3A_1629 : memref<1x40x50xi32, #tpu.memory_space<vmem>> -> memref<40x50xi32, #tpu.memory_space<vmem>>
      %dma_start3A_1631 = arith.constant 0 : i32
      %dma_start3A_1632 = tpu.memref_slice %dma_start3A_1630[%add3A_1626, %dma_start3A_1631] : memref<40x50xi32, #tpu.memory_space<vmem>> -> memref<1x50xi32, #tpu.memory_space<vmem>>
      %dma_start3A_1633 = tpu.memref_squeeze %dma_start3A_1632 : memref<1x50xi32, #tpu.memory_space<vmem>> -> memref<50xi32, #tpu.memory_space<vmem>>
      %dma_start3A_1634 = arith.constant 0 : i32
      %dma_start3A_1635 = arith.constant 0 : i32
      %dma_start3A_1636 = tpu.memref_slice %arg2[%dma_start3A_1634, %dma_start3A_1635] : memref<10000x128xf32, #tpu.memory_space<hbm>> -> memref<10000x128xf32, #tpu.memory_space<hbm>>
      tpu.enqueue_indirect_dma source(%dma_start3A_1636 : memref<10000x128xf32, #tpu.memory_space<hbm>>) target(%arg8 : memref<50x128xf32, #tpu.memory_space<vmem>>) offsets(%dma_start3A_1633 : memref<50xi32, #tpu.memory_space<vmem>>) semaphore(%arg13 : memref<!tpu.dma_semaphore, #tpu.memory_space<semaphore_mem>>)
      %dma_wait3A_1637 = arith.constant 0 : i32
      %dma_wait3A_1638 = arith.constant 0 : i32
      %dma_wait3A_1639 = tpu.memref_slice %arg6[%scan3A_568, %dma_wait3A_1637, %dma_wait3A_1638] : memref<2x40x50xi32, #tpu.memory_space<vmem>> -> memref<1x40x50xi32, #tpu.memory_space<vmem>>
      %dma_wait3A_1640 = tpu.memref_squeeze %dma_wait3A_1639 : memref<1x40x50xi32, #tpu.memory_space<vmem>> -> memref<40x50xi32, #tpu.memory_space<vmem>>
      %dma_wait3A_1641 = arith.constant 0 : i32
      %dma_wait3A_1642 = tpu.memref_slice %dma_wait3A_1640[%add3A_1554, %dma_wait3A_1641] : memref<40x50xi32, #tpu.memory_space<vmem>> -> memref<1x50xi32, #tpu.memory_space<vmem>>
      %dma_wait3A_1643 = tpu.memref_squeeze %dma_wait3A_1642 : memref<1x50xi32, #tpu.memory_space<vmem>> -> memref<50xi32, #tpu.memory_space<vmem>>
      %dma_wait3A_1644 = arith.constant 0 : i32
      %dma_wait3A_1645 = arith.constant 0 : i32
      %dma_wait3A_1646 = tpu.memref_slice %arg11[%dma_wait3A_1644, %dma_wait3A_1645] : memref<10112x128xf32, #tpu.memory_space<vmem_shared>> -> memref<10112x128xf32, #tpu.memory_space<vmem_shared>>
      tpu.wait_indirect_dma semaphore(%arg18 : memref<!tpu.dma_semaphore, #tpu.memory_space<semaphore_mem>>) src(%arg9 : memref<50x128xf32, #tpu.memory_space<vmem>>) dst(%dma_wait3A_1646 : memref<10112x128xf32, #tpu.memory_space<vmem_shared>>)
      %mul3A_1647 = arith.constant 4 : i32
      %mul3A_1648 = arith.muli %scan3A_1489, %mul3A_1647 : i32
      %add3A_1649 = arith.constant 2 : i32
      %add3A_1650 = arith.addi %mul3A_1648, %add3A_1649 : i32
      %dma_start3A_1651 = arith.constant 0 : i32
      %dma_start3A_1652 = arith.constant 0 : i32
      %dma_start3A_1653 = tpu.memref_slice %arg5[%scan3A_567, %dma_start3A_1651, %dma_start3A_1652] : memref<2x40x50xi32, #tpu.memory_space<vmem>> -> memref<1x40x50xi32, #tpu.memory_space<vmem>>
      %dma_start3A_1654 = tpu.memref_squeeze %dma_start3A_1653 : memref<1x40x50xi32, #tpu.memory_space<vmem>> -> memref<40x50xi32, #tpu.memory_space<vmem>>
      %dma_start3A_1655 = arith.constant 0 : i32
      %dma_start3A_1656 = tpu.memref_slice %dma_start3A_1654[%add3A_1650, %dma_start3A_1655] : memref<40x50xi32, #tpu.memory_space<vmem>> -> memref<1x50xi32, #tpu.memory_space<vmem>>
      %dma_start3A_1657 = tpu.memref_squeeze %dma_start3A_1656 : memref<1x50xi32, #tpu.memory_space<vmem>> -> memref<50xi32, #tpu.memory_space<vmem>>
      %dma_start3A_1658 = arith.constant 0 : i32
      %dma_start3A_1659 = arith.constant 0 : i32
      %dma_start3A_1660 = tpu.memref_slice %arg2[%dma_start3A_1658, %dma_start3A_1659] : memref<10000x128xf32, #tpu.memory_space<hbm>> -> memref<10000x128xf32, #tpu.memory_space<hbm>>
      tpu.enqueue_indirect_dma source(%dma_start3A_1660 : memref<10000x128xf32, #tpu.memory_space<hbm>>) target(%arg9 : memref<50x128xf32, #tpu.memory_space<vmem>>) offsets(%dma_start3A_1657 : memref<50xi32, #tpu.memory_space<vmem>>) semaphore(%arg14 : memref<!tpu.dma_semaphore, #tpu.memory_space<semaphore_mem>>)
      %dma_wait3A_1661 = arith.constant 0 : i32
      %dma_wait3A_1662 = arith.constant 0 : i32
      %dma_wait3A_1663 = tpu.memref_slice %arg6[%scan3A_568, %dma_wait3A_1661, %dma_wait3A_1662] : memref<2x40x50xi32, #tpu.memory_space<vmem>> -> memref<1x40x50xi32, #tpu.memory_space<vmem>>
      %dma_wait3A_1664 = tpu.memref_squeeze %dma_wait3A_1663 : memref<1x40x50xi32, #tpu.memory_space<vmem>> -> memref<40x50xi32, #tpu.memory_space<vmem>>
      %dma_wait3A_1665 = arith.constant 0 : i32
      %dma_wait3A_1666 = tpu.memref_slice %dma_wait3A_1664[%add3A_1578, %dma_wait3A_1665] : memref<40x50xi32, #tpu.memory_space<vmem>> -> memref<1x50xi32, #tpu.memory_space<vmem>>
      %dma_wait3A_1667 = tpu.memref_squeeze %dma_wait3A_1666 : memref<1x50xi32, #tpu.memory_space<vmem>> -> memref<50xi32, #tpu.memory_space<vmem>>
      %dma_wait3A_1668 = arith.constant 0 : i32
      %dma_wait3A_1669 = arith.constant 0 : i32
      %dma_wait3A_1670 = tpu.memref_slice %arg11[%dma_wait3A_1668, %dma_wait3A_1669] : memref<10112x128xf32, #tpu.memory_space<vmem_shared>> -> memref<10112x128xf32, #tpu.memory_space<vmem_shared>>
      tpu.wait_indirect_dma semaphore(%arg19 : memref<!tpu.dma_semaphore, #tpu.memory_space<semaphore_mem>>) src(%arg10 : memref<50x128xf32, #tpu.memory_space<vmem>>) dst(%dma_wait3A_1670 : memref<10112x128xf32, #tpu.memory_space<vmem_shared>>)
      %mul3A_1671 = arith.constant 4 : i32
      %mul3A_1672 = arith.muli %scan3A_1489, %mul3A_1671 : i32
      %add3A_1673 = arith.constant 3 : i32
      %add3A_1674 = arith.addi %mul3A_1672, %add3A_1673 : i32
      %dma_start3A_1675 = arith.constant 0 : i32
      %dma_start3A_1676 = arith.constant 0 : i32
      %dma_start3A_1677 = tpu.memref_slice %arg5[%scan3A_567, %dma_start3A_1675, %dma_start3A_1676] : memref<2x40x50xi32, #tpu.memory_space<vmem>> -> memref<1x40x50xi32, #tpu.memory_space<vmem>>
      %dma_start3A_1678 = tpu.memref_squeeze %dma_start3A_1677 : memref<1x40x50xi32, #tpu.memory_space<vmem>> -> memref<40x50xi32, #tpu.memory_space<vmem>>
      %dma_start3A_1679 = arith.constant 0 : i32
      %dma_start3A_1680 = tpu.memref_slice %dma_start3A_1678[%add3A_1674, %dma_start3A_1679] : memref<40x50xi32, #tpu.memory_space<vmem>> -> memref<1x50xi32, #tpu.memory_space<vmem>>
      %dma_start3A_1681 = tpu.memref_squeeze %dma_start3A_1680 : memref<1x50xi32, #tpu.memory_space<vmem>> -> memref<50xi32, #tpu.memory_space<vmem>>
      %dma_start3A_1682 = arith.constant 0 : i32
      %dma_start3A_1683 = arith.constant 0 : i32
      %dma_start3A_1684 = tpu.memref_slice %arg2[%dma_start3A_1682, %dma_start3A_1683] : memref<10000x128xf32, #tpu.memory_space<hbm>> -> memref<10000x128xf32, #tpu.memory_space<hbm>>
      tpu.enqueue_indirect_dma source(%dma_start3A_1684 : memref<10000x128xf32, #tpu.memory_space<hbm>>) target(%arg10 : memref<50x128xf32, #tpu.memory_space<vmem>>) offsets(%dma_start3A_1681 : memref<50xi32, #tpu.memory_space<vmem>>) semaphore(%arg15 : memref<!tpu.dma_semaphore, #tpu.memory_space<semaphore_mem>>)
    }
    %scan3A_573 = arith.constant 9 : i32
    %dma_wait3A_574 = arith.constant 1 : i32
    %dma_wait3A_575 = arith.constant 36 : i32
    %dma_wait3A_576 = arith.constant 0 : i32
    %dma_wait3A_577 = arith.constant 0 : i32
    %dma_wait3A_578 = tpu.memref_slice %arg5[%dma_wait3A_574, %dma_wait3A_576, %dma_wait3A_577] : memref<2x40x50xi32, #tpu.memory_space<vmem>> -> memref<1x40x50xi32, #tpu.memory_space<vmem>>
    %dma_wait3A_579 = tpu.memref_squeeze %dma_wait3A_578 : memref<1x40x50xi32, #tpu.memory_space<vmem>> -> memref<40x50xi32, #tpu.memory_space<vmem>>
    %dma_wait3A_580 = arith.constant 0 : i32
    %dma_wait3A_581 = tpu.memref_slice %dma_wait3A_579[%dma_wait3A_575, %dma_wait3A_580] : memref<40x50xi32, #tpu.memory_space<vmem>> -> memref<1x50xi32, #tpu.memory_space<vmem>>
    %dma_wait3A_582 = tpu.memref_squeeze %dma_wait3A_581 : memref<1x50xi32, #tpu.memory_space<vmem>> -> memref<50xi32, #tpu.memory_space<vmem>>
    %dma_wait3A_583 = arith.constant 0 : i32
    %dma_wait3A_584 = arith.constant 0 : i32
    %dma_wait3A_585 = tpu.memref_slice %arg2[%dma_wait3A_583, %dma_wait3A_584] : memref<10000x128xf32, #tpu.memory_space<hbm>> -> memref<10000x128xf32, #tpu.memory_space<hbm>>
    tpu.wait_indirect_dma semaphore(%arg12 : memref<!tpu.dma_semaphore, #tpu.memory_space<semaphore_mem>>) src(%dma_wait3A_585 : memref<10000x128xf32, #tpu.memory_space<hbm>>) dst(%arg7 : memref<50x128xf32, #tpu.memory_space<vmem>>)
    %dma_start3A_586 = arith.constant 1 : i32
    %dma_start3A_587 = arith.constant 36 : i32
    %dma_start3A_588 = arith.constant 0 : i32
    %dma_start3A_589 = arith.constant 0 : i32
    %dma_start3A_590 = tpu.memref_slice %arg6[%dma_start3A_586, %dma_start3A_588, %dma_start3A_589] : memref<2x40x50xi32, #tpu.memory_space<vmem>> -> memref<1x40x50xi32, #tpu.memory_space<vmem>>
    %dma_start3A_591 = tpu.memref_squeeze %dma_start3A_590 : memref<1x40x50xi32, #tpu.memory_space<vmem>> -> memref<40x50xi32, #tpu.memory_space<vmem>>
    %dma_start3A_592 = arith.constant 0 : i32
    %dma_start3A_593 = tpu.memref_slice %dma_start3A_591[%dma_start3A_587, %dma_start3A_592] : memref<40x50xi32, #tpu.memory_space<vmem>> -> memref<1x50xi32, #tpu.memory_space<vmem>>
    %dma_start3A_594 = tpu.memref_squeeze %dma_start3A_593 : memref<1x50xi32, #tpu.memory_space<vmem>> -> memref<50xi32, #tpu.memory_space<vmem>>
    %dma_start3A_595 = arith.constant 0 : i32
    %dma_start3A_596 = arith.constant 0 : i32
    %dma_start3A_597 = tpu.memref_slice %arg11[%dma_start3A_595, %dma_start3A_596] : memref<10112x128xf32, #tpu.memory_space<vmem_shared>> -> memref<10112x128xf32, #tpu.memory_space<vmem_shared>>
    tpu.enqueue_indirect_dma source(%arg7 : memref<50x128xf32, #tpu.memory_space<vmem>>) target(%dma_start3A_597 : memref<10112x128xf32, #tpu.memory_space<vmem_shared>>) offsets(%dma_start3A_594 : memref<50xi32, #tpu.memory_space<vmem>>) semaphore(%arg16 : memref<!tpu.dma_semaphore, #tpu.memory_space<semaphore_mem>>) {add = true}
    %dma_wait3A_598 = arith.constant 1 : i32
    %dma_wait3A_599 = arith.constant 37 : i32
    %dma_wait3A_600 = arith.constant 0 : i32
    %dma_wait3A_601 = arith.constant 0 : i32
    %dma_wait3A_602 = tpu.memref_slice %arg5[%dma_wait3A_598, %dma_wait3A_600, %dma_wait3A_601] : memref<2x40x50xi32, #tpu.memory_space<vmem>> -> memref<1x40x50xi32, #tpu.memory_space<vmem>>
    %dma_wait3A_603 = tpu.memref_squeeze %dma_wait3A_602 : memref<1x40x50xi32, #tpu.memory_space<vmem>> -> memref<40x50xi32, #tpu.memory_space<vmem>>
    %dma_wait3A_604 = arith.constant 0 : i32
    %dma_wait3A_605 = tpu.memref_slice %dma_wait3A_603[%dma_wait3A_599, %dma_wait3A_604] : memref<40x50xi32, #tpu.memory_space<vmem>> -> memref<1x50xi32, #tpu.memory_space<vmem>>
    %dma_wait3A_606 = tpu.memref_squeeze %dma_wait3A_605 : memref<1x50xi32, #tpu.memory_space<vmem>> -> memref<50xi32, #tpu.memory_space<vmem>>
    %dma_wait3A_607 = arith.constant 0 : i32
    %dma_wait3A_608 = arith.constant 0 : i32
    %dma_wait3A_609 = tpu.memref_slice %arg2[%dma_wait3A_607, %dma_wait3A_608] : memref<10000x128xf32, #tpu.memory_space<hbm>> -> memref<10000x128xf32, #tpu.memory_space<hbm>>
    tpu.wait_indirect_dma semaphore(%arg13 : memref<!tpu.dma_semaphore, #tpu.memory_space<semaphore_mem>>) src(%dma_wait3A_609 : memref<10000x128xf32, #tpu.memory_space<hbm>>) dst(%arg8 : memref<50x128xf32, #tpu.memory_space<vmem>>)
    %dma_start3A_610 = arith.constant 1 : i32
    %dma_start3A_611 = arith.constant 37 : i32
    %dma_start3A_612 = arith.constant 0 : i32
    %dma_start3A_613 = arith.constant 0 : i32
    %dma_start3A_614 = tpu.memref_slice %arg6[%dma_start3A_610, %dma_start3A_612, %dma_start3A_613] : memref<2x40x50xi32, #tpu.memory_space<vmem>> -> memref<1x40x50xi32, #tpu.memory_space<vmem>>
    %dma_start3A_615 = tpu.memref_squeeze %dma_start3A_614 : memref<1x40x50xi32, #tpu.memory_space<vmem>> -> memref<40x50xi32, #tpu.memory_space<vmem>>
    %dma_start3A_616 = arith.constant 0 : i32
    %dma_start3A_617 = tpu.memref_slice %dma_start3A_615[%dma_start3A_611, %dma_start3A_616] : memref<40x50xi32, #tpu.memory_space<vmem>> -> memref<1x50xi32, #tpu.memory_space<vmem>>
    %dma_start3A_618 = tpu.memref_squeeze %dma_start3A_617 : memref<1x50xi32, #tpu.memory_space<vmem>> -> memref<50xi32, #tpu.memory_space<vmem>>
    %dma_start3A_619 = arith.constant 0 : i32
    %dma_start3A_620 = arith.constant 0 : i32
    %dma_start3A_621 = tpu.memref_slice %arg11[%dma_start3A_619, %dma_start3A_620] : memref<10112x128xf32, #tpu.memory_space<vmem_shared>> -> memref<10112x128xf32, #tpu.memory_space<vmem_shared>>
    tpu.enqueue_indirect_dma source(%arg8 : memref<50x128xf32, #tpu.memory_space<vmem>>) target(%dma_start3A_621 : memref<10112x128xf32, #tpu.memory_space<vmem_shared>>) offsets(%dma_start3A_618 : memref<50xi32, #tpu.memory_space<vmem>>) semaphore(%arg17 : memref<!tpu.dma_semaphore, #tpu.memory_space<semaphore_mem>>) {add = true}
    %dma_wait3A_622 = arith.constant 1 : i32
    %dma_wait3A_623 = arith.constant 38 : i32
    %dma_wait3A_624 = arith.constant 0 : i32
    %dma_wait3A_625 = arith.constant 0 : i32
    %dma_wait3A_626 = tpu.memref_slice %arg5[%dma_wait3A_622, %dma_wait3A_624, %dma_wait3A_625] : memref<2x40x50xi32, #tpu.memory_space<vmem>> -> memref<1x40x50xi32, #tpu.memory_space<vmem>>
    %dma_wait3A_627 = tpu.memref_squeeze %dma_wait3A_626 : memref<1x40x50xi32, #tpu.memory_space<vmem>> -> memref<40x50xi32, #tpu.memory_space<vmem>>
    %dma_wait3A_628 = arith.constant 0 : i32
    %dma_wait3A_629 = tpu.memref_slice %dma_wait3A_627[%dma_wait3A_623, %dma_wait3A_628] : memref<40x50xi32, #tpu.memory_space<vmem>> -> memref<1x50xi32, #tpu.memory_space<vmem>>
    %dma_wait3A_630 = tpu.memref_squeeze %dma_wait3A_629 : memref<1x50xi32, #tpu.memory_space<vmem>> -> memref<50xi32, #tpu.memory_space<vmem>>
    %dma_wait3A_631 = arith.constant 0 : i32
    %dma_wait3A_632 = arith.constant 0 : i32
    %dma_wait3A_633 = tpu.memref_slice %arg2[%dma_wait3A_631, %dma_wait3A_632] : memref<10000x128xf32, #tpu.memory_space<hbm>> -> memref<10000x128xf32, #tpu.memory_space<hbm>>
    tpu.wait_indirect_dma semaphore(%arg14 : memref<!tpu.dma_semaphore, #tpu.memory_space<semaphore_mem>>) src(%dma_wait3A_633 : memref<10000x128xf32, #tpu.memory_space<hbm>>) dst(%arg9 : memref<50x128xf32, #tpu.memory_space<vmem>>)
    %dma_start3A_634 = arith.constant 1 : i32
    %dma_start3A_635 = arith.constant 38 : i32
    %dma_start3A_636 = arith.constant 0 : i32
    %dma_start3A_637 = arith.constant 0 : i32
    %dma_start3A_638 = tpu.memref_slice %arg6[%dma_start3A_634, %dma_start3A_636, %dma_start3A_637] : memref<2x40x50xi32, #tpu.memory_space<vmem>> -> memref<1x40x50xi32, #tpu.memory_space<vmem>>
    %dma_start3A_639 = tpu.memref_squeeze %dma_start3A_638 : memref<1x40x50xi32, #tpu.memory_space<vmem>> -> memref<40x50xi32, #tpu.memory_space<vmem>>
    %dma_start3A_640 = arith.constant 0 : i32
    %dma_start3A_641 = tpu.memref_slice %dma_start3A_639[%dma_start3A_635, %dma_start3A_640] : memref<40x50xi32, #tpu.memory_space<vmem>> -> memref<1x50xi32, #tpu.memory_space<vmem>>
    %dma_start3A_642 = tpu.memref_squeeze %dma_start3A_641 : memref<1x50xi32, #tpu.memory_space<vmem>> -> memref<50xi32, #tpu.memory_space<vmem>>
    %dma_start3A_643 = arith.constant 0 : i32
    %dma_start3A_644 = arith.constant 0 : i32
    %dma_start3A_645 = tpu.memref_slice %arg11[%dma_start3A_643, %dma_start3A_644] : memref<10112x128xf32, #tpu.memory_space<vmem_shared>> -> memref<10112x128xf32, #tpu.memory_space<vmem_shared>>
    tpu.enqueue_indirect_dma source(%arg9 : memref<50x128xf32, #tpu.memory_space<vmem>>) target(%dma_start3A_645 : memref<10112x128xf32, #tpu.memory_space<vmem_shared>>) offsets(%dma_start3A_642 : memref<50xi32, #tpu.memory_space<vmem>>) semaphore(%arg18 : memref<!tpu.dma_semaphore, #tpu.memory_space<semaphore_mem>>) {add = true}
    %dma_wait3A_646 = arith.constant 1 : i32
    %dma_wait3A_647 = arith.constant 39 : i32
    %dma_wait3A_648 = arith.constant 0 : i32
    %dma_wait3A_649 = arith.constant 0 : i32
    %dma_wait3A_650 = tpu.memref_slice %arg5[%dma_wait3A_646, %dma_wait3A_648, %dma_wait3A_649] : memref<2x40x50xi32, #tpu.memory_space<vmem>> -> memref<1x40x50xi32, #tpu.memory_space<vmem>>
    %dma_wait3A_651 = tpu.memref_squeeze %dma_wait3A_650 : memref<1x40x50xi32, #tpu.memory_space<vmem>> -> memref<40x50xi32, #tpu.memory_space<vmem>>
    %dma_wait3A_652 = arith.constant 0 : i32
    %dma_wait3A_653 = tpu.memref_slice %dma_wait3A_651[%dma_wait3A_647, %dma_wait3A_652] : memref<40x50xi32, #tpu.memory_space<vmem>> -> memref<1x50xi32, #tpu.memory_space<vmem>>
    %dma_wait3A_654 = tpu.memref_squeeze %dma_wait3A_653 : memref<1x50xi32, #tpu.memory_space<vmem>> -> memref<50xi32, #tpu.memory_space<vmem>>
    %dma_wait3A_655 = arith.constant 0 : i32
    %dma_wait3A_656 = arith.constant 0 : i32
    %dma_wait3A_657 = tpu.memref_slice %arg2[%dma_wait3A_655, %dma_wait3A_656] : memref<10000x128xf32, #tpu.memory_space<hbm>> -> memref<10000x128xf32, #tpu.memory_space<hbm>>
    tpu.wait_indirect_dma semaphore(%arg15 : memref<!tpu.dma_semaphore, #tpu.memory_space<semaphore_mem>>) src(%dma_wait3A_657 : memref<10000x128xf32, #tpu.memory_space<hbm>>) dst(%arg10 : memref<50x128xf32, #tpu.memory_space<vmem>>)
    %dma_start3A_658 = arith.constant 1 : i32
    %dma_start3A_659 = arith.constant 39 : i32
    %dma_start3A_660 = arith.constant 0 : i32
    %dma_start3A_661 = arith.constant 0 : i32
    %dma_start3A_662 = tpu.memref_slice %arg6[%dma_start3A_658, %dma_start3A_660, %dma_start3A_661] : memref<2x40x50xi32, #tpu.memory_space<vmem>> -> memref<1x40x50xi32, #tpu.memory_space<vmem>>
    %dma_start3A_663 = tpu.memref_squeeze %dma_start3A_662 : memref<1x40x50xi32, #tpu.memory_space<vmem>> -> memref<40x50xi32, #tpu.memory_space<vmem>>
    %dma_start3A_664 = arith.constant 0 : i32
    %dma_start3A_665 = tpu.memref_slice %dma_start3A_663[%dma_start3A_659, %dma_start3A_664] : memref<40x50xi32, #tpu.memory_space<vmem>> -> memref<1x50xi32, #tpu.memory_space<vmem>>
    %dma_start3A_666 = tpu.memref_squeeze %dma_start3A_665 : memref<1x50xi32, #tpu.memory_space<vmem>> -> memref<50xi32, #tpu.memory_space<vmem>>
    %dma_start3A_667 = arith.constant 0 : i32
    %dma_start3A_668 = arith.constant 0 : i32
    %dma_start3A_669 = tpu.memref_slice %arg11[%dma_start3A_667, %dma_start3A_668] : memref<10112x128xf32, #tpu.memory_space<vmem_shared>> -> memref<10112x128xf32, #tpu.memory_space<vmem_shared>>
    tpu.enqueue_indirect_dma source(%arg10 : memref<50x128xf32, #tpu.memory_space<vmem>>) target(%dma_start3A_669 : memref<10112x128xf32, #tpu.memory_space<vmem_shared>>) offsets(%dma_start3A_666 : memref<50xi32, #tpu.memory_space<vmem>>) semaphore(%arg19 : memref<!tpu.dma_semaphore, #tpu.memory_space<semaphore_mem>>) {add = true}
    %dma_wait3A_670 = arith.constant 1 : i32
    %dma_wait3A_671 = arith.constant 36 : i32
    %dma_wait3A_672 = arith.constant 0 : i32
    %dma_wait3A_673 = arith.constant 0 : i32
    %dma_wait3A_674 = tpu.memref_slice %arg6[%dma_wait3A_670, %dma_wait3A_672, %dma_wait3A_673] : memref<2x40x50xi32, #tpu.memory_space<vmem>> -> memref<1x40x50xi32, #tpu.memory_space<vmem>>
    %dma_wait3A_675 = tpu.memref_squeeze %dma_wait3A_674 : memref<1x40x50xi32, #tpu.memory_space<vmem>> -> memref<40x50xi32, #tpu.memory_space<vmem>>
    %dma_wait3A_676 = arith.constant 0 : i32
    %dma_wait3A_677 = tpu.memref_slice %dma_wait3A_675[%dma_wait3A_671, %dma_wait3A_676] : memref<40x50xi32, #tpu.memory_space<vmem>> -> memref<1x50xi32, #tpu.memory_space<vmem>>
    %dma_wait3A_678 = tpu.memref_squeeze %dma_wait3A_677 : memref<1x50xi32, #tpu.memory_space<vmem>> -> memref<50xi32, #tpu.memory_space<vmem>>
    %dma_wait3A_679 = arith.constant 0 : i32
    %dma_wait3A_680 = arith.constant 0 : i32
    %dma_wait3A_681 = tpu.memref_slice %arg11[%dma_wait3A_679, %dma_wait3A_680] : memref<10112x128xf32, #tpu.memory_space<vmem_shared>> -> memref<10112x128xf32, #tpu.memory_space<vmem_shared>>
    tpu.wait_indirect_dma semaphore(%arg16 : memref<!tpu.dma_semaphore, #tpu.memory_space<semaphore_mem>>) src(%arg7 : memref<50x128xf32, #tpu.memory_space<vmem>>) dst(%dma_wait3A_681 : memref<10112x128xf32, #tpu.memory_space<vmem_shared>>)
    %dma_wait3A_682 = arith.constant 1 : i32
    %dma_wait3A_683 = arith.constant 37 : i32
    %dma_wait3A_684 = arith.constant 0 : i32
    %dma_wait3A_685 = arith.constant 0 : i32
    %dma_wait3A_686 = tpu.memref_slice %arg6[%dma_wait3A_682, %dma_wait3A_684, %dma_wait3A_685] : memref<2x40x50xi32, #tpu.memory_space<vmem>> -> memref<1x40x50xi32, #tpu.memory_space<vmem>>
    %dma_wait3A_687 = tpu.memref_squeeze %dma_wait3A_686 : memref<1x40x50xi32, #tpu.memory_space<vmem>> -> memref<40x50xi32, #tpu.memory_space<vmem>>
    %dma_wait3A_688 = arith.constant 0 : i32
    %dma_wait3A_689 = tpu.memref_slice %dma_wait3A_687[%dma_wait3A_683, %dma_wait3A_688] : memref<40x50xi32, #tpu.memory_space<vmem>> -> memref<1x50xi32, #tpu.memory_space<vmem>>
    %dma_wait3A_690 = tpu.memref_squeeze %dma_wait3A_689 : memref<1x50xi32, #tpu.memory_space<vmem>> -> memref<50xi32, #tpu.memory_space<vmem>>
    %dma_wait3A_691 = arith.constant 0 : i32
    %dma_wait3A_692 = arith.constant 0 : i32
    %dma_wait3A_693 = tpu.memref_slice %arg11[%dma_wait3A_691, %dma_wait3A_692] : memref<10112x128xf32, #tpu.memory_space<vmem_shared>> -> memref<10112x128xf32, #tpu.memory_space<vmem_shared>>
    tpu.wait_indirect_dma semaphore(%arg17 : memref<!tpu.dma_semaphore, #tpu.memory_space<semaphore_mem>>) src(%arg8 : memref<50x128xf32, #tpu.memory_space<vmem>>) dst(%dma_wait3A_693 : memref<10112x128xf32, #tpu.memory_space<vmem_shared>>)
    %dma_wait3A_694 = arith.constant 1 : i32
    %dma_wait3A_695 = arith.constant 38 : i32
    %dma_wait3A_696 = arith.constant 0 : i32
    %dma_wait3A_697 = arith.constant 0 : i32
    %dma_wait3A_698 = tpu.memref_slice %arg6[%dma_wait3A_694, %dma_wait3A_696, %dma_wait3A_697] : memref<2x40x50xi32, #tpu.memory_space<vmem>> -> memref<1x40x50xi32, #tpu.memory_space<vmem>>
    %dma_wait3A_699 = tpu.memref_squeeze %dma_wait3A_698 : memref<1x40x50xi32, #tpu.memory_space<vmem>> -> memref<40x50xi32, #tpu.memory_space<vmem>>
    %dma_wait3A_700 = arith.constant 0 : i32
    %dma_wait3A_701 = tpu.memref_slice %dma_wait3A_699[%dma_wait3A_695, %dma_wait3A_700] : memref<40x50xi32, #tpu.memory_space<vmem>> -> memref<1x50xi32, #tpu.memory_space<vmem>>
    %dma_wait3A_702 = tpu.memref_squeeze %dma_wait3A_701 : memref<1x50xi32, #tpu.memory_space<vmem>> -> memref<50xi32, #tpu.memory_space<vmem>>
    %dma_wait3A_703 = arith.constant 0 : i32
    %dma_wait3A_704 = arith.constant 0 : i32
    %dma_wait3A_705 = tpu.memref_slice %arg11[%dma_wait3A_703, %dma_wait3A_704] : memref<10112x128xf32, #tpu.memory_space<vmem_shared>> -> memref<10112x128xf32, #tpu.memory_space<vmem_shared>>
    tpu.wait_indirect_dma semaphore(%arg18 : memref<!tpu.dma_semaphore, #tpu.memory_space<semaphore_mem>>) src(%arg9 : memref<50x128xf32, #tpu.memory_space<vmem>>) dst(%dma_wait3A_705 : memref<10112x128xf32, #tpu.memory_space<vmem_shared>>)
    %dma_wait3A_706 = arith.constant 1 : i32
    %dma_wait3A_707 = arith.constant 39 : i32
    %dma_wait3A_708 = arith.constant 0 : i32
    %dma_wait3A_709 = arith.constant 0 : i32
    %dma_wait3A_710 = tpu.memref_slice %arg6[%dma_wait3A_706, %dma_wait3A_708, %dma_wait3A_709] : memref<2x40x50xi32, #tpu.memory_space<vmem>> -> memref<1x40x50xi32, #tpu.memory_space<vmem>>
    %dma_wait3A_711 = tpu.memref_squeeze %dma_wait3A_710 : memref<1x40x50xi32, #tpu.memory_space<vmem>> -> memref<40x50xi32, #tpu.memory_space<vmem>>
    %dma_wait3A_712 = arith.constant 0 : i32
    %dma_wait3A_713 = tpu.memref_slice %dma_wait3A_711[%dma_wait3A_707, %dma_wait3A_712] : memref<40x50xi32, #tpu.memory_space<vmem>> -> memref<1x50xi32, #tpu.memory_space<vmem>>
    %dma_wait3A_714 = tpu.memref_squeeze %dma_wait3A_713 : memref<1x50xi32, #tpu.memory_space<vmem>> -> memref<50xi32, #tpu.memory_space<vmem>>
    %dma_wait3A_715 = arith.constant 0 : i32
    %dma_wait3A_716 = arith.constant 0 : i32
    %dma_wait3A_717 = tpu.memref_slice %arg11[%dma_wait3A_715, %dma_wait3A_716] : memref<10112x128xf32, #tpu.memory_space<vmem_shared>> -> memref<10112x128xf32, #tpu.memory_space<vmem_shared>>
    tpu.wait_indirect_dma semaphore(%arg19 : memref<!tpu.dma_semaphore, #tpu.memory_space<semaphore_mem>>) src(%arg10 : memref<50x128xf32, #tpu.memory_space<vmem>>) dst(%dma_wait3A_717 : memref<10112x128xf32, #tpu.memory_space<vmem_shared>>)
    %add3A_718 = arith.constant 80 : i32
    %add3A_719 = arith.addi %mul3A_2, %add3A_718 : i32
    %dma_wait3A_720 = arith.constant 0 : i32
    %dma_wait3A_721 = arith.constant 0 : i32
    %dma_wait3A_722 = arith.constant 0 : i32
    %dma_wait3A_723 = arith.constant 0 : i32
    %dma_wait3A_724 = tpu.memref_slice %arg5[%dma_wait3A_721, %dma_wait3A_722, %dma_wait3A_723] : memref<2x40x50xi32, #tpu.memory_space<vmem>> -> memref<1x40x50xi32, #tpu.memory_space<vmem>>
    %dma_wait3A_725 = tpu.memref_squeeze %dma_wait3A_724 : memref<1x40x50xi32, #tpu.memory_space<vmem>> -> memref<40x50xi32, #tpu.memory_space<vmem>>
    %dma_wait3A_726 = arith.constant 0 : i32
    %dma_wait3A_727 = tpu.memref_slice %arg3[%dma_wait3A_720, %add3A_719, %dma_wait3A_726] : memref<2x6400x50xi32, #tpu.memory_space<hbm>> -> memref<1x40x50xi32, #tpu.memory_space<hbm>>
    %dma_wait3A_728 = tpu.memref_squeeze %dma_wait3A_727 : memref<1x40x50xi32, #tpu.memory_space<hbm>> -> memref<40x50xi32, #tpu.memory_space<hbm>>
    %dma_wait3A_729 = arith.constant 0 : i32
    %dma_wait3A_730 = arith.constant 0 : i32
    %dma_wait3A_731 = tpu.memref_slice %arg5[%dma_wait3A_721, %dma_wait3A_729, %dma_wait3A_730] : memref<2x40x50xi32, #tpu.memory_space<vmem>> -> memref<1x40x50xi32, #tpu.memory_space<vmem>>
    %dma_wait3A_732 = tpu.memref_squeeze %dma_wait3A_731 : memref<1x40x50xi32, #tpu.memory_space<vmem>> -> memref<40x50xi32, #tpu.memory_space<vmem>>
    %dma_wait3A_733 = arith.constant 0 : i32
    %dma_wait3A_734 = tpu.memref_slice %arg3[%dma_wait3A_720, %add3A_719, %dma_wait3A_733] : memref<2x6400x50xi32, #tpu.memory_space<hbm>> -> memref<1x40x50xi32, #tpu.memory_space<hbm>>
    %dma_wait3A_735 = tpu.memref_squeeze %dma_wait3A_734 : memref<1x40x50xi32, #tpu.memory_space<hbm>> -> memref<40x50xi32, #tpu.memory_space<hbm>>
    tpu.wait_dma2 semaphore(%arg20 : memref<!tpu.dma_semaphore, #tpu.memory_space<semaphore_mem>>) src(%dma_wait3A_735 : memref<40x50xi32, #tpu.memory_space<hbm>>) dst(%dma_wait3A_732 : memref<40x50xi32, #tpu.memory_space<vmem>>)
    %dma_wait3A_736 = arith.constant 1 : i32
    %dma_wait3A_737 = arith.constant 0 : i32
    %dma_wait3A_738 = arith.constant 0 : i32
    %dma_wait3A_739 = arith.constant 0 : i32
    %dma_wait3A_740 = tpu.memref_slice %arg6[%dma_wait3A_737, %dma_wait3A_738, %dma_wait3A_739] : memref<2x40x50xi32, #tpu.memory_space<vmem>> -> memref<1x40x50xi32, #tpu.memory_space<vmem>>
    %dma_wait3A_741 = tpu.memref_squeeze %dma_wait3A_740 : memref<1x40x50xi32, #tpu.memory_space<vmem>> -> memref<40x50xi32, #tpu.memory_space<vmem>>
    %dma_wait3A_742 = arith.constant 0 : i32
    %dma_wait3A_743 = tpu.memref_slice %arg3[%dma_wait3A_736, %add3A_719, %dma_wait3A_742] : memref<2x6400x50xi32, #tpu.memory_space<hbm>> -> memref<1x40x50xi32, #tpu.memory_space<hbm>>
    %dma_wait3A_744 = tpu.memref_squeeze %dma_wait3A_743 : memref<1x40x50xi32, #tpu.memory_space<hbm>> -> memref<40x50xi32, #tpu.memory_space<hbm>>
    %dma_wait3A_745 = arith.constant 0 : i32
    %dma_wait3A_746 = arith.constant 0 : i32
    %dma_wait3A_747 = tpu.memref_slice %arg6[%dma_wait3A_737, %dma_wait3A_745, %dma_wait3A_746] : memref<2x40x50xi32, #tpu.memory_space<vmem>> -> memref<1x40x50xi32, #tpu.memory_space<vmem>>
    %dma_wait3A_748 = tpu.memref_squeeze %dma_wait3A_747 : memref<1x40x50xi32, #tpu.memory_space<vmem>> -> memref<40x50xi32, #tpu.memory_space<vmem>>
    %dma_wait3A_749 = arith.constant 0 : i32
    %dma_wait3A_750 = tpu.memref_slice %arg3[%dma_wait3A_736, %add3A_719, %dma_wait3A_749] : memref<2x6400x50xi32, #tpu.memory_space<hbm>> -> memref<1x40x50xi32, #tpu.memory_space<hbm>>
    %dma_wait3A_751 = tpu.memref_squeeze %dma_wait3A_750 : memref<1x40x50xi32, #tpu.memory_space<hbm>> -> memref<40x50xi32, #tpu.memory_space<hbm>>
    tpu.wait_dma2 semaphore(%arg20 : memref<!tpu.dma_semaphore, #tpu.memory_space<semaphore_mem>>) src(%dma_wait3A_751 : memref<40x50xi32, #tpu.memory_space<hbm>>) dst(%dma_wait3A_748 : memref<40x50xi32, #tpu.memory_space<vmem>>)
    %add3A_752 = arith.constant 120 : i32
    %add3A_753 = arith.addi %mul3A_2, %add3A_752 : i32
    %dma_start3A_754 = arith.constant 0 : i32
    %dma_start3A_755 = arith.constant 1 : i32
    %dma_start3A_756 = arith.constant 0 : i32
    %dma_start3A_757 = arith.constant 0 : i32
    %dma_start3A_758 = tpu.memref_slice %arg5[%dma_start3A_755, %dma_start3A_756, %dma_start3A_757] : memref<2x40x50xi32, #tpu.memory_space<vmem>> -> memref<1x40x50xi32, #tpu.memory_space<vmem>>
    %dma_start3A_759 = tpu.memref_squeeze %dma_start3A_758 : memref<1x40x50xi32, #tpu.memory_space<vmem>> -> memref<40x50xi32, #tpu.memory_space<vmem>>
    %dma_start3A_760 = arith.constant 0 : i32
    %dma_start3A_761 = tpu.memref_slice %arg3[%dma_start3A_754, %add3A_753, %dma_start3A_760] : memref<2x6400x50xi32, #tpu.memory_space<hbm>> -> memref<1x40x50xi32, #tpu.memory_space<hbm>>
    %dma_start3A_762 = tpu.memref_squeeze %dma_start3A_761 : memref<1x40x50xi32, #tpu.memory_space<hbm>> -> memref<40x50xi32, #tpu.memory_space<hbm>>
    %dma_start3A_763 = arith.constant 0 : i32
    %dma_start3A_764 = arith.constant 0 : i32
    %dma_start3A_765 = tpu.memref_slice %arg5[%dma_start3A_755, %dma_start3A_763, %dma_start3A_764] : memref<2x40x50xi32, #tpu.memory_space<vmem>> -> memref<1x40x50xi32, #tpu.memory_space<vmem>>
    %dma_start3A_766 = tpu.memref_squeeze %dma_start3A_765 : memref<1x40x50xi32, #tpu.memory_space<vmem>> -> memref<40x50xi32, #tpu.memory_space<vmem>>
    %dma_start3A_767 = arith.constant 0 : i32
    %dma_start3A_768 = tpu.memref_slice %arg3[%dma_start3A_754, %add3A_753, %dma_start3A_767] : memref<2x6400x50xi32, #tpu.memory_space<hbm>> -> memref<1x40x50xi32, #tpu.memory_space<hbm>>
    %dma_start3A_769 = tpu.memref_squeeze %dma_start3A_768 : memref<1x40x50xi32, #tpu.memory_space<hbm>> -> memref<40x50xi32, #tpu.memory_space<hbm>>
    tpu.enqueue_dma source(%dma_start3A_769 : memref<40x50xi32, #tpu.memory_space<hbm>>) target(%dma_start3A_766 : memref<40x50xi32, #tpu.memory_space<vmem>>) target_semaphore(%arg20 : memref<!tpu.dma_semaphore, #tpu.memory_space<semaphore_mem>>)
    %dma_start3A_770 = arith.constant 1 : i32
    %dma_start3A_771 = arith.constant 1 : i32
    %dma_start3A_772 = arith.constant 0 : i32
    %dma_start3A_773 = arith.constant 0 : i32
    %dma_start3A_774 = tpu.memref_slice %arg6[%dma_start3A_771, %dma_start3A_772, %dma_start3A_773] : memref<2x40x50xi32, #tpu.memory_space<vmem>> -> memref<1x40x50xi32, #tpu.memory_space<vmem>>
    %dma_start3A_775 = tpu.memref_squeeze %dma_start3A_774 : memref<1x40x50xi32, #tpu.memory_space<vmem>> -> memref<40x50xi32, #tpu.memory_space<vmem>>
    %dma_start3A_776 = arith.constant 0 : i32
    %dma_start3A_777 = tpu.memref_slice %arg3[%dma_start3A_770, %add3A_753, %dma_start3A_776] : memref<2x6400x50xi32, #tpu.memory_space<hbm>> -> memref<1x40x50xi32, #tpu.memory_space<hbm>>
    %dma_start3A_778 = tpu.memref_squeeze %dma_start3A_777 : memref<1x40x50xi32, #tpu.memory_space<hbm>> -> memref<40x50xi32, #tpu.memory_space<hbm>>
    %dma_start3A_779 = arith.constant 0 : i32
    %dma_start3A_780 = arith.constant 0 : i32
    %dma_start3A_781 = tpu.memref_slice %arg6[%dma_start3A_771, %dma_start3A_779, %dma_start3A_780] : memref<2x40x50xi32, #tpu.memory_space<vmem>> -> memref<1x40x50xi32, #tpu.memory_space<vmem>>
    %dma_start3A_782 = tpu.memref_squeeze %dma_start3A_781 : memref<1x40x50xi32, #tpu.memory_space<vmem>> -> memref<40x50xi32, #tpu.memory_space<vmem>>
    %dma_start3A_783 = arith.constant 0 : i32
    %dma_start3A_784 = tpu.memref_slice %arg3[%dma_start3A_770, %add3A_753, %dma_start3A_783] : memref<2x6400x50xi32, #tpu.memory_space<hbm>> -> memref<1x40x50xi32, #tpu.memory_space<hbm>>
    %dma_start3A_785 = tpu.memref_squeeze %dma_start3A_784 : memref<1x40x50xi32, #tpu.memory_space<hbm>> -> memref<40x50xi32, #tpu.memory_space<hbm>>
    tpu.enqueue_dma source(%dma_start3A_785 : memref<40x50xi32, #tpu.memory_space<hbm>>) target(%dma_start3A_782 : memref<40x50xi32, #tpu.memory_space<vmem>>) target_semaphore(%arg20 : memref<!tpu.dma_semaphore, #tpu.memory_space<semaphore_mem>>)
    %dma_start3A_786 = arith.constant 0 : i32
    %dma_start3A_787 = arith.constant 0 : i32
    %dma_start3A_788 = arith.constant 0 : i32
    %dma_start3A_789 = arith.constant 0 : i32
    %dma_start3A_790 = tpu.memref_slice %arg5[%dma_start3A_786, %dma_start3A_788, %dma_start3A_789] : memref<2x40x50xi32, #tpu.memory_space<vmem>> -> memref<1x40x50xi32, #tpu.memory_space<vmem>>
    %dma_start3A_791 = tpu.memref_squeeze %dma_start3A_790 : memref<1x40x50xi32, #tpu.memory_space<vmem>> -> memref<40x50xi32, #tpu.memory_space<vmem>>
    %dma_start3A_792 = arith.constant 0 : i32
    %dma_start3A_793 = tpu.memref_slice %dma_start3A_791[%dma_start3A_787, %dma_start3A_792] : memref<40x50xi32, #tpu.memory_space<vmem>> -> memref<1x50xi32, #tpu.memory_space<vmem>>
    %dma_start3A_794 = tpu.memref_squeeze %dma_start3A_793 : memref<1x50xi32, #tpu.memory_space<vmem>> -> memref<50xi32, #tpu.memory_space<vmem>>
    %dma_start3A_795 = arith.constant 0 : i32
    %dma_start3A_796 = arith.constant 0 : i32
    %dma_start3A_797 = tpu.memref_slice %arg2[%dma_start3A_795, %dma_start3A_796] : memref<10000x128xf32, #tpu.memory_space<hbm>> -> memref<10000x128xf32, #tpu.memory_space<hbm>>
    tpu.enqueue_indirect_dma source(%dma_start3A_797 : memref<10000x128xf32, #tpu.memory_space<hbm>>) target(%arg7 : memref<50x128xf32, #tpu.memory_space<vmem>>) offsets(%dma_start3A_794 : memref<50xi32, #tpu.memory_space<vmem>>) semaphore(%arg12 : memref<!tpu.dma_semaphore, #tpu.memory_space<semaphore_mem>>)
    %dma_start3A_798 = arith.constant 0 : i32
    %dma_start3A_799 = arith.constant 1 : i32
    %dma_start3A_800 = arith.constant 0 : i32
    %dma_start3A_801 = arith.constant 0 : i32
    %dma_start3A_802 = tpu.memref_slice %arg5[%dma_start3A_798, %dma_start3A_800, %dma_start3A_801] : memref<2x40x50xi32, #tpu.memory_space<vmem>> -> memref<1x40x50xi32, #tpu.memory_space<vmem>>
    %dma_start3A_803 = tpu.memref_squeeze %dma_start3A_802 : memref<1x40x50xi32, #tpu.memory_space<vmem>> -> memref<40x50xi32, #tpu.memory_space<vmem>>
    %dma_start3A_804 = arith.constant 0 : i32
    %dma_start3A_805 = tpu.memref_slice %dma_start3A_803[%dma_start3A_799, %dma_start3A_804] : memref<40x50xi32, #tpu.memory_space<vmem>> -> memref<1x50xi32, #tpu.memory_space<vmem>>
    %dma_start3A_806 = tpu.memref_squeeze %dma_start3A_805 : memref<1x50xi32, #tpu.memory_space<vmem>> -> memref<50xi32, #tpu.memory_space<vmem>>
    %dma_start3A_807 = arith.constant 0 : i32
    %dma_start3A_808 = arith.constant 0 : i32
    %dma_start3A_809 = tpu.memref_slice %arg2[%dma_start3A_807, %dma_start3A_808] : memref<10000x128xf32, #tpu.memory_space<hbm>> -> memref<10000x128xf32, #tpu.memory_space<hbm>>
    tpu.enqueue_indirect_dma source(%dma_start3A_809 : memref<10000x128xf32, #tpu.memory_space<hbm>>) target(%arg8 : memref<50x128xf32, #tpu.memory_space<vmem>>) offsets(%dma_start3A_806 : memref<50xi32, #tpu.memory_space<vmem>>) semaphore(%arg13 : memref<!tpu.dma_semaphore, #tpu.memory_space<semaphore_mem>>)
    %dma_start3A_810 = arith.constant 0 : i32
    %dma_start3A_811 = arith.constant 2 : i32
    %dma_start3A_812 = arith.constant 0 : i32
    %dma_start3A_813 = arith.constant 0 : i32
    %dma_start3A_814 = tpu.memref_slice %arg5[%dma_start3A_810, %dma_start3A_812, %dma_start3A_813] : memref<2x40x50xi32, #tpu.memory_space<vmem>> -> memref<1x40x50xi32, #tpu.memory_space<vmem>>
    %dma_start3A_815 = tpu.memref_squeeze %dma_start3A_814 : memref<1x40x50xi32, #tpu.memory_space<vmem>> -> memref<40x50xi32, #tpu.memory_space<vmem>>
    %dma_start3A_816 = arith.constant 0 : i32
    %dma_start3A_817 = tpu.memref_slice %dma_start3A_815[%dma_start3A_811, %dma_start3A_816] : memref<40x50xi32, #tpu.memory_space<vmem>> -> memref<1x50xi32, #tpu.memory_space<vmem>>
    %dma_start3A_818 = tpu.memref_squeeze %dma_start3A_817 : memref<1x50xi32, #tpu.memory_space<vmem>> -> memref<50xi32, #tpu.memory_space<vmem>>
    %dma_start3A_819 = arith.constant 0 : i32
    %dma_start3A_820 = arith.constant 0 : i32
    %dma_start3A_821 = tpu.memref_slice %arg2[%dma_start3A_819, %dma_start3A_820] : memref<10000x128xf32, #tpu.memory_space<hbm>> -> memref<10000x128xf32, #tpu.memory_space<hbm>>
    tpu.enqueue_indirect_dma source(%dma_start3A_821 : memref<10000x128xf32, #tpu.memory_space<hbm>>) target(%arg9 : memref<50x128xf32, #tpu.memory_space<vmem>>) offsets(%dma_start3A_818 : memref<50xi32, #tpu.memory_space<vmem>>) semaphore(%arg14 : memref<!tpu.dma_semaphore, #tpu.memory_space<semaphore_mem>>)
    %dma_start3A_822 = arith.constant 0 : i32
    %dma_start3A_823 = arith.constant 3 : i32
    %dma_start3A_824 = arith.constant 0 : i32
    %dma_start3A_825 = arith.constant 0 : i32
    %dma_start3A_826 = tpu.memref_slice %arg5[%dma_start3A_822, %dma_start3A_824, %dma_start3A_825] : memref<2x40x50xi32, #tpu.memory_space<vmem>> -> memref<1x40x50xi32, #tpu.memory_space<vmem>>
    %dma_start3A_827 = tpu.memref_squeeze %dma_start3A_826 : memref<1x40x50xi32, #tpu.memory_space<vmem>> -> memref<40x50xi32, #tpu.memory_space<vmem>>
    %dma_start3A_828 = arith.constant 0 : i32
    %dma_start3A_829 = tpu.memref_slice %dma_start3A_827[%dma_start3A_823, %dma_start3A_828] : memref<40x50xi32, #tpu.memory_space<vmem>> -> memref<1x50xi32, #tpu.memory_space<vmem>>
    %dma_start3A_830 = tpu.memref_squeeze %dma_start3A_829 : memref<1x50xi32, #tpu.memory_space<vmem>> -> memref<50xi32, #tpu.memory_space<vmem>>
    %dma_start3A_831 = arith.constant 0 : i32
    %dma_start3A_832 = arith.constant 0 : i32
    %dma_start3A_833 = tpu.memref_slice %arg2[%dma_start3A_831, %dma_start3A_832] : memref<10000x128xf32, #tpu.memory_space<hbm>> -> memref<10000x128xf32, #tpu.memory_space<hbm>>
    tpu.enqueue_indirect_dma source(%dma_start3A_833 : memref<10000x128xf32, #tpu.memory_space<hbm>>) target(%arg10 : memref<50x128xf32, #tpu.memory_space<vmem>>) offsets(%dma_start3A_830 : memref<50xi32, #tpu.memory_space<vmem>>) semaphore(%arg15 : memref<!tpu.dma_semaphore, #tpu.memory_space<semaphore_mem>>)
    %scan3A_834 = arith.constant 0 : i32
    %scan3A_835 = arith.constant 0 : i32
    %scan3A_836 = arith.constant 0 : i32
    %scan3A_837 = arith.constant 1 : i32
    %scan3A_838 = arith.constant 9 : i32
    %scan3A_839 = arith.addi %scan3A_837, %scan3A_838 : i32
    %scan3A_840 = arith.constant 1 : i32
    scf.for %scan3A_1489 = %scan3A_837 to %scan3A_839 step %scan3A_840  : i32 {
      %sub3A = arith.constant 1 : i32
      %sub3A_1490 = arith.subi %scan3A_1489, %sub3A : i32
      %mul3A_1491 = arith.constant 4 : i32
      %mul3A_1492 = arith.muli %sub3A_1490, %mul3A_1491 : i32
      %add3A_1493 = arith.constant 0 : i32
      %add3A_1494 = arith.addi %mul3A_1492, %add3A_1493 : i32
      %dma_wait3A_1495 = arith.constant 0 : i32
      %dma_wait3A_1496 = arith.constant 0 : i32
      %dma_wait3A_1497 = tpu.memref_slice %arg5[%scan3A_835, %dma_wait3A_1495, %dma_wait3A_1496] : memref<2x40x50xi32, #tpu.memory_space<vmem>> -> memref<1x40x50xi32, #tpu.memory_space<vmem>>
      %dma_wait3A_1498 = tpu.memref_squeeze %dma_wait3A_1497 : memref<1x40x50xi32, #tpu.memory_space<vmem>> -> memref<40x50xi32, #tpu.memory_space<vmem>>
      %dma_wait3A_1499 = arith.constant 0 : i32
      %dma_wait3A_1500 = tpu.memref_slice %dma_wait3A_1498[%add3A_1494, %dma_wait3A_1499] : memref<40x50xi32, #tpu.memory_space<vmem>> -> memref<1x50xi32, #tpu.memory_space<vmem>>
      %dma_wait3A_1501 = tpu.memref_squeeze %dma_wait3A_1500 : memref<1x50xi32, #tpu.memory_space<vmem>> -> memref<50xi32, #tpu.memory_space<vmem>>
      %dma_wait3A_1502 = arith.constant 0 : i32
      %dma_wait3A_1503 = arith.constant 0 : i32
      %dma_wait3A_1504 = tpu.memref_slice %arg2[%dma_wait3A_1502, %dma_wait3A_1503] : memref<10000x128xf32, #tpu.memory_space<hbm>> -> memref<10000x128xf32, #tpu.memory_space<hbm>>
      tpu.wait_indirect_dma semaphore(%arg12 : memref<!tpu.dma_semaphore, #tpu.memory_space<semaphore_mem>>) src(%dma_wait3A_1504 : memref<10000x128xf32, #tpu.memory_space<hbm>>) dst(%arg7 : memref<50x128xf32, #tpu.memory_space<vmem>>)
      %add3A_1505 = arith.constant 0 : i32
      %add3A_1506 = arith.addi %mul3A_1492, %add3A_1505 : i32
      %dma_start3A_1507 = arith.constant 0 : i32
      %dma_start3A_1508 = arith.constant 0 : i32
      %dma_start3A_1509 = tpu.memref_slice %arg6[%scan3A_836, %dma_start3A_1507, %dma_start3A_1508] : memref<2x40x50xi32, #tpu.memory_space<vmem>> -> memref<1x40x50xi32, #tpu.memory_space<vmem>>
      %dma_start3A_1510 = tpu.memref_squeeze %dma_start3A_1509 : memref<1x40x50xi32, #tpu.memory_space<vmem>> -> memref<40x50xi32, #tpu.memory_space<vmem>>
      %dma_start3A_1511 = arith.constant 0 : i32
      %dma_start3A_1512 = tpu.memref_slice %dma_start3A_1510[%add3A_1506, %dma_start3A_1511] : memref<40x50xi32, #tpu.memory_space<vmem>> -> memref<1x50xi32, #tpu.memory_space<vmem>>
      %dma_start3A_1513 = tpu.memref_squeeze %dma_start3A_1512 : memref<1x50xi32, #tpu.memory_space<vmem>> -> memref<50xi32, #tpu.memory_space<vmem>>
      %dma_start3A_1514 = arith.constant 0 : i32
      %dma_start3A_1515 = arith.constant 0 : i32
      %dma_start3A_1516 = tpu.memref_slice %arg11[%dma_start3A_1514, %dma_start3A_1515] : memref<10112x128xf32, #tpu.memory_space<vmem_shared>> -> memref<10112x128xf32, #tpu.memory_space<vmem_shared>>
      tpu.enqueue_indirect_dma source(%arg7 : memref<50x128xf32, #tpu.memory_space<vmem>>) target(%dma_start3A_1516 : memref<10112x128xf32, #tpu.memory_space<vmem_shared>>) offsets(%dma_start3A_1513 : memref<50xi32, #tpu.memory_space<vmem>>) semaphore(%arg16 : memref<!tpu.dma_semaphore, #tpu.memory_space<semaphore_mem>>) {add = true}
      %add3A_1517 = arith.constant 1 : i32
      %add3A_1518 = arith.addi %mul3A_1492, %add3A_1517 : i32
      %dma_wait3A_1519 = arith.constant 0 : i32
      %dma_wait3A_1520 = arith.constant 0 : i32
      %dma_wait3A_1521 = tpu.memref_slice %arg5[%scan3A_835, %dma_wait3A_1519, %dma_wait3A_1520] : memref<2x40x50xi32, #tpu.memory_space<vmem>> -> memref<1x40x50xi32, #tpu.memory_space<vmem>>
      %dma_wait3A_1522 = tpu.memref_squeeze %dma_wait3A_1521 : memref<1x40x50xi32, #tpu.memory_space<vmem>> -> memref<40x50xi32, #tpu.memory_space<vmem>>
      %dma_wait3A_1523 = arith.constant 0 : i32
      %dma_wait3A_1524 = tpu.memref_slice %dma_wait3A_1522[%add3A_1518, %dma_wait3A_1523] : memref<40x50xi32, #tpu.memory_space<vmem>> -> memref<1x50xi32, #tpu.memory_space<vmem>>
      %dma_wait3A_1525 = tpu.memref_squeeze %dma_wait3A_1524 : memref<1x50xi32, #tpu.memory_space<vmem>> -> memref<50xi32, #tpu.memory_space<vmem>>
      %dma_wait3A_1526 = arith.constant 0 : i32
      %dma_wait3A_1527 = arith.constant 0 : i32
      %dma_wait3A_1528 = tpu.memref_slice %arg2[%dma_wait3A_1526, %dma_wait3A_1527] : memref<10000x128xf32, #tpu.memory_space<hbm>> -> memref<10000x128xf32, #tpu.memory_space<hbm>>
      tpu.wait_indirect_dma semaphore(%arg13 : memref<!tpu.dma_semaphore, #tpu.memory_space<semaphore_mem>>) src(%dma_wait3A_1528 : memref<10000x128xf32, #tpu.memory_space<hbm>>) dst(%arg8 : memref<50x128xf32, #tpu.memory_space<vmem>>)
      %add3A_1529 = arith.constant 1 : i32
      %add3A_1530 = arith.addi %mul3A_1492, %add3A_1529 : i32
      %dma_start3A_1531 = arith.constant 0 : i32
      %dma_start3A_1532 = arith.constant 0 : i32
      %dma_start3A_1533 = tpu.memref_slice %arg6[%scan3A_836, %dma_start3A_1531, %dma_start3A_1532] : memref<2x40x50xi32, #tpu.memory_space<vmem>> -> memref<1x40x50xi32, #tpu.memory_space<vmem>>
      %dma_start3A_1534 = tpu.memref_squeeze %dma_start3A_1533 : memref<1x40x50xi32, #tpu.memory_space<vmem>> -> memref<40x50xi32, #tpu.memory_space<vmem>>
      %dma_start3A_1535 = arith.constant 0 : i32
      %dma_start3A_1536 = tpu.memref_slice %dma_start3A_1534[%add3A_1530, %dma_start3A_1535] : memref<40x50xi32, #tpu.memory_space<vmem>> -> memref<1x50xi32, #tpu.memory_space<vmem>>
      %dma_start3A_1537 = tpu.memref_squeeze %dma_start3A_1536 : memref<1x50xi32, #tpu.memory_space<vmem>> -> memref<50xi32, #tpu.memory_space<vmem>>
      %dma_start3A_1538 = arith.constant 0 : i32
      %dma_start3A_1539 = arith.constant 0 : i32
      %dma_start3A_1540 = tpu.memref_slice %arg11[%dma_start3A_1538, %dma_start3A_1539] : memref<10112x128xf32, #tpu.memory_space<vmem_shared>> -> memref<10112x128xf32, #tpu.memory_space<vmem_shared>>
      tpu.enqueue_indirect_dma source(%arg8 : memref<50x128xf32, #tpu.memory_space<vmem>>) target(%dma_start3A_1540 : memref<10112x128xf32, #tpu.memory_space<vmem_shared>>) offsets(%dma_start3A_1537 : memref<50xi32, #tpu.memory_space<vmem>>) semaphore(%arg17 : memref<!tpu.dma_semaphore, #tpu.memory_space<semaphore_mem>>) {add = true}
      %add3A_1541 = arith.constant 2 : i32
      %add3A_1542 = arith.addi %mul3A_1492, %add3A_1541 : i32
      %dma_wait3A_1543 = arith.constant 0 : i32
      %dma_wait3A_1544 = arith.constant 0 : i32
      %dma_wait3A_1545 = tpu.memref_slice %arg5[%scan3A_835, %dma_wait3A_1543, %dma_wait3A_1544] : memref<2x40x50xi32, #tpu.memory_space<vmem>> -> memref<1x40x50xi32, #tpu.memory_space<vmem>>
      %dma_wait3A_1546 = tpu.memref_squeeze %dma_wait3A_1545 : memref<1x40x50xi32, #tpu.memory_space<vmem>> -> memref<40x50xi32, #tpu.memory_space<vmem>>
      %dma_wait3A_1547 = arith.constant 0 : i32
      %dma_wait3A_1548 = tpu.memref_slice %dma_wait3A_1546[%add3A_1542, %dma_wait3A_1547] : memref<40x50xi32, #tpu.memory_space<vmem>> -> memref<1x50xi32, #tpu.memory_space<vmem>>
      %dma_wait3A_1549 = tpu.memref_squeeze %dma_wait3A_1548 : memref<1x50xi32, #tpu.memory_space<vmem>> -> memref<50xi32, #tpu.memory_space<vmem>>
      %dma_wait3A_1550 = arith.constant 0 : i32
      %dma_wait3A_1551 = arith.constant 0 : i32
      %dma_wait3A_1552 = tpu.memref_slice %arg2[%dma_wait3A_1550, %dma_wait3A_1551] : memref<10000x128xf32, #tpu.memory_space<hbm>> -> memref<10000x128xf32, #tpu.memory_space<hbm>>
      tpu.wait_indirect_dma semaphore(%arg14 : memref<!tpu.dma_semaphore, #tpu.memory_space<semaphore_mem>>) src(%dma_wait3A_1552 : memref<10000x128xf32, #tpu.memory_space<hbm>>) dst(%arg9 : memref<50x128xf32, #tpu.memory_space<vmem>>)
      %add3A_1553 = arith.constant 2 : i32
      %add3A_1554 = arith.addi %mul3A_1492, %add3A_1553 : i32
      %dma_start3A_1555 = arith.constant 0 : i32
      %dma_start3A_1556 = arith.constant 0 : i32
      %dma_start3A_1557 = tpu.memref_slice %arg6[%scan3A_836, %dma_start3A_1555, %dma_start3A_1556] : memref<2x40x50xi32, #tpu.memory_space<vmem>> -> memref<1x40x50xi32, #tpu.memory_space<vmem>>
      %dma_start3A_1558 = tpu.memref_squeeze %dma_start3A_1557 : memref<1x40x50xi32, #tpu.memory_space<vmem>> -> memref<40x50xi32, #tpu.memory_space<vmem>>
      %dma_start3A_1559 = arith.constant 0 : i32
      %dma_start3A_1560 = tpu.memref_slice %dma_start3A_1558[%add3A_1554, %dma_start3A_1559] : memref<40x50xi32, #tpu.memory_space<vmem>> -> memref<1x50xi32, #tpu.memory_space<vmem>>
      %dma_start3A_1561 = tpu.memref_squeeze %dma_start3A_1560 : memref<1x50xi32, #tpu.memory_space<vmem>> -> memref<50xi32, #tpu.memory_space<vmem>>
      %dma_start3A_1562 = arith.constant 0 : i32
      %dma_start3A_1563 = arith.constant 0 : i32
      %dma_start3A_1564 = tpu.memref_slice %arg11[%dma_start3A_1562, %dma_start3A_1563] : memref<10112x128xf32, #tpu.memory_space<vmem_shared>> -> memref<10112x128xf32, #tpu.memory_space<vmem_shared>>
      tpu.enqueue_indirect_dma source(%arg9 : memref<50x128xf32, #tpu.memory_space<vmem>>) target(%dma_start3A_1564 : memref<10112x128xf32, #tpu.memory_space<vmem_shared>>) offsets(%dma_start3A_1561 : memref<50xi32, #tpu.memory_space<vmem>>) semaphore(%arg18 : memref<!tpu.dma_semaphore, #tpu.memory_space<semaphore_mem>>) {add = true}
      %add3A_1565 = arith.constant 3 : i32
      %add3A_1566 = arith.addi %mul3A_1492, %add3A_1565 : i32
      %dma_wait3A_1567 = arith.constant 0 : i32
      %dma_wait3A_1568 = arith.constant 0 : i32
      %dma_wait3A_1569 = tpu.memref_slice %arg5[%scan3A_835, %dma_wait3A_1567, %dma_wait3A_1568] : memref<2x40x50xi32, #tpu.memory_space<vmem>> -> memref<1x40x50xi32, #tpu.memory_space<vmem>>
      %dma_wait3A_1570 = tpu.memref_squeeze %dma_wait3A_1569 : memref<1x40x50xi32, #tpu.memory_space<vmem>> -> memref<40x50xi32, #tpu.memory_space<vmem>>
      %dma_wait3A_1571 = arith.constant 0 : i32
      %dma_wait3A_1572 = tpu.memref_slice %dma_wait3A_1570[%add3A_1566, %dma_wait3A_1571] : memref<40x50xi32, #tpu.memory_space<vmem>> -> memref<1x50xi32, #tpu.memory_space<vmem>>
      %dma_wait3A_1573 = tpu.memref_squeeze %dma_wait3A_1572 : memref<1x50xi32, #tpu.memory_space<vmem>> -> memref<50xi32, #tpu.memory_space<vmem>>
      %dma_wait3A_1574 = arith.constant 0 : i32
      %dma_wait3A_1575 = arith.constant 0 : i32
      %dma_wait3A_1576 = tpu.memref_slice %arg2[%dma_wait3A_1574, %dma_wait3A_1575] : memref<10000x128xf32, #tpu.memory_space<hbm>> -> memref<10000x128xf32, #tpu.memory_space<hbm>>
      tpu.wait_indirect_dma semaphore(%arg15 : memref<!tpu.dma_semaphore, #tpu.memory_space<semaphore_mem>>) src(%dma_wait3A_1576 : memref<10000x128xf32, #tpu.memory_space<hbm>>) dst(%arg10 : memref<50x128xf32, #tpu.memory_space<vmem>>)
      %add3A_1577 = arith.constant 3 : i32
      %add3A_1578 = arith.addi %mul3A_1492, %add3A_1577 : i32
      %dma_start3A_1579 = arith.constant 0 : i32
      %dma_start3A_1580 = arith.constant 0 : i32
      %dma_start3A_1581 = tpu.memref_slice %arg6[%scan3A_836, %dma_start3A_1579, %dma_start3A_1580] : memref<2x40x50xi32, #tpu.memory_space<vmem>> -> memref<1x40x50xi32, #tpu.memory_space<vmem>>
      %dma_start3A_1582 = tpu.memref_squeeze %dma_start3A_1581 : memref<1x40x50xi32, #tpu.memory_space<vmem>> -> memref<40x50xi32, #tpu.memory_space<vmem>>
      %dma_start3A_1583 = arith.constant 0 : i32
      %dma_start3A_1584 = tpu.memref_slice %dma_start3A_1582[%add3A_1578, %dma_start3A_1583] : memref<40x50xi32, #tpu.memory_space<vmem>> -> memref<1x50xi32, #tpu.memory_space<vmem>>
      %dma_start3A_1585 = tpu.memref_squeeze %dma_start3A_1584 : memref<1x50xi32, #tpu.memory_space<vmem>> -> memref<50xi32, #tpu.memory_space<vmem>>
      %dma_start3A_1586 = arith.constant 0 : i32
      %dma_start3A_1587 = arith.constant 0 : i32
      %dma_start3A_1588 = tpu.memref_slice %arg11[%dma_start3A_1586, %dma_start3A_1587] : memref<10112x128xf32, #tpu.memory_space<vmem_shared>> -> memref<10112x128xf32, #tpu.memory_space<vmem_shared>>
      tpu.enqueue_indirect_dma source(%arg10 : memref<50x128xf32, #tpu.memory_space<vmem>>) target(%dma_start3A_1588 : memref<10112x128xf32, #tpu.memory_space<vmem_shared>>) offsets(%dma_start3A_1585 : memref<50xi32, #tpu.memory_space<vmem>>) semaphore(%arg19 : memref<!tpu.dma_semaphore, #tpu.memory_space<semaphore_mem>>) {add = true}
      %dma_wait3A_1589 = arith.constant 0 : i32
      %dma_wait3A_1590 = arith.constant 0 : i32
      %dma_wait3A_1591 = tpu.memref_slice %arg6[%scan3A_836, %dma_wait3A_1589, %dma_wait3A_1590] : memref<2x40x50xi32, #tpu.memory_space<vmem>> -> memref<1x40x50xi32, #tpu.memory_space<vmem>>
      %dma_wait3A_1592 = tpu.memref_squeeze %dma_wait3A_1591 : memref<1x40x50xi32, #tpu.memory_space<vmem>> -> memref<40x50xi32, #tpu.memory_space<vmem>>
      %dma_wait3A_1593 = arith.constant 0 : i32
      %dma_wait3A_1594 = tpu.memref_slice %dma_wait3A_1592[%add3A_1506, %dma_wait3A_1593] : memref<40x50xi32, #tpu.memory_space<vmem>> -> memref<1x50xi32, #tpu.memory_space<vmem>>
      %dma_wait3A_1595 = tpu.memref_squeeze %dma_wait3A_1594 : memref<1x50xi32, #tpu.memory_space<vmem>> -> memref<50xi32, #tpu.memory_space<vmem>>
      %dma_wait3A_1596 = arith.constant 0 : i32
      %dma_wait3A_1597 = arith.constant 0 : i32
      %dma_wait3A_1598 = tpu.memref_slice %arg11[%dma_wait3A_1596, %dma_wait3A_1597] : memref<10112x128xf32, #tpu.memory_space<vmem_shared>> -> memref<10112x128xf32, #tpu.memory_space<vmem_shared>>
      tpu.wait_indirect_dma semaphore(%arg16 : memref<!tpu.dma_semaphore, #tpu.memory_space<semaphore_mem>>) src(%arg7 : memref<50x128xf32, #tpu.memory_space<vmem>>) dst(%dma_wait3A_1598 : memref<10112x128xf32, #tpu.memory_space<vmem_shared>>)
      %mul3A_1599 = arith.constant 4 : i32
      %mul3A_1600 = arith.muli %scan3A_1489, %mul3A_1599 : i32
      %add3A_1601 = arith.constant 0 : i32
      %add3A_1602 = arith.addi %mul3A_1600, %add3A_1601 : i32
      %dma_start3A_1603 = arith.constant 0 : i32
      %dma_start3A_1604 = arith.constant 0 : i32
      %dma_start3A_1605 = tpu.memref_slice %arg5[%scan3A_835, %dma_start3A_1603, %dma_start3A_1604] : memref<2x40x50xi32, #tpu.memory_space<vmem>> -> memref<1x40x50xi32, #tpu.memory_space<vmem>>
      %dma_start3A_1606 = tpu.memref_squeeze %dma_start3A_1605 : memref<1x40x50xi32, #tpu.memory_space<vmem>> -> memref<40x50xi32, #tpu.memory_space<vmem>>
      %dma_start3A_1607 = arith.constant 0 : i32
      %dma_start3A_1608 = tpu.memref_slice %dma_start3A_1606[%add3A_1602, %dma_start3A_1607] : memref<40x50xi32, #tpu.memory_space<vmem>> -> memref<1x50xi32, #tpu.memory_space<vmem>>
      %dma_start3A_1609 = tpu.memref_squeeze %dma_start3A_1608 : memref<1x50xi32, #tpu.memory_space<vmem>> -> memref<50xi32, #tpu.memory_space<vmem>>
      %dma_start3A_1610 = arith.constant 0 : i32
      %dma_start3A_1611 = arith.constant 0 : i32
      %dma_start3A_1612 = tpu.memref_slice %arg2[%dma_start3A_1610, %dma_start3A_1611] : memref<10000x128xf32, #tpu.memory_space<hbm>> -> memref<10000x128xf32, #tpu.memory_space<hbm>>
      tpu.enqueue_indirect_dma source(%dma_start3A_1612 : memref<10000x128xf32, #tpu.memory_space<hbm>>) target(%arg7 : memref<50x128xf32, #tpu.memory_space<vmem>>) offsets(%dma_start3A_1609 : memref<50xi32, #tpu.memory_space<vmem>>) semaphore(%arg12 : memref<!tpu.dma_semaphore, #tpu.memory_space<semaphore_mem>>)
      %dma_wait3A_1613 = arith.constant 0 : i32
      %dma_wait3A_1614 = arith.constant 0 : i32
      %dma_wait3A_1615 = tpu.memref_slice %arg6[%scan3A_836, %dma_wait3A_1613, %dma_wait3A_1614] : memref<2x40x50xi32, #tpu.memory_space<vmem>> -> memref<1x40x50xi32, #tpu.memory_space<vmem>>
      %dma_wait3A_1616 = tpu.memref_squeeze %dma_wait3A_1615 : memref<1x40x50xi32, #tpu.memory_space<vmem>> -> memref<40x50xi32, #tpu.memory_space<vmem>>
      %dma_wait3A_1617 = arith.constant 0 : i32
      %dma_wait3A_1618 = tpu.memref_slice %dma_wait3A_1616[%add3A_1530, %dma_wait3A_1617] : memref<40x50xi32, #tpu.memory_space<vmem>> -> memref<1x50xi32, #tpu.memory_space<vmem>>
      %dma_wait3A_1619 = tpu.memref_squeeze %dma_wait3A_1618 : memref<1x50xi32, #tpu.memory_space<vmem>> -> memref<50xi32, #tpu.memory_space<vmem>>
      %dma_wait3A_1620 = arith.constant 0 : i32
      %dma_wait3A_1621 = arith.constant 0 : i32
      %dma_wait3A_1622 = tpu.memref_slice %arg11[%dma_wait3A_1620, %dma_wait3A_1621] : memref<10112x128xf32, #tpu.memory_space<vmem_shared>> -> memref<10112x128xf32, #tpu.memory_space<vmem_shared>>
      tpu.wait_indirect_dma semaphore(%arg17 : memref<!tpu.dma_semaphore, #tpu.memory_space<semaphore_mem>>) src(%arg8 : memref<50x128xf32, #tpu.memory_space<vmem>>) dst(%dma_wait3A_1622 : memref<10112x128xf32, #tpu.memory_space<vmem_shared>>)
      %mul3A_1623 = arith.constant 4 : i32
      %mul3A_1624 = arith.muli %scan3A_1489, %mul3A_1623 : i32
      %add3A_1625 = arith.constant 1 : i32
      %add3A_1626 = arith.addi %mul3A_1624, %add3A_1625 : i32
      %dma_start3A_1627 = arith.constant 0 : i32
      %dma_start3A_1628 = arith.constant 0 : i32
      %dma_start3A_1629 = tpu.memref_slice %arg5[%scan3A_835, %dma_start3A_1627, %dma_start3A_1628] : memref<2x40x50xi32, #tpu.memory_space<vmem>> -> memref<1x40x50xi32, #tpu.memory_space<vmem>>
      %dma_start3A_1630 = tpu.memref_squeeze %dma_start3A_1629 : memref<1x40x50xi32, #tpu.memory_space<vmem>> -> memref<40x50xi32, #tpu.memory_space<vmem>>
      %dma_start3A_1631 = arith.constant 0 : i32
      %dma_start3A_1632 = tpu.memref_slice %dma_start3A_1630[%add3A_1626, %dma_start3A_1631] : memref<40x50xi32, #tpu.memory_space<vmem>> -> memref<1x50xi32, #tpu.memory_space<vmem>>
      %dma_start3A_1633 = tpu.memref_squeeze %dma_start3A_1632 : memref<1x50xi32, #tpu.memory_space<vmem>> -> memref<50xi32, #tpu.memory_space<vmem>>
      %dma_start3A_1634 = arith.constant 0 : i32
      %dma_start3A_1635 = arith.constant 0 : i32
      %dma_start3A_1636 = tpu.memref_slice %arg2[%dma_start3A_1634, %dma_start3A_1635] : memref<10000x128xf32, #tpu.memory_space<hbm>> -> memref<10000x128xf32, #tpu.memory_space<hbm>>
      tpu.enqueue_indirect_dma source(%dma_start3A_1636 : memref<10000x128xf32, #tpu.memory_space<hbm>>) target(%arg8 : memref<50x128xf32, #tpu.memory_space<vmem>>) offsets(%dma_start3A_1633 : memref<50xi32, #tpu.memory_space<vmem>>) semaphore(%arg13 : memref<!tpu.dma_semaphore, #tpu.memory_space<semaphore_mem>>)
      %dma_wait3A_1637 = arith.constant 0 : i32
      %dma_wait3A_1638 = arith.constant 0 : i32
      %dma_wait3A_1639 = tpu.memref_slice %arg6[%scan3A_836, %dma_wait3A_1637, %dma_wait3A_1638] : memref<2x40x50xi32, #tpu.memory_space<vmem>> -> memref<1x40x50xi32, #tpu.memory_space<vmem>>
      %dma_wait3A_1640 = tpu.memref_squeeze %dma_wait3A_1639 : memref<1x40x50xi32, #tpu.memory_space<vmem>> -> memref<40x50xi32, #tpu.memory_space<vmem>>
      %dma_wait3A_1641 = arith.constant 0 : i32
      %dma_wait3A_1642 = tpu.memref_slice %dma_wait3A_1640[%add3A_1554, %dma_wait3A_1641] : memref<40x50xi32, #tpu.memory_space<vmem>> -> memref<1x50xi32, #tpu.memory_space<vmem>>
      %dma_wait3A_1643 = tpu.memref_squeeze %dma_wait3A_1642 : memref<1x50xi32, #tpu.memory_space<vmem>> -> memref<50xi32, #tpu.memory_space<vmem>>
      %dma_wait3A_1644 = arith.constant 0 : i32
      %dma_wait3A_1645 = arith.constant 0 : i32
      %dma_wait3A_1646 = tpu.memref_slice %arg11[%dma_wait3A_1644, %dma_wait3A_1645] : memref<10112x128xf32, #tpu.memory_space<vmem_shared>> -> memref<10112x128xf32, #tpu.memory_space<vmem_shared>>
      tpu.wait_indirect_dma semaphore(%arg18 : memref<!tpu.dma_semaphore, #tpu.memory_space<semaphore_mem>>) src(%arg9 : memref<50x128xf32, #tpu.memory_space<vmem>>) dst(%dma_wait3A_1646 : memref<10112x128xf32, #tpu.memory_space<vmem_shared>>)
      %mul3A_1647 = arith.constant 4 : i32
      %mul3A_1648 = arith.muli %scan3A_1489, %mul3A_1647 : i32
      %add3A_1649 = arith.constant 2 : i32
      %add3A_1650 = arith.addi %mul3A_1648, %add3A_1649 : i32
      %dma_start3A_1651 = arith.constant 0 : i32
      %dma_start3A_1652 = arith.constant 0 : i32
      %dma_start3A_1653 = tpu.memref_slice %arg5[%scan3A_835, %dma_start3A_1651, %dma_start3A_1652] : memref<2x40x50xi32, #tpu.memory_space<vmem>> -> memref<1x40x50xi32, #tpu.memory_space<vmem>>
      %dma_start3A_1654 = tpu.memref_squeeze %dma_start3A_1653 : memref<1x40x50xi32, #tpu.memory_space<vmem>> -> memref<40x50xi32, #tpu.memory_space<vmem>>
      %dma_start3A_1655 = arith.constant 0 : i32
      %dma_start3A_1656 = tpu.memref_slice %dma_start3A_1654[%add3A_1650, %dma_start3A_1655] : memref<40x50xi32, #tpu.memory_space<vmem>> -> memref<1x50xi32, #tpu.memory_space<vmem>>
      %dma_start3A_1657 = tpu.memref_squeeze %dma_start3A_1656 : memref<1x50xi32, #tpu.memory_space<vmem>> -> memref<50xi32, #tpu.memory_space<vmem>>
      %dma_start3A_1658 = arith.constant 0 : i32
      %dma_start3A_1659 = arith.constant 0 : i32
      %dma_start3A_1660 = tpu.memref_slice %arg2[%dma_start3A_1658, %dma_start3A_1659] : memref<10000x128xf32, #tpu.memory_space<hbm>> -> memref<10000x128xf32, #tpu.memory_space<hbm>>
      tpu.enqueue_indirect_dma source(%dma_start3A_1660 : memref<10000x128xf32, #tpu.memory_space<hbm>>) target(%arg9 : memref<50x128xf32, #tpu.memory_space<vmem>>) offsets(%dma_start3A_1657 : memref<50xi32, #tpu.memory_space<vmem>>) semaphore(%arg14 : memref<!tpu.dma_semaphore, #tpu.memory_space<semaphore_mem>>)
      %dma_wait3A_1661 = arith.constant 0 : i32
      %dma_wait3A_1662 = arith.constant 0 : i32
      %dma_wait3A_1663 = tpu.memref_slice %arg6[%scan3A_836, %dma_wait3A_1661, %dma_wait3A_1662] : memref<2x40x50xi32, #tpu.memory_space<vmem>> -> memref<1x40x50xi32, #tpu.memory_space<vmem>>
      %dma_wait3A_1664 = tpu.memref_squeeze %dma_wait3A_1663 : memref<1x40x50xi32, #tpu.memory_space<vmem>> -> memref<40x50xi32, #tpu.memory_space<vmem>>
      %dma_wait3A_1665 = arith.constant 0 : i32
      %dma_wait3A_1666 = tpu.memref_slice %dma_wait3A_1664[%add3A_1578, %dma_wait3A_1665] : memref<40x50xi32, #tpu.memory_space<vmem>> -> memref<1x50xi32, #tpu.memory_space<vmem>>
      %dma_wait3A_1667 = tpu.memref_squeeze %dma_wait3A_1666 : memref<1x50xi32, #tpu.memory_space<vmem>> -> memref<50xi32, #tpu.memory_space<vmem>>
      %dma_wait3A_1668 = arith.constant 0 : i32
      %dma_wait3A_1669 = arith.constant 0 : i32
      %dma_wait3A_1670 = tpu.memref_slice %arg11[%dma_wait3A_1668, %dma_wait3A_1669] : memref<10112x128xf32, #tpu.memory_space<vmem_shared>> -> memref<10112x128xf32, #tpu.memory_space<vmem_shared>>
      tpu.wait_indirect_dma semaphore(%arg19 : memref<!tpu.dma_semaphore, #tpu.memory_space<semaphore_mem>>) src(%arg10 : memref<50x128xf32, #tpu.memory_space<vmem>>) dst(%dma_wait3A_1670 : memref<10112x128xf32, #tpu.memory_space<vmem_shared>>)
      %mul3A_1671 = arith.constant 4 : i32
      %mul3A_1672 = arith.muli %scan3A_1489, %mul3A_1671 : i32
      %add3A_1673 = arith.constant 3 : i32
      %add3A_1674 = arith.addi %mul3A_1672, %add3A_1673 : i32
      %dma_start3A_1675 = arith.constant 0 : i32
      %dma_start3A_1676 = arith.constant 0 : i32
      %dma_start3A_1677 = tpu.memref_slice %arg5[%scan3A_835, %dma_start3A_1675, %dma_start3A_1676] : memref<2x40x50xi32, #tpu.memory_space<vmem>> -> memref<1x40x50xi32, #tpu.memory_space<vmem>>
      %dma_start3A_1678 = tpu.memref_squeeze %dma_start3A_1677 : memref<1x40x50xi32, #tpu.memory_space<vmem>> -> memref<40x50xi32, #tpu.memory_space<vmem>>
      %dma_start3A_1679 = arith.constant 0 : i32
      %dma_start3A_1680 = tpu.memref_slice %dma_start3A_1678[%add3A_1674, %dma_start3A_1679] : memref<40x50xi32, #tpu.memory_space<vmem>> -> memref<1x50xi32, #tpu.memory_space<vmem>>
      %dma_start3A_1681 = tpu.memref_squeeze %dma_start3A_1680 : memref<1x50xi32, #tpu.memory_space<vmem>> -> memref<50xi32, #tpu.memory_space<vmem>>
      %dma_start3A_1682 = arith.constant 0 : i32
      %dma_start3A_1683 = arith.constant 0 : i32
      %dma_start3A_1684 = tpu.memref_slice %arg2[%dma_start3A_1682, %dma_start3A_1683] : memref<10000x128xf32, #tpu.memory_space<hbm>> -> memref<10000x128xf32, #tpu.memory_space<hbm>>
      tpu.enqueue_indirect_dma source(%dma_start3A_1684 : memref<10000x128xf32, #tpu.memory_space<hbm>>) target(%arg10 : memref<50x128xf32, #tpu.memory_space<vmem>>) offsets(%dma_start3A_1681 : memref<50xi32, #tpu.memory_space<vmem>>) semaphore(%arg15 : memref<!tpu.dma_semaphore, #tpu.memory_space<semaphore_mem>>)
    }
    %scan3A_841 = arith.constant 9 : i32
    %dma_wait3A_842 = arith.constant 0 : i32
    %dma_wait3A_843 = arith.constant 36 : i32
    %dma_wait3A_844 = arith.constant 0 : i32
    %dma_wait3A_845 = arith.constant 0 : i32
    %dma_wait3A_846 = tpu.memref_slice %arg5[%dma_wait3A_842, %dma_wait3A_844, %dma_wait3A_845] : memref<2x40x50xi32, #tpu.memory_space<vmem>> -> memref<1x40x50xi32, #tpu.memory_space<vmem>>
    %dma_wait3A_847 = tpu.memref_squeeze %dma_wait3A_846 : memref<1x40x50xi32, #tpu.memory_space<vmem>> -> memref<40x50xi32, #tpu.memory_space<vmem>>
    %dma_wait3A_848 = arith.constant 0 : i32
    %dma_wait3A_849 = tpu.memref_slice %dma_wait3A_847[%dma_wait3A_843, %dma_wait3A_848] : memref<40x50xi32, #tpu.memory_space<vmem>> -> memref<1x50xi32, #tpu.memory_space<vmem>>
    %dma_wait3A_850 = tpu.memref_squeeze %dma_wait3A_849 : memref<1x50xi32, #tpu.memory_space<vmem>> -> memref<50xi32, #tpu.memory_space<vmem>>
    %dma_wait3A_851 = arith.constant 0 : i32
    %dma_wait3A_852 = arith.constant 0 : i32
    %dma_wait3A_853 = tpu.memref_slice %arg2[%dma_wait3A_851, %dma_wait3A_852] : memref<10000x128xf32, #tpu.memory_space<hbm>> -> memref<10000x128xf32, #tpu.memory_space<hbm>>
    tpu.wait_indirect_dma semaphore(%arg12 : memref<!tpu.dma_semaphore, #tpu.memory_space<semaphore_mem>>) src(%dma_wait3A_853 : memref<10000x128xf32, #tpu.memory_space<hbm>>) dst(%arg7 : memref<50x128xf32, #tpu.memory_space<vmem>>)
    %dma_start3A_854 = arith.constant 0 : i32
    %dma_start3A_855 = arith.constant 36 : i32
    %dma_start3A_856 = arith.constant 0 : i32
    %dma_start3A_857 = arith.constant 0 : i32
    %dma_start3A_858 = tpu.memref_slice %arg6[%dma_start3A_854, %dma_start3A_856, %dma_start3A_857] : memref<2x40x50xi32, #tpu.memory_space<vmem>> -> memref<1x40x50xi32, #tpu.memory_space<vmem>>
    %dma_start3A_859 = tpu.memref_squeeze %dma_start3A_858 : memref<1x40x50xi32, #tpu.memory_space<vmem>> -> memref<40x50xi32, #tpu.memory_space<vmem>>
    %dma_start3A_860 = arith.constant 0 : i32
    %dma_start3A_861 = tpu.memref_slice %dma_start3A_859[%dma_start3A_855, %dma_start3A_860] : memref<40x50xi32, #tpu.memory_space<vmem>> -> memref<1x50xi32, #tpu.memory_space<vmem>>
    %dma_start3A_862 = tpu.memref_squeeze %dma_start3A_861 : memref<1x50xi32, #tpu.memory_space<vmem>> -> memref<50xi32, #tpu.memory_space<vmem>>
    %dma_start3A_863 = arith.constant 0 : i32
    %dma_start3A_864 = arith.constant 0 : i32
    %dma_start3A_865 = tpu.memref_slice %arg11[%dma_start3A_863, %dma_start3A_864] : memref<10112x128xf32, #tpu.memory_space<vmem_shared>> -> memref<10112x128xf32, #tpu.memory_space<vmem_shared>>
    tpu.enqueue_indirect_dma source(%arg7 : memref<50x128xf32, #tpu.memory_space<vmem>>) target(%dma_start3A_865 : memref<10112x128xf32, #tpu.memory_space<vmem_shared>>) offsets(%dma_start3A_862 : memref<50xi32, #tpu.memory_space<vmem>>) semaphore(%arg16 : memref<!tpu.dma_semaphore, #tpu.memory_space<semaphore_mem>>) {add = true}
    %dma_wait3A_866 = arith.constant 0 : i32
    %dma_wait3A_867 = arith.constant 37 : i32
    %dma_wait3A_868 = arith.constant 0 : i32
    %dma_wait3A_869 = arith.constant 0 : i32
    %dma_wait3A_870 = tpu.memref_slice %arg5[%dma_wait3A_866, %dma_wait3A_868, %dma_wait3A_869] : memref<2x40x50xi32, #tpu.memory_space<vmem>> -> memref<1x40x50xi32, #tpu.memory_space<vmem>>
    %dma_wait3A_871 = tpu.memref_squeeze %dma_wait3A_870 : memref<1x40x50xi32, #tpu.memory_space<vmem>> -> memref<40x50xi32, #tpu.memory_space<vmem>>
    %dma_wait3A_872 = arith.constant 0 : i32
    %dma_wait3A_873 = tpu.memref_slice %dma_wait3A_871[%dma_wait3A_867, %dma_wait3A_872] : memref<40x50xi32, #tpu.memory_space<vmem>> -> memref<1x50xi32, #tpu.memory_space<vmem>>
    %dma_wait3A_874 = tpu.memref_squeeze %dma_wait3A_873 : memref<1x50xi32, #tpu.memory_space<vmem>> -> memref<50xi32, #tpu.memory_space<vmem>>
    %dma_wait3A_875 = arith.constant 0 : i32
    %dma_wait3A_876 = arith.constant 0 : i32
    %dma_wait3A_877 = tpu.memref_slice %arg2[%dma_wait3A_875, %dma_wait3A_876] : memref<10000x128xf32, #tpu.memory_space<hbm>> -> memref<10000x128xf32, #tpu.memory_space<hbm>>
    tpu.wait_indirect_dma semaphore(%arg13 : memref<!tpu.dma_semaphore, #tpu.memory_space<semaphore_mem>>) src(%dma_wait3A_877 : memref<10000x128xf32, #tpu.memory_space<hbm>>) dst(%arg8 : memref<50x128xf32, #tpu.memory_space<vmem>>)
    %dma_start3A_878 = arith.constant 0 : i32
    %dma_start3A_879 = arith.constant 37 : i32
    %dma_start3A_880 = arith.constant 0 : i32
    %dma_start3A_881 = arith.constant 0 : i32
    %dma_start3A_882 = tpu.memref_slice %arg6[%dma_start3A_878, %dma_start3A_880, %dma_start3A_881] : memref<2x40x50xi32, #tpu.memory_space<vmem>> -> memref<1x40x50xi32, #tpu.memory_space<vmem>>
    %dma_start3A_883 = tpu.memref_squeeze %dma_start3A_882 : memref<1x40x50xi32, #tpu.memory_space<vmem>> -> memref<40x50xi32, #tpu.memory_space<vmem>>
    %dma_start3A_884 = arith.constant 0 : i32
    %dma_start3A_885 = tpu.memref_slice %dma_start3A_883[%dma_start3A_879, %dma_start3A_884] : memref<40x50xi32, #tpu.memory_space<vmem>> -> memref<1x50xi32, #tpu.memory_space<vmem>>
    %dma_start3A_886 = tpu.memref_squeeze %dma_start3A_885 : memref<1x50xi32, #tpu.memory_space<vmem>> -> memref<50xi32, #tpu.memory_space<vmem>>
    %dma_start3A_887 = arith.constant 0 : i32
    %dma_start3A_888 = arith.constant 0 : i32
    %dma_start3A_889 = tpu.memref_slice %arg11[%dma_start3A_887, %dma_start3A_888] : memref<10112x128xf32, #tpu.memory_space<vmem_shared>> -> memref<10112x128xf32, #tpu.memory_space<vmem_shared>>
    tpu.enqueue_indirect_dma source(%arg8 : memref<50x128xf32, #tpu.memory_space<vmem>>) target(%dma_start3A_889 : memref<10112x128xf32, #tpu.memory_space<vmem_shared>>) offsets(%dma_start3A_886 : memref<50xi32, #tpu.memory_space<vmem>>) semaphore(%arg17 : memref<!tpu.dma_semaphore, #tpu.memory_space<semaphore_mem>>) {add = true}
    %dma_wait3A_890 = arith.constant 0 : i32
    %dma_wait3A_891 = arith.constant 38 : i32
    %dma_wait3A_892 = arith.constant 0 : i32
    %dma_wait3A_893 = arith.constant 0 : i32
    %dma_wait3A_894 = tpu.memref_slice %arg5[%dma_wait3A_890, %dma_wait3A_892, %dma_wait3A_893] : memref<2x40x50xi32, #tpu.memory_space<vmem>> -> memref<1x40x50xi32, #tpu.memory_space<vmem>>
    %dma_wait3A_895 = tpu.memref_squeeze %dma_wait3A_894 : memref<1x40x50xi32, #tpu.memory_space<vmem>> -> memref<40x50xi32, #tpu.memory_space<vmem>>
    %dma_wait3A_896 = arith.constant 0 : i32
    %dma_wait3A_897 = tpu.memref_slice %dma_wait3A_895[%dma_wait3A_891, %dma_wait3A_896] : memref<40x50xi32, #tpu.memory_space<vmem>> -> memref<1x50xi32, #tpu.memory_space<vmem>>
    %dma_wait3A_898 = tpu.memref_squeeze %dma_wait3A_897 : memref<1x50xi32, #tpu.memory_space<vmem>> -> memref<50xi32, #tpu.memory_space<vmem>>
    %dma_wait3A_899 = arith.constant 0 : i32
    %dma_wait3A_900 = arith.constant 0 : i32
    %dma_wait3A_901 = tpu.memref_slice %arg2[%dma_wait3A_899, %dma_wait3A_900] : memref<10000x128xf32, #tpu.memory_space<hbm>> -> memref<10000x128xf32, #tpu.memory_space<hbm>>
    tpu.wait_indirect_dma semaphore(%arg14 : memref<!tpu.dma_semaphore, #tpu.memory_space<semaphore_mem>>) src(%dma_wait3A_901 : memref<10000x128xf32, #tpu.memory_space<hbm>>) dst(%arg9 : memref<50x128xf32, #tpu.memory_space<vmem>>)
    %dma_start3A_902 = arith.constant 0 : i32
    %dma_start3A_903 = arith.constant 38 : i32
    %dma_start3A_904 = arith.constant 0 : i32
    %dma_start3A_905 = arith.constant 0 : i32
    %dma_start3A_906 = tpu.memref_slice %arg6[%dma_start3A_902, %dma_start3A_904, %dma_start3A_905] : memref<2x40x50xi32, #tpu.memory_space<vmem>> -> memref<1x40x50xi32, #tpu.memory_space<vmem>>
    %dma_start3A_907 = tpu.memref_squeeze %dma_start3A_906 : memref<1x40x50xi32, #tpu.memory_space<vmem>> -> memref<40x50xi32, #tpu.memory_space<vmem>>
    %dma_start3A_908 = arith.constant 0 : i32
    %dma_start3A_909 = tpu.memref_slice %dma_start3A_907[%dma_start3A_903, %dma_start3A_908] : memref<40x50xi32, #tpu.memory_space<vmem>> -> memref<1x50xi32, #tpu.memory_space<vmem>>
    %dma_start3A_910 = tpu.memref_squeeze %dma_start3A_909 : memref<1x50xi32, #tpu.memory_space<vmem>> -> memref<50xi32, #tpu.memory_space<vmem>>
    %dma_start3A_911 = arith.constant 0 : i32
    %dma_start3A_912 = arith.constant 0 : i32
    %dma_start3A_913 = tpu.memref_slice %arg11[%dma_start3A_911, %dma_start3A_912] : memref<10112x128xf32, #tpu.memory_space<vmem_shared>> -> memref<10112x128xf32, #tpu.memory_space<vmem_shared>>
    tpu.enqueue_indirect_dma source(%arg9 : memref<50x128xf32, #tpu.memory_space<vmem>>) target(%dma_start3A_913 : memref<10112x128xf32, #tpu.memory_space<vmem_shared>>) offsets(%dma_start3A_910 : memref<50xi32, #tpu.memory_space<vmem>>) semaphore(%arg18 : memref<!tpu.dma_semaphore, #tpu.memory_space<semaphore_mem>>) {add = true}
    %dma_wait3A_914 = arith.constant 0 : i32
    %dma_wait3A_915 = arith.constant 39 : i32
    %dma_wait3A_916 = arith.constant 0 : i32
    %dma_wait3A_917 = arith.constant 0 : i32
    %dma_wait3A_918 = tpu.memref_slice %arg5[%dma_wait3A_914, %dma_wait3A_916, %dma_wait3A_917] : memref<2x40x50xi32, #tpu.memory_space<vmem>> -> memref<1x40x50xi32, #tpu.memory_space<vmem>>
    %dma_wait3A_919 = tpu.memref_squeeze %dma_wait3A_918 : memref<1x40x50xi32, #tpu.memory_space<vmem>> -> memref<40x50xi32, #tpu.memory_space<vmem>>
    %dma_wait3A_920 = arith.constant 0 : i32
    %dma_wait3A_921 = tpu.memref_slice %dma_wait3A_919[%dma_wait3A_915, %dma_wait3A_920] : memref<40x50xi32, #tpu.memory_space<vmem>> -> memref<1x50xi32, #tpu.memory_space<vmem>>
    %dma_wait3A_922 = tpu.memref_squeeze %dma_wait3A_921 : memref<1x50xi32, #tpu.memory_space<vmem>> -> memref<50xi32, #tpu.memory_space<vmem>>
    %dma_wait3A_923 = arith.constant 0 : i32
    %dma_wait3A_924 = arith.constant 0 : i32
    %dma_wait3A_925 = tpu.memref_slice %arg2[%dma_wait3A_923, %dma_wait3A_924] : memref<10000x128xf32, #tpu.memory_space<hbm>> -> memref<10000x128xf32, #tpu.memory_space<hbm>>
    tpu.wait_indirect_dma semaphore(%arg15 : memref<!tpu.dma_semaphore, #tpu.memory_space<semaphore_mem>>) src(%dma_wait3A_925 : memref<10000x128xf32, #tpu.memory_space<hbm>>) dst(%arg10 : memref<50x128xf32, #tpu.memory_space<vmem>>)
    %dma_start3A_926 = arith.constant 0 : i32
    %dma_start3A_927 = arith.constant 39 : i32
    %dma_start3A_928 = arith.constant 0 : i32
    %dma_start3A_929 = arith.constant 0 : i32
    %dma_start3A_930 = tpu.memref_slice %arg6[%dma_start3A_926, %dma_start3A_928, %dma_start3A_929] : memref<2x40x50xi32, #tpu.memory_space<vmem>> -> memref<1x40x50xi32, #tpu.memory_space<vmem>>
    %dma_start3A_931 = tpu.memref_squeeze %dma_start3A_930 : memref<1x40x50xi32, #tpu.memory_space<vmem>> -> memref<40x50xi32, #tpu.memory_space<vmem>>
    %dma_start3A_932 = arith.constant 0 : i32
    %dma_start3A_933 = tpu.memref_slice %dma_start3A_931[%dma_start3A_927, %dma_start3A_932] : memref<40x50xi32, #tpu.memory_space<vmem>> -> memref<1x50xi32, #tpu.memory_space<vmem>>
    %dma_start3A_934 = tpu.memref_squeeze %dma_start3A_933 : memref<1x50xi32, #tpu.memory_space<vmem>> -> memref<50xi32, #tpu.memory_space<vmem>>
    %dma_start3A_935 = arith.constant 0 : i32
    %dma_start3A_936 = arith.constant 0 : i32
    %dma_start3A_937 = tpu.memref_slice %arg11[%dma_start3A_935, %dma_start3A_936] : memref<10112x128xf32, #tpu.memory_space<vmem_shared>> -> memref<10112x128xf32, #tpu.memory_space<vmem_shared>>
    tpu.enqueue_indirect_dma source(%arg10 : memref<50x128xf32, #tpu.memory_space<vmem>>) target(%dma_start3A_937 : memref<10112x128xf32, #tpu.memory_space<vmem_shared>>) offsets(%dma_start3A_934 : memref<50xi32, #tpu.memory_space<vmem>>) semaphore(%arg19 : memref<!tpu.dma_semaphore, #tpu.memory_space<semaphore_mem>>) {add = true}
    %dma_wait3A_938 = arith.constant 0 : i32
    %dma_wait3A_939 = arith.constant 36 : i32
    %dma_wait3A_940 = arith.constant 0 : i32
    %dma_wait3A_941 = arith.constant 0 : i32
    %dma_wait3A_942 = tpu.memref_slice %arg6[%dma_wait3A_938, %dma_wait3A_940, %dma_wait3A_941] : memref<2x40x50xi32, #tpu.memory_space<vmem>> -> memref<1x40x50xi32, #tpu.memory_space<vmem>>
    %dma_wait3A_943 = tpu.memref_squeeze %dma_wait3A_942 : memref<1x40x50xi32, #tpu.memory_space<vmem>> -> memref<40x50xi32, #tpu.memory_space<vmem>>
    %dma_wait3A_944 = arith.constant 0 : i32
    %dma_wait3A_945 = tpu.memref_slice %dma_wait3A_943[%dma_wait3A_939, %dma_wait3A_944] : memref<40x50xi32, #tpu.memory_space<vmem>> -> memref<1x50xi32, #tpu.memory_space<vmem>>
    %dma_wait3A_946 = tpu.memref_squeeze %dma_wait3A_945 : memref<1x50xi32, #tpu.memory_space<vmem>> -> memref<50xi32, #tpu.memory_space<vmem>>
    %dma_wait3A_947 = arith.constant 0 : i32
    %dma_wait3A_948 = arith.constant 0 : i32
    %dma_wait3A_949 = tpu.memref_slice %arg11[%dma_wait3A_947, %dma_wait3A_948] : memref<10112x128xf32, #tpu.memory_space<vmem_shared>> -> memref<10112x128xf32, #tpu.memory_space<vmem_shared>>
    tpu.wait_indirect_dma semaphore(%arg16 : memref<!tpu.dma_semaphore, #tpu.memory_space<semaphore_mem>>) src(%arg7 : memref<50x128xf32, #tpu.memory_space<vmem>>) dst(%dma_wait3A_949 : memref<10112x128xf32, #tpu.memory_space<vmem_shared>>)
    %dma_wait3A_950 = arith.constant 0 : i32
    %dma_wait3A_951 = arith.constant 37 : i32
    %dma_wait3A_952 = arith.constant 0 : i32
    %dma_wait3A_953 = arith.constant 0 : i32
    %dma_wait3A_954 = tpu.memref_slice %arg6[%dma_wait3A_950, %dma_wait3A_952, %dma_wait3A_953] : memref<2x40x50xi32, #tpu.memory_space<vmem>> -> memref<1x40x50xi32, #tpu.memory_space<vmem>>
    %dma_wait3A_955 = tpu.memref_squeeze %dma_wait3A_954 : memref<1x40x50xi32, #tpu.memory_space<vmem>> -> memref<40x50xi32, #tpu.memory_space<vmem>>
    %dma_wait3A_956 = arith.constant 0 : i32
    %dma_wait3A_957 = tpu.memref_slice %dma_wait3A_955[%dma_wait3A_951, %dma_wait3A_956] : memref<40x50xi32, #tpu.memory_space<vmem>> -> memref<1x50xi32, #tpu.memory_space<vmem>>
    %dma_wait3A_958 = tpu.memref_squeeze %dma_wait3A_957 : memref<1x50xi32, #tpu.memory_space<vmem>> -> memref<50xi32, #tpu.memory_space<vmem>>
    %dma_wait3A_959 = arith.constant 0 : i32
    %dma_wait3A_960 = arith.constant 0 : i32
    %dma_wait3A_961 = tpu.memref_slice %arg11[%dma_wait3A_959, %dma_wait3A_960] : memref<10112x128xf32, #tpu.memory_space<vmem_shared>> -> memref<10112x128xf32, #tpu.memory_space<vmem_shared>>
    tpu.wait_indirect_dma semaphore(%arg17 : memref<!tpu.dma_semaphore, #tpu.memory_space<semaphore_mem>>) src(%arg8 : memref<50x128xf32, #tpu.memory_space<vmem>>) dst(%dma_wait3A_961 : memref<10112x128xf32, #tpu.memory_space<vmem_shared>>)
    %dma_wait3A_962 = arith.constant 0 : i32
    %dma_wait3A_963 = arith.constant 38 : i32
    %dma_wait3A_964 = arith.constant 0 : i32
    %dma_wait3A_965 = arith.constant 0 : i32
    %dma_wait3A_966 = tpu.memref_slice %arg6[%dma_wait3A_962, %dma_wait3A_964, %dma_wait3A_965] : memref<2x40x50xi32, #tpu.memory_space<vmem>> -> memref<1x40x50xi32, #tpu.memory_space<vmem>>
    %dma_wait3A_967 = tpu.memref_squeeze %dma_wait3A_966 : memref<1x40x50xi32, #tpu.memory_space<vmem>> -> memref<40x50xi32, #tpu.memory_space<vmem>>
    %dma_wait3A_968 = arith.constant 0 : i32
    %dma_wait3A_969 = tpu.memref_slice %dma_wait3A_967[%dma_wait3A_963, %dma_wait3A_968] : memref<40x50xi32, #tpu.memory_space<vmem>> -> memref<1x50xi32, #tpu.memory_space<vmem>>
    %dma_wait3A_970 = tpu.memref_squeeze %dma_wait3A_969 : memref<1x50xi32, #tpu.memory_space<vmem>> -> memref<50xi32, #tpu.memory_space<vmem>>
    %dma_wait3A_971 = arith.constant 0 : i32
    %dma_wait3A_972 = arith.constant 0 : i32
    %dma_wait3A_973 = tpu.memref_slice %arg11[%dma_wait3A_971, %dma_wait3A_972] : memref<10112x128xf32, #tpu.memory_space<vmem_shared>> -> memref<10112x128xf32, #tpu.memory_space<vmem_shared>>
    tpu.wait_indirect_dma semaphore(%arg18 : memref<!tpu.dma_semaphore, #tpu.memory_space<semaphore_mem>>) src(%arg9 : memref<50x128xf32, #tpu.memory_space<vmem>>) dst(%dma_wait3A_973 : memref<10112x128xf32, #tpu.memory_space<vmem_shared>>)
    %dma_wait3A_974 = arith.constant 0 : i32
    %dma_wait3A_975 = arith.constant 39 : i32
    %dma_wait3A_976 = arith.constant 0 : i32
    %dma_wait3A_977 = arith.constant 0 : i32
    %dma_wait3A_978 = tpu.memref_slice %arg6[%dma_wait3A_974, %dma_wait3A_976, %dma_wait3A_977] : memref<2x40x50xi32, #tpu.memory_space<vmem>> -> memref<1x40x50xi32, #tpu.memory_space<vmem>>
    %dma_wait3A_979 = tpu.memref_squeeze %dma_wait3A_978 : memref<1x40x50xi32, #tpu.memory_space<vmem>> -> memref<40x50xi32, #tpu.memory_space<vmem>>
    %dma_wait3A_980 = arith.constant 0 : i32
    %dma_wait3A_981 = tpu.memref_slice %dma_wait3A_979[%dma_wait3A_975, %dma_wait3A_980] : memref<40x50xi32, #tpu.memory_space<vmem>> -> memref<1x50xi32, #tpu.memory_space<vmem>>
    %dma_wait3A_982 = tpu.memref_squeeze %dma_wait3A_981 : memref<1x50xi32, #tpu.memory_space<vmem>> -> memref<50xi32, #tpu.memory_space<vmem>>
    %dma_wait3A_983 = arith.constant 0 : i32
    %dma_wait3A_984 = arith.constant 0 : i32
    %dma_wait3A_985 = tpu.memref_slice %arg11[%dma_wait3A_983, %dma_wait3A_984] : memref<10112x128xf32, #tpu.memory_space<vmem_shared>> -> memref<10112x128xf32, #tpu.memory_space<vmem_shared>>
    tpu.wait_indirect_dma semaphore(%arg19 : memref<!tpu.dma_semaphore, #tpu.memory_space<semaphore_mem>>) src(%arg10 : memref<50x128xf32, #tpu.memory_space<vmem>>) dst(%dma_wait3A_985 : memref<10112x128xf32, #tpu.memory_space<vmem_shared>>)
    %add3A_986 = arith.constant 120 : i32
    %add3A_987 = arith.addi %mul3A_2, %add3A_986 : i32
    %dma_wait3A_988 = arith.constant 0 : i32
    %dma_wait3A_989 = arith.constant 1 : i32
    %dma_wait3A_990 = arith.constant 0 : i32
    %dma_wait3A_991 = arith.constant 0 : i32
    %dma_wait3A_992 = tpu.memref_slice %arg5[%dma_wait3A_989, %dma_wait3A_990, %dma_wait3A_991] : memref<2x40x50xi32, #tpu.memory_space<vmem>> -> memref<1x40x50xi32, #tpu.memory_space<vmem>>
    %dma_wait3A_993 = tpu.memref_squeeze %dma_wait3A_992 : memref<1x40x50xi32, #tpu.memory_space<vmem>> -> memref<40x50xi32, #tpu.memory_space<vmem>>
    %dma_wait3A_994 = arith.constant 0 : i32
    %dma_wait3A_995 = tpu.memref_slice %arg3[%dma_wait3A_988, %add3A_987, %dma_wait3A_994] : memref<2x6400x50xi32, #tpu.memory_space<hbm>> -> memref<1x40x50xi32, #tpu.memory_space<hbm>>
    %dma_wait3A_996 = tpu.memref_squeeze %dma_wait3A_995 : memref<1x40x50xi32, #tpu.memory_space<hbm>> -> memref<40x50xi32, #tpu.memory_space<hbm>>
    %dma_wait3A_997 = arith.constant 0 : i32
    %dma_wait3A_998 = arith.constant 0 : i32
    %dma_wait3A_999 = tpu.memref_slice %arg5[%dma_wait3A_989, %dma_wait3A_997, %dma_wait3A_998] : memref<2x40x50xi32, #tpu.memory_space<vmem>> -> memref<1x40x50xi32, #tpu.memory_space<vmem>>
    %dma_wait3A_1000 = tpu.memref_squeeze %dma_wait3A_999 : memref<1x40x50xi32, #tpu.memory_space<vmem>> -> memref<40x50xi32, #tpu.memory_space<vmem>>
    %dma_wait3A_1001 = arith.constant 0 : i32
    %dma_wait3A_1002 = tpu.memref_slice %arg3[%dma_wait3A_988, %add3A_987, %dma_wait3A_1001] : memref<2x6400x50xi32, #tpu.memory_space<hbm>> -> memref<1x40x50xi32, #tpu.memory_space<hbm>>
    %dma_wait3A_1003 = tpu.memref_squeeze %dma_wait3A_1002 : memref<1x40x50xi32, #tpu.memory_space<hbm>> -> memref<40x50xi32, #tpu.memory_space<hbm>>
    tpu.wait_dma2 semaphore(%arg20 : memref<!tpu.dma_semaphore, #tpu.memory_space<semaphore_mem>>) src(%dma_wait3A_1003 : memref<40x50xi32, #tpu.memory_space<hbm>>) dst(%dma_wait3A_1000 : memref<40x50xi32, #tpu.memory_space<vmem>>)
    %dma_wait3A_1004 = arith.constant 1 : i32
    %dma_wait3A_1005 = arith.constant 1 : i32
    %dma_wait3A_1006 = arith.constant 0 : i32
    %dma_wait3A_1007 = arith.constant 0 : i32
    %dma_wait3A_1008 = tpu.memref_slice %arg6[%dma_wait3A_1005, %dma_wait3A_1006, %dma_wait3A_1007] : memref<2x40x50xi32, #tpu.memory_space<vmem>> -> memref<1x40x50xi32, #tpu.memory_space<vmem>>
    %dma_wait3A_1009 = tpu.memref_squeeze %dma_wait3A_1008 : memref<1x40x50xi32, #tpu.memory_space<vmem>> -> memref<40x50xi32, #tpu.memory_space<vmem>>
    %dma_wait3A_1010 = arith.constant 0 : i32
    %dma_wait3A_1011 = tpu.memref_slice %arg3[%dma_wait3A_1004, %add3A_987, %dma_wait3A_1010] : memref<2x6400x50xi32, #tpu.memory_space<hbm>> -> memref<1x40x50xi32, #tpu.memory_space<hbm>>
    %dma_wait3A_1012 = tpu.memref_squeeze %dma_wait3A_1011 : memref<1x40x50xi32, #tpu.memory_space<hbm>> -> memref<40x50xi32, #tpu.memory_space<hbm>>
    %dma_wait3A_1013 = arith.constant 0 : i32
    %dma_wait3A_1014 = arith.constant 0 : i32
    %dma_wait3A_1015 = tpu.memref_slice %arg6[%dma_wait3A_1005, %dma_wait3A_1013, %dma_wait3A_1014] : memref<2x40x50xi32, #tpu.memory_space<vmem>> -> memref<1x40x50xi32, #tpu.memory_space<vmem>>
    %dma_wait3A_1016 = tpu.memref_squeeze %dma_wait3A_1015 : memref<1x40x50xi32, #tpu.memory_space<vmem>> -> memref<40x50xi32, #tpu.memory_space<vmem>>
    %dma_wait3A_1017 = arith.constant 0 : i32
    %dma_wait3A_1018 = tpu.memref_slice %arg3[%dma_wait3A_1004, %add3A_987, %dma_wait3A_1017] : memref<2x6400x50xi32, #tpu.memory_space<hbm>> -> memref<1x40x50xi32, #tpu.memory_space<hbm>>
    %dma_wait3A_1019 = tpu.memref_squeeze %dma_wait3A_1018 : memref<1x40x50xi32, #tpu.memory_space<hbm>> -> memref<40x50xi32, #tpu.memory_space<hbm>>
    tpu.wait_dma2 semaphore(%arg20 : memref<!tpu.dma_semaphore, #tpu.memory_space<semaphore_mem>>) src(%dma_wait3A_1019 : memref<40x50xi32, #tpu.memory_space<hbm>>) dst(%dma_wait3A_1016 : memref<40x50xi32, #tpu.memory_space<vmem>>)
    %add3A_1020 = arith.constant 160 : i32
    %add3A_1021 = arith.addi %mul3A_2, %add3A_1020 : i32
    %dma_start3A_1022 = arith.constant 0 : i32
    %dma_start3A_1023 = arith.constant 0 : i32
    %dma_start3A_1024 = arith.constant 0 : i32
    %dma_start3A_1025 = arith.constant 0 : i32
    %dma_start3A_1026 = tpu.memref_slice %arg5[%dma_start3A_1023, %dma_start3A_1024, %dma_start3A_1025] : memref<2x40x50xi32, #tpu.memory_space<vmem>> -> memref<1x40x50xi32, #tpu.memory_space<vmem>>
    %dma_start3A_1027 = tpu.memref_squeeze %dma_start3A_1026 : memref<1x40x50xi32, #tpu.memory_space<vmem>> -> memref<40x50xi32, #tpu.memory_space<vmem>>
    %dma_start3A_1028 = arith.constant 0 : i32
    %dma_start3A_1029 = tpu.memref_slice %arg3[%dma_start3A_1022, %add3A_1021, %dma_start3A_1028] : memref<2x6400x50xi32, #tpu.memory_space<hbm>> -> memref<1x40x50xi32, #tpu.memory_space<hbm>>
    %dma_start3A_1030 = tpu.memref_squeeze %dma_start3A_1029 : memref<1x40x50xi32, #tpu.memory_space<hbm>> -> memref<40x50xi32, #tpu.memory_space<hbm>>
    %dma_start3A_1031 = arith.constant 0 : i32
    %dma_start3A_1032 = arith.constant 0 : i32
    %dma_start3A_1033 = tpu.memref_slice %arg5[%dma_start3A_1023, %dma_start3A_1031, %dma_start3A_1032] : memref<2x40x50xi32, #tpu.memory_space<vmem>> -> memref<1x40x50xi32, #tpu.memory_space<vmem>>
    %dma_start3A_1034 = tpu.memref_squeeze %dma_start3A_1033 : memref<1x40x50xi32, #tpu.memory_space<vmem>> -> memref<40x50xi32, #tpu.memory_space<vmem>>
    %dma_start3A_1035 = arith.constant 0 : i32
    %dma_start3A_1036 = tpu.memref_slice %arg3[%dma_start3A_1022, %add3A_1021, %dma_start3A_1035] : memref<2x6400x50xi32, #tpu.memory_space<hbm>> -> memref<1x40x50xi32, #tpu.memory_space<hbm>>
    %dma_start3A_1037 = tpu.memref_squeeze %dma_start3A_1036 : memref<1x40x50xi32, #tpu.memory_space<hbm>> -> memref<40x50xi32, #tpu.memory_space<hbm>>
    tpu.enqueue_dma source(%dma_start3A_1037 : memref<40x50xi32, #tpu.memory_space<hbm>>) target(%dma_start3A_1034 : memref<40x50xi32, #tpu.memory_space<vmem>>) target_semaphore(%arg20 : memref<!tpu.dma_semaphore, #tpu.memory_space<semaphore_mem>>)
    %dma_start3A_1038 = arith.constant 1 : i32
    %dma_start3A_1039 = arith.constant 0 : i32
    %dma_start3A_1040 = arith.constant 0 : i32
    %dma_start3A_1041 = arith.constant 0 : i32
    %dma_start3A_1042 = tpu.memref_slice %arg6[%dma_start3A_1039, %dma_start3A_1040, %dma_start3A_1041] : memref<2x40x50xi32, #tpu.memory_space<vmem>> -> memref<1x40x50xi32, #tpu.memory_space<vmem>>
    %dma_start3A_1043 = tpu.memref_squeeze %dma_start3A_1042 : memref<1x40x50xi32, #tpu.memory_space<vmem>> -> memref<40x50xi32, #tpu.memory_space<vmem>>
    %dma_start3A_1044 = arith.constant 0 : i32
    %dma_start3A_1045 = tpu.memref_slice %arg3[%dma_start3A_1038, %add3A_1021, %dma_start3A_1044] : memref<2x6400x50xi32, #tpu.memory_space<hbm>> -> memref<1x40x50xi32, #tpu.memory_space<hbm>>
    %dma_start3A_1046 = tpu.memref_squeeze %dma_start3A_1045 : memref<1x40x50xi32, #tpu.memory_space<hbm>> -> memref<40x50xi32, #tpu.memory_space<hbm>>
    %dma_start3A_1047 = arith.constant 0 : i32
    %dma_start3A_1048 = arith.constant 0 : i32
    %dma_start3A_1049 = tpu.memref_slice %arg6[%dma_start3A_1039, %dma_start3A_1047, %dma_start3A_1048] : memref<2x40x50xi32, #tpu.memory_space<vmem>> -> memref<1x40x50xi32, #tpu.memory_space<vmem>>
    %dma_start3A_1050 = tpu.memref_squeeze %dma_start3A_1049 : memref<1x40x50xi32, #tpu.memory_space<vmem>> -> memref<40x50xi32, #tpu.memory_space<vmem>>
    %dma_start3A_1051 = arith.constant 0 : i32
    %dma_start3A_1052 = tpu.memref_slice %arg3[%dma_start3A_1038, %add3A_1021, %dma_start3A_1051] : memref<2x6400x50xi32, #tpu.memory_space<hbm>> -> memref<1x40x50xi32, #tpu.memory_space<hbm>>
    %dma_start3A_1053 = tpu.memref_squeeze %dma_start3A_1052 : memref<1x40x50xi32, #tpu.memory_space<hbm>> -> memref<40x50xi32, #tpu.memory_space<hbm>>
    tpu.enqueue_dma source(%dma_start3A_1053 : memref<40x50xi32, #tpu.memory_space<hbm>>) target(%dma_start3A_1050 : memref<40x50xi32, #tpu.memory_space<vmem>>) target_semaphore(%arg20 : memref<!tpu.dma_semaphore, #tpu.memory_space<semaphore_mem>>)
    %dma_start3A_1054 = arith.constant 1 : i32
    %dma_start3A_1055 = arith.constant 0 : i32
    %dma_start3A_1056 = arith.constant 0 : i32
    %dma_start3A_1057 = arith.constant 0 : i32
    %dma_start3A_1058 = tpu.memref_slice %arg5[%dma_start3A_1054, %dma_start3A_1056, %dma_start3A_1057] : memref<2x40x50xi32, #tpu.memory_space<vmem>> -> memref<1x40x50xi32, #tpu.memory_space<vmem>>
    %dma_start3A_1059 = tpu.memref_squeeze %dma_start3A_1058 : memref<1x40x50xi32, #tpu.memory_space<vmem>> -> memref<40x50xi32, #tpu.memory_space<vmem>>
    %dma_start3A_1060 = arith.constant 0 : i32
    %dma_start3A_1061 = tpu.memref_slice %dma_start3A_1059[%dma_start3A_1055, %dma_start3A_1060] : memref<40x50xi32, #tpu.memory_space<vmem>> -> memref<1x50xi32, #tpu.memory_space<vmem>>
    %dma_start3A_1062 = tpu.memref_squeeze %dma_start3A_1061 : memref<1x50xi32, #tpu.memory_space<vmem>> -> memref<50xi32, #tpu.memory_space<vmem>>
    %dma_start3A_1063 = arith.constant 0 : i32
    %dma_start3A_1064 = arith.constant 0 : i32
    %dma_start3A_1065 = tpu.memref_slice %arg2[%dma_start3A_1063, %dma_start3A_1064] : memref<10000x128xf32, #tpu.memory_space<hbm>> -> memref<10000x128xf32, #tpu.memory_space<hbm>>
    tpu.enqueue_indirect_dma source(%dma_start3A_1065 : memref<10000x128xf32, #tpu.memory_space<hbm>>) target(%arg7 : memref<50x128xf32, #tpu.memory_space<vmem>>) offsets(%dma_start3A_1062 : memref<50xi32, #tpu.memory_space<vmem>>) semaphore(%arg12 : memref<!tpu.dma_semaphore, #tpu.memory_space<semaphore_mem>>)
    %dma_start3A_1066 = arith.constant 1 : i32
    %dma_start3A_1067 = arith.constant 1 : i32
    %dma_start3A_1068 = arith.constant 0 : i32
    %dma_start3A_1069 = arith.constant 0 : i32
    %dma_start3A_1070 = tpu.memref_slice %arg5[%dma_start3A_1066, %dma_start3A_1068, %dma_start3A_1069] : memref<2x40x50xi32, #tpu.memory_space<vmem>> -> memref<1x40x50xi32, #tpu.memory_space<vmem>>
    %dma_start3A_1071 = tpu.memref_squeeze %dma_start3A_1070 : memref<1x40x50xi32, #tpu.memory_space<vmem>> -> memref<40x50xi32, #tpu.memory_space<vmem>>
    %dma_start3A_1072 = arith.constant 0 : i32
    %dma_start3A_1073 = tpu.memref_slice %dma_start3A_1071[%dma_start3A_1067, %dma_start3A_1072] : memref<40x50xi32, #tpu.memory_space<vmem>> -> memref<1x50xi32, #tpu.memory_space<vmem>>
    %dma_start3A_1074 = tpu.memref_squeeze %dma_start3A_1073 : memref<1x50xi32, #tpu.memory_space<vmem>> -> memref<50xi32, #tpu.memory_space<vmem>>
    %dma_start3A_1075 = arith.constant 0 : i32
    %dma_start3A_1076 = arith.constant 0 : i32
    %dma_start3A_1077 = tpu.memref_slice %arg2[%dma_start3A_1075, %dma_start3A_1076] : memref<10000x128xf32, #tpu.memory_space<hbm>> -> memref<10000x128xf32, #tpu.memory_space<hbm>>
    tpu.enqueue_indirect_dma source(%dma_start3A_1077 : memref<10000x128xf32, #tpu.memory_space<hbm>>) target(%arg8 : memref<50x128xf32, #tpu.memory_space<vmem>>) offsets(%dma_start3A_1074 : memref<50xi32, #tpu.memory_space<vmem>>) semaphore(%arg13 : memref<!tpu.dma_semaphore, #tpu.memory_space<semaphore_mem>>)
    %dma_start3A_1078 = arith.constant 1 : i32
    %dma_start3A_1079 = arith.constant 2 : i32
    %dma_start3A_1080 = arith.constant 0 : i32
    %dma_start3A_1081 = arith.constant 0 : i32
    %dma_start3A_1082 = tpu.memref_slice %arg5[%dma_start3A_1078, %dma_start3A_1080, %dma_start3A_1081] : memref<2x40x50xi32, #tpu.memory_space<vmem>> -> memref<1x40x50xi32, #tpu.memory_space<vmem>>
    %dma_start3A_1083 = tpu.memref_squeeze %dma_start3A_1082 : memref<1x40x50xi32, #tpu.memory_space<vmem>> -> memref<40x50xi32, #tpu.memory_space<vmem>>
    %dma_start3A_1084 = arith.constant 0 : i32
    %dma_start3A_1085 = tpu.memref_slice %dma_start3A_1083[%dma_start3A_1079, %dma_start3A_1084] : memref<40x50xi32, #tpu.memory_space<vmem>> -> memref<1x50xi32, #tpu.memory_space<vmem>>
    %dma_start3A_1086 = tpu.memref_squeeze %dma_start3A_1085 : memref<1x50xi32, #tpu.memory_space<vmem>> -> memref<50xi32, #tpu.memory_space<vmem>>
    %dma_start3A_1087 = arith.constant 0 : i32
    %dma_start3A_1088 = arith.constant 0 : i32
    %dma_start3A_1089 = tpu.memref_slice %arg2[%dma_start3A_1087, %dma_start3A_1088] : memref<10000x128xf32, #tpu.memory_space<hbm>> -> memref<10000x128xf32, #tpu.memory_space<hbm>>
    tpu.enqueue_indirect_dma source(%dma_start3A_1089 : memref<10000x128xf32, #tpu.memory_space<hbm>>) target(%arg9 : memref<50x128xf32, #tpu.memory_space<vmem>>) offsets(%dma_start3A_1086 : memref<50xi32, #tpu.memory_space<vmem>>) semaphore(%arg14 : memref<!tpu.dma_semaphore, #tpu.memory_space<semaphore_mem>>)
    %dma_start3A_1090 = arith.constant 1 : i32
    %dma_start3A_1091 = arith.constant 3 : i32
    %dma_start3A_1092 = arith.constant 0 : i32
    %dma_start3A_1093 = arith.constant 0 : i32
    %dma_start3A_1094 = tpu.memref_slice %arg5[%dma_start3A_1090, %dma_start3A_1092, %dma_start3A_1093] : memref<2x40x50xi32, #tpu.memory_space<vmem>> -> memref<1x40x50xi32, #tpu.memory_space<vmem>>
    %dma_start3A_1095 = tpu.memref_squeeze %dma_start3A_1094 : memref<1x40x50xi32, #tpu.memory_space<vmem>> -> memref<40x50xi32, #tpu.memory_space<vmem>>
    %dma_start3A_1096 = arith.constant 0 : i32
    %dma_start3A_1097 = tpu.memref_slice %dma_start3A_1095[%dma_start3A_1091, %dma_start3A_1096] : memref<40x50xi32, #tpu.memory_space<vmem>> -> memref<1x50xi32, #tpu.memory_space<vmem>>
    %dma_start3A_1098 = tpu.memref_squeeze %dma_start3A_1097 : memref<1x50xi32, #tpu.memory_space<vmem>> -> memref<50xi32, #tpu.memory_space<vmem>>
    %dma_start3A_1099 = arith.constant 0 : i32
    %dma_start3A_1100 = arith.constant 0 : i32
    %dma_start3A_1101 = tpu.memref_slice %arg2[%dma_start3A_1099, %dma_start3A_1100] : memref<10000x128xf32, #tpu.memory_space<hbm>> -> memref<10000x128xf32, #tpu.memory_space<hbm>>
    tpu.enqueue_indirect_dma source(%dma_start3A_1101 : memref<10000x128xf32, #tpu.memory_space<hbm>>) target(%arg10 : memref<50x128xf32, #tpu.memory_space<vmem>>) offsets(%dma_start3A_1098 : memref<50xi32, #tpu.memory_space<vmem>>) semaphore(%arg15 : memref<!tpu.dma_semaphore, #tpu.memory_space<semaphore_mem>>)
    %scan3A_1102 = arith.constant 0 : i32
    %scan3A_1103 = arith.constant 1 : i32
    %scan3A_1104 = arith.constant 1 : i32
    %scan3A_1105 = arith.constant 1 : i32
    %scan3A_1106 = arith.constant 9 : i32
    %scan3A_1107 = arith.addi %scan3A_1105, %scan3A_1106 : i32
    %scan3A_1108 = arith.constant 1 : i32
    scf.for %scan3A_1489 = %scan3A_1105 to %scan3A_1107 step %scan3A_1108  : i32 {
      %sub3A = arith.constant 1 : i32
      %sub3A_1490 = arith.subi %scan3A_1489, %sub3A : i32
      %mul3A_1491 = arith.constant 4 : i32
      %mul3A_1492 = arith.muli %sub3A_1490, %mul3A_1491 : i32
      %add3A_1493 = arith.constant 0 : i32
      %add3A_1494 = arith.addi %mul3A_1492, %add3A_1493 : i32
      %dma_wait3A_1495 = arith.constant 0 : i32
      %dma_wait3A_1496 = arith.constant 0 : i32
      %dma_wait3A_1497 = tpu.memref_slice %arg5[%scan3A_1103, %dma_wait3A_1495, %dma_wait3A_1496] : memref<2x40x50xi32, #tpu.memory_space<vmem>> -> memref<1x40x50xi32, #tpu.memory_space<vmem>>
      %dma_wait3A_1498 = tpu.memref_squeeze %dma_wait3A_1497 : memref<1x40x50xi32, #tpu.memory_space<vmem>> -> memref<40x50xi32, #tpu.memory_space<vmem>>
      %dma_wait3A_1499 = arith.constant 0 : i32
      %dma_wait3A_1500 = tpu.memref_slice %dma_wait3A_1498[%add3A_1494, %dma_wait3A_1499] : memref<40x50xi32, #tpu.memory_space<vmem>> -> memref<1x50xi32, #tpu.memory_space<vmem>>
      %dma_wait3A_1501 = tpu.memref_squeeze %dma_wait3A_1500 : memref<1x50xi32, #tpu.memory_space<vmem>> -> memref<50xi32, #tpu.memory_space<vmem>>
      %dma_wait3A_1502 = arith.constant 0 : i32
      %dma_wait3A_1503 = arith.constant 0 : i32
      %dma_wait3A_1504 = tpu.memref_slice %arg2[%dma_wait3A_1502, %dma_wait3A_1503] : memref<10000x128xf32, #tpu.memory_space<hbm>> -> memref<10000x128xf32, #tpu.memory_space<hbm>>
      tpu.wait_indirect_dma semaphore(%arg12 : memref<!tpu.dma_semaphore, #tpu.memory_space<semaphore_mem>>) src(%dma_wait3A_1504 : memref<10000x128xf32, #tpu.memory_space<hbm>>) dst(%arg7 : memref<50x128xf32, #tpu.memory_space<vmem>>)
      %add3A_1505 = arith.constant 0 : i32
      %add3A_1506 = arith.addi %mul3A_1492, %add3A_1505 : i32
      %dma_start3A_1507 = arith.constant 0 : i32
      %dma_start3A_1508 = arith.constant 0 : i32
      %dma_start3A_1509 = tpu.memref_slice %arg6[%scan3A_1104, %dma_start3A_1507, %dma_start3A_1508] : memref<2x40x50xi32, #tpu.memory_space<vmem>> -> memref<1x40x50xi32, #tpu.memory_space<vmem>>
      %dma_start3A_1510 = tpu.memref_squeeze %dma_start3A_1509 : memref<1x40x50xi32, #tpu.memory_space<vmem>> -> memref<40x50xi32, #tpu.memory_space<vmem>>
      %dma_start3A_1511 = arith.constant 0 : i32
      %dma_start3A_1512 = tpu.memref_slice %dma_start3A_1510[%add3A_1506, %dma_start3A_1511] : memref<40x50xi32, #tpu.memory_space<vmem>> -> memref<1x50xi32, #tpu.memory_space<vmem>>
      %dma_start3A_1513 = tpu.memref_squeeze %dma_start3A_1512 : memref<1x50xi32, #tpu.memory_space<vmem>> -> memref<50xi32, #tpu.memory_space<vmem>>
      %dma_start3A_1514 = arith.constant 0 : i32
      %dma_start3A_1515 = arith.constant 0 : i32
      %dma_start3A_1516 = tpu.memref_slice %arg11[%dma_start3A_1514, %dma_start3A_1515] : memref<10112x128xf32, #tpu.memory_space<vmem_shared>> -> memref<10112x128xf32, #tpu.memory_space<vmem_shared>>
      tpu.enqueue_indirect_dma source(%arg7 : memref<50x128xf32, #tpu.memory_space<vmem>>) target(%dma_start3A_1516 : memref<10112x128xf32, #tpu.memory_space<vmem_shared>>) offsets(%dma_start3A_1513 : memref<50xi32, #tpu.memory_space<vmem>>) semaphore(%arg16 : memref<!tpu.dma_semaphore, #tpu.memory_space<semaphore_mem>>) {add = true}
      %add3A_1517 = arith.constant 1 : i32
      %add3A_1518 = arith.addi %mul3A_1492, %add3A_1517 : i32
      %dma_wait3A_1519 = arith.constant 0 : i32
      %dma_wait3A_1520 = arith.constant 0 : i32
      %dma_wait3A_1521 = tpu.memref_slice %arg5[%scan3A_1103, %dma_wait3A_1519, %dma_wait3A_1520] : memref<2x40x50xi32, #tpu.memory_space<vmem>> -> memref<1x40x50xi32, #tpu.memory_space<vmem>>
      %dma_wait3A_1522 = tpu.memref_squeeze %dma_wait3A_1521 : memref<1x40x50xi32, #tpu.memory_space<vmem>> -> memref<40x50xi32, #tpu.memory_space<vmem>>
      %dma_wait3A_1523 = arith.constant 0 : i32
      %dma_wait3A_1524 = tpu.memref_slice %dma_wait3A_1522[%add3A_1518, %dma_wait3A_1523] : memref<40x50xi32, #tpu.memory_space<vmem>> -> memref<1x50xi32, #tpu.memory_space<vmem>>
      %dma_wait3A_1525 = tpu.memref_squeeze %dma_wait3A_1524 : memref<1x50xi32, #tpu.memory_space<vmem>> -> memref<50xi32, #tpu.memory_space<vmem>>
      %dma_wait3A_1526 = arith.constant 0 : i32
      %dma_wait3A_1527 = arith.constant 0 : i32
      %dma_wait3A_1528 = tpu.memref_slice %arg2[%dma_wait3A_1526, %dma_wait3A_1527] : memref<10000x128xf32, #tpu.memory_space<hbm>> -> memref<10000x128xf32, #tpu.memory_space<hbm>>
      tpu.wait_indirect_dma semaphore(%arg13 : memref<!tpu.dma_semaphore, #tpu.memory_space<semaphore_mem>>) src(%dma_wait3A_1528 : memref<10000x128xf32, #tpu.memory_space<hbm>>) dst(%arg8 : memref<50x128xf32, #tpu.memory_space<vmem>>)
      %add3A_1529 = arith.constant 1 : i32
      %add3A_1530 = arith.addi %mul3A_1492, %add3A_1529 : i32
      %dma_start3A_1531 = arith.constant 0 : i32
      %dma_start3A_1532 = arith.constant 0 : i32
      %dma_start3A_1533 = tpu.memref_slice %arg6[%scan3A_1104, %dma_start3A_1531, %dma_start3A_1532] : memref<2x40x50xi32, #tpu.memory_space<vmem>> -> memref<1x40x50xi32, #tpu.memory_space<vmem>>
      %dma_start3A_1534 = tpu.memref_squeeze %dma_start3A_1533 : memref<1x40x50xi32, #tpu.memory_space<vmem>> -> memref<40x50xi32, #tpu.memory_space<vmem>>
      %dma_start3A_1535 = arith.constant 0 : i32
      %dma_start3A_1536 = tpu.memref_slice %dma_start3A_1534[%add3A_1530, %dma_start3A_1535] : memref<40x50xi32, #tpu.memory_space<vmem>> -> memref<1x50xi32, #tpu.memory_space<vmem>>
      %dma_start3A_1537 = tpu.memref_squeeze %dma_start3A_1536 : memref<1x50xi32, #tpu.memory_space<vmem>> -> memref<50xi32, #tpu.memory_space<vmem>>
      %dma_start3A_1538 = arith.constant 0 : i32
      %dma_start3A_1539 = arith.constant 0 : i32
      %dma_start3A_1540 = tpu.memref_slice %arg11[%dma_start3A_1538, %dma_start3A_1539] : memref<10112x128xf32, #tpu.memory_space<vmem_shared>> -> memref<10112x128xf32, #tpu.memory_space<vmem_shared>>
      tpu.enqueue_indirect_dma source(%arg8 : memref<50x128xf32, #tpu.memory_space<vmem>>) target(%dma_start3A_1540 : memref<10112x128xf32, #tpu.memory_space<vmem_shared>>) offsets(%dma_start3A_1537 : memref<50xi32, #tpu.memory_space<vmem>>) semaphore(%arg17 : memref<!tpu.dma_semaphore, #tpu.memory_space<semaphore_mem>>) {add = true}
      %add3A_1541 = arith.constant 2 : i32
      %add3A_1542 = arith.addi %mul3A_1492, %add3A_1541 : i32
      %dma_wait3A_1543 = arith.constant 0 : i32
      %dma_wait3A_1544 = arith.constant 0 : i32
      %dma_wait3A_1545 = tpu.memref_slice %arg5[%scan3A_1103, %dma_wait3A_1543, %dma_wait3A_1544] : memref<2x40x50xi32, #tpu.memory_space<vmem>> -> memref<1x40x50xi32, #tpu.memory_space<vmem>>
      %dma_wait3A_1546 = tpu.memref_squeeze %dma_wait3A_1545 : memref<1x40x50xi32, #tpu.memory_space<vmem>> -> memref<40x50xi32, #tpu.memory_space<vmem>>
      %dma_wait3A_1547 = arith.constant 0 : i32
      %dma_wait3A_1548 = tpu.memref_slice %dma_wait3A_1546[%add3A_1542, %dma_wait3A_1547] : memref<40x50xi32, #tpu.memory_space<vmem>> -> memref<1x50xi32, #tpu.memory_space<vmem>>
      %dma_wait3A_1549 = tpu.memref_squeeze %dma_wait3A_1548 : memref<1x50xi32, #tpu.memory_space<vmem>> -> memref<50xi32, #tpu.memory_space<vmem>>
      %dma_wait3A_1550 = arith.constant 0 : i32
      %dma_wait3A_1551 = arith.constant 0 : i32
      %dma_wait3A_1552 = tpu.memref_slice %arg2[%dma_wait3A_1550, %dma_wait3A_1551] : memref<10000x128xf32, #tpu.memory_space<hbm>> -> memref<10000x128xf32, #tpu.memory_space<hbm>>
      tpu.wait_indirect_dma semaphore(%arg14 : memref<!tpu.dma_semaphore, #tpu.memory_space<semaphore_mem>>) src(%dma_wait3A_1552 : memref<10000x128xf32, #tpu.memory_space<hbm>>) dst(%arg9 : memref<50x128xf32, #tpu.memory_space<vmem>>)
      %add3A_1553 = arith.constant 2 : i32
      %add3A_1554 = arith.addi %mul3A_1492, %add3A_1553 : i32
      %dma_start3A_1555 = arith.constant 0 : i32
      %dma_start3A_1556 = arith.constant 0 : i32
      %dma_start3A_1557 = tpu.memref_slice %arg6[%scan3A_1104, %dma_start3A_1555, %dma_start3A_1556] : memref<2x40x50xi32, #tpu.memory_space<vmem>> -> memref<1x40x50xi32, #tpu.memory_space<vmem>>
      %dma_start3A_1558 = tpu.memref_squeeze %dma_start3A_1557 : memref<1x40x50xi32, #tpu.memory_space<vmem>> -> memref<40x50xi32, #tpu.memory_space<vmem>>
      %dma_start3A_1559 = arith.constant 0 : i32
      %dma_start3A_1560 = tpu.memref_slice %dma_start3A_1558[%add3A_1554, %dma_start3A_1559] : memref<40x50xi32, #tpu.memory_space<vmem>> -> memref<1x50xi32, #tpu.memory_space<vmem>>
      %dma_start3A_1561 = tpu.memref_squeeze %dma_start3A_1560 : memref<1x50xi32, #tpu.memory_space<vmem>> -> memref<50xi32, #tpu.memory_space<vmem>>
      %dma_start3A_1562 = arith.constant 0 : i32
      %dma_start3A_1563 = arith.constant 0 : i32
      %dma_start3A_1564 = tpu.memref_slice %arg11[%dma_start3A_1562, %dma_start3A_1563] : memref<10112x128xf32, #tpu.memory_space<vmem_shared>> -> memref<10112x128xf32, #tpu.memory_space<vmem_shared>>
      tpu.enqueue_indirect_dma source(%arg9 : memref<50x128xf32, #tpu.memory_space<vmem>>) target(%dma_start3A_1564 : memref<10112x128xf32, #tpu.memory_space<vmem_shared>>) offsets(%dma_start3A_1561 : memref<50xi32, #tpu.memory_space<vmem>>) semaphore(%arg18 : memref<!tpu.dma_semaphore, #tpu.memory_space<semaphore_mem>>) {add = true}
      %add3A_1565 = arith.constant 3 : i32
      %add3A_1566 = arith.addi %mul3A_1492, %add3A_1565 : i32
      %dma_wait3A_1567 = arith.constant 0 : i32
      %dma_wait3A_1568 = arith.constant 0 : i32
      %dma_wait3A_1569 = tpu.memref_slice %arg5[%scan3A_1103, %dma_wait3A_1567, %dma_wait3A_1568] : memref<2x40x50xi32, #tpu.memory_space<vmem>> -> memref<1x40x50xi32, #tpu.memory_space<vmem>>
      %dma_wait3A_1570 = tpu.memref_squeeze %dma_wait3A_1569 : memref<1x40x50xi32, #tpu.memory_space<vmem>> -> memref<40x50xi32, #tpu.memory_space<vmem>>
      %dma_wait3A_1571 = arith.constant 0 : i32
      %dma_wait3A_1572 = tpu.memref_slice %dma_wait3A_1570[%add3A_1566, %dma_wait3A_1571] : memref<40x50xi32, #tpu.memory_space<vmem>> -> memref<1x50xi32, #tpu.memory_space<vmem>>
      %dma_wait3A_1573 = tpu.memref_squeeze %dma_wait3A_1572 : memref<1x50xi32, #tpu.memory_space<vmem>> -> memref<50xi32, #tpu.memory_space<vmem>>
      %dma_wait3A_1574 = arith.constant 0 : i32
      %dma_wait3A_1575 = arith.constant 0 : i32
      %dma_wait3A_1576 = tpu.memref_slice %arg2[%dma_wait3A_1574, %dma_wait3A_1575] : memref<10000x128xf32, #tpu.memory_space<hbm>> -> memref<10000x128xf32, #tpu.memory_space<hbm>>
      tpu.wait_indirect_dma semaphore(%arg15 : memref<!tpu.dma_semaphore, #tpu.memory_space<semaphore_mem>>) src(%dma_wait3A_1576 : memref<10000x128xf32, #tpu.memory_space<hbm>>) dst(%arg10 : memref<50x128xf32, #tpu.memory_space<vmem>>)
      %add3A_1577 = arith.constant 3 : i32
      %add3A_1578 = arith.addi %mul3A_1492, %add3A_1577 : i32
      %dma_start3A_1579 = arith.constant 0 : i32
      %dma_start3A_1580 = arith.constant 0 : i32
      %dma_start3A_1581 = tpu.memref_slice %arg6[%scan3A_1104, %dma_start3A_1579, %dma_start3A_1580] : memref<2x40x50xi32, #tpu.memory_space<vmem>> -> memref<1x40x50xi32, #tpu.memory_space<vmem>>
      %dma_start3A_1582 = tpu.memref_squeeze %dma_start3A_1581 : memref<1x40x50xi32, #tpu.memory_space<vmem>> -> memref<40x50xi32, #tpu.memory_space<vmem>>
      %dma_start3A_1583 = arith.constant 0 : i32
      %dma_start3A_1584 = tpu.memref_slice %dma_start3A_1582[%add3A_1578, %dma_start3A_1583] : memref<40x50xi32, #tpu.memory_space<vmem>> -> memref<1x50xi32, #tpu.memory_space<vmem>>
      %dma_start3A_1585 = tpu.memref_squeeze %dma_start3A_1584 : memref<1x50xi32, #tpu.memory_space<vmem>> -> memref<50xi32, #tpu.memory_space<vmem>>
      %dma_start3A_1586 = arith.constant 0 : i32
      %dma_start3A_1587 = arith.constant 0 : i32
      %dma_start3A_1588 = tpu.memref_slice %arg11[%dma_start3A_1586, %dma_start3A_1587] : memref<10112x128xf32, #tpu.memory_space<vmem_shared>> -> memref<10112x128xf32, #tpu.memory_space<vmem_shared>>
      tpu.enqueue_indirect_dma source(%arg10 : memref<50x128xf32, #tpu.memory_space<vmem>>) target(%dma_start3A_1588 : memref<10112x128xf32, #tpu.memory_space<vmem_shared>>) offsets(%dma_start3A_1585 : memref<50xi32, #tpu.memory_space<vmem>>) semaphore(%arg19 : memref<!tpu.dma_semaphore, #tpu.memory_space<semaphore_mem>>) {add = true}
      %dma_wait3A_1589 = arith.constant 0 : i32
      %dma_wait3A_1590 = arith.constant 0 : i32
      %dma_wait3A_1591 = tpu.memref_slice %arg6[%scan3A_1104, %dma_wait3A_1589, %dma_wait3A_1590] : memref<2x40x50xi32, #tpu.memory_space<vmem>> -> memref<1x40x50xi32, #tpu.memory_space<vmem>>
      %dma_wait3A_1592 = tpu.memref_squeeze %dma_wait3A_1591 : memref<1x40x50xi32, #tpu.memory_space<vmem>> -> memref<40x50xi32, #tpu.memory_space<vmem>>
      %dma_wait3A_1593 = arith.constant 0 : i32
      %dma_wait3A_1594 = tpu.memref_slice %dma_wait3A_1592[%add3A_1506, %dma_wait3A_1593] : memref<40x50xi32, #tpu.memory_space<vmem>> -> memref<1x50xi32, #tpu.memory_space<vmem>>
      %dma_wait3A_1595 = tpu.memref_squeeze %dma_wait3A_1594 : memref<1x50xi32, #tpu.memory_space<vmem>> -> memref<50xi32, #tpu.memory_space<vmem>>
      %dma_wait3A_1596 = arith.constant 0 : i32
      %dma_wait3A_1597 = arith.constant 0 : i32
      %dma_wait3A_1598 = tpu.memref_slice %arg11[%dma_wait3A_1596, %dma_wait3A_1597] : memref<10112x128xf32, #tpu.memory_space<vmem_shared>> -> memref<10112x128xf32, #tpu.memory_space<vmem_shared>>
      tpu.wait_indirect_dma semaphore(%arg16 : memref<!tpu.dma_semaphore, #tpu.memory_space<semaphore_mem>>) src(%arg7 : memref<50x128xf32, #tpu.memory_space<vmem>>) dst(%dma_wait3A_1598 : memref<10112x128xf32, #tpu.memory_space<vmem_shared>>)
      %mul3A_1599 = arith.constant 4 : i32
      %mul3A_1600 = arith.muli %scan3A_1489, %mul3A_1599 : i32
      %add3A_1601 = arith.constant 0 : i32
      %add3A_1602 = arith.addi %mul3A_1600, %add3A_1601 : i32
      %dma_start3A_1603 = arith.constant 0 : i32
      %dma_start3A_1604 = arith.constant 0 : i32
      %dma_start3A_1605 = tpu.memref_slice %arg5[%scan3A_1103, %dma_start3A_1603, %dma_start3A_1604] : memref<2x40x50xi32, #tpu.memory_space<vmem>> -> memref<1x40x50xi32, #tpu.memory_space<vmem>>
      %dma_start3A_1606 = tpu.memref_squeeze %dma_start3A_1605 : memref<1x40x50xi32, #tpu.memory_space<vmem>> -> memref<40x50xi32, #tpu.memory_space<vmem>>
      %dma_start3A_1607 = arith.constant 0 : i32
      %dma_start3A_1608 = tpu.memref_slice %dma_start3A_1606[%add3A_1602, %dma_start3A_1607] : memref<40x50xi32, #tpu.memory_space<vmem>> -> memref<1x50xi32, #tpu.memory_space<vmem>>
      %dma_start3A_1609 = tpu.memref_squeeze %dma_start3A_1608 : memref<1x50xi32, #tpu.memory_space<vmem>> -> memref<50xi32, #tpu.memory_space<vmem>>
      %dma_start3A_1610 = arith.constant 0 : i32
      %dma_start3A_1611 = arith.constant 0 : i32
      %dma_start3A_1612 = tpu.memref_slice %arg2[%dma_start3A_1610, %dma_start3A_1611] : memref<10000x128xf32, #tpu.memory_space<hbm>> -> memref<10000x128xf32, #tpu.memory_space<hbm>>
      tpu.enqueue_indirect_dma source(%dma_start3A_1612 : memref<10000x128xf32, #tpu.memory_space<hbm>>) target(%arg7 : memref<50x128xf32, #tpu.memory_space<vmem>>) offsets(%dma_start3A_1609 : memref<50xi32, #tpu.memory_space<vmem>>) semaphore(%arg12 : memref<!tpu.dma_semaphore, #tpu.memory_space<semaphore_mem>>)
      %dma_wait3A_1613 = arith.constant 0 : i32
      %dma_wait3A_1614 = arith.constant 0 : i32
      %dma_wait3A_1615 = tpu.memref_slice %arg6[%scan3A_1104, %dma_wait3A_1613, %dma_wait3A_1614] : memref<2x40x50xi32, #tpu.memory_space<vmem>> -> memref<1x40x50xi32, #tpu.memory_space<vmem>>
      %dma_wait3A_1616 = tpu.memref_squeeze %dma_wait3A_1615 : memref<1x40x50xi32, #tpu.memory_space<vmem>> -> memref<40x50xi32, #tpu.memory_space<vmem>>
      %dma_wait3A_1617 = arith.constant 0 : i32
      %dma_wait3A_1618 = tpu.memref_slice %dma_wait3A_1616[%add3A_1530, %dma_wait3A_1617] : memref<40x50xi32, #tpu.memory_space<vmem>> -> memref<1x50xi32, #tpu.memory_space<vmem>>
      %dma_wait3A_1619 = tpu.memref_squeeze %dma_wait3A_1618 : memref<1x50xi32, #tpu.memory_space<vmem>> -> memref<50xi32, #tpu.memory_space<vmem>>
      %dma_wait3A_1620 = arith.constant 0 : i32
      %dma_wait3A_1621 = arith.constant 0 : i32
      %dma_wait3A_1622 = tpu.memref_slice %arg11[%dma_wait3A_1620, %dma_wait3A_1621] : memref<10112x128xf32, #tpu.memory_space<vmem_shared>> -> memref<10112x128xf32, #tpu.memory_space<vmem_shared>>
      tpu.wait_indirect_dma semaphore(%arg17 : memref<!tpu.dma_semaphore, #tpu.memory_space<semaphore_mem>>) src(%arg8 : memref<50x128xf32, #tpu.memory_space<vmem>>) dst(%dma_wait3A_1622 : memref<10112x128xf32, #tpu.memory_space<vmem_shared>>)
      %mul3A_1623 = arith.constant 4 : i32
      %mul3A_1624 = arith.muli %scan3A_1489, %mul3A_1623 : i32
      %add3A_1625 = arith.constant 1 : i32
      %add3A_1626 = arith.addi %mul3A_1624, %add3A_1625 : i32
      %dma_start3A_1627 = arith.constant 0 : i32
      %dma_start3A_1628 = arith.constant 0 : i32
      %dma_start3A_1629 = tpu.memref_slice %arg5[%scan3A_1103, %dma_start3A_1627, %dma_start3A_1628] : memref<2x40x50xi32, #tpu.memory_space<vmem>> -> memref<1x40x50xi32, #tpu.memory_space<vmem>>
      %dma_start3A_1630 = tpu.memref_squeeze %dma_start3A_1629 : memref<1x40x50xi32, #tpu.memory_space<vmem>> -> memref<40x50xi32, #tpu.memory_space<vmem>>
      %dma_start3A_1631 = arith.constant 0 : i32
      %dma_start3A_1632 = tpu.memref_slice %dma_start3A_1630[%add3A_1626, %dma_start3A_1631] : memref<40x50xi32, #tpu.memory_space<vmem>> -> memref<1x50xi32, #tpu.memory_space<vmem>>
      %dma_start3A_1633 = tpu.memref_squeeze %dma_start3A_1632 : memref<1x50xi32, #tpu.memory_space<vmem>> -> memref<50xi32, #tpu.memory_space<vmem>>
      %dma_start3A_1634 = arith.constant 0 : i32
      %dma_start3A_1635 = arith.constant 0 : i32
      %dma_start3A_1636 = tpu.memref_slice %arg2[%dma_start3A_1634, %dma_start3A_1635] : memref<10000x128xf32, #tpu.memory_space<hbm>> -> memref<10000x128xf32, #tpu.memory_space<hbm>>
      tpu.enqueue_indirect_dma source(%dma_start3A_1636 : memref<10000x128xf32, #tpu.memory_space<hbm>>) target(%arg8 : memref<50x128xf32, #tpu.memory_space<vmem>>) offsets(%dma_start3A_1633 : memref<50xi32, #tpu.memory_space<vmem>>) semaphore(%arg13 : memref<!tpu.dma_semaphore, #tpu.memory_space<semaphore_mem>>)
      %dma_wait3A_1637 = arith.constant 0 : i32
      %dma_wait3A_1638 = arith.constant 0 : i32
      %dma_wait3A_1639 = tpu.memref_slice %arg6[%scan3A_1104, %dma_wait3A_1637, %dma_wait3A_1638] : memref<2x40x50xi32, #tpu.memory_space<vmem>> -> memref<1x40x50xi32, #tpu.memory_space<vmem>>
      %dma_wait3A_1640 = tpu.memref_squeeze %dma_wait3A_1639 : memref<1x40x50xi32, #tpu.memory_space<vmem>> -> memref<40x50xi32, #tpu.memory_space<vmem>>
      %dma_wait3A_1641 = arith.constant 0 : i32
      %dma_wait3A_1642 = tpu.memref_slice %dma_wait3A_1640[%add3A_1554, %dma_wait3A_1641] : memref<40x50xi32, #tpu.memory_space<vmem>> -> memref<1x50xi32, #tpu.memory_space<vmem>>
      %dma_wait3A_1643 = tpu.memref_squeeze %dma_wait3A_1642 : memref<1x50xi32, #tpu.memory_space<vmem>> -> memref<50xi32, #tpu.memory_space<vmem>>
      %dma_wait3A_1644 = arith.constant 0 : i32
      %dma_wait3A_1645 = arith.constant 0 : i32
      %dma_wait3A_1646 = tpu.memref_slice %arg11[%dma_wait3A_1644, %dma_wait3A_1645] : memref<10112x128xf32, #tpu.memory_space<vmem_shared>> -> memref<10112x128xf32, #tpu.memory_space<vmem_shared>>
      tpu.wait_indirect_dma semaphore(%arg18 : memref<!tpu.dma_semaphore, #tpu.memory_space<semaphore_mem>>) src(%arg9 : memref<50x128xf32, #tpu.memory_space<vmem>>) dst(%dma_wait3A_1646 : memref<10112x128xf32, #tpu.memory_space<vmem_shared>>)
      %mul3A_1647 = arith.constant 4 : i32
      %mul3A_1648 = arith.muli %scan3A_1489, %mul3A_1647 : i32
      %add3A_1649 = arith.constant 2 : i32
      %add3A_1650 = arith.addi %mul3A_1648, %add3A_1649 : i32
      %dma_start3A_1651 = arith.constant 0 : i32
      %dma_start3A_1652 = arith.constant 0 : i32
      %dma_start3A_1653 = tpu.memref_slice %arg5[%scan3A_1103, %dma_start3A_1651, %dma_start3A_1652] : memref<2x40x50xi32, #tpu.memory_space<vmem>> -> memref<1x40x50xi32, #tpu.memory_space<vmem>>
      %dma_start3A_1654 = tpu.memref_squeeze %dma_start3A_1653 : memref<1x40x50xi32, #tpu.memory_space<vmem>> -> memref<40x50xi32, #tpu.memory_space<vmem>>
      %dma_start3A_1655 = arith.constant 0 : i32
      %dma_start3A_1656 = tpu.memref_slice %dma_start3A_1654[%add3A_1650, %dma_start3A_1655] : memref<40x50xi32, #tpu.memory_space<vmem>> -> memref<1x50xi32, #tpu.memory_space<vmem>>
      %dma_start3A_1657 = tpu.memref_squeeze %dma_start3A_1656 : memref<1x50xi32, #tpu.memory_space<vmem>> -> memref<50xi32, #tpu.memory_space<vmem>>
      %dma_start3A_1658 = arith.constant 0 : i32
      %dma_start3A_1659 = arith.constant 0 : i32
      %dma_start3A_1660 = tpu.memref_slice %arg2[%dma_start3A_1658, %dma_start3A_1659] : memref<10000x128xf32, #tpu.memory_space<hbm>> -> memref<10000x128xf32, #tpu.memory_space<hbm>>
      tpu.enqueue_indirect_dma source(%dma_start3A_1660 : memref<10000x128xf32, #tpu.memory_space<hbm>>) target(%arg9 : memref<50x128xf32, #tpu.memory_space<vmem>>) offsets(%dma_start3A_1657 : memref<50xi32, #tpu.memory_space<vmem>>) semaphore(%arg14 : memref<!tpu.dma_semaphore, #tpu.memory_space<semaphore_mem>>)
      %dma_wait3A_1661 = arith.constant 0 : i32
      %dma_wait3A_1662 = arith.constant 0 : i32
      %dma_wait3A_1663 = tpu.memref_slice %arg6[%scan3A_1104, %dma_wait3A_1661, %dma_wait3A_1662] : memref<2x40x50xi32, #tpu.memory_space<vmem>> -> memref<1x40x50xi32, #tpu.memory_space<vmem>>
      %dma_wait3A_1664 = tpu.memref_squeeze %dma_wait3A_1663 : memref<1x40x50xi32, #tpu.memory_space<vmem>> -> memref<40x50xi32, #tpu.memory_space<vmem>>
      %dma_wait3A_1665 = arith.constant 0 : i32
      %dma_wait3A_1666 = tpu.memref_slice %dma_wait3A_1664[%add3A_1578, %dma_wait3A_1665] : memref<40x50xi32, #tpu.memory_space<vmem>> -> memref<1x50xi32, #tpu.memory_space<vmem>>
      %dma_wait3A_1667 = tpu.memref_squeeze %dma_wait3A_1666 : memref<1x50xi32, #tpu.memory_space<vmem>> -> memref<50xi32, #tpu.memory_space<vmem>>
      %dma_wait3A_1668 = arith.constant 0 : i32
      %dma_wait3A_1669 = arith.constant 0 : i32
      %dma_wait3A_1670 = tpu.memref_slice %arg11[%dma_wait3A_1668, %dma_wait3A_1669] : memref<10112x128xf32, #tpu.memory_space<vmem_shared>> -> memref<10112x128xf32, #tpu.memory_space<vmem_shared>>
      tpu.wait_indirect_dma semaphore(%arg19 : memref<!tpu.dma_semaphore, #tpu.memory_space<semaphore_mem>>) src(%arg10 : memref<50x128xf32, #tpu.memory_space<vmem>>) dst(%dma_wait3A_1670 : memref<10112x128xf32, #tpu.memory_space<vmem_shared>>)
      %mul3A_1671 = arith.constant 4 : i32
      %mul3A_1672 = arith.muli %scan3A_1489, %mul3A_1671 : i32
      %add3A_1673 = arith.constant 3 : i32
      %add3A_1674 = arith.addi %mul3A_1672, %add3A_1673 : i32
      %dma_start3A_1675 = arith.constant 0 : i32
      %dma_start3A_1676 = arith.constant 0 : i32
      %dma_start3A_1677 = tpu.memref_slice %arg5[%scan3A_1103, %dma_start3A_1675, %dma_start3A_1676] : memref<2x40x50xi32, #tpu.memory_space<vmem>> -> memref<1x40x50xi32, #tpu.memory_space<vmem>>
      %dma_start3A_1678 = tpu.memref_squeeze %dma_start3A_1677 : memref<1x40x50xi32, #tpu.memory_space<vmem>> -> memref<40x50xi32, #tpu.memory_space<vmem>>
      %dma_start3A_1679 = arith.constant 0 : i32
      %dma_start3A_1680 = tpu.memref_slice %dma_start3A_1678[%add3A_1674, %dma_start3A_1679] : memref<40x50xi32, #tpu.memory_space<vmem>> -> memref<1x50xi32, #tpu.memory_space<vmem>>
      %dma_start3A_1681 = tpu.memref_squeeze %dma_start3A_1680 : memref<1x50xi32, #tpu.memory_space<vmem>> -> memref<50xi32, #tpu.memory_space<vmem>>
      %dma_start3A_1682 = arith.constant 0 : i32
      %dma_start3A_1683 = arith.constant 0 : i32
      %dma_start3A_1684 = tpu.memref_slice %arg2[%dma_start3A_1682, %dma_start3A_1683] : memref<10000x128xf32, #tpu.memory_space<hbm>> -> memref<10000x128xf32, #tpu.memory_space<hbm>>
      tpu.enqueue_indirect_dma source(%dma_start3A_1684 : memref<10000x128xf32, #tpu.memory_space<hbm>>) target(%arg10 : memref<50x128xf32, #tpu.memory_space<vmem>>) offsets(%dma_start3A_1681 : memref<50xi32, #tpu.memory_space<vmem>>) semaphore(%arg15 : memref<!tpu.dma_semaphore, #tpu.memory_space<semaphore_mem>>)
    }
    %scan3A_1109 = arith.constant 9 : i32
    %dma_wait3A_1110 = arith.constant 1 : i32
    %dma_wait3A_1111 = arith.constant 36 : i32
    %dma_wait3A_1112 = arith.constant 0 : i32
    %dma_wait3A_1113 = arith.constant 0 : i32
    %dma_wait3A_1114 = tpu.memref_slice %arg5[%dma_wait3A_1110, %dma_wait3A_1112, %dma_wait3A_1113] : memref<2x40x50xi32, #tpu.memory_space<vmem>> -> memref<1x40x50xi32, #tpu.memory_space<vmem>>
    %dma_wait3A_1115 = tpu.memref_squeeze %dma_wait3A_1114 : memref<1x40x50xi32, #tpu.memory_space<vmem>> -> memref<40x50xi32, #tpu.memory_space<vmem>>
    %dma_wait3A_1116 = arith.constant 0 : i32
    %dma_wait3A_1117 = tpu.memref_slice %dma_wait3A_1115[%dma_wait3A_1111, %dma_wait3A_1116] : memref<40x50xi32, #tpu.memory_space<vmem>> -> memref<1x50xi32, #tpu.memory_space<vmem>>
    %dma_wait3A_1118 = tpu.memref_squeeze %dma_wait3A_1117 : memref<1x50xi32, #tpu.memory_space<vmem>> -> memref<50xi32, #tpu.memory_space<vmem>>
    %dma_wait3A_1119 = arith.constant 0 : i32
    %dma_wait3A_1120 = arith.constant 0 : i32
    %dma_wait3A_1121 = tpu.memref_slice %arg2[%dma_wait3A_1119, %dma_wait3A_1120] : memref<10000x128xf32, #tpu.memory_space<hbm>> -> memref<10000x128xf32, #tpu.memory_space<hbm>>
    tpu.wait_indirect_dma semaphore(%arg12 : memref<!tpu.dma_semaphore, #tpu.memory_space<semaphore_mem>>) src(%dma_wait3A_1121 : memref<10000x128xf32, #tpu.memory_space<hbm>>) dst(%arg7 : memref<50x128xf32, #tpu.memory_space<vmem>>)
    %dma_start3A_1122 = arith.constant 1 : i32
    %dma_start3A_1123 = arith.constant 36 : i32
    %dma_start3A_1124 = arith.constant 0 : i32
    %dma_start3A_1125 = arith.constant 0 : i32
    %dma_start3A_1126 = tpu.memref_slice %arg6[%dma_start3A_1122, %dma_start3A_1124, %dma_start3A_1125] : memref<2x40x50xi32, #tpu.memory_space<vmem>> -> memref<1x40x50xi32, #tpu.memory_space<vmem>>
    %dma_start3A_1127 = tpu.memref_squeeze %dma_start3A_1126 : memref<1x40x50xi32, #tpu.memory_space<vmem>> -> memref<40x50xi32, #tpu.memory_space<vmem>>
    %dma_start3A_1128 = arith.constant 0 : i32
    %dma_start3A_1129 = tpu.memref_slice %dma_start3A_1127[%dma_start3A_1123, %dma_start3A_1128] : memref<40x50xi32, #tpu.memory_space<vmem>> -> memref<1x50xi32, #tpu.memory_space<vmem>>
    %dma_start3A_1130 = tpu.memref_squeeze %dma_start3A_1129 : memref<1x50xi32, #tpu.memory_space<vmem>> -> memref<50xi32, #tpu.memory_space<vmem>>
    %dma_start3A_1131 = arith.constant 0 : i32
    %dma_start3A_1132 = arith.constant 0 : i32
    %dma_start3A_1133 = tpu.memref_slice %arg11[%dma_start3A_1131, %dma_start3A_1132] : memref<10112x128xf32, #tpu.memory_space<vmem_shared>> -> memref<10112x128xf32, #tpu.memory_space<vmem_shared>>
    tpu.enqueue_indirect_dma source(%arg7 : memref<50x128xf32, #tpu.memory_space<vmem>>) target(%dma_start3A_1133 : memref<10112x128xf32, #tpu.memory_space<vmem_shared>>) offsets(%dma_start3A_1130 : memref<50xi32, #tpu.memory_space<vmem>>) semaphore(%arg16 : memref<!tpu.dma_semaphore, #tpu.memory_space<semaphore_mem>>) {add = true}
    %dma_wait3A_1134 = arith.constant 1 : i32
    %dma_wait3A_1135 = arith.constant 37 : i32
    %dma_wait3A_1136 = arith.constant 0 : i32
    %dma_wait3A_1137 = arith.constant 0 : i32
    %dma_wait3A_1138 = tpu.memref_slice %arg5[%dma_wait3A_1134, %dma_wait3A_1136, %dma_wait3A_1137] : memref<2x40x50xi32, #tpu.memory_space<vmem>> -> memref<1x40x50xi32, #tpu.memory_space<vmem>>
    %dma_wait3A_1139 = tpu.memref_squeeze %dma_wait3A_1138 : memref<1x40x50xi32, #tpu.memory_space<vmem>> -> memref<40x50xi32, #tpu.memory_space<vmem>>
    %dma_wait3A_1140 = arith.constant 0 : i32
    %dma_wait3A_1141 = tpu.memref_slice %dma_wait3A_1139[%dma_wait3A_1135, %dma_wait3A_1140] : memref<40x50xi32, #tpu.memory_space<vmem>> -> memref<1x50xi32, #tpu.memory_space<vmem>>
    %dma_wait3A_1142 = tpu.memref_squeeze %dma_wait3A_1141 : memref<1x50xi32, #tpu.memory_space<vmem>> -> memref<50xi32, #tpu.memory_space<vmem>>
    %dma_wait3A_1143 = arith.constant 0 : i32
    %dma_wait3A_1144 = arith.constant 0 : i32
    %dma_wait3A_1145 = tpu.memref_slice %arg2[%dma_wait3A_1143, %dma_wait3A_1144] : memref<10000x128xf32, #tpu.memory_space<hbm>> -> memref<10000x128xf32, #tpu.memory_space<hbm>>
    tpu.wait_indirect_dma semaphore(%arg13 : memref<!tpu.dma_semaphore, #tpu.memory_space<semaphore_mem>>) src(%dma_wait3A_1145 : memref<10000x128xf32, #tpu.memory_space<hbm>>) dst(%arg8 : memref<50x128xf32, #tpu.memory_space<vmem>>)
    %dma_start3A_1146 = arith.constant 1 : i32
    %dma_start3A_1147 = arith.constant 37 : i32
    %dma_start3A_1148 = arith.constant 0 : i32
    %dma_start3A_1149 = arith.constant 0 : i32
    %dma_start3A_1150 = tpu.memref_slice %arg6[%dma_start3A_1146, %dma_start3A_1148, %dma_start3A_1149] : memref<2x40x50xi32, #tpu.memory_space<vmem>> -> memref<1x40x50xi32, #tpu.memory_space<vmem>>
    %dma_start3A_1151 = tpu.memref_squeeze %dma_start3A_1150 : memref<1x40x50xi32, #tpu.memory_space<vmem>> -> memref<40x50xi32, #tpu.memory_space<vmem>>
    %dma_start3A_1152 = arith.constant 0 : i32
    %dma_start3A_1153 = tpu.memref_slice %dma_start3A_1151[%dma_start3A_1147, %dma_start3A_1152] : memref<40x50xi32, #tpu.memory_space<vmem>> -> memref<1x50xi32, #tpu.memory_space<vmem>>
    %dma_start3A_1154 = tpu.memref_squeeze %dma_start3A_1153 : memref<1x50xi32, #tpu.memory_space<vmem>> -> memref<50xi32, #tpu.memory_space<vmem>>
    %dma_start3A_1155 = arith.constant 0 : i32
    %dma_start3A_1156 = arith.constant 0 : i32
    %dma_start3A_1157 = tpu.memref_slice %arg11[%dma_start3A_1155, %dma_start3A_1156] : memref<10112x128xf32, #tpu.memory_space<vmem_shared>> -> memref<10112x128xf32, #tpu.memory_space<vmem_shared>>
    tpu.enqueue_indirect_dma source(%arg8 : memref<50x128xf32, #tpu.memory_space<vmem>>) target(%dma_start3A_1157 : memref<10112x128xf32, #tpu.memory_space<vmem_shared>>) offsets(%dma_start3A_1154 : memref<50xi32, #tpu.memory_space<vmem>>) semaphore(%arg17 : memref<!tpu.dma_semaphore, #tpu.memory_space<semaphore_mem>>) {add = true}
    %dma_wait3A_1158 = arith.constant 1 : i32
    %dma_wait3A_1159 = arith.constant 38 : i32
    %dma_wait3A_1160 = arith.constant 0 : i32
    %dma_wait3A_1161 = arith.constant 0 : i32
    %dma_wait3A_1162 = tpu.memref_slice %arg5[%dma_wait3A_1158, %dma_wait3A_1160, %dma_wait3A_1161] : memref<2x40x50xi32, #tpu.memory_space<vmem>> -> memref<1x40x50xi32, #tpu.memory_space<vmem>>
    %dma_wait3A_1163 = tpu.memref_squeeze %dma_wait3A_1162 : memref<1x40x50xi32, #tpu.memory_space<vmem>> -> memref<40x50xi32, #tpu.memory_space<vmem>>
    %dma_wait3A_1164 = arith.constant 0 : i32
    %dma_wait3A_1165 = tpu.memref_slice %dma_wait3A_1163[%dma_wait3A_1159, %dma_wait3A_1164] : memref<40x50xi32, #tpu.memory_space<vmem>> -> memref<1x50xi32, #tpu.memory_space<vmem>>
    %dma_wait3A_1166 = tpu.memref_squeeze %dma_wait3A_1165 : memref<1x50xi32, #tpu.memory_space<vmem>> -> memref<50xi32, #tpu.memory_space<vmem>>
    %dma_wait3A_1167 = arith.constant 0 : i32
    %dma_wait3A_1168 = arith.constant 0 : i32
    %dma_wait3A_1169 = tpu.memref_slice %arg2[%dma_wait3A_1167, %dma_wait3A_1168] : memref<10000x128xf32, #tpu.memory_space<hbm>> -> memref<10000x128xf32, #tpu.memory_space<hbm>>
    tpu.wait_indirect_dma semaphore(%arg14 : memref<!tpu.dma_semaphore, #tpu.memory_space<semaphore_mem>>) src(%dma_wait3A_1169 : memref<10000x128xf32, #tpu.memory_space<hbm>>) dst(%arg9 : memref<50x128xf32, #tpu.memory_space<vmem>>)
    %dma_start3A_1170 = arith.constant 1 : i32
    %dma_start3A_1171 = arith.constant 38 : i32
    %dma_start3A_1172 = arith.constant 0 : i32
    %dma_start3A_1173 = arith.constant 0 : i32
    %dma_start3A_1174 = tpu.memref_slice %arg6[%dma_start3A_1170, %dma_start3A_1172, %dma_start3A_1173] : memref<2x40x50xi32, #tpu.memory_space<vmem>> -> memref<1x40x50xi32, #tpu.memory_space<vmem>>
    %dma_start3A_1175 = tpu.memref_squeeze %dma_start3A_1174 : memref<1x40x50xi32, #tpu.memory_space<vmem>> -> memref<40x50xi32, #tpu.memory_space<vmem>>
    %dma_start3A_1176 = arith.constant 0 : i32
    %dma_start3A_1177 = tpu.memref_slice %dma_start3A_1175[%dma_start3A_1171, %dma_start3A_1176] : memref<40x50xi32, #tpu.memory_space<vmem>> -> memref<1x50xi32, #tpu.memory_space<vmem>>
    %dma_start3A_1178 = tpu.memref_squeeze %dma_start3A_1177 : memref<1x50xi32, #tpu.memory_space<vmem>> -> memref<50xi32, #tpu.memory_space<vmem>>
    %dma_start3A_1179 = arith.constant 0 : i32
    %dma_start3A_1180 = arith.constant 0 : i32
    %dma_start3A_1181 = tpu.memref_slice %arg11[%dma_start3A_1179, %dma_start3A_1180] : memref<10112x128xf32, #tpu.memory_space<vmem_shared>> -> memref<10112x128xf32, #tpu.memory_space<vmem_shared>>
    tpu.enqueue_indirect_dma source(%arg9 : memref<50x128xf32, #tpu.memory_space<vmem>>) target(%dma_start3A_1181 : memref<10112x128xf32, #tpu.memory_space<vmem_shared>>) offsets(%dma_start3A_1178 : memref<50xi32, #tpu.memory_space<vmem>>) semaphore(%arg18 : memref<!tpu.dma_semaphore, #tpu.memory_space<semaphore_mem>>) {add = true}
    %dma_wait3A_1182 = arith.constant 1 : i32
    %dma_wait3A_1183 = arith.constant 39 : i32
    %dma_wait3A_1184 = arith.constant 0 : i32
    %dma_wait3A_1185 = arith.constant 0 : i32
    %dma_wait3A_1186 = tpu.memref_slice %arg5[%dma_wait3A_1182, %dma_wait3A_1184, %dma_wait3A_1185] : memref<2x40x50xi32, #tpu.memory_space<vmem>> -> memref<1x40x50xi32, #tpu.memory_space<vmem>>
    %dma_wait3A_1187 = tpu.memref_squeeze %dma_wait3A_1186 : memref<1x40x50xi32, #tpu.memory_space<vmem>> -> memref<40x50xi32, #tpu.memory_space<vmem>>
    %dma_wait3A_1188 = arith.constant 0 : i32
    %dma_wait3A_1189 = tpu.memref_slice %dma_wait3A_1187[%dma_wait3A_1183, %dma_wait3A_1188] : memref<40x50xi32, #tpu.memory_space<vmem>> -> memref<1x50xi32, #tpu.memory_space<vmem>>
    %dma_wait3A_1190 = tpu.memref_squeeze %dma_wait3A_1189 : memref<1x50xi32, #tpu.memory_space<vmem>> -> memref<50xi32, #tpu.memory_space<vmem>>
    %dma_wait3A_1191 = arith.constant 0 : i32
    %dma_wait3A_1192 = arith.constant 0 : i32
    %dma_wait3A_1193 = tpu.memref_slice %arg2[%dma_wait3A_1191, %dma_wait3A_1192] : memref<10000x128xf32, #tpu.memory_space<hbm>> -> memref<10000x128xf32, #tpu.memory_space<hbm>>
    tpu.wait_indirect_dma semaphore(%arg15 : memref<!tpu.dma_semaphore, #tpu.memory_space<semaphore_mem>>) src(%dma_wait3A_1193 : memref<10000x128xf32, #tpu.memory_space<hbm>>) dst(%arg10 : memref<50x128xf32, #tpu.memory_space<vmem>>)
    %dma_start3A_1194 = arith.constant 1 : i32
    %dma_start3A_1195 = arith.constant 39 : i32
    %dma_start3A_1196 = arith.constant 0 : i32
    %dma_start3A_1197 = arith.constant 0 : i32
    %dma_start3A_1198 = tpu.memref_slice %arg6[%dma_start3A_1194, %dma_start3A_1196, %dma_start3A_1197] : memref<2x40x50xi32, #tpu.memory_space<vmem>> -> memref<1x40x50xi32, #tpu.memory_space<vmem>>
    %dma_start3A_1199 = tpu.memref_squeeze %dma_start3A_1198 : memref<1x40x50xi32, #tpu.memory_space<vmem>> -> memref<40x50xi32, #tpu.memory_space<vmem>>
    %dma_start3A_1200 = arith.constant 0 : i32
    %dma_start3A_1201 = tpu.memref_slice %dma_start3A_1199[%dma_start3A_1195, %dma_start3A_1200] : memref<40x50xi32, #tpu.memory_space<vmem>> -> memref<1x50xi32, #tpu.memory_space<vmem>>
    %dma_start3A_1202 = tpu.memref_squeeze %dma_start3A_1201 : memref<1x50xi32, #tpu.memory_space<vmem>> -> memref<50xi32, #tpu.memory_space<vmem>>
    %dma_start3A_1203 = arith.constant 0 : i32
    %dma_start3A_1204 = arith.constant 0 : i32
    %dma_start3A_1205 = tpu.memref_slice %arg11[%dma_start3A_1203, %dma_start3A_1204] : memref<10112x128xf32, #tpu.memory_space<vmem_shared>> -> memref<10112x128xf32, #tpu.memory_space<vmem_shared>>
    tpu.enqueue_indirect_dma source(%arg10 : memref<50x128xf32, #tpu.memory_space<vmem>>) target(%dma_start3A_1205 : memref<10112x128xf32, #tpu.memory_space<vmem_shared>>) offsets(%dma_start3A_1202 : memref<50xi32, #tpu.memory_space<vmem>>) semaphore(%arg19 : memref<!tpu.dma_semaphore, #tpu.memory_space<semaphore_mem>>) {add = true}
    %dma_wait3A_1206 = arith.constant 1 : i32
    %dma_wait3A_1207 = arith.constant 36 : i32
    %dma_wait3A_1208 = arith.constant 0 : i32
    %dma_wait3A_1209 = arith.constant 0 : i32
    %dma_wait3A_1210 = tpu.memref_slice %arg6[%dma_wait3A_1206, %dma_wait3A_1208, %dma_wait3A_1209] : memref<2x40x50xi32, #tpu.memory_space<vmem>> -> memref<1x40x50xi32, #tpu.memory_space<vmem>>
    %dma_wait3A_1211 = tpu.memref_squeeze %dma_wait3A_1210 : memref<1x40x50xi32, #tpu.memory_space<vmem>> -> memref<40x50xi32, #tpu.memory_space<vmem>>
    %dma_wait3A_1212 = arith.constant 0 : i32
    %dma_wait3A_1213 = tpu.memref_slice %dma_wait3A_1211[%dma_wait3A_1207, %dma_wait3A_1212] : memref<40x50xi32, #tpu.memory_space<vmem>> -> memref<1x50xi32, #tpu.memory_space<vmem>>
    %dma_wait3A_1214 = tpu.memref_squeeze %dma_wait3A_1213 : memref<1x50xi32, #tpu.memory_space<vmem>> -> memref<50xi32, #tpu.memory_space<vmem>>
    %dma_wait3A_1215 = arith.constant 0 : i32
    %dma_wait3A_1216 = arith.constant 0 : i32
    %dma_wait3A_1217 = tpu.memref_slice %arg11[%dma_wait3A_1215, %dma_wait3A_1216] : memref<10112x128xf32, #tpu.memory_space<vmem_shared>> -> memref<10112x128xf32, #tpu.memory_space<vmem_shared>>
    tpu.wait_indirect_dma semaphore(%arg16 : memref<!tpu.dma_semaphore, #tpu.memory_space<semaphore_mem>>) src(%arg7 : memref<50x128xf32, #tpu.memory_space<vmem>>) dst(%dma_wait3A_1217 : memref<10112x128xf32, #tpu.memory_space<vmem_shared>>)
    %dma_wait3A_1218 = arith.constant 1 : i32
    %dma_wait3A_1219 = arith.constant 37 : i32
    %dma_wait3A_1220 = arith.constant 0 : i32
    %dma_wait3A_1221 = arith.constant 0 : i32
    %dma_wait3A_1222 = tpu.memref_slice %arg6[%dma_wait3A_1218, %dma_wait3A_1220, %dma_wait3A_1221] : memref<2x40x50xi32, #tpu.memory_space<vmem>> -> memref<1x40x50xi32, #tpu.memory_space<vmem>>
    %dma_wait3A_1223 = tpu.memref_squeeze %dma_wait3A_1222 : memref<1x40x50xi32, #tpu.memory_space<vmem>> -> memref<40x50xi32, #tpu.memory_space<vmem>>
    %dma_wait3A_1224 = arith.constant 0 : i32
    %dma_wait3A_1225 = tpu.memref_slice %dma_wait3A_1223[%dma_wait3A_1219, %dma_wait3A_1224] : memref<40x50xi32, #tpu.memory_space<vmem>> -> memref<1x50xi32, #tpu.memory_space<vmem>>
    %dma_wait3A_1226 = tpu.memref_squeeze %dma_wait3A_1225 : memref<1x50xi32, #tpu.memory_space<vmem>> -> memref<50xi32, #tpu.memory_space<vmem>>
    %dma_wait3A_1227 = arith.constant 0 : i32
    %dma_wait3A_1228 = arith.constant 0 : i32
    %dma_wait3A_1229 = tpu.memref_slice %arg11[%dma_wait3A_1227, %dma_wait3A_1228] : memref<10112x128xf32, #tpu.memory_space<vmem_shared>> -> memref<10112x128xf32, #tpu.memory_space<vmem_shared>>
    tpu.wait_indirect_dma semaphore(%arg17 : memref<!tpu.dma_semaphore, #tpu.memory_space<semaphore_mem>>) src(%arg8 : memref<50x128xf32, #tpu.memory_space<vmem>>) dst(%dma_wait3A_1229 : memref<10112x128xf32, #tpu.memory_space<vmem_shared>>)
    %dma_wait3A_1230 = arith.constant 1 : i32
    %dma_wait3A_1231 = arith.constant 38 : i32
    %dma_wait3A_1232 = arith.constant 0 : i32
    %dma_wait3A_1233 = arith.constant 0 : i32
    %dma_wait3A_1234 = tpu.memref_slice %arg6[%dma_wait3A_1230, %dma_wait3A_1232, %dma_wait3A_1233] : memref<2x40x50xi32, #tpu.memory_space<vmem>> -> memref<1x40x50xi32, #tpu.memory_space<vmem>>
    %dma_wait3A_1235 = tpu.memref_squeeze %dma_wait3A_1234 : memref<1x40x50xi32, #tpu.memory_space<vmem>> -> memref<40x50xi32, #tpu.memory_space<vmem>>
    %dma_wait3A_1236 = arith.constant 0 : i32
    %dma_wait3A_1237 = tpu.memref_slice %dma_wait3A_1235[%dma_wait3A_1231, %dma_wait3A_1236] : memref<40x50xi32, #tpu.memory_space<vmem>> -> memref<1x50xi32, #tpu.memory_space<vmem>>
    %dma_wait3A_1238 = tpu.memref_squeeze %dma_wait3A_1237 : memref<1x50xi32, #tpu.memory_space<vmem>> -> memref<50xi32, #tpu.memory_space<vmem>>
    %dma_wait3A_1239 = arith.constant 0 : i32
    %dma_wait3A_1240 = arith.constant 0 : i32
    %dma_wait3A_1241 = tpu.memref_slice %arg11[%dma_wait3A_1239, %dma_wait3A_1240] : memref<10112x128xf32, #tpu.memory_space<vmem_shared>> -> memref<10112x128xf32, #tpu.memory_space<vmem_shared>>
    tpu.wait_indirect_dma semaphore(%arg18 : memref<!tpu.dma_semaphore, #tpu.memory_space<semaphore_mem>>) src(%arg9 : memref<50x128xf32, #tpu.memory_space<vmem>>) dst(%dma_wait3A_1241 : memref<10112x128xf32, #tpu.memory_space<vmem_shared>>)
    %dma_wait3A_1242 = arith.constant 1 : i32
    %dma_wait3A_1243 = arith.constant 39 : i32
    %dma_wait3A_1244 = arith.constant 0 : i32
    %dma_wait3A_1245 = arith.constant 0 : i32
    %dma_wait3A_1246 = tpu.memref_slice %arg6[%dma_wait3A_1242, %dma_wait3A_1244, %dma_wait3A_1245] : memref<2x40x50xi32, #tpu.memory_space<vmem>> -> memref<1x40x50xi32, #tpu.memory_space<vmem>>
    %dma_wait3A_1247 = tpu.memref_squeeze %dma_wait3A_1246 : memref<1x40x50xi32, #tpu.memory_space<vmem>> -> memref<40x50xi32, #tpu.memory_space<vmem>>
    %dma_wait3A_1248 = arith.constant 0 : i32
    %dma_wait3A_1249 = tpu.memref_slice %dma_wait3A_1247[%dma_wait3A_1243, %dma_wait3A_1248] : memref<40x50xi32, #tpu.memory_space<vmem>> -> memref<1x50xi32, #tpu.memory_space<vmem>>
    %dma_wait3A_1250 = tpu.memref_squeeze %dma_wait3A_1249 : memref<1x50xi32, #tpu.memory_space<vmem>> -> memref<50xi32, #tpu.memory_space<vmem>>
    %dma_wait3A_1251 = arith.constant 0 : i32
    %dma_wait3A_1252 = arith.constant 0 : i32
    %dma_wait3A_1253 = tpu.memref_slice %arg11[%dma_wait3A_1251, %dma_wait3A_1252] : memref<10112x128xf32, #tpu.memory_space<vmem_shared>> -> memref<10112x128xf32, #tpu.memory_space<vmem_shared>>
    tpu.wait_indirect_dma semaphore(%arg19 : memref<!tpu.dma_semaphore, #tpu.memory_space<semaphore_mem>>) src(%arg10 : memref<50x128xf32, #tpu.memory_space<vmem>>) dst(%dma_wait3A_1253 : memref<10112x128xf32, #tpu.memory_space<vmem_shared>>)
    %add3A_1254 = arith.constant 160 : i32
    %add3A_1255 = arith.addi %mul3A_2, %add3A_1254 : i32
    %dma_wait3A_1256 = arith.constant 0 : i32
    %dma_wait3A_1257 = arith.constant 0 : i32
    %dma_wait3A_1258 = arith.constant 0 : i32
    %dma_wait3A_1259 = arith.constant 0 : i32
    %dma_wait3A_1260 = tpu.memref_slice %arg5[%dma_wait3A_1257, %dma_wait3A_1258, %dma_wait3A_1259] : memref<2x40x50xi32, #tpu.memory_space<vmem>> -> memref<1x40x50xi32, #tpu.memory_space<vmem>>
    %dma_wait3A_1261 = tpu.memref_squeeze %dma_wait3A_1260 : memref<1x40x50xi32, #tpu.memory_space<vmem>> -> memref<40x50xi32, #tpu.memory_space<vmem>>
    %dma_wait3A_1262 = arith.constant 0 : i32
    %dma_wait3A_1263 = tpu.memref_slice %arg3[%dma_wait3A_1256, %add3A_1255, %dma_wait3A_1262] : memref<2x6400x50xi32, #tpu.memory_space<hbm>> -> memref<1x40x50xi32, #tpu.memory_space<hbm>>
    %dma_wait3A_1264 = tpu.memref_squeeze %dma_wait3A_1263 : memref<1x40x50xi32, #tpu.memory_space<hbm>> -> memref<40x50xi32, #tpu.memory_space<hbm>>
    %dma_wait3A_1265 = arith.constant 0 : i32
    %dma_wait3A_1266 = arith.constant 0 : i32
    %dma_wait3A_1267 = tpu.memref_slice %arg5[%dma_wait3A_1257, %dma_wait3A_1265, %dma_wait3A_1266] : memref<2x40x50xi32, #tpu.memory_space<vmem>> -> memref<1x40x50xi32, #tpu.memory_space<vmem>>
    %dma_wait3A_1268 = tpu.memref_squeeze %dma_wait3A_1267 : memref<1x40x50xi32, #tpu.memory_space<vmem>> -> memref<40x50xi32, #tpu.memory_space<vmem>>
    %dma_wait3A_1269 = arith.constant 0 : i32
    %dma_wait3A_1270 = tpu.memref_slice %arg3[%dma_wait3A_1256, %add3A_1255, %dma_wait3A_1269] : memref<2x6400x50xi32, #tpu.memory_space<hbm>> -> memref<1x40x50xi32, #tpu.memory_space<hbm>>
    %dma_wait3A_1271 = tpu.memref_squeeze %dma_wait3A_1270 : memref<1x40x50xi32, #tpu.memory_space<hbm>> -> memref<40x50xi32, #tpu.memory_space<hbm>>
    tpu.wait_dma2 semaphore(%arg20 : memref<!tpu.dma_semaphore, #tpu.memory_space<semaphore_mem>>) src(%dma_wait3A_1271 : memref<40x50xi32, #tpu.memory_space<hbm>>) dst(%dma_wait3A_1268 : memref<40x50xi32, #tpu.memory_space<vmem>>)
    %dma_wait3A_1272 = arith.constant 1 : i32
    %dma_wait3A_1273 = arith.constant 0 : i32
    %dma_wait3A_1274 = arith.constant 0 : i32
    %dma_wait3A_1275 = arith.constant 0 : i32
    %dma_wait3A_1276 = tpu.memref_slice %arg6[%dma_wait3A_1273, %dma_wait3A_1274, %dma_wait3A_1275] : memref<2x40x50xi32, #tpu.memory_space<vmem>> -> memref<1x40x50xi32, #tpu.memory_space<vmem>>
    %dma_wait3A_1277 = tpu.memref_squeeze %dma_wait3A_1276 : memref<1x40x50xi32, #tpu.memory_space<vmem>> -> memref<40x50xi32, #tpu.memory_space<vmem>>
    %dma_wait3A_1278 = arith.constant 0 : i32
    %dma_wait3A_1279 = tpu.memref_slice %arg3[%dma_wait3A_1272, %add3A_1255, %dma_wait3A_1278] : memref<2x6400x50xi32, #tpu.memory_space<hbm>> -> memref<1x40x50xi32, #tpu.memory_space<hbm>>
    %dma_wait3A_1280 = tpu.memref_squeeze %dma_wait3A_1279 : memref<1x40x50xi32, #tpu.memory_space<hbm>> -> memref<40x50xi32, #tpu.memory_space<hbm>>
    %dma_wait3A_1281 = arith.constant 0 : i32
    %dma_wait3A_1282 = arith.constant 0 : i32
    %dma_wait3A_1283 = tpu.memref_slice %arg6[%dma_wait3A_1273, %dma_wait3A_1281, %dma_wait3A_1282] : memref<2x40x50xi32, #tpu.memory_space<vmem>> -> memref<1x40x50xi32, #tpu.memory_space<vmem>>
    %dma_wait3A_1284 = tpu.memref_squeeze %dma_wait3A_1283 : memref<1x40x50xi32, #tpu.memory_space<vmem>> -> memref<40x50xi32, #tpu.memory_space<vmem>>
    %dma_wait3A_1285 = arith.constant 0 : i32
    %dma_wait3A_1286 = tpu.memref_slice %arg3[%dma_wait3A_1272, %add3A_1255, %dma_wait3A_1285] : memref<2x6400x50xi32, #tpu.memory_space<hbm>> -> memref<1x40x50xi32, #tpu.memory_space<hbm>>
    %dma_wait3A_1287 = tpu.memref_squeeze %dma_wait3A_1286 : memref<1x40x50xi32, #tpu.memory_space<hbm>> -> memref<40x50xi32, #tpu.memory_space<hbm>>
    tpu.wait_dma2 semaphore(%arg20 : memref<!tpu.dma_semaphore, #tpu.memory_space<semaphore_mem>>) src(%dma_wait3A_1287 : memref<40x50xi32, #tpu.memory_space<hbm>>) dst(%dma_wait3A_1284 : memref<40x50xi32, #tpu.memory_space<vmem>>)
    %dma_start3A_1288 = arith.constant 0 : i32
    %dma_start3A_1289 = arith.constant 0 : i32
    %dma_start3A_1290 = arith.constant 0 : i32
    %dma_start3A_1291 = arith.constant 0 : i32
    %dma_start3A_1292 = tpu.memref_slice %arg5[%dma_start3A_1288, %dma_start3A_1290, %dma_start3A_1291] : memref<2x40x50xi32, #tpu.memory_space<vmem>> -> memref<1x40x50xi32, #tpu.memory_space<vmem>>
    %dma_start3A_1293 = tpu.memref_squeeze %dma_start3A_1292 : memref<1x40x50xi32, #tpu.memory_space<vmem>> -> memref<40x50xi32, #tpu.memory_space<vmem>>
    %dma_start3A_1294 = arith.constant 0 : i32
    %dma_start3A_1295 = tpu.memref_slice %dma_start3A_1293[%dma_start3A_1289, %dma_start3A_1294] : memref<40x50xi32, #tpu.memory_space<vmem>> -> memref<1x50xi32, #tpu.memory_space<vmem>>
    %dma_start3A_1296 = tpu.memref_squeeze %dma_start3A_1295 : memref<1x50xi32, #tpu.memory_space<vmem>> -> memref<50xi32, #tpu.memory_space<vmem>>
    %dma_start3A_1297 = arith.constant 0 : i32
    %dma_start3A_1298 = arith.constant 0 : i32
    %dma_start3A_1299 = tpu.memref_slice %arg2[%dma_start3A_1297, %dma_start3A_1298] : memref<10000x128xf32, #tpu.memory_space<hbm>> -> memref<10000x128xf32, #tpu.memory_space<hbm>>
    tpu.enqueue_indirect_dma source(%dma_start3A_1299 : memref<10000x128xf32, #tpu.memory_space<hbm>>) target(%arg7 : memref<50x128xf32, #tpu.memory_space<vmem>>) offsets(%dma_start3A_1296 : memref<50xi32, #tpu.memory_space<vmem>>) semaphore(%arg12 : memref<!tpu.dma_semaphore, #tpu.memory_space<semaphore_mem>>)
    %dma_start3A_1300 = arith.constant 0 : i32
    %dma_start3A_1301 = arith.constant 1 : i32
    %dma_start3A_1302 = arith.constant 0 : i32
    %dma_start3A_1303 = arith.constant 0 : i32
    %dma_start3A_1304 = tpu.memref_slice %arg5[%dma_start3A_1300, %dma_start3A_1302, %dma_start3A_1303] : memref<2x40x50xi32, #tpu.memory_space<vmem>> -> memref<1x40x50xi32, #tpu.memory_space<vmem>>
    %dma_start3A_1305 = tpu.memref_squeeze %dma_start3A_1304 : memref<1x40x50xi32, #tpu.memory_space<vmem>> -> memref<40x50xi32, #tpu.memory_space<vmem>>
    %dma_start3A_1306 = arith.constant 0 : i32
    %dma_start3A_1307 = tpu.memref_slice %dma_start3A_1305[%dma_start3A_1301, %dma_start3A_1306] : memref<40x50xi32, #tpu.memory_space<vmem>> -> memref<1x50xi32, #tpu.memory_space<vmem>>
    %dma_start3A_1308 = tpu.memref_squeeze %dma_start3A_1307 : memref<1x50xi32, #tpu.memory_space<vmem>> -> memref<50xi32, #tpu.memory_space<vmem>>
    %dma_start3A_1309 = arith.constant 0 : i32
    %dma_start3A_1310 = arith.constant 0 : i32
    %dma_start3A_1311 = tpu.memref_slice %arg2[%dma_start3A_1309, %dma_start3A_1310] : memref<10000x128xf32, #tpu.memory_space<hbm>> -> memref<10000x128xf32, #tpu.memory_space<hbm>>
    tpu.enqueue_indirect_dma source(%dma_start3A_1311 : memref<10000x128xf32, #tpu.memory_space<hbm>>) target(%arg8 : memref<50x128xf32, #tpu.memory_space<vmem>>) offsets(%dma_start3A_1308 : memref<50xi32, #tpu.memory_space<vmem>>) semaphore(%arg13 : memref<!tpu.dma_semaphore, #tpu.memory_space<semaphore_mem>>)
    %dma_start3A_1312 = arith.constant 0 : i32
    %dma_start3A_1313 = arith.constant 2 : i32
    %dma_start3A_1314 = arith.constant 0 : i32
    %dma_start3A_1315 = arith.constant 0 : i32
    %dma_start3A_1316 = tpu.memref_slice %arg5[%dma_start3A_1312, %dma_start3A_1314, %dma_start3A_1315] : memref<2x40x50xi32, #tpu.memory_space<vmem>> -> memref<1x40x50xi32, #tpu.memory_space<vmem>>
    %dma_start3A_1317 = tpu.memref_squeeze %dma_start3A_1316 : memref<1x40x50xi32, #tpu.memory_space<vmem>> -> memref<40x50xi32, #tpu.memory_space<vmem>>
    %dma_start3A_1318 = arith.constant 0 : i32
    %dma_start3A_1319 = tpu.memref_slice %dma_start3A_1317[%dma_start3A_1313, %dma_start3A_1318] : memref<40x50xi32, #tpu.memory_space<vmem>> -> memref<1x50xi32, #tpu.memory_space<vmem>>
    %dma_start3A_1320 = tpu.memref_squeeze %dma_start3A_1319 : memref<1x50xi32, #tpu.memory_space<vmem>> -> memref<50xi32, #tpu.memory_space<vmem>>
    %dma_start3A_1321 = arith.constant 0 : i32
    %dma_start3A_1322 = arith.constant 0 : i32
    %dma_start3A_1323 = tpu.memref_slice %arg2[%dma_start3A_1321, %dma_start3A_1322] : memref<10000x128xf32, #tpu.memory_space<hbm>> -> memref<10000x128xf32, #tpu.memory_space<hbm>>
    tpu.enqueue_indirect_dma source(%dma_start3A_1323 : memref<10000x128xf32, #tpu.memory_space<hbm>>) target(%arg9 : memref<50x128xf32, #tpu.memory_space<vmem>>) offsets(%dma_start3A_1320 : memref<50xi32, #tpu.memory_space<vmem>>) semaphore(%arg14 : memref<!tpu.dma_semaphore, #tpu.memory_space<semaphore_mem>>)
    %dma_start3A_1324 = arith.constant 0 : i32
    %dma_start3A_1325 = arith.constant 3 : i32
    %dma_start3A_1326 = arith.constant 0 : i32
    %dma_start3A_1327 = arith.constant 0 : i32
    %dma_start3A_1328 = tpu.memref_slice %arg5[%dma_start3A_1324, %dma_start3A_1326, %dma_start3A_1327] : memref<2x40x50xi32, #tpu.memory_space<vmem>> -> memref<1x40x50xi32, #tpu.memory_space<vmem>>
    %dma_start3A_1329 = tpu.memref_squeeze %dma_start3A_1328 : memref<1x40x50xi32, #tpu.memory_space<vmem>> -> memref<40x50xi32, #tpu.memory_space<vmem>>
    %dma_start3A_1330 = arith.constant 0 : i32
    %dma_start3A_1331 = tpu.memref_slice %dma_start3A_1329[%dma_start3A_1325, %dma_start3A_1330] : memref<40x50xi32, #tpu.memory_space<vmem>> -> memref<1x50xi32, #tpu.memory_space<vmem>>
    %dma_start3A_1332 = tpu.memref_squeeze %dma_start3A_1331 : memref<1x50xi32, #tpu.memory_space<vmem>> -> memref<50xi32, #tpu.memory_space<vmem>>
    %dma_start3A_1333 = arith.constant 0 : i32
    %dma_start3A_1334 = arith.constant 0 : i32
    %dma_start3A_1335 = tpu.memref_slice %arg2[%dma_start3A_1333, %dma_start3A_1334] : memref<10000x128xf32, #tpu.memory_space<hbm>> -> memref<10000x128xf32, #tpu.memory_space<hbm>>
    tpu.enqueue_indirect_dma source(%dma_start3A_1335 : memref<10000x128xf32, #tpu.memory_space<hbm>>) target(%arg10 : memref<50x128xf32, #tpu.memory_space<vmem>>) offsets(%dma_start3A_1332 : memref<50xi32, #tpu.memory_space<vmem>>) semaphore(%arg15 : memref<!tpu.dma_semaphore, #tpu.memory_space<semaphore_mem>>)
    %scan3A_1336 = arith.constant 0 : i32
    %scan3A_1337 = arith.constant 0 : i32
    %scan3A_1338 = arith.constant 0 : i32
    %scan3A_1339 = arith.constant 1 : i32
    %scan3A_1340 = arith.constant 9 : i32
    %scan3A_1341 = arith.addi %scan3A_1339, %scan3A_1340 : i32
    %scan3A_1342 = arith.constant 1 : i32
    scf.for %scan3A_1489 = %scan3A_1339 to %scan3A_1341 step %scan3A_1342  : i32 {
      %sub3A = arith.constant 1 : i32
      %sub3A_1490 = arith.subi %scan3A_1489, %sub3A : i32
      %mul3A_1491 = arith.constant 4 : i32
      %mul3A_1492 = arith.muli %sub3A_1490, %mul3A_1491 : i32
      %add3A_1493 = arith.constant 0 : i32
      %add3A_1494 = arith.addi %mul3A_1492, %add3A_1493 : i32
      %dma_wait3A_1495 = arith.constant 0 : i32
      %dma_wait3A_1496 = arith.constant 0 : i32
      %dma_wait3A_1497 = tpu.memref_slice %arg5[%scan3A_1337, %dma_wait3A_1495, %dma_wait3A_1496] : memref<2x40x50xi32, #tpu.memory_space<vmem>> -> memref<1x40x50xi32, #tpu.memory_space<vmem>>
      %dma_wait3A_1498 = tpu.memref_squeeze %dma_wait3A_1497 : memref<1x40x50xi32, #tpu.memory_space<vmem>> -> memref<40x50xi32, #tpu.memory_space<vmem>>
      %dma_wait3A_1499 = arith.constant 0 : i32
      %dma_wait3A_1500 = tpu.memref_slice %dma_wait3A_1498[%add3A_1494, %dma_wait3A_1499] : memref<40x50xi32, #tpu.memory_space<vmem>> -> memref<1x50xi32, #tpu.memory_space<vmem>>
      %dma_wait3A_1501 = tpu.memref_squeeze %dma_wait3A_1500 : memref<1x50xi32, #tpu.memory_space<vmem>> -> memref<50xi32, #tpu.memory_space<vmem>>
      %dma_wait3A_1502 = arith.constant 0 : i32
      %dma_wait3A_1503 = arith.constant 0 : i32
      %dma_wait3A_1504 = tpu.memref_slice %arg2[%dma_wait3A_1502, %dma_wait3A_1503] : memref<10000x128xf32, #tpu.memory_space<hbm>> -> memref<10000x128xf32, #tpu.memory_space<hbm>>
      tpu.wait_indirect_dma semaphore(%arg12 : memref<!tpu.dma_semaphore, #tpu.memory_space<semaphore_mem>>) src(%dma_wait3A_1504 : memref<10000x128xf32, #tpu.memory_space<hbm>>) dst(%arg7 : memref<50x128xf32, #tpu.memory_space<vmem>>)
      %add3A_1505 = arith.constant 0 : i32
      %add3A_1506 = arith.addi %mul3A_1492, %add3A_1505 : i32
      %dma_start3A_1507 = arith.constant 0 : i32
      %dma_start3A_1508 = arith.constant 0 : i32
      %dma_start3A_1509 = tpu.memref_slice %arg6[%scan3A_1338, %dma_start3A_1507, %dma_start3A_1508] : memref<2x40x50xi32, #tpu.memory_space<vmem>> -> memref<1x40x50xi32, #tpu.memory_space<vmem>>
      %dma_start3A_1510 = tpu.memref_squeeze %dma_start3A_1509 : memref<1x40x50xi32, #tpu.memory_space<vmem>> -> memref<40x50xi32, #tpu.memory_space<vmem>>
      %dma_start3A_1511 = arith.constant 0 : i32
      %dma_start3A_1512 = tpu.memref_slice %dma_start3A_1510[%add3A_1506, %dma_start3A_1511] : memref<40x50xi32, #tpu.memory_space<vmem>> -> memref<1x50xi32, #tpu.memory_space<vmem>>
      %dma_start3A_1513 = tpu.memref_squeeze %dma_start3A_1512 : memref<1x50xi32, #tpu.memory_space<vmem>> -> memref<50xi32, #tpu.memory_space<vmem>>
      %dma_start3A_1514 = arith.constant 0 : i32
      %dma_start3A_1515 = arith.constant 0 : i32
      %dma_start3A_1516 = tpu.memref_slice %arg11[%dma_start3A_1514, %dma_start3A_1515] : memref<10112x128xf32, #tpu.memory_space<vmem_shared>> -> memref<10112x128xf32, #tpu.memory_space<vmem_shared>>
      tpu.enqueue_indirect_dma source(%arg7 : memref<50x128xf32, #tpu.memory_space<vmem>>) target(%dma_start3A_1516 : memref<10112x128xf32, #tpu.memory_space<vmem_shared>>) offsets(%dma_start3A_1513 : memref<50xi32, #tpu.memory_space<vmem>>) semaphore(%arg16 : memref<!tpu.dma_semaphore, #tpu.memory_space<semaphore_mem>>) {add = true}
      %add3A_1517 = arith.constant 1 : i32
      %add3A_1518 = arith.addi %mul3A_1492, %add3A_1517 : i32
      %dma_wait3A_1519 = arith.constant 0 : i32
      %dma_wait3A_1520 = arith.constant 0 : i32
      %dma_wait3A_1521 = tpu.memref_slice %arg5[%scan3A_1337, %dma_wait3A_1519, %dma_wait3A_1520] : memref<2x40x50xi32, #tpu.memory_space<vmem>> -> memref<1x40x50xi32, #tpu.memory_space<vmem>>
      %dma_wait3A_1522 = tpu.memref_squeeze %dma_wait3A_1521 : memref<1x40x50xi32, #tpu.memory_space<vmem>> -> memref<40x50xi32, #tpu.memory_space<vmem>>
      %dma_wait3A_1523 = arith.constant 0 : i32
      %dma_wait3A_1524 = tpu.memref_slice %dma_wait3A_1522[%add3A_1518, %dma_wait3A_1523] : memref<40x50xi32, #tpu.memory_space<vmem>> -> memref<1x50xi32, #tpu.memory_space<vmem>>
      %dma_wait3A_1525 = tpu.memref_squeeze %dma_wait3A_1524 : memref<1x50xi32, #tpu.memory_space<vmem>> -> memref<50xi32, #tpu.memory_space<vmem>>
      %dma_wait3A_1526 = arith.constant 0 : i32
      %dma_wait3A_1527 = arith.constant 0 : i32
      %dma_wait3A_1528 = tpu.memref_slice %arg2[%dma_wait3A_1526, %dma_wait3A_1527] : memref<10000x128xf32, #tpu.memory_space<hbm>> -> memref<10000x128xf32, #tpu.memory_space<hbm>>
      tpu.wait_indirect_dma semaphore(%arg13 : memref<!tpu.dma_semaphore, #tpu.memory_space<semaphore_mem>>) src(%dma_wait3A_1528 : memref<10000x128xf32, #tpu.memory_space<hbm>>) dst(%arg8 : memref<50x128xf32, #tpu.memory_space<vmem>>)
      %add3A_1529 = arith.constant 1 : i32
      %add3A_1530 = arith.addi %mul3A_1492, %add3A_1529 : i32
      %dma_start3A_1531 = arith.constant 0 : i32
      %dma_start3A_1532 = arith.constant 0 : i32
      %dma_start3A_1533 = tpu.memref_slice %arg6[%scan3A_1338, %dma_start3A_1531, %dma_start3A_1532] : memref<2x40x50xi32, #tpu.memory_space<vmem>> -> memref<1x40x50xi32, #tpu.memory_space<vmem>>
      %dma_start3A_1534 = tpu.memref_squeeze %dma_start3A_1533 : memref<1x40x50xi32, #tpu.memory_space<vmem>> -> memref<40x50xi32, #tpu.memory_space<vmem>>
      %dma_start3A_1535 = arith.constant 0 : i32
      %dma_start3A_1536 = tpu.memref_slice %dma_start3A_1534[%add3A_1530, %dma_start3A_1535] : memref<40x50xi32, #tpu.memory_space<vmem>> -> memref<1x50xi32, #tpu.memory_space<vmem>>
      %dma_start3A_1537 = tpu.memref_squeeze %dma_start3A_1536 : memref<1x50xi32, #tpu.memory_space<vmem>> -> memref<50xi32, #tpu.memory_space<vmem>>
      %dma_start3A_1538 = arith.constant 0 : i32
      %dma_start3A_1539 = arith.constant 0 : i32
      %dma_start3A_1540 = tpu.memref_slice %arg11[%dma_start3A_1538, %dma_start3A_1539] : memref<10112x128xf32, #tpu.memory_space<vmem_shared>> -> memref<10112x128xf32, #tpu.memory_space<vmem_shared>>
      tpu.enqueue_indirect_dma source(%arg8 : memref<50x128xf32, #tpu.memory_space<vmem>>) target(%dma_start3A_1540 : memref<10112x128xf32, #tpu.memory_space<vmem_shared>>) offsets(%dma_start3A_1537 : memref<50xi32, #tpu.memory_space<vmem>>) semaphore(%arg17 : memref<!tpu.dma_semaphore, #tpu.memory_space<semaphore_mem>>) {add = true}
      %add3A_1541 = arith.constant 2 : i32
      %add3A_1542 = arith.addi %mul3A_1492, %add3A_1541 : i32
      %dma_wait3A_1543 = arith.constant 0 : i32
      %dma_wait3A_1544 = arith.constant 0 : i32
      %dma_wait3A_1545 = tpu.memref_slice %arg5[%scan3A_1337, %dma_wait3A_1543, %dma_wait3A_1544] : memref<2x40x50xi32, #tpu.memory_space<vmem>> -> memref<1x40x50xi32, #tpu.memory_space<vmem>>
      %dma_wait3A_1546 = tpu.memref_squeeze %dma_wait3A_1545 : memref<1x40x50xi32, #tpu.memory_space<vmem>> -> memref<40x50xi32, #tpu.memory_space<vmem>>
      %dma_wait3A_1547 = arith.constant 0 : i32
      %dma_wait3A_1548 = tpu.memref_slice %dma_wait3A_1546[%add3A_1542, %dma_wait3A_1547] : memref<40x50xi32, #tpu.memory_space<vmem>> -> memref<1x50xi32, #tpu.memory_space<vmem>>
      %dma_wait3A_1549 = tpu.memref_squeeze %dma_wait3A_1548 : memref<1x50xi32, #tpu.memory_space<vmem>> -> memref<50xi32, #tpu.memory_space<vmem>>
      %dma_wait3A_1550 = arith.constant 0 : i32
      %dma_wait3A_1551 = arith.constant 0 : i32
      %dma_wait3A_1552 = tpu.memref_slice %arg2[%dma_wait3A_1550, %dma_wait3A_1551] : memref<10000x128xf32, #tpu.memory_space<hbm>> -> memref<10000x128xf32, #tpu.memory_space<hbm>>
      tpu.wait_indirect_dma semaphore(%arg14 : memref<!tpu.dma_semaphore, #tpu.memory_space<semaphore_mem>>) src(%dma_wait3A_1552 : memref<10000x128xf32, #tpu.memory_space<hbm>>) dst(%arg9 : memref<50x128xf32, #tpu.memory_space<vmem>>)
      %add3A_1553 = arith.constant 2 : i32
      %add3A_1554 = arith.addi %mul3A_1492, %add3A_1553 : i32
      %dma_start3A_1555 = arith.constant 0 : i32
      %dma_start3A_1556 = arith.constant 0 : i32
      %dma_start3A_1557 = tpu.memref_slice %arg6[%scan3A_1338, %dma_start3A_1555, %dma_start3A_1556] : memref<2x40x50xi32, #tpu.memory_space<vmem>> -> memref<1x40x50xi32, #tpu.memory_space<vmem>>
      %dma_start3A_1558 = tpu.memref_squeeze %dma_start3A_1557 : memref<1x40x50xi32, #tpu.memory_space<vmem>> -> memref<40x50xi32, #tpu.memory_space<vmem>>
      %dma_start3A_1559 = arith.constant 0 : i32
      %dma_start3A_1560 = tpu.memref_slice %dma_start3A_1558[%add3A_1554, %dma_start3A_1559] : memref<40x50xi32, #tpu.memory_space<vmem>> -> memref<1x50xi32, #tpu.memory_space<vmem>>
      %dma_start3A_1561 = tpu.memref_squeeze %dma_start3A_1560 : memref<1x50xi32, #tpu.memory_space<vmem>> -> memref<50xi32, #tpu.memory_space<vmem>>
      %dma_start3A_1562 = arith.constant 0 : i32
      %dma_start3A_1563 = arith.constant 0 : i32
      %dma_start3A_1564 = tpu.memref_slice %arg11[%dma_start3A_1562, %dma_start3A_1563] : memref<10112x128xf32, #tpu.memory_space<vmem_shared>> -> memref<10112x128xf32, #tpu.memory_space<vmem_shared>>
      tpu.enqueue_indirect_dma source(%arg9 : memref<50x128xf32, #tpu.memory_space<vmem>>) target(%dma_start3A_1564 : memref<10112x128xf32, #tpu.memory_space<vmem_shared>>) offsets(%dma_start3A_1561 : memref<50xi32, #tpu.memory_space<vmem>>) semaphore(%arg18 : memref<!tpu.dma_semaphore, #tpu.memory_space<semaphore_mem>>) {add = true}
      %add3A_1565 = arith.constant 3 : i32
      %add3A_1566 = arith.addi %mul3A_1492, %add3A_1565 : i32
      %dma_wait3A_1567 = arith.constant 0 : i32
      %dma_wait3A_1568 = arith.constant 0 : i32
      %dma_wait3A_1569 = tpu.memref_slice %arg5[%scan3A_1337, %dma_wait3A_1567, %dma_wait3A_1568] : memref<2x40x50xi32, #tpu.memory_space<vmem>> -> memref<1x40x50xi32, #tpu.memory_space<vmem>>
      %dma_wait3A_1570 = tpu.memref_squeeze %dma_wait3A_1569 : memref<1x40x50xi32, #tpu.memory_space<vmem>> -> memref<40x50xi32, #tpu.memory_space<vmem>>
      %dma_wait3A_1571 = arith.constant 0 : i32
      %dma_wait3A_1572 = tpu.memref_slice %dma_wait3A_1570[%add3A_1566, %dma_wait3A_1571] : memref<40x50xi32, #tpu.memory_space<vmem>> -> memref<1x50xi32, #tpu.memory_space<vmem>>
      %dma_wait3A_1573 = tpu.memref_squeeze %dma_wait3A_1572 : memref<1x50xi32, #tpu.memory_space<vmem>> -> memref<50xi32, #tpu.memory_space<vmem>>
      %dma_wait3A_1574 = arith.constant 0 : i32
      %dma_wait3A_1575 = arith.constant 0 : i32
      %dma_wait3A_1576 = tpu.memref_slice %arg2[%dma_wait3A_1574, %dma_wait3A_1575] : memref<10000x128xf32, #tpu.memory_space<hbm>> -> memref<10000x128xf32, #tpu.memory_space<hbm>>
      tpu.wait_indirect_dma semaphore(%arg15 : memref<!tpu.dma_semaphore, #tpu.memory_space<semaphore_mem>>) src(%dma_wait3A_1576 : memref<10000x128xf32, #tpu.memory_space<hbm>>) dst(%arg10 : memref<50x128xf32, #tpu.memory_space<vmem>>)
      %add3A_1577 = arith.constant 3 : i32
      %add3A_1578 = arith.addi %mul3A_1492, %add3A_1577 : i32
      %dma_start3A_1579 = arith.constant 0 : i32
      %dma_start3A_1580 = arith.constant 0 : i32
      %dma_start3A_1581 = tpu.memref_slice %arg6[%scan3A_1338, %dma_start3A_1579, %dma_start3A_1580] : memref<2x40x50xi32, #tpu.memory_space<vmem>> -> memref<1x40x50xi32, #tpu.memory_space<vmem>>
      %dma_start3A_1582 = tpu.memref_squeeze %dma_start3A_1581 : memref<1x40x50xi32, #tpu.memory_space<vmem>> -> memref<40x50xi32, #tpu.memory_space<vmem>>
      %dma_start3A_1583 = arith.constant 0 : i32
      %dma_start3A_1584 = tpu.memref_slice %dma_start3A_1582[%add3A_1578, %dma_start3A_1583] : memref<40x50xi32, #tpu.memory_space<vmem>> -> memref<1x50xi32, #tpu.memory_space<vmem>>
      %dma_start3A_1585 = tpu.memref_squeeze %dma_start3A_1584 : memref<1x50xi32, #tpu.memory_space<vmem>> -> memref<50xi32, #tpu.memory_space<vmem>>
      %dma_start3A_1586 = arith.constant 0 : i32
      %dma_start3A_1587 = arith.constant 0 : i32
      %dma_start3A_1588 = tpu.memref_slice %arg11[%dma_start3A_1586, %dma_start3A_1587] : memref<10112x128xf32, #tpu.memory_space<vmem_shared>> -> memref<10112x128xf32, #tpu.memory_space<vmem_shared>>
      tpu.enqueue_indirect_dma source(%arg10 : memref<50x128xf32, #tpu.memory_space<vmem>>) target(%dma_start3A_1588 : memref<10112x128xf32, #tpu.memory_space<vmem_shared>>) offsets(%dma_start3A_1585 : memref<50xi32, #tpu.memory_space<vmem>>) semaphore(%arg19 : memref<!tpu.dma_semaphore, #tpu.memory_space<semaphore_mem>>) {add = true}
      %dma_wait3A_1589 = arith.constant 0 : i32
      %dma_wait3A_1590 = arith.constant 0 : i32
      %dma_wait3A_1591 = tpu.memref_slice %arg6[%scan3A_1338, %dma_wait3A_1589, %dma_wait3A_1590] : memref<2x40x50xi32, #tpu.memory_space<vmem>> -> memref<1x40x50xi32, #tpu.memory_space<vmem>>
      %dma_wait3A_1592 = tpu.memref_squeeze %dma_wait3A_1591 : memref<1x40x50xi32, #tpu.memory_space<vmem>> -> memref<40x50xi32, #tpu.memory_space<vmem>>
      %dma_wait3A_1593 = arith.constant 0 : i32
      %dma_wait3A_1594 = tpu.memref_slice %dma_wait3A_1592[%add3A_1506, %dma_wait3A_1593] : memref<40x50xi32, #tpu.memory_space<vmem>> -> memref<1x50xi32, #tpu.memory_space<vmem>>
      %dma_wait3A_1595 = tpu.memref_squeeze %dma_wait3A_1594 : memref<1x50xi32, #tpu.memory_space<vmem>> -> memref<50xi32, #tpu.memory_space<vmem>>
      %dma_wait3A_1596 = arith.constant 0 : i32
      %dma_wait3A_1597 = arith.constant 0 : i32
      %dma_wait3A_1598 = tpu.memref_slice %arg11[%dma_wait3A_1596, %dma_wait3A_1597] : memref<10112x128xf32, #tpu.memory_space<vmem_shared>> -> memref<10112x128xf32, #tpu.memory_space<vmem_shared>>
      tpu.wait_indirect_dma semaphore(%arg16 : memref<!tpu.dma_semaphore, #tpu.memory_space<semaphore_mem>>) src(%arg7 : memref<50x128xf32, #tpu.memory_space<vmem>>) dst(%dma_wait3A_1598 : memref<10112x128xf32, #tpu.memory_space<vmem_shared>>)
      %mul3A_1599 = arith.constant 4 : i32
      %mul3A_1600 = arith.muli %scan3A_1489, %mul3A_1599 : i32
      %add3A_1601 = arith.constant 0 : i32
      %add3A_1602 = arith.addi %mul3A_1600, %add3A_1601 : i32
      %dma_start3A_1603 = arith.constant 0 : i32
      %dma_start3A_1604 = arith.constant 0 : i32
      %dma_start3A_1605 = tpu.memref_slice %arg5[%scan3A_1337, %dma_start3A_1603, %dma_start3A_1604] : memref<2x40x50xi32, #tpu.memory_space<vmem>> -> memref<1x40x50xi32, #tpu.memory_space<vmem>>
      %dma_start3A_1606 = tpu.memref_squeeze %dma_start3A_1605 : memref<1x40x50xi32, #tpu.memory_space<vmem>> -> memref<40x50xi32, #tpu.memory_space<vmem>>
      %dma_start3A_1607 = arith.constant 0 : i32
      %dma_start3A_1608 = tpu.memref_slice %dma_start3A_1606[%add3A_1602, %dma_start3A_1607] : memref<40x50xi32, #tpu.memory_space<vmem>> -> memref<1x50xi32, #tpu.memory_space<vmem>>
      %dma_start3A_1609 = tpu.memref_squeeze %dma_start3A_1608 : memref<1x50xi32, #tpu.memory_space<vmem>> -> memref<50xi32, #tpu.memory_space<vmem>>
      %dma_start3A_1610 = arith.constant 0 : i32
      %dma_start3A_1611 = arith.constant 0 : i32
      %dma_start3A_1612 = tpu.memref_slice %arg2[%dma_start3A_1610, %dma_start3A_1611] : memref<10000x128xf32, #tpu.memory_space<hbm>> -> memref<10000x128xf32, #tpu.memory_space<hbm>>
      tpu.enqueue_indirect_dma source(%dma_start3A_1612 : memref<10000x128xf32, #tpu.memory_space<hbm>>) target(%arg7 : memref<50x128xf32, #tpu.memory_space<vmem>>) offsets(%dma_start3A_1609 : memref<50xi32, #tpu.memory_space<vmem>>) semaphore(%arg12 : memref<!tpu.dma_semaphore, #tpu.memory_space<semaphore_mem>>)
      %dma_wait3A_1613 = arith.constant 0 : i32
      %dma_wait3A_1614 = arith.constant 0 : i32
      %dma_wait3A_1615 = tpu.memref_slice %arg6[%scan3A_1338, %dma_wait3A_1613, %dma_wait3A_1614] : memref<2x40x50xi32, #tpu.memory_space<vmem>> -> memref<1x40x50xi32, #tpu.memory_space<vmem>>
      %dma_wait3A_1616 = tpu.memref_squeeze %dma_wait3A_1615 : memref<1x40x50xi32, #tpu.memory_space<vmem>> -> memref<40x50xi32, #tpu.memory_space<vmem>>
      %dma_wait3A_1617 = arith.constant 0 : i32
      %dma_wait3A_1618 = tpu.memref_slice %dma_wait3A_1616[%add3A_1530, %dma_wait3A_1617] : memref<40x50xi32, #tpu.memory_space<vmem>> -> memref<1x50xi32, #tpu.memory_space<vmem>>
      %dma_wait3A_1619 = tpu.memref_squeeze %dma_wait3A_1618 : memref<1x50xi32, #tpu.memory_space<vmem>> -> memref<50xi32, #tpu.memory_space<vmem>>
      %dma_wait3A_1620 = arith.constant 0 : i32
      %dma_wait3A_1621 = arith.constant 0 : i32
      %dma_wait3A_1622 = tpu.memref_slice %arg11[%dma_wait3A_1620, %dma_wait3A_1621] : memref<10112x128xf32, #tpu.memory_space<vmem_shared>> -> memref<10112x128xf32, #tpu.memory_space<vmem_shared>>
      tpu.wait_indirect_dma semaphore(%arg17 : memref<!tpu.dma_semaphore, #tpu.memory_space<semaphore_mem>>) src(%arg8 : memref<50x128xf32, #tpu.memory_space<vmem>>) dst(%dma_wait3A_1622 : memref<10112x128xf32, #tpu.memory_space<vmem_shared>>)
      %mul3A_1623 = arith.constant 4 : i32
      %mul3A_1624 = arith.muli %scan3A_1489, %mul3A_1623 : i32
      %add3A_1625 = arith.constant 1 : i32
      %add3A_1626 = arith.addi %mul3A_1624, %add3A_1625 : i32
      %dma_start3A_1627 = arith.constant 0 : i32
      %dma_start3A_1628 = arith.constant 0 : i32
      %dma_start3A_1629 = tpu.memref_slice %arg5[%scan3A_1337, %dma_start3A_1627, %dma_start3A_1628] : memref<2x40x50xi32, #tpu.memory_space<vmem>> -> memref<1x40x50xi32, #tpu.memory_space<vmem>>
      %dma_start3A_1630 = tpu.memref_squeeze %dma_start3A_1629 : memref<1x40x50xi32, #tpu.memory_space<vmem>> -> memref<40x50xi32, #tpu.memory_space<vmem>>
      %dma_start3A_1631 = arith.constant 0 : i32
      %dma_start3A_1632 = tpu.memref_slice %dma_start3A_1630[%add3A_1626, %dma_start3A_1631] : memref<40x50xi32, #tpu.memory_space<vmem>> -> memref<1x50xi32, #tpu.memory_space<vmem>>
      %dma_start3A_1633 = tpu.memref_squeeze %dma_start3A_1632 : memref<1x50xi32, #tpu.memory_space<vmem>> -> memref<50xi32, #tpu.memory_space<vmem>>
      %dma_start3A_1634 = arith.constant 0 : i32
      %dma_start3A_1635 = arith.constant 0 : i32
      %dma_start3A_1636 = tpu.memref_slice %arg2[%dma_start3A_1634, %dma_start3A_1635] : memref<10000x128xf32, #tpu.memory_space<hbm>> -> memref<10000x128xf32, #tpu.memory_space<hbm>>
      tpu.enqueue_indirect_dma source(%dma_start3A_1636 : memref<10000x128xf32, #tpu.memory_space<hbm>>) target(%arg8 : memref<50x128xf32, #tpu.memory_space<vmem>>) offsets(%dma_start3A_1633 : memref<50xi32, #tpu.memory_space<vmem>>) semaphore(%arg13 : memref<!tpu.dma_semaphore, #tpu.memory_space<semaphore_mem>>)
      %dma_wait3A_1637 = arith.constant 0 : i32
      %dma_wait3A_1638 = arith.constant 0 : i32
      %dma_wait3A_1639 = tpu.memref_slice %arg6[%scan3A_1338, %dma_wait3A_1637, %dma_wait3A_1638] : memref<2x40x50xi32, #tpu.memory_space<vmem>> -> memref<1x40x50xi32, #tpu.memory_space<vmem>>
      %dma_wait3A_1640 = tpu.memref_squeeze %dma_wait3A_1639 : memref<1x40x50xi32, #tpu.memory_space<vmem>> -> memref<40x50xi32, #tpu.memory_space<vmem>>
      %dma_wait3A_1641 = arith.constant 0 : i32
      %dma_wait3A_1642 = tpu.memref_slice %dma_wait3A_1640[%add3A_1554, %dma_wait3A_1641] : memref<40x50xi32, #tpu.memory_space<vmem>> -> memref<1x50xi32, #tpu.memory_space<vmem>>
      %dma_wait3A_1643 = tpu.memref_squeeze %dma_wait3A_1642 : memref<1x50xi32, #tpu.memory_space<vmem>> -> memref<50xi32, #tpu.memory_space<vmem>>
      %dma_wait3A_1644 = arith.constant 0 : i32
      %dma_wait3A_1645 = arith.constant 0 : i32
      %dma_wait3A_1646 = tpu.memref_slice %arg11[%dma_wait3A_1644, %dma_wait3A_1645] : memref<10112x128xf32, #tpu.memory_space<vmem_shared>> -> memref<10112x128xf32, #tpu.memory_space<vmem_shared>>
      tpu.wait_indirect_dma semaphore(%arg18 : memref<!tpu.dma_semaphore, #tpu.memory_space<semaphore_mem>>) src(%arg9 : memref<50x128xf32, #tpu.memory_space<vmem>>) dst(%dma_wait3A_1646 : memref<10112x128xf32, #tpu.memory_space<vmem_shared>>)
      %mul3A_1647 = arith.constant 4 : i32
      %mul3A_1648 = arith.muli %scan3A_1489, %mul3A_1647 : i32
      %add3A_1649 = arith.constant 2 : i32
      %add3A_1650 = arith.addi %mul3A_1648, %add3A_1649 : i32
      %dma_start3A_1651 = arith.constant 0 : i32
      %dma_start3A_1652 = arith.constant 0 : i32
      %dma_start3A_1653 = tpu.memref_slice %arg5[%scan3A_1337, %dma_start3A_1651, %dma_start3A_1652] : memref<2x40x50xi32, #tpu.memory_space<vmem>> -> memref<1x40x50xi32, #tpu.memory_space<vmem>>
      %dma_start3A_1654 = tpu.memref_squeeze %dma_start3A_1653 : memref<1x40x50xi32, #tpu.memory_space<vmem>> -> memref<40x50xi32, #tpu.memory_space<vmem>>
      %dma_start3A_1655 = arith.constant 0 : i32
      %dma_start3A_1656 = tpu.memref_slice %dma_start3A_1654[%add3A_1650, %dma_start3A_1655] : memref<40x50xi32, #tpu.memory_space<vmem>> -> memref<1x50xi32, #tpu.memory_space<vmem>>
      %dma_start3A_1657 = tpu.memref_squeeze %dma_start3A_1656 : memref<1x50xi32, #tpu.memory_space<vmem>> -> memref<50xi32, #tpu.memory_space<vmem>>
      %dma_start3A_1658 = arith.constant 0 : i32
      %dma_start3A_1659 = arith.constant 0 : i32
      %dma_start3A_1660 = tpu.memref_slice %arg2[%dma_start3A_1658, %dma_start3A_1659] : memref<10000x128xf32, #tpu.memory_space<hbm>> -> memref<10000x128xf32, #tpu.memory_space<hbm>>
      tpu.enqueue_indirect_dma source(%dma_start3A_1660 : memref<10000x128xf32, #tpu.memory_space<hbm>>) target(%arg9 : memref<50x128xf32, #tpu.memory_space<vmem>>) offsets(%dma_start3A_1657 : memref<50xi32, #tpu.memory_space<vmem>>) semaphore(%arg14 : memref<!tpu.dma_semaphore, #tpu.memory_space<semaphore_mem>>)
      %dma_wait3A_1661 = arith.constant 0 : i32
      %dma_wait3A_1662 = arith.constant 0 : i32
      %dma_wait3A_1663 = tpu.memref_slice %arg6[%scan3A_1338, %dma_wait3A_1661, %dma_wait3A_1662] : memref<2x40x50xi32, #tpu.memory_space<vmem>> -> memref<1x40x50xi32, #tpu.memory_space<vmem>>
      %dma_wait3A_1664 = tpu.memref_squeeze %dma_wait3A_1663 : memref<1x40x50xi32, #tpu.memory_space<vmem>> -> memref<40x50xi32, #tpu.memory_space<vmem>>
      %dma_wait3A_1665 = arith.constant 0 : i32
      %dma_wait3A_1666 = tpu.memref_slice %dma_wait3A_1664[%add3A_1578, %dma_wait3A_1665] : memref<40x50xi32, #tpu.memory_space<vmem>> -> memref<1x50xi32, #tpu.memory_space<vmem>>
      %dma_wait3A_1667 = tpu.memref_squeeze %dma_wait3A_1666 : memref<1x50xi32, #tpu.memory_space<vmem>> -> memref<50xi32, #tpu.memory_space<vmem>>
      %dma_wait3A_1668 = arith.constant 0 : i32
      %dma_wait3A_1669 = arith.constant 0 : i32
      %dma_wait3A_1670 = tpu.memref_slice %arg11[%dma_wait3A_1668, %dma_wait3A_1669] : memref<10112x128xf32, #tpu.memory_space<vmem_shared>> -> memref<10112x128xf32, #tpu.memory_space<vmem_shared>>
      tpu.wait_indirect_dma semaphore(%arg19 : memref<!tpu.dma_semaphore, #tpu.memory_space<semaphore_mem>>) src(%arg10 : memref<50x128xf32, #tpu.memory_space<vmem>>) dst(%dma_wait3A_1670 : memref<10112x128xf32, #tpu.memory_space<vmem_shared>>)
      %mul3A_1671 = arith.constant 4 : i32
      %mul3A_1672 = arith.muli %scan3A_1489, %mul3A_1671 : i32
      %add3A_1673 = arith.constant 3 : i32
      %add3A_1674 = arith.addi %mul3A_1672, %add3A_1673 : i32
      %dma_start3A_1675 = arith.constant 0 : i32
      %dma_start3A_1676 = arith.constant 0 : i32
      %dma_start3A_1677 = tpu.memref_slice %arg5[%scan3A_1337, %dma_start3A_1675, %dma_start3A_1676] : memref<2x40x50xi32, #tpu.memory_space<vmem>> -> memref<1x40x50xi32, #tpu.memory_space<vmem>>
      %dma_start3A_1678 = tpu.memref_squeeze %dma_start3A_1677 : memref<1x40x50xi32, #tpu.memory_space<vmem>> -> memref<40x50xi32, #tpu.memory_space<vmem>>
      %dma_start3A_1679 = arith.constant 0 : i32
      %dma_start3A_1680 = tpu.memref_slice %dma_start3A_1678[%add3A_1674, %dma_start3A_1679] : memref<40x50xi32, #tpu.memory_space<vmem>> -> memref<1x50xi32, #tpu.memory_space<vmem>>
      %dma_start3A_1681 = tpu.memref_squeeze %dma_start3A_1680 : memref<1x50xi32, #tpu.memory_space<vmem>> -> memref<50xi32, #tpu.memory_space<vmem>>
      %dma_start3A_1682 = arith.constant 0 : i32
      %dma_start3A_1683 = arith.constant 0 : i32
      %dma_start3A_1684 = tpu.memref_slice %arg2[%dma_start3A_1682, %dma_start3A_1683] : memref<10000x128xf32, #tpu.memory_space<hbm>> -> memref<10000x128xf32, #tpu.memory_space<hbm>>
      tpu.enqueue_indirect_dma source(%dma_start3A_1684 : memref<10000x128xf32, #tpu.memory_space<hbm>>) target(%arg10 : memref<50x128xf32, #tpu.memory_space<vmem>>) offsets(%dma_start3A_1681 : memref<50xi32, #tpu.memory_space<vmem>>) semaphore(%arg15 : memref<!tpu.dma_semaphore, #tpu.memory_space<semaphore_mem>>)
    }
    %scan3A_1343 = arith.constant 9 : i32
    %dma_wait3A_1344 = arith.constant 0 : i32
    %dma_wait3A_1345 = arith.constant 36 : i32
    %dma_wait3A_1346 = arith.constant 0 : i32
    %dma_wait3A_1347 = arith.constant 0 : i32
    %dma_wait3A_1348 = tpu.memref_slice %arg5[%dma_wait3A_1344, %dma_wait3A_1346, %dma_wait3A_1347] : memref<2x40x50xi32, #tpu.memory_space<vmem>> -> memref<1x40x50xi32, #tpu.memory_space<vmem>>
    %dma_wait3A_1349 = tpu.memref_squeeze %dma_wait3A_1348 : memref<1x40x50xi32, #tpu.memory_space<vmem>> -> memref<40x50xi32, #tpu.memory_space<vmem>>
    %dma_wait3A_1350 = arith.constant 0 : i32
    %dma_wait3A_1351 = tpu.memref_slice %dma_wait3A_1349[%dma_wait3A_1345, %dma_wait3A_1350] : memref<40x50xi32, #tpu.memory_space<vmem>> -> memref<1x50xi32, #tpu.memory_space<vmem>>
    %dma_wait3A_1352 = tpu.memref_squeeze %dma_wait3A_1351 : memref<1x50xi32, #tpu.memory_space<vmem>> -> memref<50xi32, #tpu.memory_space<vmem>>
    %dma_wait3A_1353 = arith.constant 0 : i32
    %dma_wait3A_1354 = arith.constant 0 : i32
    %dma_wait3A_1355 = tpu.memref_slice %arg2[%dma_wait3A_1353, %dma_wait3A_1354] : memref<10000x128xf32, #tpu.memory_space<hbm>> -> memref<10000x128xf32, #tpu.memory_space<hbm>>
    tpu.wait_indirect_dma semaphore(%arg12 : memref<!tpu.dma_semaphore, #tpu.memory_space<semaphore_mem>>) src(%dma_wait3A_1355 : memref<10000x128xf32, #tpu.memory_space<hbm>>) dst(%arg7 : memref<50x128xf32, #tpu.memory_space<vmem>>)
    %dma_start3A_1356 = arith.constant 0 : i32
    %dma_start3A_1357 = arith.constant 36 : i32
    %dma_start3A_1358 = arith.constant 0 : i32
    %dma_start3A_1359 = arith.constant 0 : i32
    %dma_start3A_1360 = tpu.memref_slice %arg6[%dma_start3A_1356, %dma_start3A_1358, %dma_start3A_1359] : memref<2x40x50xi32, #tpu.memory_space<vmem>> -> memref<1x40x50xi32, #tpu.memory_space<vmem>>
    %dma_start3A_1361 = tpu.memref_squeeze %dma_start3A_1360 : memref<1x40x50xi32, #tpu.memory_space<vmem>> -> memref<40x50xi32, #tpu.memory_space<vmem>>
    %dma_start3A_1362 = arith.constant 0 : i32
    %dma_start3A_1363 = tpu.memref_slice %dma_start3A_1361[%dma_start3A_1357, %dma_start3A_1362] : memref<40x50xi32, #tpu.memory_space<vmem>> -> memref<1x50xi32, #tpu.memory_space<vmem>>
    %dma_start3A_1364 = tpu.memref_squeeze %dma_start3A_1363 : memref<1x50xi32, #tpu.memory_space<vmem>> -> memref<50xi32, #tpu.memory_space<vmem>>
    %dma_start3A_1365 = arith.constant 0 : i32
    %dma_start3A_1366 = arith.constant 0 : i32
    %dma_start3A_1367 = tpu.memref_slice %arg11[%dma_start3A_1365, %dma_start3A_1366] : memref<10112x128xf32, #tpu.memory_space<vmem_shared>> -> memref<10112x128xf32, #tpu.memory_space<vmem_shared>>
    tpu.enqueue_indirect_dma source(%arg7 : memref<50x128xf32, #tpu.memory_space<vmem>>) target(%dma_start3A_1367 : memref<10112x128xf32, #tpu.memory_space<vmem_shared>>) offsets(%dma_start3A_1364 : memref<50xi32, #tpu.memory_space<vmem>>) semaphore(%arg16 : memref<!tpu.dma_semaphore, #tpu.memory_space<semaphore_mem>>) {add = true}
    %dma_wait3A_1368 = arith.constant 0 : i32
    %dma_wait3A_1369 = arith.constant 37 : i32
    %dma_wait3A_1370 = arith.constant 0 : i32
    %dma_wait3A_1371 = arith.constant 0 : i32
    %dma_wait3A_1372 = tpu.memref_slice %arg5[%dma_wait3A_1368, %dma_wait3A_1370, %dma_wait3A_1371] : memref<2x40x50xi32, #tpu.memory_space<vmem>> -> memref<1x40x50xi32, #tpu.memory_space<vmem>>
    %dma_wait3A_1373 = tpu.memref_squeeze %dma_wait3A_1372 : memref<1x40x50xi32, #tpu.memory_space<vmem>> -> memref<40x50xi32, #tpu.memory_space<vmem>>
    %dma_wait3A_1374 = arith.constant 0 : i32
    %dma_wait3A_1375 = tpu.memref_slice %dma_wait3A_1373[%dma_wait3A_1369, %dma_wait3A_1374] : memref<40x50xi32, #tpu.memory_space<vmem>> -> memref<1x50xi32, #tpu.memory_space<vmem>>
    %dma_wait3A_1376 = tpu.memref_squeeze %dma_wait3A_1375 : memref<1x50xi32, #tpu.memory_space<vmem>> -> memref<50xi32, #tpu.memory_space<vmem>>
    %dma_wait3A_1377 = arith.constant 0 : i32
    %dma_wait3A_1378 = arith.constant 0 : i32
    %dma_wait3A_1379 = tpu.memref_slice %arg2[%dma_wait3A_1377, %dma_wait3A_1378] : memref<10000x128xf32, #tpu.memory_space<hbm>> -> memref<10000x128xf32, #tpu.memory_space<hbm>>
    tpu.wait_indirect_dma semaphore(%arg13 : memref<!tpu.dma_semaphore, #tpu.memory_space<semaphore_mem>>) src(%dma_wait3A_1379 : memref<10000x128xf32, #tpu.memory_space<hbm>>) dst(%arg8 : memref<50x128xf32, #tpu.memory_space<vmem>>)
    %dma_start3A_1380 = arith.constant 0 : i32
    %dma_start3A_1381 = arith.constant 37 : i32
    %dma_start3A_1382 = arith.constant 0 : i32
    %dma_start3A_1383 = arith.constant 0 : i32
    %dma_start3A_1384 = tpu.memref_slice %arg6[%dma_start3A_1380, %dma_start3A_1382, %dma_start3A_1383] : memref<2x40x50xi32, #tpu.memory_space<vmem>> -> memref<1x40x50xi32, #tpu.memory_space<vmem>>
    %dma_start3A_1385 = tpu.memref_squeeze %dma_start3A_1384 : memref<1x40x50xi32, #tpu.memory_space<vmem>> -> memref<40x50xi32, #tpu.memory_space<vmem>>
    %dma_start3A_1386 = arith.constant 0 : i32
    %dma_start3A_1387 = tpu.memref_slice %dma_start3A_1385[%dma_start3A_1381, %dma_start3A_1386] : memref<40x50xi32, #tpu.memory_space<vmem>> -> memref<1x50xi32, #tpu.memory_space<vmem>>
    %dma_start3A_1388 = tpu.memref_squeeze %dma_start3A_1387 : memref<1x50xi32, #tpu.memory_space<vmem>> -> memref<50xi32, #tpu.memory_space<vmem>>
    %dma_start3A_1389 = arith.constant 0 : i32
    %dma_start3A_1390 = arith.constant 0 : i32
    %dma_start3A_1391 = tpu.memref_slice %arg11[%dma_start3A_1389, %dma_start3A_1390] : memref<10112x128xf32, #tpu.memory_space<vmem_shared>> -> memref<10112x128xf32, #tpu.memory_space<vmem_shared>>
    tpu.enqueue_indirect_dma source(%arg8 : memref<50x128xf32, #tpu.memory_space<vmem>>) target(%dma_start3A_1391 : memref<10112x128xf32, #tpu.memory_space<vmem_shared>>) offsets(%dma_start3A_1388 : memref<50xi32, #tpu.memory_space<vmem>>) semaphore(%arg17 : memref<!tpu.dma_semaphore, #tpu.memory_space<semaphore_mem>>) {add = true}
    %dma_wait3A_1392 = arith.constant 0 : i32
    %dma_wait3A_1393 = arith.constant 38 : i32
    %dma_wait3A_1394 = arith.constant 0 : i32
    %dma_wait3A_1395 = arith.constant 0 : i32
    %dma_wait3A_1396 = tpu.memref_slice %arg5[%dma_wait3A_1392, %dma_wait3A_1394, %dma_wait3A_1395] : memref<2x40x50xi32, #tpu.memory_space<vmem>> -> memref<1x40x50xi32, #tpu.memory_space<vmem>>
    %dma_wait3A_1397 = tpu.memref_squeeze %dma_wait3A_1396 : memref<1x40x50xi32, #tpu.memory_space<vmem>> -> memref<40x50xi32, #tpu.memory_space<vmem>>
    %dma_wait3A_1398 = arith.constant 0 : i32
    %dma_wait3A_1399 = tpu.memref_slice %dma_wait3A_1397[%dma_wait3A_1393, %dma_wait3A_1398] : memref<40x50xi32, #tpu.memory_space<vmem>> -> memref<1x50xi32, #tpu.memory_space<vmem>>
    %dma_wait3A_1400 = tpu.memref_squeeze %dma_wait3A_1399 : memref<1x50xi32, #tpu.memory_space<vmem>> -> memref<50xi32, #tpu.memory_space<vmem>>
    %dma_wait3A_1401 = arith.constant 0 : i32
    %dma_wait3A_1402 = arith.constant 0 : i32
    %dma_wait3A_1403 = tpu.memref_slice %arg2[%dma_wait3A_1401, %dma_wait3A_1402] : memref<10000x128xf32, #tpu.memory_space<hbm>> -> memref<10000x128xf32, #tpu.memory_space<hbm>>
    tpu.wait_indirect_dma semaphore(%arg14 : memref<!tpu.dma_semaphore, #tpu.memory_space<semaphore_mem>>) src(%dma_wait3A_1403 : memref<10000x128xf32, #tpu.memory_space<hbm>>) dst(%arg9 : memref<50x128xf32, #tpu.memory_space<vmem>>)
    %dma_start3A_1404 = arith.constant 0 : i32
    %dma_start3A_1405 = arith.constant 38 : i32
    %dma_start3A_1406 = arith.constant 0 : i32
    %dma_start3A_1407 = arith.constant 0 : i32
    %dma_start3A_1408 = tpu.memref_slice %arg6[%dma_start3A_1404, %dma_start3A_1406, %dma_start3A_1407] : memref<2x40x50xi32, #tpu.memory_space<vmem>> -> memref<1x40x50xi32, #tpu.memory_space<vmem>>
    %dma_start3A_1409 = tpu.memref_squeeze %dma_start3A_1408 : memref<1x40x50xi32, #tpu.memory_space<vmem>> -> memref<40x50xi32, #tpu.memory_space<vmem>>
    %dma_start3A_1410 = arith.constant 0 : i32
    %dma_start3A_1411 = tpu.memref_slice %dma_start3A_1409[%dma_start3A_1405, %dma_start3A_1410] : memref<40x50xi32, #tpu.memory_space<vmem>> -> memref<1x50xi32, #tpu.memory_space<vmem>>
    %dma_start3A_1412 = tpu.memref_squeeze %dma_start3A_1411 : memref<1x50xi32, #tpu.memory_space<vmem>> -> memref<50xi32, #tpu.memory_space<vmem>>
    %dma_start3A_1413 = arith.constant 0 : i32
    %dma_start3A_1414 = arith.constant 0 : i32
    %dma_start3A_1415 = tpu.memref_slice %arg11[%dma_start3A_1413, %dma_start3A_1414] : memref<10112x128xf32, #tpu.memory_space<vmem_shared>> -> memref<10112x128xf32, #tpu.memory_space<vmem_shared>>
    tpu.enqueue_indirect_dma source(%arg9 : memref<50x128xf32, #tpu.memory_space<vmem>>) target(%dma_start3A_1415 : memref<10112x128xf32, #tpu.memory_space<vmem_shared>>) offsets(%dma_start3A_1412 : memref<50xi32, #tpu.memory_space<vmem>>) semaphore(%arg18 : memref<!tpu.dma_semaphore, #tpu.memory_space<semaphore_mem>>) {add = true}
    %dma_wait3A_1416 = arith.constant 0 : i32
    %dma_wait3A_1417 = arith.constant 39 : i32
    %dma_wait3A_1418 = arith.constant 0 : i32
    %dma_wait3A_1419 = arith.constant 0 : i32
    %dma_wait3A_1420 = tpu.memref_slice %arg5[%dma_wait3A_1416, %dma_wait3A_1418, %dma_wait3A_1419] : memref<2x40x50xi32, #tpu.memory_space<vmem>> -> memref<1x40x50xi32, #tpu.memory_space<vmem>>
    %dma_wait3A_1421 = tpu.memref_squeeze %dma_wait3A_1420 : memref<1x40x50xi32, #tpu.memory_space<vmem>> -> memref<40x50xi32, #tpu.memory_space<vmem>>
    %dma_wait3A_1422 = arith.constant 0 : i32
    %dma_wait3A_1423 = tpu.memref_slice %dma_wait3A_1421[%dma_wait3A_1417, %dma_wait3A_1422] : memref<40x50xi32, #tpu.memory_space<vmem>> -> memref<1x50xi32, #tpu.memory_space<vmem>>
    %dma_wait3A_1424 = tpu.memref_squeeze %dma_wait3A_1423 : memref<1x50xi32, #tpu.memory_space<vmem>> -> memref<50xi32, #tpu.memory_space<vmem>>
    %dma_wait3A_1425 = arith.constant 0 : i32
    %dma_wait3A_1426 = arith.constant 0 : i32
    %dma_wait3A_1427 = tpu.memref_slice %arg2[%dma_wait3A_1425, %dma_wait3A_1426] : memref<10000x128xf32, #tpu.memory_space<hbm>> -> memref<10000x128xf32, #tpu.memory_space<hbm>>
    tpu.wait_indirect_dma semaphore(%arg15 : memref<!tpu.dma_semaphore, #tpu.memory_space<semaphore_mem>>) src(%dma_wait3A_1427 : memref<10000x128xf32, #tpu.memory_space<hbm>>) dst(%arg10 : memref<50x128xf32, #tpu.memory_space<vmem>>)
    %dma_start3A_1428 = arith.constant 0 : i32
    %dma_start3A_1429 = arith.constant 39 : i32
    %dma_start3A_1430 = arith.constant 0 : i32
    %dma_start3A_1431 = arith.constant 0 : i32
    %dma_start3A_1432 = tpu.memref_slice %arg6[%dma_start3A_1428, %dma_start3A_1430, %dma_start3A_1431] : memref<2x40x50xi32, #tpu.memory_space<vmem>> -> memref<1x40x50xi32, #tpu.memory_space<vmem>>
    %dma_start3A_1433 = tpu.memref_squeeze %dma_start3A_1432 : memref<1x40x50xi32, #tpu.memory_space<vmem>> -> memref<40x50xi32, #tpu.memory_space<vmem>>
    %dma_start3A_1434 = arith.constant 0 : i32
    %dma_start3A_1435 = tpu.memref_slice %dma_start3A_1433[%dma_start3A_1429, %dma_start3A_1434] : memref<40x50xi32, #tpu.memory_space<vmem>> -> memref<1x50xi32, #tpu.memory_space<vmem>>
    %dma_start3A_1436 = tpu.memref_squeeze %dma_start3A_1435 : memref<1x50xi32, #tpu.memory_space<vmem>> -> memref<50xi32, #tpu.memory_space<vmem>>
    %dma_start3A_1437 = arith.constant 0 : i32
    %dma_start3A_1438 = arith.constant 0 : i32
    %dma_start3A_1439 = tpu.memref_slice %arg11[%dma_start3A_1437, %dma_start3A_1438] : memref<10112x128xf32, #tpu.memory_space<vmem_shared>> -> memref<10112x128xf32, #tpu.memory_space<vmem_shared>>
    tpu.enqueue_indirect_dma source(%arg10 : memref<50x128xf32, #tpu.memory_space<vmem>>) target(%dma_start3A_1439 : memref<10112x128xf32, #tpu.memory_space<vmem_shared>>) offsets(%dma_start3A_1436 : memref<50xi32, #tpu.memory_space<vmem>>) semaphore(%arg19 : memref<!tpu.dma_semaphore, #tpu.memory_space<semaphore_mem>>) {add = true}
    %dma_wait3A_1440 = arith.constant 0 : i32
    %dma_wait3A_1441 = arith.constant 36 : i32
    %dma_wait3A_1442 = arith.constant 0 : i32
    %dma_wait3A_1443 = arith.constant 0 : i32
    %dma_wait3A_1444 = tpu.memref_slice %arg6[%dma_wait3A_1440, %dma_wait3A_1442, %dma_wait3A_1443] : memref<2x40x50xi32, #tpu.memory_space<vmem>> -> memref<1x40x50xi32, #tpu.memory_space<vmem>>
    %dma_wait3A_1445 = tpu.memref_squeeze %dma_wait3A_1444 : memref<1x40x50xi32, #tpu.memory_space<vmem>> -> memref<40x50xi32, #tpu.memory_space<vmem>>
    %dma_wait3A_1446 = arith.constant 0 : i32
    %dma_wait3A_1447 = tpu.memref_slice %dma_wait3A_1445[%dma_wait3A_1441, %dma_wait3A_1446] : memref<40x50xi32, #tpu.memory_space<vmem>> -> memref<1x50xi32, #tpu.memory_space<vmem>>
    %dma_wait3A_1448 = tpu.memref_squeeze %dma_wait3A_1447 : memref<1x50xi32, #tpu.memory_space<vmem>> -> memref<50xi32, #tpu.memory_space<vmem>>
    %dma_wait3A_1449 = arith.constant 0 : i32
    %dma_wait3A_1450 = arith.constant 0 : i32
    %dma_wait3A_1451 = tpu.memref_slice %arg11[%dma_wait3A_1449, %dma_wait3A_1450] : memref<10112x128xf32, #tpu.memory_space<vmem_shared>> -> memref<10112x128xf32, #tpu.memory_space<vmem_shared>>
    tpu.wait_indirect_dma semaphore(%arg16 : memref<!tpu.dma_semaphore, #tpu.memory_space<semaphore_mem>>) src(%arg7 : memref<50x128xf32, #tpu.memory_space<vmem>>) dst(%dma_wait3A_1451 : memref<10112x128xf32, #tpu.memory_space<vmem_shared>>)
    %dma_wait3A_1452 = arith.constant 0 : i32
    %dma_wait3A_1453 = arith.constant 37 : i32
    %dma_wait3A_1454 = arith.constant 0 : i32
    %dma_wait3A_1455 = arith.constant 0 : i32
    %dma_wait3A_1456 = tpu.memref_slice %arg6[%dma_wait3A_1452, %dma_wait3A_1454, %dma_wait3A_1455] : memref<2x40x50xi32, #tpu.memory_space<vmem>> -> memref<1x40x50xi32, #tpu.memory_space<vmem>>
    %dma_wait3A_1457 = tpu.memref_squeeze %dma_wait3A_1456 : memref<1x40x50xi32, #tpu.memory_space<vmem>> -> memref<40x50xi32, #tpu.memory_space<vmem>>
    %dma_wait3A_1458 = arith.constant 0 : i32
    %dma_wait3A_1459 = tpu.memref_slice %dma_wait3A_1457[%dma_wait3A_1453, %dma_wait3A_1458] : memref<40x50xi32, #tpu.memory_space<vmem>> -> memref<1x50xi32, #tpu.memory_space<vmem>>
    %dma_wait3A_1460 = tpu.memref_squeeze %dma_wait3A_1459 : memref<1x50xi32, #tpu.memory_space<vmem>> -> memref<50xi32, #tpu.memory_space<vmem>>
    %dma_wait3A_1461 = arith.constant 0 : i32
    %dma_wait3A_1462 = arith.constant 0 : i32
    %dma_wait3A_1463 = tpu.memref_slice %arg11[%dma_wait3A_1461, %dma_wait3A_1462] : memref<10112x128xf32, #tpu.memory_space<vmem_shared>> -> memref<10112x128xf32, #tpu.memory_space<vmem_shared>>
    tpu.wait_indirect_dma semaphore(%arg17 : memref<!tpu.dma_semaphore, #tpu.memory_space<semaphore_mem>>) src(%arg8 : memref<50x128xf32, #tpu.memory_space<vmem>>) dst(%dma_wait3A_1463 : memref<10112x128xf32, #tpu.memory_space<vmem_shared>>)
    %dma_wait3A_1464 = arith.constant 0 : i32
    %dma_wait3A_1465 = arith.constant 38 : i32
    %dma_wait3A_1466 = arith.constant 0 : i32
    %dma_wait3A_1467 = arith.constant 0 : i32
    %dma_wait3A_1468 = tpu.memref_slice %arg6[%dma_wait3A_1464, %dma_wait3A_1466, %dma_wait3A_1467] : memref<2x40x50xi32, #tpu.memory_space<vmem>> -> memref<1x40x50xi32, #tpu.memory_space<vmem>>
    %dma_wait3A_1469 = tpu.memref_squeeze %dma_wait3A_1468 : memref<1x40x50xi32, #tpu.memory_space<vmem>> -> memref<40x50xi32, #tpu.memory_space<vmem>>
    %dma_wait3A_1470 = arith.constant 0 : i32
    %dma_wait3A_1471 = tpu.memref_slice %dma_wait3A_1469[%dma_wait3A_1465, %dma_wait3A_1470] : memref<40x50xi32, #tpu.memory_space<vmem>> -> memref<1x50xi32, #tpu.memory_space<vmem>>
    %dma_wait3A_1472 = tpu.memref_squeeze %dma_wait3A_1471 : memref<1x50xi32, #tpu.memory_space<vmem>> -> memref<50xi32, #tpu.memory_space<vmem>>
    %dma_wait3A_1473 = arith.constant 0 : i32
    %dma_wait3A_1474 = arith.constant 0 : i32
    %dma_wait3A_1475 = tpu.memref_slice %arg11[%dma_wait3A_1473, %dma_wait3A_1474] : memref<10112x128xf32, #tpu.memory_space<vmem_shared>> -> memref<10112x128xf32, #tpu.memory_space<vmem_shared>>
    tpu.wait_indirect_dma semaphore(%arg18 : memref<!tpu.dma_semaphore, #tpu.memory_space<semaphore_mem>>) src(%arg9 : memref<50x128xf32, #tpu.memory_space<vmem>>) dst(%dma_wait3A_1475 : memref<10112x128xf32, #tpu.memory_space<vmem_shared>>)
    %dma_wait3A_1476 = arith.constant 0 : i32
    %dma_wait3A_1477 = arith.constant 39 : i32
    %dma_wait3A_1478 = arith.constant 0 : i32
    %dma_wait3A_1479 = arith.constant 0 : i32
    %dma_wait3A_1480 = tpu.memref_slice %arg6[%dma_wait3A_1476, %dma_wait3A_1478, %dma_wait3A_1479] : memref<2x40x50xi32, #tpu.memory_space<vmem>> -> memref<1x40x50xi32, #tpu.memory_space<vmem>>
    %dma_wait3A_1481 = tpu.memref_squeeze %dma_wait3A_1480 : memref<1x40x50xi32, #tpu.memory_space<vmem>> -> memref<40x50xi32, #tpu.memory_space<vmem>>
    %dma_wait3A_1482 = arith.constant 0 : i32
    %dma_wait3A_1483 = tpu.memref_slice %dma_wait3A_1481[%dma_wait3A_1477, %dma_wait3A_1482] : memref<40x50xi32, #tpu.memory_space<vmem>> -> memref<1x50xi32, #tpu.memory_space<vmem>>
    %dma_wait3A_1484 = tpu.memref_squeeze %dma_wait3A_1483 : memref<1x50xi32, #tpu.memory_space<vmem>> -> memref<50xi32, #tpu.memory_space<vmem>>
    %dma_wait3A_1485 = arith.constant 0 : i32
    %dma_wait3A_1486 = arith.constant 0 : i32
    %dma_wait3A_1487 = tpu.memref_slice %arg11[%dma_wait3A_1485, %dma_wait3A_1486] : memref<10112x128xf32, #tpu.memory_space<vmem_shared>> -> memref<10112x128xf32, #tpu.memory_space<vmem_shared>>
    tpu.wait_indirect_dma semaphore(%arg19 : memref<!tpu.dma_semaphore, #tpu.memory_space<semaphore_mem>>) src(%arg10 : memref<50x128xf32, #tpu.memory_space<vmem>>) dst(%dma_wait3A_1487 : memref<10112x128xf32, #tpu.memory_space<vmem_shared>>)
    %barrier3A_1488 = arith.constant 0 : index
    tpu.barrier barrier_id(%barrier3A_1488)
    "tpu.region"() ({
      %run_scoped3A = tpu.sem_alloc : memref<!tpu.dma_semaphore, #tpu.memory_space<semaphore_mem>>
      %dma_start3A_1489 = arith.constant 0 : i32
      %dma_start3A_1490 = tpu.memref_slice %arg4[%arg0, %mul3A_40, %dma_start3A_1489] : memref<2x10112x128xf32, #tpu.memory_space<hbm>> -> memref<1x632x128xf32, #tpu.memory_space<hbm>>
      %dma_start3A_1491 = tpu.memref_squeeze %dma_start3A_1490 : memref<1x632x128xf32, #tpu.memory_space<hbm>> -> memref<632x128xf32, #tpu.memory_space<hbm>>
      %dma_start3A_1492 = arith.constant 0 : i32
      %dma_start3A_1493 = tpu.memref_slice %arg11[%mul3A_40, %dma_start3A_1492] : memref<10112x128xf32, #tpu.memory_space<vmem_shared>> -> memref<632x128xf32, #tpu.memory_space<vmem_shared>>
      tpu.enqueue_dma source(%dma_start3A_1493 : memref<632x128xf32, #tpu.memory_space<vmem_shared>>) target(%dma_start3A_1491 : memref<632x128xf32, #tpu.memory_space<hbm>>) target_semaphore(%run_scoped3A : memref<!tpu.dma_semaphore, #tpu.memory_space<semaphore_mem>>)
      %dma_wait3A_1494 = arith.constant 0 : i32
      %dma_wait3A_1495 = tpu.memref_slice %arg4[%arg0, %mul3A_40, %dma_wait3A_1494] : memref<2x10112x128xf32, #tpu.memory_space<hbm>> -> memref<1x632x128xf32, #tpu.memory_space<hbm>>
      %dma_wait3A_1496 = tpu.memref_squeeze %dma_wait3A_1495 : memref<1x632x128xf32, #tpu.memory_space<hbm>> -> memref<632x128xf32, #tpu.memory_space<hbm>>
      %dma_wait3A_1497 = arith.constant 0 : i32
      %dma_wait3A_1498 = tpu.memref_slice %arg11[%mul3A_40, %dma_wait3A_1497] : memref<10112x128xf32, #tpu.memory_space<vmem_shared>> -> memref<632x128xf32, #tpu.memory_space<vmem_shared>>
      tpu.wait_dma2 semaphore(%run_scoped3A : memref<!tpu.dma_semaphore, #tpu.memory_space<semaphore_mem>>) src(%dma_wait3A_1498 : memref<632x128xf32, #tpu.memory_space<vmem_shared>>) dst(%dma_wait3A_1496 : memref<632x128xf32, #tpu.memory_space<hbm>>)
      tpu.yield
    }) : () -> ()
    return
  }
}

module attributes {stable_mosaic.version = 14 : i64} {
  func.func @body(%arg0: i32, %arg1: memref<2x400x128xf32, #tpu.memory_space<vmem>>, %arg2: memref<400x128xf32, #tpu.memory_space<vmem>>) attributes {dimension_semantics = [#tpu.dimension_semantics<arbitrary>], iteration_bounds = array<i64: 25>, scalar_prefetch = 0 : i64, scratch_operands = 0 : i64, tpu.core_type = #tpu.core_type<tc>, window_params = [{transform_indices = @transform_0, window_bounds = array<i64: 2, 400, 128>}, {transform_indices = @transform_1, window_bounds = array<i64: 400, 128>}]} {
    %get3A = arith.constant 0 : index
    %get3A_0 = arith.constant 0 : index
    %get3A_1 = arith.constant 0 : index
    %get3A_2 = vector.load %arg1[%get3A, %get3A_0, %get3A_1] : memref<2x400x128xf32, #tpu.memory_space<vmem>>, vector<1x400x128xf32>
    %get3A_3 = vector.shape_cast %get3A_2 : vector<1x400x128xf32> to vector<400x128xf32>
    %get3A_4 = arith.constant 1 : index
    %get3A_5 = arith.constant 0 : index
    %get3A_6 = arith.constant 0 : index
    %get3A_7 = vector.load %arg1[%get3A_4, %get3A_5, %get3A_6] : memref<2x400x128xf32, #tpu.memory_space<vmem>>, vector<1x400x128xf32>
    %get3A_8 = vector.shape_cast %get3A_7 : vector<1x400x128xf32> to vector<400x128xf32>
    %add3A = arith.addf %get3A_3, %get3A_8 : vector<400x128xf32>
    %swap3A = arith.constant 0 : index
    %swap3A_9 = arith.constant 0 : index
    %swap3A_10 = vector.load %arg2[%swap3A, %swap3A_9] : memref<400x128xf32, #tpu.memory_space<vmem>>, vector<400x128xf32>
    tpu.vector_store %arg2[%swap3A, %swap3A_9], %add3A {strides = array<i32>} : memref<400x128xf32, #tpu.memory_space<vmem>>, vector<400x128xf32>,
    return
  }
  func.func @transform_0(%arg0: i32) -> (i32, i32, i32) {
    %c0_i32 = arith.constant 0 : i32
    %c0_i32_0 = arith.constant 0 : i32
    %c0_i32_1 = arith.constant 0 : i32
    return %c0_i32, %arg0, %c0_i32_0 : i32, i32, i32
  }
  func.func @transform_1(%arg0: i32) -> (i32, i32) {
    %c0_i32 = arith.constant 0 : i32
    %c0_i32_0 = arith.constant 0 : i32
    return %arg0, %c0_i32 : i32, i32
  }
}

</mosaic_0001>

<sc_bundles>
// kernel: kernel.4.cloned.1.call-start
scs
__scs_entry_jumppad:
0x0: {  	(pc) =	sbr.rel $0x88, $3  }
0x1: {  	(tag) =	ssettag $0x0;
	lr =	simm.s32 $0x1  }
0x2: {  	[smem:$0x3F9F] =	sst lr;
	_ =	strace $0xD0000000  }
0x3: {  	_ = 	snop  }
0x4: {  	_ = 	snop  }
0x5: {  	_ = 	snop  }
0x6: {  	_ = 	snop  }
0x7: {  	_ = 	snop  }
__scs_overlays_trampoline_lowered:
0x8: {  	[smem:$0x3FAE] =	sst s0  }
0x9: {  	[smem:$0x3FAF] =	sst s1  }
0xa: {  	[smem:$0x3FB0] =	sst s2  }
0xb: {  	[smem:$0x3FB1] =	sst s3  }
0xc: {  	[smem:$0x3FB2] =	sst s4  }
0xd: {  	[smem:$0x3FB3] =	sst s5  }
0xe: {  	[smem:$0x3FB4] =	sst s6  }
0xf: {  	[smem:$0x3FB5] =	sst s7  }
0x10: {  	[smem:$0x3FB6] =	sst s8  }
0x11: {  	[smem:$0x3FB7] =	sst s9;
	s0 =	simm.s32 @!p0 $0x0  }
0x12: {  	s1 =	sld [smem:$0x3F9D];
	s0 =	simm.s32 @p0 $0x1  }
0x13: {  	[smem:$0x3FB8] =	sst s0;
	s0 =	simm.s32 @!p1 $0x0  }
0x14: {  	s2 =	sld [smem:$0x3F9C];
	s0 =	simm.s32 @p1 $0x1  }
0x15: {  	[smem:$0x3FB9] =	sst s0;
	s0 =	simm.s32 @!p2 $0x0  }
0x16: {  	s3 =	sld [smem:$0x3FDB];
	s0 =	simm.s32 @p2 $0x1  }
0x17: {  	s4 =	simm.s32 $0x1BF5;
	[smem:$0x3FBB] =	sst s0  }
0x18: {  	s0 =	sld [smem:$0x3F9E];
	_ =	swait.ge [sflag:s4], $0x0  }
0x19: {  	s7 =	sld [smem:$0x3F9F]  }
0x1a: {  	s8 =	sadd.s32 $0xFFFFE003, lr  }
0x1b: {  	s9 =	sadd.s32 $0xFFFFFEF7, lr;
	s5 =	simm.s32 $0xFFFFFFFF;
	p2 =	slt.u32 s8, $0xFFFFF086  }
0x1c: {  	p1 =	slt.u32 s9, $0xF7A;
	s5 =	simm.s32 @!p2 $0x0  }
0x1d: {  	s5 =	simm.s32 @p1 $0x1;
	p0 =	seq.s32 s7, s2  }
0x1e: {  	s7 =	smul.u32 @!p0 $0xF7A, s2;
	p2 =	seq.s32 @!p0 s5, $0x0  }
0x1f: {  	s9 =	smul.u32 $0xF7A, s1;
	s8 =	simm.s32 @!p0 $0x1BF5;
	p2 =	por !p2, p0  }
0x20: {  	[sflag:s8] =	ssyncset.s32 @!p0 $0xFFFFF086;
	s6 =	sadd.s32 @!p0 s3, s7;
	s7 =	simm.s32 @!p0 $0x108  }
0x21: {  	s3 =	sadd.s32 s3, s9;
	s6 =	sadd.s32 @!p0 $0x88, s6;
	s7 =	simm.s32 @p2 $0x1082  }
0x22: {  	[simem:s7], [sflag:s8] =	dma.local @!p0 [hbm:s6], $0xF7A  }
0x23: {  	s9 =	sor.u32 $0xD0000000, s2;
	s6 =	simm.s32 $0x108;
	_ =	swait.ge @!p0 [sflag:s8], $0x0  }
0x24: {  	s3 =	sadd.s32 $0x88, s3;
	s6 =	simm.s32 @!p1 $0x1082;
	[sflag:s4] =	ssyncset.s32 $0xFFFFF086  }
0x25: {  	[simem:s6], [sflag:s4] =	dma.local [hbm:s3], $0xF7A  }
0x26: {  	[smem:$0x3F9F] =	sst s1;
	(tag) =	ssettag s2;
	_ =	strace s9  }
0x27: {  	s1 =	sld [smem:$0x3FAF]  }
0x28: {  	s2 =	sld [smem:$0x3FB0]  }
0x29: {  	s4 =	sld [smem:$0x3FB2]  }
0x2a: {  	p0 =	seq.s32 s5, $0x0;
	s5 =	sld [smem:$0x3FB3]  }
0x2b: {  	s6 =	sld [smem:$0x3FB4]  }
0x2c: {  	s7 =	sld [smem:$0x3FB5]  }
0x2d: {  	s3 =	simm.s32 $0x108;
	s8 =	sld [smem:$0x3FB6]  }
0x2e: {  	s3 =	simm.s32 @!p0 $0x1082;
	s9 =	sld [smem:$0x3FB7]  }
0x2f: {  	lr =	sadd.s32 s0, s3;
	s0 =	sld [smem:$0x3FAE]  }
0x30: {  	s3 =	sld [smem:$0x3FB1]  }
0x31: {  	[smem:$0x3FBA] =	sst s10  }
0x32: {  	s10 =	sld [smem:$0x3FB8];
	_ =	sdelay $0x3  }
0x33: {  	p0 =	seq.s32 s10, $0x1;
	s10 =	sld [smem:$0x3FBA];
	_ =	sdelay $0x3  }
0x34: {  	[smem:$0x3FBA] =	sst s10  }
0x35: {  	s10 =	sld [smem:$0x3FB9];
	_ =	sdelay $0x3  }
0x36: {  	p1 =	seq.s32 s10, $0x1;
	s10 =	sld [smem:$0x3FBA];
	_ =	sdelay $0x3  }
0x37: {  	[smem:$0x3FBA] =	sst s10  }
0x38: {  	s10 =	sld [smem:$0x3FBB]  }
0x39: {  	_ = 	snop;
	(pc) =	sbr.ind lr, $3  }
0x3a: {  	_ = 	snop  }
0x3b: {  	_ = 	snop  }
0x3c: {  	p2 =	seq.s32 s10, $0x1;
	s10 =	sld [smem:$0x3FBA]  }
0x3d: {  	_ =	shalt  }
0x3e: {  	_ =	shalt  }
0x3f: {  	_ =	shalt  }
0x40: {  	_ =	shalt  }
0x41: {  	_ =	shalt  }
0x42: {  	_ =	shalt  }
0x43: {  	_ =	shalt  }
0x44: {  	_ =	shalt  }
0x45: {  	_ =	shalt  }
0x46: {  	_ =	shalt  }
0x47: {  	_ =	shalt  }
0x48: {  	_ =	shalt  }
0x49: {  	_ =	shalt  }
0x4a: {  	_ =	shalt  }
0x4b: {  	_ =	shalt  }
0x4c: {  	_ =	shalt  }
0x4d: {  	_ =	shalt  }
0x4e: {  	_ =	shalt  }
0x4f: {  	_ =	shalt  }
0x50: {  	_ =	shalt  }
0x51: {  	_ =	shalt  }
0x52: {  	_ =	shalt  }
0x53: {  	_ =	shalt  }
0x54: {  	_ =	shalt  }
0x55: {  	_ =	shalt  }
0x56: {  	_ =	shalt  }
0x57: {  	_ =	shalt  }
0x58: {  	_ =	shalt  }
0x59: {  	_ =	shalt  }
0x5a: {  	_ =	shalt  }
0x5b: {  	_ =	shalt  }
0x5c: {  	_ =	shalt  }
0x5d: {  	_ =	shalt  }
0x5e: {  	_ =	shalt  }
0x5f: {  	_ =	shalt  }
0x60: {  	_ =	shalt  }
0x61: {  	_ =	shalt  }
0x62: {  	_ =	shalt  }
0x63: {  	_ =	shalt  }
0x64: {  	_ =	shalt  }
0x65: {  	_ =	shalt  }
0x66: {  	_ =	shalt  }
0x67: {  	_ =	shalt  }
0x68: {  	_ =	shalt  }
0x69: {  	_ =	shalt  }
0x6a: {  	_ =	shalt  }
0x6b: {  	_ =	shalt  }
0x6c: {  	_ =	shalt  }
0x6d: {  	_ =	shalt  }
0x6e: {  	_ =	shalt  }
0x6f: {  	_ =	shalt  }
0x70: {  	_ =	shalt  }
0x71: {  	_ =	shalt  }
0x72: {  	_ =	shalt  }
0x73: {  	_ =	shalt  }
0x74: {  	_ =	shalt  }
0x75: {  	_ =	shalt  }
0x76: {  	_ =	shalt  }
0x77: {  	_ =	shalt  }
0x78: {  	_ =	shalt  }
0x79: {  	_ =	shalt  }
0x7a: {  	_ =	shalt  }
0x7b: {  	_ =	shalt  }
0x7c: {  	_ =	shalt  }
0x7d: {  	_ =	shalt  }
0x7e: {  	_ =	shalt  }
0x7f: {  	_ =	shalt  }
0x80: {  	_ =	shalt  }
0x81: {  	_ =	shalt  }
0x82: {  	_ =	shalt  }
0x83: {  	_ =	shalt  }
0x84: {  	_ =	shalt  }
0x85: {  	_ =	shalt  }
0x86: {  	_ =	shalt  }
0x87: {  	_ =	shalt  }
.Lfunc_end0:
.L_simem_size_0:
called_computation_lowered:
.L_overlay_start_0:
0x88: {  	s2 =	sld [smem:$0x3FD9]  }
0x89: {  	s3 =	sld [smem:$0x3FFE];
	_ =	sdelay $0x1  }
0x8a: {  	s1 =	srdreg.scid  }
0x8b: {  	s0 =	sand.u32 $0x1, s1  }
0x8c: {  	s17 =	sshll.u32 s0, $0xA;
	s2 =	sadd.s32 s3, s2  }
0x8d: {  	s2 =	sadd.s32 s2, s17  }
0x8e: {  	[smem:$0x3FC6] =	sst s2  }
0x8f: {  	_ = 	snop  }
0x90: {  	s2 =	sld [smem:$0x3FC9];
	(tm) =	ssettm $0x1  }
0x91: {  	s18 =	sld [smem:$0x3FFB];
	_ =	sdelay $0x3  }
0x92: {  	_ =	strace s18  }
0x93: {  	s3 =	sld [smem:$0x3FFC];
	_ =	sdelay $0x3  }
0x94: {  	_ =	strace s3  }
0x95: {  	s3 =	sld [smem:$0x3FFD];
	_ =	sdelay $0x3  }
0x96: {  	_ =	strace s3  }
0x97: {  	_ =	strace $0x8FFFFFFF  }
0x98: {  	s19 =	sld [smem:$0x3FDB];
	_ =	sdelay $0x1  }
0x99: {  	s4 =	simm.s32 $_scs_section_size  }
0x9a: {  	s5 =	simm.s32 $_size__tile_overlayer_lowered;
	s6 =	simm.s32 $_tile_overlayer_lowered  }
0x9b: {  	s22 =	simm.s32 $0x1BFF;
	s21 =	sshll.u32 s6, $0x1;
	s3 =	sadd.s32 s4, s19  }
0x9c: {  	s7 =	simm.s32 $0x0;
	s20 =	sshll.u32 s5, $0x1;
	s5 =	sadd.s32 s21, s3  }
0x9d: {  	[timem:s7], [sflag:s22] =	dma.local [hbm:s5], s20  }
0x9e: {  	_ =	swait.ge [sflag:s22], s20  }
0x9f: {  	s4 =	ssub.s32 $0x0, s20;
	[sflag:s22] =	ssyncset.done $0x0  }
0xa0: {  	[sflag:s22] =	ssyncadd.s32 s4;
	_ =	sdelay $0x1  }
0xa1: {  	s23 =	simm.s32 $0x1B8B  }
0xa2: {  	_ =	swait.ge [sflag:s23], $0x1  }
0xa3: {  	[sflag:s23] =	ssyncset.done $0x0  }
0xa4: {  	s25 =	simm.s32 $0x1B8E;
	s24 =	sld [smem:$0x3FFE];
	[sflag:s23] =	ssyncadd.s32 $0xFFFFFFFF  }
0xa5: {  	s26 =	simm.s32 $execute0_lowered;
	[smem:$0x3FD2] =	sst s25  }
0xa6: {  	s5 =	sshll.u32 s26, $0x1;
	_ =	strace $0x80000046;
	[dreg:$0x1] =	wrdreg $0xFFFFFFFF  }
0xa7: {  	s28 =	simm.s32 $_size_execute0_lowered;
	s3 =	sadd.s32 s3, s5;
	[dreg:$0x0] =	wrdreg $0x0  }
0xa8: {  	s5 =	sshll.u32 s28, $0x1;
	[dreg:$0x2] =	wrdreg s3  }
0xa9: {  	[dreg:$0x3] =	wrdreg s5  }
0xaa: {  	[dreg:$0x4] =	wrdreg $0xC0  }
0xab: {  	_ =	task [dreg:s7], $0x5FFFF  }
0xac: {  	[dreg:$0x1] =	wrdreg $0xFFFFFFFF  }
0xad: {  	[dreg:$0x0] =	wrdreg $0x60  }
0xae: {  	[dreg:$0x2] =	wrdreg s2  }
0xaf: {  	[dreg:$0x3] =	wrdreg s24  }
0xb0: {  	[dreg:$0x4] =	wrdreg $0xC0000  }
0xb1: {  	[dreg:$0x5] =	wrdreg $0x9  }
0xb2: {  	_ =	task.clear_ibuf [dreg:s7], $0x6FFFF;
	_ =	strace $0x90000046  }
0xb3: {  	s29 =	simm.s32 $0x9;
	_ =	strace $0x80000048  }
0xb4: {  	_ =	swait.ge [sflag:s29], $0x1  }
0xb5: {  	[sflag:s29] =	ssyncadd.s32 $0xFFFFFFFF  }
0xb6: {  	_ =	strace $0x90000048  }
0xb7: {  	_ =	sfence  }
0xb8: {  	s30 =	sld [smem:$0x0];
	_ =	sdelay $0x2  }
0xb9: {  	s31 =	sshll.u32 s1, $0xD;
	s1 =	sshrl.u32 s1, $0x2  }
0xba: {  	s3 =	sand.u32 $0x4000, s31;
	s1 =	sadd.s32 s1, s30  }
0xbb: {  	s0 =	sor.u32 s3, s0;
	s1 =	sshll.u32 s1, $0x11  }
0xbc: {  	s0 =	sor.u32 s1, s0  }
0xbd: {  	s0 =	sadd.s32 $0x8F2B, s0  }
0xbe: {  	[sflag:s0] =	ssyncadd.remote.s32 $0x1  }
0xbf: {  	_ =	sfence.sel $0xFFFF  }
0xc0: {  	[dreg:$0x0] =	wrdreg $0xFFFFFFFF;
	(pc) =	sbr.abs _section_cstart, $3  }
0xc1: {  	[dreg:$0x1] =	wrdreg $0xFFFFFFFF  }
0xc2: {  	_ =	task.clear_ibuf [dreg:s7], $0x2FFFF;
	_ =	strace $0x9FFFFFFF  }
0xc3: {  	(tm) =	ssettm $0x7FFFFFFF  }
tec
execute0_lowered:
.L_overlay_start_1:
0x0: {  	(tag) =	ssettag $0x1  }
0x1: {  	s1 =	rddreg [dreg:$0x0]  }
0x2: {  	s0 =	srdreg.scid;
	s4 =	rddreg [dreg:$0x1]  }
0x3: {  	s7 =	stileid.u32;
	s3 =	rddreg [dreg:$0x2];
	s0 =	sand.u32 $0x1, s0  }
0x4: {  	s6 =	simm.s32 $0x0;
	s25 =	smul.u32 $0x13C00, s7;
	s2 =	sshll.u32 s0, $0x4  }
0x5: {  	[smem:$0x7FF] =	sst s6;
	s5 =	smul.u32 $0x13C000, s0;
	s2 =	sor.u32 s7, s2  }
0x6: {  	_ =	strace $0x80000047;
	s0 =	ssub.s32 $0x2, s0;
	s2 =	smul.u32 $0x6400, s2  }
0x7: {  	s7 =	smul.u32 $0x4F000, s7;
	s26 =	sshrl.u32 s0, $0x1;
	s5 =	sadd.s32 s25, s5  }
0x8: {  	s0 =	ssub.s32 s0, s26;
	s5 =	sshrl.u32 s5, $0x3;
	s2 =	sshrl.u32 s2, $0x3  }
0x9: {  	s7 =	sshrl.u32 s7, $0x2;
	s0 =	smax.u32 s0, $0x1;
	s2 =	sadd.s32 s2, s4  }
0xa: {  	[dreg:$0x17] =	wrdreg s0;
	s4 =	sadd.s32 s5, s4;
	s30 =	sadd.s32 $0x600, s2  }
0xb: {  	s5 =	sadd.s32 s7, s3;
	s7 =	sadd.s32 $0x19600, s2;
	[dreg:$0x4] =	wrdreg s30  }
0xc: {  	s8 =	sadd.s32 $0x1900, s5;
	[dreg:$0x5] =	wrdreg s7  }
0xd: {  	s9 =	sadd.s32 $0x3200, s5;
	[dreg:$0x6] =	wrdreg s8  }
0xe: {  	s10 =	sadd.s32 $0x4B00, s5;
	[dreg:$0x7] =	wrdreg s9  }
0xf: {  	s11 =	sadd.s32 $0x6400, s5;
	[dreg:$0x8] =	wrdreg s10  }
0x10: {  	s12 =	sadd.s32 $0x7D00, s5;
	[dreg:$0x9] =	wrdreg s11  }
0x11: {  	s13 =	sadd.s32 $0x9600, s5;
	[dreg:$0xa] =	wrdreg s12  }
0x12: {  	s14 =	sadd.s32 $0xAF00, s5;
	[dreg:$0xb] =	wrdreg s13  }
0x13: {  	s15 =	sadd.s32 $0xC800, s5;
	[dreg:$0xc] =	wrdreg s14  }
0x14: {  	s16 =	sadd.s32 $0x880, s2;
	[dreg:$0xd] =	wrdreg s15  }
0x15: {  	s17 =	sadd.s32 $0x19880, s2;
	[dreg:$0xe] =	wrdreg s16  }
0x16: {  	s18 =	sadd.s32 $0xB00, s2;
	[dreg:$0xf] =	wrdreg s17  }
0x17: {  	s19 =	sadd.s32 $0x19B00, s2;
	[dreg:$0x10] =	wrdreg s18  }
0x18: {  	s20 =	sadd.s32 $0xD80, s2;
	[dreg:$0x11] =	wrdreg s19  }
0x19: {  	s21 =	sadd.s32 $0x19D80, s2;
	[dreg:$0x12] =	wrdreg s20  }
0x1a: {  	s22 =	sadd.s32 $0x1000, s2;
	[dreg:$0x13] =	wrdreg s21  }
0x1b: {  	s2 =	sadd.s32 $0x1A000, s2;
	[dreg:$0x14] =	wrdreg s22  }
0x1c: {  	s31 =	simm.s32 $0x2800;
	s23 =	sadd.s32 $0x32600, s4;
	[dreg:$0x15] =	wrdreg s2  }
0x1d: {  	s28 =	simm.s32 $0xA;
	s24 =	sadd.s32 $0xE100, s5;
	[dreg:$0x16] =	wrdreg s23  }
0x1e: {  	s29 =	simm.s32 $0x0;
	s25 =	sadd.s32 $0xFA00, s5;
	[dreg:$0x18] =	wrdreg s24  }
0x1f: {  	s6 =	simm.s32 $0x1400;
	s26 =	sadd.s32 $0x11300, s5;
	[dreg:$0x19] =	wrdreg s25  }
0x20: {  	s0 =	simm.s32 $0x5;
	s4 =	simm.s32 $0x9;
	[dreg:$0x1a] =	wrdreg s26  }
0x21: {  	s30 =	sadd.s32 $0x12C00, s5;
	s2 =	simm.s32 $0x5000;
	s8 =	simm.s32 $0x32  }
0x22: {  	s9 =	simm.s32 $0x80;
	s10 =	simm.s32 $0x6C00;
	s11 =	simm.s32 $0x100  }
0x23: {  	s12 =	simm.s32 $0x8800;
	s13 =	simm.s32 $0x180;
	s14 =	simm.s32 $0xA400  }
0x24: {  	s15 =	simm.s32 $0x1;
	s16 =	simm.s32 $0x2;
	s17 =	simm.s32 $0x3  }
0x25: {  	s18 =	simm.s32 $0x4;
	s19 =	simm.s32 $0x6;
	s20 =	simm.s32 $0x7  }
0x26: {  	s7 =	simm.s32 $0x8;
	s21 =	simm.s32 $0x3A00;
	s22 =	simm.s32 $0x3A80  }
0x27: {  	v0 =	vimm.f32 $0.0e+00;
	s23 =	simm.s32 $0x3B00;
	s24 =	simm.s32 $0x3B80;
	[dreg:$0x1b] =	wrdreg s30  }
.LBB2_1:
0x28: {  	s25 =	simm.s32 $0x0;
	s26 =	rddreg [dreg:$0x4]  }
0x29: {  	[tilespmem:s25], [sflag:$0x9] =	stream.linear.gather [hbm4b:s26+s25], $0x1400, $0x38;
	[tilespmem:$0x1FC00] =	vst v63  }
0x2a: {  	s26 =	rddreg [dreg:$0x5]  }
0x2b: {  	[tilespmem:s31], [sflag:$0x9] =	stream.linear.gather [hbm4b:s26+s25], $0x1400, $0x38;
	[tilespmem:$0x1FC00] =	vst v63  }
0x2c: {  	s30 =	simm.s32 $0x200;
	s25 =	simm.s32 $0x0  }
.LBB2_2:
0x2d: {  	p0 =	sne.s32 s30, $0x6200;
	[tilespmem:s25+$0x5070] =	vst v0  }
0x2e: {  	[tilespmem:s25+$0x5000] =	vst v0  }
0x2f: {  	[tilespmem:s25+$0x5010] =	vst v0  }
.Ltmp0:
0x30: {  	[tilespmem:s25+$0x5020] =	vst v0;
	(pc) =	sbr.rel @p0 .LBB2_2-.Ltmp0, $4  }
0x31: {  	[tilespmem:s25+$0x5030] =	vst v0  }
0x32: {  	[tilespmem:s25+$0x5040] =	vst v0  }
0x33: {  	[tilespmem:s25+$0x5050] =	vst v0  }
0x34: {  	[tilespmem:s25+$0x5060] =	vst v0;
	s25 =	sshra.s32 s30, $0x2;
	s30 =	sadd.s32 $0x200, s30  }
0x35: {  	[tilespmem:s25+$0x5070] =	vst v0  }
0x36: {  	[tilespmem:s25+$0x5000] =	vst v0  }
0x37: {  	[tilespmem:s25+$0x5010] =	vst v0  }
0x38: {  	[tilespmem:s25+$0x5020] =	vst v0  }
0x39: {  	[tilespmem:s25+$0x5030] =	vst v0  }
0x3a: {  	[tilespmem:s25+$0x5040] =	vst v0  }
0x3b: {  	[tilespmem:s25+$0x5050] =	vst v0  }
0x3c: {  	[tilespmem:s25+$0x5060] =	vst v0  }
0x3d: {  	[spmem:s5] =	stream.linear.scatter [tilespmem:s2], [sflag:$0x5], $0x1900, $0x38;
	[tilespmem:$0x1FC00] =	vst v63  }
0x3e: {  	s26 =	rddreg [dreg:$0x6]  }
0x3f: {  	[spmem:s26] =	stream.linear.scatter [tilespmem:s2], [sflag:$0x5], $0x1900, $0x38;
	[tilespmem:$0x1FC00] =	vst v63  }
0x40: {  	s26 =	rddreg [dreg:$0x7]  }
0x41: {  	[spmem:s26] =	stream.linear.scatter [tilespmem:s2], [sflag:$0x5], $0x1900, $0x38;
	[tilespmem:$0x1FC00] =	vst v63  }
0x42: {  	s26 =	rddreg [dreg:$0x8]  }
0x43: {  	[spmem:s26] =	stream.linear.scatter [tilespmem:s2], [sflag:$0x5], $0x1900, $0x38;
	[tilespmem:$0x1FC00] =	vst v63  }
0x44: {  	s26 =	rddreg [dreg:$0x9]  }
0x45: {  	[spmem:s26] =	stream.linear.scatter [tilespmem:s2], [sflag:$0x5], $0x1900, $0x38;
	[tilespmem:$0x1FC00] =	vst v63  }
0x46: {  	s26 =	rddreg [dreg:$0xa]  }
0x47: {  	[spmem:s26] =	stream.linear.scatter [tilespmem:s2], [sflag:$0x5], $0x1900, $0x38;
	[tilespmem:$0x1FC00] =	vst v63  }
0x48: {  	s26 =	rddreg [dreg:$0xb]  }
0x49: {  	[spmem:s26] =	stream.linear.scatter [tilespmem:s2], [sflag:$0x5], $0x1900, $0x38;
	[tilespmem:$0x1FC00] =	vst v63  }
0x4a: {  	s26 =	rddreg [dreg:$0xc]  }
0x4b: {  	[spmem:s26] =	stream.linear.scatter [tilespmem:s2], [sflag:$0x5], $0x1900, $0x38;
	[tilespmem:$0x1FC00] =	vst v63  }
0x4c: {  	s26 =	rddreg [dreg:$0xd]  }
0x4d: {  	[spmem:s26] =	stream.linear.scatter [tilespmem:s2], [sflag:$0x5], $0x1900, $0x38;
	[tilespmem:$0x1FC00] =	vst v63  }
0x4e: {  	s26 =	rddreg [dreg:$0x18]  }
0x4f: {  	[spmem:s26] =	stream.linear.scatter [tilespmem:s2], [sflag:$0x5], $0x1900, $0x38;
	[tilespmem:$0x1FC00] =	vst v63  }
0x50: {  	s26 =	rddreg [dreg:$0x19]  }
0x51: {  	[spmem:s26] =	stream.linear.scatter [tilespmem:s2], [sflag:$0x5], $0x1900, $0x38;
	[tilespmem:$0x1FC00] =	vst v63  }
0x52: {  	s26 =	rddreg [dreg:$0x1a]  }
0x53: {  	[spmem:s26] =	stream.linear.scatter [tilespmem:s2], [sflag:$0x5], $0x1900, $0x38;
	[tilespmem:$0x1FC00] =	vst v63  }
0x54: {  	s26 =	rddreg [dreg:$0x1b]  }
0x55: {  	[spmem:s26] =	stream.linear.scatter [tilespmem:s2], [sflag:$0x5], $0x1000, $0x38;
	[tilespmem:$0x1FC00] =	vst v63  }
0x56: {  	_ =	swait.ge [sflag:s0], $0x1900  }
0x57: {  	[sflag:s0] =	ssyncset.done $0x0  }
0x58: {  	[sflag:s0] =	ssyncadd.s32 $0xFFFFE700  }
0x59: {  	_ =	swait.ge [sflag:s0], $0x1900  }
0x5a: {  	[sflag:s0] =	ssyncset.done $0x0  }
0x5b: {  	[sflag:s0] =	ssyncadd.s32 $0xFFFFE700  }
0x5c: {  	_ =	swait.ge [sflag:s0], $0x1900  }
0x5d: {  	[sflag:s0] =	ssyncset.done $0x0  }
0x5e: {  	[sflag:s0] =	ssyncadd.s32 $0xFFFFE700  }
0x5f: {  	_ =	swait.ge [sflag:s0], $0x1900  }
0x60: {  	[sflag:s0] =	ssyncset.done $0x0  }
0x61: {  	[sflag:s0] =	ssyncadd.s32 $0xFFFFE700  }
0x62: {  	_ =	swait.ge [sflag:s0], $0x1900  }
0x63: {  	[sflag:s0] =	ssyncset.done $0x0  }
0x64: {  	[sflag:s0] =	ssyncadd.s32 $0xFFFFE700  }
0x65: {  	_ =	swait.ge [sflag:s0], $0x1900  }
0x66: {  	[sflag:s0] =	ssyncset.done $0x0  }
0x67: {  	[sflag:s0] =	ssyncadd.s32 $0xFFFFE700  }
0x68: {  	_ =	swait.ge [sflag:s0], $0x1900  }
0x69: {  	[sflag:s0] =	ssyncset.done $0x0  }
0x6a: {  	[sflag:s0] =	ssyncadd.s32 $0xFFFFE700  }
0x6b: {  	_ =	swait.ge [sflag:s0], $0x1900  }
0x6c: {  	[sflag:s0] =	ssyncset.done $0x0  }
0x6d: {  	[sflag:s0] =	ssyncadd.s32 $0xFFFFE700  }
0x6e: {  	_ =	swait.ge [sflag:s0], $0x1900  }
0x6f: {  	[sflag:s0] =	ssyncset.done $0x0  }
0x70: {  	[sflag:s0] =	ssyncadd.s32 $0xFFFFE700  }
0x71: {  	_ =	swait.ge [sflag:s0], $0x1900  }
0x72: {  	[sflag:s0] =	ssyncset.done $0x0  }
0x73: {  	[sflag:s0] =	ssyncadd.s32 $0xFFFFE700  }
0x74: {  	_ =	swait.ge [sflag:s0], $0x1900  }
0x75: {  	[sflag:s0] =	ssyncset.done $0x0  }
0x76: {  	[sflag:s0] =	ssyncadd.s32 $0xFFFFE700  }
0x77: {  	_ =	swait.ge [sflag:s0], $0x1900  }
0x78: {  	[sflag:s0] =	ssyncset.done $0x0  }
0x79: {  	[sflag:s0] =	ssyncadd.s32 $0xFFFFE700  }
0x7a: {  	_ =	swait.ge [sflag:s0], $0x1000  }
0x7b: {  	[sflag:s0] =	ssyncset.done $0x0  }
0x7c: {  	[sflag:s0] =	ssyncadd.s32 $0xFFFFF000  }
0x7d: {  	[bflag:$0x0] =	sbarrier.arrive $0xFFFF  }
0x7e: {  	_ =	swait.ge [sflag:s4], $0x1400  }
0x7f: {  	[sflag:s4] =	ssyncset.done $0x0  }
0x80: {  	[sflag:s4] =	ssyncadd.s32 $0xFFFFEC00  }
0x81: {  	_ =	swait.ge [sflag:s4], $0x1400  }
0x82: {  	[sflag:s4] =	ssyncset.done $0x0  }
0x83: {  	s25 =	simm.s32 $0x0;
	s26 =	rddreg [dreg:$0xe];
	[sflag:s4] =	ssyncadd.s32 $0xFFFFEC00  }
0x84: {  	[tilespmem:s6], [sflag:$0x9] =	stream.linear.gather [hbm4b:s26+s25], $0x1400, $0x38;
	[tilespmem:$0x1FC00] =	vst v63  }
0x85: {  	s30 =	simm.s32 $0x3C00;
	s26 =	rddreg [dreg:$0xf]  }
0x86: {  	[tilespmem:s30], [sflag:$0x9] =	stream.linear.gather [hbm4b:s26+s25], $0x1400, $0x38;
	[tilespmem:$0x1FC00] =	vst v63  }
0x87: {  	_ = 	snop  }
0x88: {  	[tilespmem:s2], [sflag:$0x1] =	stream.indirect.gather [hbm4b:s1+s8], $0x80, s25, s8, $0xb8;
	[tilespmem:$0x1FC00] =	vst v63  }
0x89: {  	_ = 	snop  }
0x8a: {  	[tilespmem:s10], [sflag:$0x2] =	stream.indirect.gather [hbm4b:s1+s8], $0x80, s9, s8, $0xb8;
	[tilespmem:$0x1FC00] =	vst v63  }
0x8b: {  	_ = 	snop  }
0x8c: {  	[tilespmem:s12], [sflag:$0x3] =	stream.indirect.gather [hbm4b:s1+s8], $0x80, s11, s8, $0xb8;
	[tilespmem:$0x1FC00] =	vst v63  }
0x8d: {  	_ = 	snop  }
0x8e: {  	[tilespmem:s14], [sflag:$0x4] =	stream.indirect.gather [hbm4b:s1+s8], $0x80, s13, s8, $0xb8;
	[tilespmem:$0x1FC00] =	vst v63  }
0x8f: {  	_ =	swait.ge [sflag:s15], $0x1900  }
0x90: {  	[sflag:s15] =	ssyncset.done $0x0  }
0x91: {  	s26 =	simm.s32 $0x2800;
	[sflag:s15] =	ssyncadd.s32 $0xFFFFE700  }
0x92: {  	[spmem:s3] =	stream.indirect.scatter.add.f32 [tilespmem:s2], [sflag:$0x5], $0x80, s26, s8, $0xb8;
	[tilespmem:$0x1FC00] =	vst v63  }
0x93: {  	_ =	swait.ge [sflag:s16], $0x1900  }
0x94: {  	[sflag:s16] =	ssyncset.done $0x0  }
0x95: {  	s26 =	simm.s32 $0x2880;
	[sflag:s16] =	ssyncadd.s32 $0xFFFFE700  }
0x96: {  	[spmem:s3] =	stream.indirect.scatter.add.f32 [tilespmem:s10], [sflag:$0x6], $0x80, s26, s8, $0xb8;
	[tilespmem:$0x1FC00] =	vst v63  }
0x97: {  	_ =	swait.ge [sflag:s17], $0x1900  }
0x98: {  	[sflag:s17] =	ssyncset.done $0x0  }
0x99: {  	s26 =	simm.s32 $0x2900;
	[sflag:s17] =	ssyncadd.s32 $0xFFFFE700  }
0x9a: {  	[spmem:s3] =	stream.indirect.scatter.add.f32 [tilespmem:s12], [sflag:$0x7], $0x80, s26, s8, $0xb8;
	[tilespmem:$0x1FC00] =	vst v63  }
0x9b: {  	_ =	swait.ge [sflag:s18], $0x1900  }
0x9c: {  	[sflag:s18] =	ssyncset.done $0x0  }
0x9d: {  	s26 =	simm.s32 $0x2980;
	[sflag:s18] =	ssyncadd.s32 $0xFFFFE700  }
0x9e: {  	[spmem:s3] =	stream.indirect.scatter.add.f32 [tilespmem:s14], [sflag:$0x8], $0x80, s26, s8, $0xb8;
	[tilespmem:$0x1FC00] =	vst v63  }
0x9f: {  	_ =	swait.ge [sflag:s0], $0x1900  }
0xa0: {  	[sflag:s0] =	ssyncset.done $0x0  }
0xa1: {  	s26 =	simm.s32 $0x200;
	[sflag:s0] =	ssyncadd.s32 $0xFFFFE700  }
0xa2: {  	[tilespmem:s2], [sflag:$0x1] =	stream.indirect.gather [hbm4b:s1+s8], $0x80, s26, s8, $0xb8;
	[tilespmem:$0x1FC00] =	vst v63  }
0xa3: {  	_ =	swait.ge [sflag:s19], $0x1900  }
0xa4: {  	[sflag:s19] =	ssyncset.done $0x0  }
0xa5: {  	s26 =	simm.s32 $0x280;
	[sflag:s19] =	ssyncadd.s32 $0xFFFFE700  }
0xa6: {  	[tilespmem:s10], [sflag:$0x2] =	stream.indirect.gather [hbm4b:s1+s8], $0x80, s26, s8, $0xb8;
	[tilespmem:$0x1FC00] =	vst v63  }
0xa7: {  	_ =	swait.ge [sflag:s20], $0x1900  }
0xa8: {  	[sflag:s20] =	ssyncset.done $0x0  }
0xa9: {  	s26 =	simm.s32 $0x300;
	[sflag:s20] =	ssyncadd.s32 $0xFFFFE700  }
0xaa: {  	[tilespmem:s12], [sflag:$0x3] =	stream.indirect.gather [hbm4b:s1+s8], $0x80, s26, s8, $0xb8;
	[tilespmem:$0x1FC00] =	vst v63  }
0xab: {  	_ =	swait.ge [sflag:s7], $0x1900  }
0xac: {  	[sflag:s7] =	ssyncset.done $0x0  }
0xad: {  	s30 =	simm.s32 $0x800;
	s25 =	simm.s32 $0x380;
	[sflag:s7] =	ssyncadd.s32 $0xFFFFE700  }
.LBB2_4:
0xae: {  	[tilespmem:s14], [sflag:$0x4] =	stream.indirect.gather [hbm4b:s1+s8], $0x80, s25, s8, $0xb8;
	[tilespmem:$0x1FC00] =	vst v63  }
0xaf: {  	s25 =	smov.u32 s30  }
0xb0: {  	p0 =	sne.s32 s30, $0x4000;
	s30 =	sadd.s32 $0x800, s30;
	_ =	swait.ge [sflag:s15], $0x1900  }
0xb1: {  	s25 =	sshra.s32 s25, $0x2;
	[sflag:s15] =	ssyncset.done $0x0  }
0xb2: {  	s26 =	sadd.s32 $0x2800, s25;
	[sflag:s15] =	ssyncadd.s32 $0xFFFFE700  }
0xb3: {  	[spmem:s3] =	stream.indirect.scatter.add.f32 [tilespmem:s2], [sflag:$0x5], $0x80, s26, s8, $0xb8;
	[tilespmem:$0x1FC00] =	vst v63  }
0xb4: {  	_ =	swait.ge [sflag:s16], $0x1900  }
0xb5: {  	[sflag:s16] =	ssyncset.done $0x0  }
0xb6: {  	s26 =	sadd.s32 $0x2880, s25;
	[sflag:s16] =	ssyncadd.s32 $0xFFFFE700  }
0xb7: {  	[spmem:s3] =	stream.indirect.scatter.add.f32 [tilespmem:s10], [sflag:$0x6], $0x80, s26, s8, $0xb8;
	[tilespmem:$0x1FC00] =	vst v63  }
0xb8: {  	_ =	swait.ge [sflag:s17], $0x1900  }
0xb9: {  	[sflag:s17] =	ssyncset.done $0x0  }
0xba: {  	s26 =	sadd.s32 $0x2900, s25;
	[sflag:s17] =	ssyncadd.s32 $0xFFFFE700  }
0xbb: {  	[spmem:s3] =	stream.indirect.scatter.add.f32 [tilespmem:s12], [sflag:$0x7], $0x80, s26, s8, $0xb8;
	[tilespmem:$0x1FC00] =	vst v63  }
0xbc: {  	_ =	swait.ge [sflag:s18], $0x1900  }
0xbd: {  	[sflag:s18] =	ssyncset.done $0x0  }
0xbe: {  	s26 =	sadd.s32 $0x2980, s25;
	[sflag:s18] =	ssyncadd.s32 $0xFFFFE700  }
0xbf: {  	[spmem:s3] =	stream.indirect.scatter.add.f32 [tilespmem:s14], [sflag:$0x8], $0x80, s26, s8, $0xb8;
	[tilespmem:$0x1FC00] =	vst v63  }
0xc0: {  	_ =	swait.ge [sflag:s0], $0x1900  }
0xc1: {  	[sflag:s0] =	ssyncset.done $0x0  }
0xc2: {  	s26 =	sadd.s32 $0x200, s25;
	[sflag:s0] =	ssyncadd.s32 $0xFFFFE700  }
0xc3: {  	[tilespmem:s2], [sflag:$0x1] =	stream.indirect.gather [hbm4b:s1+s8], $0x80, s26, s8, $0xb8;
	[tilespmem:$0x1FC00] =	vst v63  }
0xc4: {  	_ =	swait.ge [sflag:s19], $0x1900  }
0xc5: {  	[sflag:s19] =	ssyncset.done $0x0  }
0xc6: {  	s26 =	sadd.s32 $0x280, s25;
	[sflag:s19] =	ssyncadd.s32 $0xFFFFE700  }
0xc7: {  	[tilespmem:s10], [sflag:$0x2] =	stream.indirect.gather [hbm4b:s1+s8], $0x80, s26, s8, $0xb8;
	[tilespmem:$0x1FC00] =	vst v63  }
0xc8: {  	_ =	swait.ge [sflag:s20], $0x1900  }
0xc9: {  	[sflag:s20] =	ssyncset.done $0x0  }
.Ltmp1:
0xca: {  	s26 =	sadd.s32 $0x300, s25;
	[sflag:s20] =	ssyncadd.s32 $0xFFFFE700;
	(pc) =	sbr.rel @p0 .LBB2_4-.Ltmp1, $4  }
0xcb: {  	[tilespmem:s12], [sflag:$0x3] =	stream.indirect.gather [hbm4b:s1+s8], $0x80, s26, s8, $0xb8;
	[tilespmem:$0x1FC00] =	vst v63  }
0xcc: {  	_ =	swait.ge [sflag:s7], $0x1900  }
0xcd: {  	[sflag:s7] =	ssyncset.done $0x0  }
0xce: {  	s25 =	sadd.s32 $0x380, s25;
	[sflag:s7] =	ssyncadd.s32 $0xFFFFE700  }
0xcf: {  	[tilespmem:s14], [sflag:$0x4] =	stream.indirect.gather [hbm4b:s1+s8], $0x80, s25, s8, $0xb8;
	[tilespmem:$0x1FC00] =	vst v63  }
0xd0: {  	_ =	swait.ge [sflag:s15], $0x1900  }
0xd1: {  	[sflag:s15] =	ssyncset.done $0x0  }
0xd2: {  	[sflag:s15] =	ssyncadd.s32 $0xFFFFE700  }
0xd3: {  	[spmem:s3] =	stream.indirect.scatter.add.f32 [tilespmem:s2], [sflag:$0x5], $0x80, s21, s8, $0xb8;
	[tilespmem:$0x1FC00] =	vst v63  }
0xd4: {  	_ =	swait.ge [sflag:s16], $0x1900  }
0xd5: {  	[sflag:s16] =	ssyncset.done $0x0  }
0xd6: {  	[sflag:s16] =	ssyncadd.s32 $0xFFFFE700  }
0xd7: {  	[spmem:s3] =	stream.indirect.scatter.add.f32 [tilespmem:s10], [sflag:$0x6], $0x80, s22, s8, $0xb8;
	[tilespmem:$0x1FC00] =	vst v63  }
0xd8: {  	_ =	swait.ge [sflag:s17], $0x1900  }
0xd9: {  	[sflag:s17] =	ssyncset.done $0x0  }
0xda: {  	[sflag:s17] =	ssyncadd.s32 $0xFFFFE700  }
0xdb: {  	[spmem:s3] =	stream.indirect.scatter.add.f32 [tilespmem:s12], [sflag:$0x7], $0x80, s23, s8, $0xb8;
	[tilespmem:$0x1FC00] =	vst v63  }
0xdc: {  	_ =	swait.ge [sflag:s18], $0x1900  }
0xdd: {  	[sflag:s18] =	ssyncset.done $0x0  }
0xde: {  	[sflag:s18] =	ssyncadd.s32 $0xFFFFE700  }
0xdf: {  	[spmem:s3] =	stream.indirect.scatter.add.f32 [tilespmem:s14], [sflag:$0x8], $0x80, s24, s8, $0xb8;
	[tilespmem:$0x1FC00] =	vst v63  }
0xe0: {  	_ =	swait.ge [sflag:s0], $0x1900  }
0xe1: {  	[sflag:s0] =	ssyncset.done $0x0  }
0xe2: {  	[sflag:s0] =	ssyncadd.s32 $0xFFFFE700  }
0xe3: {  	_ =	swait.ge [sflag:s19], $0x1900  }
0xe4: {  	[sflag:s19] =	ssyncset.done $0x0  }
0xe5: {  	[sflag:s19] =	ssyncadd.s32 $0xFFFFE700  }
0xe6: {  	_ =	swait.ge [sflag:s20], $0x1900  }
0xe7: {  	[sflag:s20] =	ssyncset.done $0x0  }
0xe8: {  	[sflag:s20] =	ssyncadd.s32 $0xFFFFE700  }
0xe9: {  	_ =	swait.ge [sflag:s7], $0x1900  }
0xea: {  	[sflag:s7] =	ssyncset.done $0x0  }
0xeb: {  	[sflag:s7] =	ssyncadd.s32 $0xFFFFE700  }
0xec: {  	_ =	swait.ge [sflag:s4], $0x1400  }
0xed: {  	[sflag:s4] =	ssyncset.done $0x0  }
0xee: {  	[sflag:s4] =	ssyncadd.s32 $0xFFFFEC00  }
0xef: {  	_ =	swait.ge [sflag:s4], $0x1400  }
0xf0: {  	[sflag:s4] =	ssyncset.done $0x0  }
0xf1: {  	s25 =	simm.s32 $0x0;
	s26 =	rddreg [dreg:$0x10];
	[sflag:s4] =	ssyncadd.s32 $0xFFFFEC00  }
0xf2: {  	[tilespmem:s25], [sflag:$0x9] =	stream.linear.gather [hbm4b:s26+s25], $0x1400, $0x38;
	[tilespmem:$0x1FC00] =	vst v63  }
0xf3: {  	s26 =	rddreg [dreg:$0x11]  }
0xf4: {  	[tilespmem:s31], [sflag:$0x9] =	stream.linear.gather [hbm4b:s26+s25], $0x1400, $0x38;
	[tilespmem:$0x1FC00] =	vst v63  }
0xf5: {  	_ = 	snop  }
0xf6: {  	[tilespmem:s2], [sflag:$0x1] =	stream.indirect.gather [hbm4b:s1+s8], $0x80, s6, s8, $0xb8;
	[tilespmem:$0x1FC00] =	vst v63  }
0xf7: {  	s26 =	simm.s32 $0x1480  }
0xf8: {  	[tilespmem:s10], [sflag:$0x2] =	stream.indirect.gather [hbm4b:s1+s8], $0x80, s26, s8, $0xb8;
	[tilespmem:$0x1FC00] =	vst v63  }
0xf9: {  	s26 =	simm.s32 $0x1500  }
0xfa: {  	[tilespmem:s12], [sflag:$0x3] =	stream.indirect.gather [hbm4b:s1+s8], $0x80, s26, s8, $0xb8;
	[tilespmem:$0x1FC00] =	vst v63  }
0xfb: {  	s26 =	simm.s32 $0x1580  }
0xfc: {  	[tilespmem:s14], [sflag:$0x4] =	stream.indirect.gather [hbm4b:s1+s8], $0x80, s26, s8, $0xb8;
	[tilespmem:$0x1FC00] =	vst v63  }
0xfd: {  	_ =	swait.ge [sflag:s15], $0x1900  }
0xfe: {  	[sflag:s15] =	ssyncset.done $0x0  }
0xff: {  	s26 =	simm.s32 $0x3C00;
	[sflag:s15] =	ssyncadd.s32 $0xFFFFE700  }
0x100: {  	[spmem:s3] =	stream.indirect.scatter.add.f32 [tilespmem:s2], [sflag:$0x5], $0x80, s26, s8, $0xb8;
	[tilespmem:$0x1FC00] =	vst v63  }
0x101: {  	_ =	swait.ge [sflag:s16], $0x1900  }
0x102: {  	[sflag:s16] =	ssyncset.done $0x0  }
0x103: {  	s26 =	simm.s32 $0x3C80;
	[sflag:s16] =	ssyncadd.s32 $0xFFFFE700  }
0x104: {  	[spmem:s3] =	stream.indirect.scatter.add.f32 [tilespmem:s10], [sflag:$0x6], $0x80, s26, s8, $0xb8;
	[tilespmem:$0x1FC00] =	vst v63  }
0x105: {  	_ =	swait.ge [sflag:s17], $0x1900  }
0x106: {  	[sflag:s17] =	ssyncset.done $0x0  }
0x107: {  	s26 =	simm.s32 $0x3D00;
	[sflag:s17] =	ssyncadd.s32 $0xFFFFE700  }
0x108: {  	[spmem:s3] =	stream.indirect.scatter.add.f32 [tilespmem:s12], [sflag:$0x7], $0x80, s26, s8, $0xb8;
	[tilespmem:$0x1FC00] =	vst v63  }
0x109: {  	_ =	swait.ge [sflag:s18], $0x1900  }
0x10a: {  	[sflag:s18] =	ssyncset.done $0x0  }
0x10b: {  	s26 =	simm.s32 $0x3D80;
	[sflag:s18] =	ssyncadd.s32 $0xFFFFE700  }
0x10c: {  	[spmem:s3] =	stream.indirect.scatter.add.f32 [tilespmem:s14], [sflag:$0x8], $0x80, s26, s8, $0xb8;
	[tilespmem:$0x1FC00] =	vst v63  }
0x10d: {  	_ =	swait.ge [sflag:s0], $0x1900  }
0x10e: {  	[sflag:s0] =	ssyncset.done $0x0  }
0x10f: {  	s26 =	simm.s32 $0x1600;
	[sflag:s0] =	ssyncadd.s32 $0xFFFFE700  }
0x110: {  	[tilespmem:s2], [sflag:$0x1] =	stream.indirect.gather [hbm4b:s1+s8], $0x80, s26, s8, $0xb8;
	[tilespmem:$0x1FC00] =	vst v63  }
0x111: {  	_ =	swait.ge [sflag:s19], $0x1900  }
0x112: {  	[sflag:s19] =	ssyncset.done $0x0  }
0x113: {  	s26 =	simm.s32 $0x1680;
	[sflag:s19] =	ssyncadd.s32 $0xFFFFE700  }
0x114: {  	[tilespmem:s10], [sflag:$0x2] =	stream.indirect.gather [hbm4b:s1+s8], $0x80, s26, s8, $0xb8;
	[tilespmem:$0x1FC00] =	vst v63  }
0x115: {  	_ =	swait.ge [sflag:s20], $0x1900  }
0x116: {  	[sflag:s20] =	ssyncset.done $0x0  }
0x117: {  	s26 =	simm.s32 $0x1700;
	[sflag:s20] =	ssyncadd.s32 $0xFFFFE700  }
0x118: {  	[tilespmem:s12], [sflag:$0x3] =	stream.indirect.gather [hbm4b:s1+s8], $0x80, s26, s8, $0xb8;
	[tilespmem:$0x1FC00] =	vst v63  }
0x119: {  	_ =	swait.ge [sflag:s7], $0x1900  }
0x11a: {  	[sflag:s7] =	ssyncset.done $0x0  }
0x11b: {  	s30 =	simm.s32 $0x800;
	s25 =	simm.s32 $0x1780;
	[sflag:s7] =	ssyncadd.s32 $0xFFFFE700  }
.LBB2_6:
0x11c: {  	[tilespmem:s14], [sflag:$0x4] =	stream.indirect.gather [hbm4b:s1+s8], $0x80, s25, s8, $0xb8;
	[tilespmem:$0x1FC00] =	vst v63  }
0x11d: {  	s25 =	smov.u32 s30  }
0x11e: {  	p0 =	sne.s32 s30, $0x4000;
	s30 =	sadd.s32 $0x800, s30;
	_ =	swait.ge [sflag:s15], $0x1900  }
0x11f: {  	s25 =	sshra.s32 s25, $0x2;
	[sflag:s15] =	ssyncset.done $0x0  }
0x120: {  	s26 =	sadd.s32 $0x3C00, s25;
	[sflag:s15] =	ssyncadd.s32 $0xFFFFE700  }
0x121: {  	[spmem:s3] =	stream.indirect.scatter.add.f32 [tilespmem:s2], [sflag:$0x5], $0x80, s26, s8, $0xb8;
	[tilespmem:$0x1FC00] =	vst v63  }
0x122: {  	_ =	swait.ge [sflag:s16], $0x1900  }
0x123: {  	[sflag:s16] =	ssyncset.done $0x0  }
0x124: {  	s26 =	sadd.s32 $0x3C80, s25;
	[sflag:s16] =	ssyncadd.s32 $0xFFFFE700  }
0x125: {  	[spmem:s3] =	stream.indirect.scatter.add.f32 [tilespmem:s10], [sflag:$0x6], $0x80, s26, s8, $0xb8;
	[tilespmem:$0x1FC00] =	vst v63  }
0x126: {  	_ =	swait.ge [sflag:s17], $0x1900  }
0x127: {  	[sflag:s17] =	ssyncset.done $0x0  }
0x128: {  	s26 =	sadd.s32 $0x3D00, s25;
	[sflag:s17] =	ssyncadd.s32 $0xFFFFE700  }
0x129: {  	[spmem:s3] =	stream.indirect.scatter.add.f32 [tilespmem:s12], [sflag:$0x7], $0x80, s26, s8, $0xb8;
	[tilespmem:$0x1FC00] =	vst v63  }
0x12a: {  	_ =	swait.ge [sflag:s18], $0x1900  }
0x12b: {  	[sflag:s18] =	ssyncset.done $0x0  }
0x12c: {  	s26 =	sadd.s32 $0x3D80, s25;
	[sflag:s18] =	ssyncadd.s32 $0xFFFFE700  }
0x12d: {  	[spmem:s3] =	stream.indirect.scatter.add.f32 [tilespmem:s14], [sflag:$0x8], $0x80, s26, s8, $0xb8;
	[tilespmem:$0x1FC00] =	vst v63  }
0x12e: {  	_ =	swait.ge [sflag:s0], $0x1900  }
0x12f: {  	[sflag:s0] =	ssyncset.done $0x0  }
0x130: {  	s26 =	sadd.s32 $0x1600, s25;
	[sflag:s0] =	ssyncadd.s32 $0xFFFFE700  }
0x131: {  	[tilespmem:s2], [sflag:$0x1] =	stream.indirect.gather [hbm4b:s1+s8], $0x80, s26, s8, $0xb8;
	[tilespmem:$0x1FC00] =	vst v63  }
0x132: {  	_ =	swait.ge [sflag:s19], $0x1900  }
0x133: {  	[sflag:s19] =	ssyncset.done $0x0  }
0x134: {  	s26 =	sadd.s32 $0x1680, s25;
	[sflag:s19] =	ssyncadd.s32 $0xFFFFE700  }
0x135: {  	[tilespmem:s10], [sflag:$0x2] =	stream.indirect.gather [hbm4b:s1+s8], $0x80, s26, s8, $0xb8;
	[tilespmem:$0x1FC00] =	vst v63  }
0x136: {  	_ =	swait.ge [sflag:s20], $0x1900  }
0x137: {  	[sflag:s20] =	ssyncset.done $0x0  }
.Ltmp2:
0x138: {  	s26 =	sadd.s32 $0x1700, s25;
	[sflag:s20] =	ssyncadd.s32 $0xFFFFE700;
	(pc) =	sbr.rel @p0 .LBB2_6-.Ltmp2, $4  }
0x139: {  	[tilespmem:s12], [sflag:$0x3] =	stream.indirect.gather [hbm4b:s1+s8], $0x80, s26, s8, $0xb8;
	[tilespmem:$0x1FC00] =	vst v63  }
0x13a: {  	_ =	swait.ge [sflag:s7], $0x1900  }
0x13b: {  	[sflag:s7] =	ssyncset.done $0x0  }
0x13c: {  	s25 =	sadd.s32 $0x1780, s25;
	[sflag:s7] =	ssyncadd.s32 $0xFFFFE700  }
0x13d: {  	[tilespmem:s14], [sflag:$0x4] =	stream.indirect.gather [hbm4b:s1+s8], $0x80, s25, s8, $0xb8;
	[tilespmem:$0x1FC00] =	vst v63  }
0x13e: {  	_ =	swait.ge [sflag:s15], $0x1900  }
0x13f: {  	[sflag:s15] =	ssyncset.done $0x0  }
0x140: {  	s26 =	simm.s32 $0x4E00;
	[sflag:s15] =	ssyncadd.s32 $0xFFFFE700  }
0x141: {  	[spmem:s3] =	stream.indirect.scatter.add.f32 [tilespmem:s2], [sflag:$0x5], $0x80, s26, s8, $0xb8;
	[tilespmem:$0x1FC00] =	vst v63  }
0x142: {  	_ =	swait.ge [sflag:s16], $0x1900  }
0x143: {  	[sflag:s16] =	ssyncset.done $0x0  }
0x144: {  	s26 =	simm.s32 $0x4E80;
	[sflag:s16] =	ssyncadd.s32 $0xFFFFE700  }
0x145: {  	[spmem:s3] =	stream.indirect.scatter.add.f32 [tilespmem:s10], [sflag:$0x6], $0x80, s26, s8, $0xb8;
	[tilespmem:$0x1FC00] =	vst v63  }
0x146: {  	_ =	swait.ge [sflag:s17], $0x1900  }
0x147: {  	[sflag:s17] =	ssyncset.done $0x0  }
0x148: {  	s26 =	simm.s32 $0x4F00;
	[sflag:s17] =	ssyncadd.s32 $0xFFFFE700  }
0x149: {  	[spmem:s3] =	stream.indirect.scatter.add.f32 [tilespmem:s12], [sflag:$0x7], $0x80, s26, s8, $0xb8;
	[tilespmem:$0x1FC00] =	vst v63  }
0x14a: {  	_ =	swait.ge [sflag:s18], $0x1900  }
0x14b: {  	[sflag:s18] =	ssyncset.done $0x0  }
0x14c: {  	s26 =	simm.s32 $0x4F80;
	[sflag:s18] =	ssyncadd.s32 $0xFFFFE700  }
0x14d: {  	[spmem:s3] =	stream.indirect.scatter.add.f32 [tilespmem:s14], [sflag:$0x8], $0x80, s26, s8, $0xb8;
	[tilespmem:$0x1FC00] =	vst v63  }
0x14e: {  	_ =	swait.ge [sflag:s0], $0x1900  }
0x14f: {  	[sflag:s0] =	ssyncset.done $0x0  }
0x150: {  	[sflag:s0] =	ssyncadd.s32 $0xFFFFE700  }
0x151: {  	_ =	swait.ge [sflag:s19], $0x1900  }
0x152: {  	[sflag:s19] =	ssyncset.done $0x0  }
0x153: {  	[sflag:s19] =	ssyncadd.s32 $0xFFFFE700  }
0x154: {  	_ =	swait.ge [sflag:s20], $0x1900  }
0x155: {  	[sflag:s20] =	ssyncset.done $0x0  }
0x156: {  	[sflag:s20] =	ssyncadd.s32 $0xFFFFE700  }
0x157: {  	_ =	swait.ge [sflag:s7], $0x1900  }
0x158: {  	[sflag:s7] =	ssyncset.done $0x0  }
0x159: {  	[sflag:s7] =	ssyncadd.s32 $0xFFFFE700  }
0x15a: {  	_ =	swait.ge [sflag:s4], $0x1400  }
0x15b: {  	[sflag:s4] =	ssyncset.done $0x0  }
0x15c: {  	[sflag:s4] =	ssyncadd.s32 $0xFFFFEC00  }
0x15d: {  	_ =	swait.ge [sflag:s4], $0x1400  }
0x15e: {  	[sflag:s4] =	ssyncset.done $0x0  }
0x15f: {  	s25 =	simm.s32 $0x0;
	s26 =	rddreg [dreg:$0x12];
	[sflag:s4] =	ssyncadd.s32 $0xFFFFEC00  }
0x160: {  	[tilespmem:s6], [sflag:$0x9] =	stream.linear.gather [hbm4b:s26+s25], $0x1400, $0x38;
	[tilespmem:$0x1FC00] =	vst v63  }
0x161: {  	s30 =	simm.s32 $0x3C00;
	s26 =	rddreg [dreg:$0x13]  }
0x162: {  	[tilespmem:s30], [sflag:$0x9] =	stream.linear.gather [hbm4b:s26+s25], $0x1400, $0x38;
	[tilespmem:$0x1FC00] =	vst v63  }
0x163: {  	_ = 	snop  }
0x164: {  	[tilespmem:s2], [sflag:$0x1] =	stream.indirect.gather [hbm4b:s1+s8], $0x80, s25, s8, $0xb8;
	[tilespmem:$0x1FC00] =	vst v63  }
0x165: {  	_ = 	snop  }
0x166: {  	[tilespmem:s10], [sflag:$0x2] =	stream.indirect.gather [hbm4b:s1+s8], $0x80, s9, s8, $0xb8;
	[tilespmem:$0x1FC00] =	vst v63  }
0x167: {  	_ = 	snop  }
0x168: {  	[tilespmem:s12], [sflag:$0x3] =	stream.indirect.gather [hbm4b:s1+s8], $0x80, s11, s8, $0xb8;
	[tilespmem:$0x1FC00] =	vst v63  }
0x169: {  	_ = 	snop  }
0x16a: {  	[tilespmem:s14], [sflag:$0x4] =	stream.indirect.gather [hbm4b:s1+s8], $0x80, s13, s8, $0xb8;
	[tilespmem:$0x1FC00] =	vst v63  }
0x16b: {  	_ =	swait.ge [sflag:s15], $0x1900  }
0x16c: {  	[sflag:s15] =	ssyncset.done $0x0  }
0x16d: {  	s26 =	simm.s32 $0x2800;
	[sflag:s15] =	ssyncadd.s32 $0xFFFFE700  }
0x16e: {  	[spmem:s3] =	stream.indirect.scatter.add.f32 [tilespmem:s2], [sflag:$0x5], $0x80, s26, s8, $0xb8;
	[tilespmem:$0x1FC00] =	vst v63  }
0x16f: {  	_ =	swait.ge [sflag:s16], $0x1900  }
0x170: {  	[sflag:s16] =	ssyncset.done $0x0  }
0x171: {  	s26 =	simm.s32 $0x2880;
	[sflag:s16] =	ssyncadd.s32 $0xFFFFE700  }
0x172: {  	[spmem:s3] =	stream.indirect.scatter.add.f32 [tilespmem:s10], [sflag:$0x6], $0x80, s26, s8, $0xb8;
	[tilespmem:$0x1FC00] =	vst v63  }
0x173: {  	_ =	swait.ge [sflag:s17], $0x1900  }
0x174: {  	[sflag:s17] =	ssyncset.done $0x0  }
0x175: {  	s26 =	simm.s32 $0x2900;
	[sflag:s17] =	ssyncadd.s32 $0xFFFFE700  }
0x176: {  	[spmem:s3] =	stream.indirect.scatter.add.f32 [tilespmem:s12], [sflag:$0x7], $0x80, s26, s8, $0xb8;
	[tilespmem:$0x1FC00] =	vst v63  }
0x177: {  	_ =	swait.ge [sflag:s18], $0x1900  }
0x178: {  	[sflag:s18] =	ssyncset.done $0x0  }
0x179: {  	s26 =	simm.s32 $0x2980;
	[sflag:s18] =	ssyncadd.s32 $0xFFFFE700  }
0x17a: {  	[spmem:s3] =	stream.indirect.scatter.add.f32 [tilespmem:s14], [sflag:$0x8], $0x80, s26, s8, $0xb8;
	[tilespmem:$0x1FC00] =	vst v63  }
0x17b: {  	_ =	swait.ge [sflag:s0], $0x1900  }
0x17c: {  	[sflag:s0] =	ssyncset.done $0x0  }
0x17d: {  	s26 =	simm.s32 $0x200;
	[sflag:s0] =	ssyncadd.s32 $0xFFFFE700  }
0x17e: {  	[tilespmem:s2], [sflag:$0x1] =	stream.indirect.gather [hbm4b:s1+s8], $0x80, s26, s8, $0xb8;
	[tilespmem:$0x1FC00] =	vst v63  }
0x17f: {  	_ =	swait.ge [sflag:s19], $0x1900  }
0x180: {  	[sflag:s19] =	ssyncset.done $0x0  }
0x181: {  	s26 =	simm.s32 $0x280;
	[sflag:s19] =	ssyncadd.s32 $0xFFFFE700  }
0x182: {  	[tilespmem:s10], [sflag:$0x2] =	stream.indirect.gather [hbm4b:s1+s8], $0x80, s26, s8, $0xb8;
	[tilespmem:$0x1FC00] =	vst v63  }
0x183: {  	_ =	swait.ge [sflag:s20], $0x1900  }
0x184: {  	[sflag:s20] =	ssyncset.done $0x0  }
0x185: {  	s26 =	simm.s32 $0x300;
	[sflag:s20] =	ssyncadd.s32 $0xFFFFE700  }
0x186: {  	[tilespmem:s12], [sflag:$0x3] =	stream.indirect.gather [hbm4b:s1+s8], $0x80, s26, s8, $0xb8;
	[tilespmem:$0x1FC00] =	vst v63  }
0x187: {  	_ =	swait.ge [sflag:s7], $0x1900  }
0x188: {  	[sflag:s7] =	ssyncset.done $0x0  }
0x189: {  	s30 =	simm.s32 $0x800;
	s25 =	simm.s32 $0x380;
	[sflag:s7] =	ssyncadd.s32 $0xFFFFE700  }
.LBB2_8:
0x18a: {  	[tilespmem:s14], [sflag:$0x4] =	stream.indirect.gather [hbm4b:s1+s8], $0x80, s25, s8, $0xb8;
	[tilespmem:$0x1FC00] =	vst v63  }
0x18b: {  	s25 =	smov.u32 s30  }
0x18c: {  	p0 =	sne.s32 s30, $0x4000;
	s30 =	sadd.s32 $0x800, s30;
	_ =	swait.ge [sflag:s15], $0x1900  }
0x18d: {  	s25 =	sshra.s32 s25, $0x2;
	[sflag:s15] =	ssyncset.done $0x0  }
0x18e: {  	s26 =	sadd.s32 $0x2800, s25;
	[sflag:s15] =	ssyncadd.s32 $0xFFFFE700  }
0x18f: {  	[spmem:s3] =	stream.indirect.scatter.add.f32 [tilespmem:s2], [sflag:$0x5], $0x80, s26, s8, $0xb8;
	[tilespmem:$0x1FC00] =	vst v63  }
0x190: {  	_ =	swait.ge [sflag:s16], $0x1900  }
0x191: {  	[sflag:s16] =	ssyncset.done $0x0  }
0x192: {  	s26 =	sadd.s32 $0x2880, s25;
	[sflag:s16] =	ssyncadd.s32 $0xFFFFE700  }
0x193: {  	[spmem:s3] =	stream.indirect.scatter.add.f32 [tilespmem:s10], [sflag:$0x6], $0x80, s26, s8, $0xb8;
	[tilespmem:$0x1FC00] =	vst v63  }
0x194: {  	_ =	swait.ge [sflag:s17], $0x1900  }
0x195: {  	[sflag:s17] =	ssyncset.done $0x0  }
0x196: {  	s26 =	sadd.s32 $0x2900, s25;
	[sflag:s17] =	ssyncadd.s32 $0xFFFFE700  }
0x197: {  	[spmem:s3] =	stream.indirect.scatter.add.f32 [tilespmem:s12], [sflag:$0x7], $0x80, s26, s8, $0xb8;
	[tilespmem:$0x1FC00] =	vst v63  }
0x198: {  	_ =	swait.ge [sflag:s18], $0x1900  }
0x199: {  	[sflag:s18] =	ssyncset.done $0x0  }
0x19a: {  	s26 =	sadd.s32 $0x2980, s25;
	[sflag:s18] =	ssyncadd.s32 $0xFFFFE700  }
0x19b: {  	[spmem:s3] =	stream.indirect.scatter.add.f32 [tilespmem:s14], [sflag:$0x8], $0x80, s26, s8, $0xb8;
	[tilespmem:$0x1FC00] =	vst v63  }
0x19c: {  	_ =	swait.ge [sflag:s0], $0x1900  }
0x19d: {  	[sflag:s0] =	ssyncset.done $0x0  }
0x19e: {  	s26 =	sadd.s32 $0x200, s25;
	[sflag:s0] =	ssyncadd.s32 $0xFFFFE700  }
0x19f: {  	[tilespmem:s2], [sflag:$0x1] =	stream.indirect.gather [hbm4b:s1+s8], $0x80, s26, s8, $0xb8;
	[tilespmem:$0x1FC00] =	vst v63  }
0x1a0: {  	_ =	swait.ge [sflag:s19], $0x1900  }
0x1a1: {  	[sflag:s19] =	ssyncset.done $0x0  }
0x1a2: {  	s26 =	sadd.s32 $0x280, s25;
	[sflag:s19] =	ssyncadd.s32 $0xFFFFE700  }
0x1a3: {  	[tilespmem:s10], [sflag:$0x2] =	stream.indirect.gather [hbm4b:s1+s8], $0x80, s26, s8, $0xb8;
	[tilespmem:$0x1FC00] =	vst v63  }
0x1a4: {  	_ =	swait.ge [sflag:s20], $0x1900  }
0x1a5: {  	[sflag:s20] =	ssyncset.done $0x0  }
.Ltmp3:
0x1a6: {  	s26 =	sadd.s32 $0x300, s25;
	[sflag:s20] =	ssyncadd.s32 $0xFFFFE700;
	(pc) =	sbr.rel @p0 .LBB2_8-.Ltmp3, $4  }
0x1a7: {  	[tilespmem:s12], [sflag:$0x3] =	stream.indirect.gather [hbm4b:s1+s8], $0x80, s26, s8, $0xb8;
	[tilespmem:$0x1FC00] =	vst v63  }
0x1a8: {  	_ =	swait.ge [sflag:s7], $0x1900  }
0x1a9: {  	[sflag:s7] =	ssyncset.done $0x0  }
0x1aa: {  	s25 =	sadd.s32 $0x380, s25;
	[sflag:s7] =	ssyncadd.s32 $0xFFFFE700  }
0x1ab: {  	[tilespmem:s14], [sflag:$0x4] =	stream.indirect.gather [hbm4b:s1+s8], $0x80, s25, s8, $0xb8;
	[tilespmem:$0x1FC00] =	vst v63  }
0x1ac: {  	_ =	swait.ge [sflag:s15], $0x1900  }
0x1ad: {  	[sflag:s15] =	ssyncset.done $0x0  }
0x1ae: {  	[sflag:s15] =	ssyncadd.s32 $0xFFFFE700  }
0x1af: {  	[spmem:s3] =	stream.indirect.scatter.add.f32 [tilespmem:s2], [sflag:$0x5], $0x80, s21, s8, $0xb8;
	[tilespmem:$0x1FC00] =	vst v63  }
0x1b0: {  	_ =	swait.ge [sflag:s16], $0x1900  }
0x1b1: {  	[sflag:s16] =	ssyncset.done $0x0  }
0x1b2: {  	[sflag:s16] =	ssyncadd.s32 $0xFFFFE700  }
0x1b3: {  	[spmem:s3] =	stream.indirect.scatter.add.f32 [tilespmem:s10], [sflag:$0x6], $0x80, s22, s8, $0xb8;
	[tilespmem:$0x1FC00] =	vst v63  }
0x1b4: {  	_ =	swait.ge [sflag:s17], $0x1900  }
0x1b5: {  	[sflag:s17] =	ssyncset.done $0x0  }
0x1b6: {  	[sflag:s17] =	ssyncadd.s32 $0xFFFFE700  }
0x1b7: {  	[spmem:s3] =	stream.indirect.scatter.add.f32 [tilespmem:s12], [sflag:$0x7], $0x80, s23, s8, $0xb8;
	[tilespmem:$0x1FC00] =	vst v63  }
0x1b8: {  	_ =	swait.ge [sflag:s18], $0x1900  }
0x1b9: {  	[sflag:s18] =	ssyncset.done $0x0  }
0x1ba: {  	[sflag:s18] =	ssyncadd.s32 $0xFFFFE700  }
0x1bb: {  	[spmem:s3] =	stream.indirect.scatter.add.f32 [tilespmem:s14], [sflag:$0x8], $0x80, s24, s8, $0xb8;
	[tilespmem:$0x1FC00] =	vst v63  }
0x1bc: {  	_ =	swait.ge [sflag:s0], $0x1900  }
0x1bd: {  	[sflag:s0] =	ssyncset.done $0x0  }
0x1be: {  	[sflag:s0] =	ssyncadd.s32 $0xFFFFE700  }
0x1bf: {  	_ =	swait.ge [sflag:s19], $0x1900  }
0x1c0: {  	[sflag:s19] =	ssyncset.done $0x0  }
0x1c1: {  	[sflag:s19] =	ssyncadd.s32 $0xFFFFE700  }
0x1c2: {  	_ =	swait.ge [sflag:s20], $0x1900  }
0x1c3: {  	[sflag:s20] =	ssyncset.done $0x0  }
0x1c4: {  	[sflag:s20] =	ssyncadd.s32 $0xFFFFE700  }
0x1c5: {  	_ =	swait.ge [sflag:s7], $0x1900  }
0x1c6: {  	[sflag:s7] =	ssyncset.done $0x0  }
0x1c7: {  	[sflag:s7] =	ssyncadd.s32 $0xFFFFE700  }
0x1c8: {  	_ =	swait.ge [sflag:s4], $0x1400  }
0x1c9: {  	[sflag:s4] =	ssyncset.done $0x0  }
0x1ca: {  	[sflag:s4] =	ssyncadd.s32 $0xFFFFEC00  }
0x1cb: {  	_ =	swait.ge [sflag:s4], $0x1400  }
0x1cc: {  	[sflag:s4] =	ssyncset.done $0x0  }
0x1cd: {  	s25 =	simm.s32 $0x0;
	s26 =	rddreg [dreg:$0x14];
	[sflag:s4] =	ssyncadd.s32 $0xFFFFEC00  }
0x1ce: {  	[tilespmem:s25], [sflag:$0x9] =	stream.linear.gather [hbm4b:s26+s25], $0x1400, $0x38;
	[tilespmem:$0x1FC00] =	vst v63  }
0x1cf: {  	s26 =	rddreg [dreg:$0x15]  }
0x1d0: {  	[tilespmem:s31], [sflag:$0x9] =	stream.linear.gather [hbm4b:s26+s25], $0x1400, $0x38;
	[tilespmem:$0x1FC00] =	vst v63  }
0x1d1: {  	_ = 	snop  }
0x1d2: {  	[tilespmem:s2], [sflag:$0x1] =	stream.indirect.gather [hbm4b:s1+s8], $0x80, s6, s8, $0xb8;
	[tilespmem:$0x1FC00] =	vst v63  }
0x1d3: {  	s26 =	simm.s32 $0x1480  }
0x1d4: {  	[tilespmem:s10], [sflag:$0x2] =	stream.indirect.gather [hbm4b:s1+s8], $0x80, s26, s8, $0xb8;
	[tilespmem:$0x1FC00] =	vst v63  }
0x1d5: {  	s26 =	simm.s32 $0x1500  }
0x1d6: {  	[tilespmem:s12], [sflag:$0x3] =	stream.indirect.gather [hbm4b:s1+s8], $0x80, s26, s8, $0xb8;
	[tilespmem:$0x1FC00] =	vst v63  }
0x1d7: {  	s26 =	simm.s32 $0x1580  }
0x1d8: {  	[tilespmem:s14], [sflag:$0x4] =	stream.indirect.gather [hbm4b:s1+s8], $0x80, s26, s8, $0xb8;
	[tilespmem:$0x1FC00] =	vst v63  }
0x1d9: {  	_ =	swait.ge [sflag:s15], $0x1900  }
0x1da: {  	[sflag:s15] =	ssyncset.done $0x0  }
0x1db: {  	s26 =	simm.s32 $0x3C00;
	[sflag:s15] =	ssyncadd.s32 $0xFFFFE700  }
0x1dc: {  	[spmem:s3] =	stream.indirect.scatter.add.f32 [tilespmem:s2], [sflag:$0x5], $0x80, s26, s8, $0xb8;
	[tilespmem:$0x1FC00] =	vst v63  }
0x1dd: {  	_ =	swait.ge [sflag:s16], $0x1900  }
0x1de: {  	[sflag:s16] =	ssyncset.done $0x0  }
0x1df: {  	s26 =	simm.s32 $0x3C80;
	[sflag:s16] =	ssyncadd.s32 $0xFFFFE700  }
0x1e0: {  	[spmem:s3] =	stream.indirect.scatter.add.f32 [tilespmem:s10], [sflag:$0x6], $0x80, s26, s8, $0xb8;
	[tilespmem:$0x1FC00] =	vst v63  }
0x1e1: {  	_ =	swait.ge [sflag:s17], $0x1900  }
0x1e2: {  	[sflag:s17] =	ssyncset.done $0x0  }
0x1e3: {  	s26 =	simm.s32 $0x3D00;
	[sflag:s17] =	ssyncadd.s32 $0xFFFFE700  }
0x1e4: {  	[spmem:s3] =	stream.indirect.scatter.add.f32 [tilespmem:s12], [sflag:$0x7], $0x80, s26, s8, $0xb8;
	[tilespmem:$0x1FC00] =	vst v63  }
0x1e5: {  	_ =	swait.ge [sflag:s18], $0x1900  }
0x1e6: {  	[sflag:s18] =	ssyncset.done $0x0  }
0x1e7: {  	s26 =	simm.s32 $0x3D80;
	[sflag:s18] =	ssyncadd.s32 $0xFFFFE700  }
0x1e8: {  	[spmem:s3] =	stream.indirect.scatter.add.f32 [tilespmem:s14], [sflag:$0x8], $0x80, s26, s8, $0xb8;
	[tilespmem:$0x1FC00] =	vst v63  }
0x1e9: {  	_ =	swait.ge [sflag:s0], $0x1900  }
0x1ea: {  	[sflag:s0] =	ssyncset.done $0x0  }
0x1eb: {  	s26 =	simm.s32 $0x1600;
	[sflag:s0] =	ssyncadd.s32 $0xFFFFE700  }
0x1ec: {  	[tilespmem:s2], [sflag:$0x1] =	stream.indirect.gather [hbm4b:s1+s8], $0x80, s26, s8, $0xb8;
	[tilespmem:$0x1FC00] =	vst v63  }
0x1ed: {  	_ =	swait.ge [sflag:s19], $0x1900  }
0x1ee: {  	[sflag:s19] =	ssyncset.done $0x0  }
0x1ef: {  	s26 =	simm.s32 $0x1680;
	[sflag:s19] =	ssyncadd.s32 $0xFFFFE700  }
0x1f0: {  	[tilespmem:s10], [sflag:$0x2] =	stream.indirect.gather [hbm4b:s1+s8], $0x80, s26, s8, $0xb8;
	[tilespmem:$0x1FC00] =	vst v63  }
0x1f1: {  	_ =	swait.ge [sflag:s20], $0x1900  }
0x1f2: {  	[sflag:s20] =	ssyncset.done $0x0  }
0x1f3: {  	s26 =	simm.s32 $0x1700;
	[sflag:s20] =	ssyncadd.s32 $0xFFFFE700  }
0x1f4: {  	[tilespmem:s12], [sflag:$0x3] =	stream.indirect.gather [hbm4b:s1+s8], $0x80, s26, s8, $0xb8;
	[tilespmem:$0x1FC00] =	vst v63  }
0x1f5: {  	_ =	swait.ge [sflag:s7], $0x1900  }
0x1f6: {  	[sflag:s7] =	ssyncset.done $0x0  }
0x1f7: {  	s30 =	simm.s32 $0x800;
	s25 =	simm.s32 $0x1780;
	[sflag:s7] =	ssyncadd.s32 $0xFFFFE700  }
.LBB2_10:
0x1f8: {  	[tilespmem:s14], [sflag:$0x4] =	stream.indirect.gather [hbm4b:s1+s8], $0x80, s25, s8, $0xb8;
	[tilespmem:$0x1FC00] =	vst v63  }
0x1f9: {  	s25 =	smov.u32 s30  }
0x1fa: {  	p0 =	sne.s32 s30, $0x4000;
	s30 =	sadd.s32 $0x800, s30;
	_ =	swait.ge [sflag:s15], $0x1900  }
0x1fb: {  	s25 =	sshra.s32 s25, $0x2;
	[sflag:s15] =	ssyncset.done $0x0  }
0x1fc: {  	s26 =	sadd.s32 $0x3C00, s25;
	[sflag:s15] =	ssyncadd.s32 $0xFFFFE700  }
0x1fd: {  	[spmem:s3] =	stream.indirect.scatter.add.f32 [tilespmem:s2], [sflag:$0x5], $0x80, s26, s8, $0xb8;
	[tilespmem:$0x1FC00] =	vst v63  }
0x1fe: {  	_ =	swait.ge [sflag:s16], $0x1900  }
0x1ff: {  	[sflag:s16] =	ssyncset.done $0x0  }
0x200: {  	s26 =	sadd.s32 $0x3C80, s25;
	[sflag:s16] =	ssyncadd.s32 $0xFFFFE700  }
0x201: {  	[spmem:s3] =	stream.indirect.scatter.add.f32 [tilespmem:s10], [sflag:$0x6], $0x80, s26, s8, $0xb8;
	[tilespmem:$0x1FC00] =	vst v63  }
0x202: {  	_ =	swait.ge [sflag:s17], $0x1900  }
0x203: {  	[sflag:s17] =	ssyncset.done $0x0  }
0x204: {  	s26 =	sadd.s32 $0x3D00, s25;
	[sflag:s17] =	ssyncadd.s32 $0xFFFFE700  }
0x205: {  	[spmem:s3] =	stream.indirect.scatter.add.f32 [tilespmem:s12], [sflag:$0x7], $0x80, s26, s8, $0xb8;
	[tilespmem:$0x1FC00] =	vst v63  }
0x206: {  	_ =	swait.ge [sflag:s18], $0x1900  }
0x207: {  	[sflag:s18] =	ssyncset.done $0x0  }
0x208: {  	s26 =	sadd.s32 $0x3D80, s25;
	[sflag:s18] =	ssyncadd.s32 $0xFFFFE700  }
0x209: {  	[spmem:s3] =	stream.indirect.scatter.add.f32 [tilespmem:s14], [sflag:$0x8], $0x80, s26, s8, $0xb8;
	[tilespmem:$0x1FC00] =	vst v63  }
0x20a: {  	_ =	swait.ge [sflag:s0], $0x1900  }
0x20b: {  	[sflag:s0] =	ssyncset.done $0x0  }
0x20c: {  	s26 =	sadd.s32 $0x1600, s25;
	[sflag:s0] =	ssyncadd.s32 $0xFFFFE700  }
0x20d: {  	[tilespmem:s2], [sflag:$0x1] =	stream.indirect.gather [hbm4b:s1+s8], $0x80, s26, s8, $0xb8;
	[tilespmem:$0x1FC00] =	vst v63  }
0x20e: {  	_ =	swait.ge [sflag:s19], $0x1900  }
0x20f: {  	[sflag:s19] =	ssyncset.done $0x0  }
0x210: {  	s26 =	sadd.s32 $0x1680, s25;
	[sflag:s19] =	ssyncadd.s32 $0xFFFFE700  }
0x211: {  	[tilespmem:s10], [sflag:$0x2] =	stream.indirect.gather [hbm4b:s1+s8], $0x80, s26, s8, $0xb8;
	[tilespmem:$0x1FC00] =	vst v63  }
0x212: {  	_ =	swait.ge [sflag:s20], $0x1900  }
0x213: {  	[sflag:s20] =	ssyncset.done $0x0  }
.Ltmp4:
0x214: {  	s26 =	sadd.s32 $0x1700, s25;
	[sflag:s20] =	ssyncadd.s32 $0xFFFFE700;
	(pc) =	sbr.rel @p0 .LBB2_10-.Ltmp4, $4  }
0x215: {  	[tilespmem:s12], [sflag:$0x3] =	stream.indirect.gather [hbm4b:s1+s8], $0x80, s26, s8, $0xb8;
	[tilespmem:$0x1FC00] =	vst v63  }
0x216: {  	_ =	swait.ge [sflag:s7], $0x1900  }
0x217: {  	[sflag:s7] =	ssyncset.done $0x0  }
0x218: {  	s25 =	sadd.s32 $0x1780, s25;
	[sflag:s7] =	ssyncadd.s32 $0xFFFFE700  }
0x219: {  	[tilespmem:s14], [sflag:$0x4] =	stream.indirect.gather [hbm4b:s1+s8], $0x80, s25, s8, $0xb8;
	[tilespmem:$0x1FC00] =	vst v63  }
0x21a: {  	_ =	swait.ge [sflag:s15], $0x1900  }
0x21b: {  	[sflag:s15] =	ssyncset.done $0x0  }
0x21c: {  	s26 =	simm.s32 $0x4E00;
	[sflag:s15] =	ssyncadd.s32 $0xFFFFE700  }
0x21d: {  	[spmem:s3] =	stream.indirect.scatter.add.f32 [tilespmem:s2], [sflag:$0x5], $0x80, s26, s8, $0xb8;
	[tilespmem:$0x1FC00] =	vst v63  }
0x21e: {  	_ =	swait.ge [sflag:s16], $0x1900  }
0x21f: {  	[sflag:s16] =	ssyncset.done $0x0  }
0x220: {  	s26 =	simm.s32 $0x4E80;
	[sflag:s16] =	ssyncadd.s32 $0xFFFFE700  }
0x221: {  	[spmem:s3] =	stream.indirect.scatter.add.f32 [tilespmem:s10], [sflag:$0x6], $0x80, s26, s8, $0xb8;
	[tilespmem:$0x1FC00] =	vst v63  }
0x222: {  	_ =	swait.ge [sflag:s17], $0x1900  }
0x223: {  	[sflag:s17] =	ssyncset.done $0x0  }
0x224: {  	s26 =	simm.s32 $0x4F00;
	[sflag:s17] =	ssyncadd.s32 $0xFFFFE700  }
0x225: {  	[spmem:s3] =	stream.indirect.scatter.add.f32 [tilespmem:s12], [sflag:$0x7], $0x80, s26, s8, $0xb8;
	[tilespmem:$0x1FC00] =	vst v63  }
0x226: {  	_ =	swait.ge [sflag:s18], $0x1900  }
0x227: {  	[sflag:s18] =	ssyncset.done $0x0  }
0x228: {  	s26 =	simm.s32 $0x4F80;
	[sflag:s18] =	ssyncadd.s32 $0xFFFFE700  }
0x229: {  	[spmem:s3] =	stream.indirect.scatter.add.f32 [tilespmem:s14], [sflag:$0x8], $0x80, s26, s8, $0xb8;
	[tilespmem:$0x1FC00] =	vst v63  }
0x22a: {  	_ =	swait.ge [sflag:s0], $0x1900  }
0x22b: {  	[sflag:s0] =	ssyncset.done $0x0  }
0x22c: {  	[sflag:s0] =	ssyncadd.s32 $0xFFFFE700  }
0x22d: {  	_ =	swait.ge [sflag:s19], $0x1900  }
0x22e: {  	[sflag:s19] =	ssyncset.done $0x0  }
0x22f: {  	[sflag:s19] =	ssyncadd.s32 $0xFFFFE700  }
0x230: {  	_ =	swait.ge [sflag:s20], $0x1900  }
0x231: {  	[sflag:s20] =	ssyncset.done $0x0  }
0x232: {  	[sflag:s20] =	ssyncadd.s32 $0xFFFFE700  }
0x233: {  	_ =	swait.ge [sflag:s7], $0x1900  }
0x234: {  	[sflag:s7] =	ssyncset.done $0x0  }
0x235: {  	[sflag:s7] =	ssyncadd.s32 $0xFFFFE700  }
0x236: {  	_ =	swait.ge [sflag:s4], $0x1400  }
0x237: {  	[sflag:s4] =	ssyncset.done $0x0  }
0x238: {  	[sflag:s4] =	ssyncadd.s32 $0xFFFFEC00  }
0x239: {  	_ =	swait.ge [sflag:s4], $0x1400  }
0x23a: {  	[sflag:s4] =	ssyncset.done $0x0  }
0x23b: {  	s26 =	simm.s32 $0x0;
	[sflag:s4] =	ssyncadd.s32 $0xFFFFEC00  }
0x23c: {  	[tilespmem:s2], [sflag:$0x1] =	stream.indirect.gather [hbm4b:s1+s8], $0x80, s26, s8, $0xb8;
	[tilespmem:$0x1FC00] =	vst v63  }
0x23d: {  	_ = 	snop  }
0x23e: {  	[tilespmem:s10], [sflag:$0x2] =	stream.indirect.gather [hbm4b:s1+s8], $0x80, s9, s8, $0xb8;
	[tilespmem:$0x1FC00] =	vst v63  }
0x23f: {  	_ = 	snop  }
0x240: {  	[tilespmem:s12], [sflag:$0x3] =	stream.indirect.gather [hbm4b:s1+s8], $0x80, s11, s8, $0xb8;
	[tilespmem:$0x1FC00] =	vst v63  }
0x241: {  	_ = 	snop  }
0x242: {  	[tilespmem:s14], [sflag:$0x4] =	stream.indirect.gather [hbm4b:s1+s8], $0x80, s13, s8, $0xb8;
	[tilespmem:$0x1FC00] =	vst v63  }
0x243: {  	_ =	swait.ge [sflag:s15], $0x1900  }
0x244: {  	[sflag:s15] =	ssyncset.done $0x0  }
0x245: {  	s26 =	simm.s32 $0x2800;
	[sflag:s15] =	ssyncadd.s32 $0xFFFFE700  }
0x246: {  	[spmem:s3] =	stream.indirect.scatter.add.f32 [tilespmem:s2], [sflag:$0x5], $0x80, s26, s8, $0xb8;
	[tilespmem:$0x1FC00] =	vst v63  }
0x247: {  	_ =	swait.ge [sflag:s16], $0x1900  }
0x248: {  	[sflag:s16] =	ssyncset.done $0x0  }
0x249: {  	s26 =	simm.s32 $0x2880;
	[sflag:s16] =	ssyncadd.s32 $0xFFFFE700  }
0x24a: {  	[spmem:s3] =	stream.indirect.scatter.add.f32 [tilespmem:s10], [sflag:$0x6], $0x80, s26, s8, $0xb8;
	[tilespmem:$0x1FC00] =	vst v63  }
0x24b: {  	_ =	swait.ge [sflag:s17], $0x1900  }
0x24c: {  	[sflag:s17] =	ssyncset.done $0x0  }
0x24d: {  	s26 =	simm.s32 $0x2900;
	[sflag:s17] =	ssyncadd.s32 $0xFFFFE700  }
0x24e: {  	[spmem:s3] =	stream.indirect.scatter.add.f32 [tilespmem:s12], [sflag:$0x7], $0x80, s26, s8, $0xb8;
	[tilespmem:$0x1FC00] =	vst v63  }
0x24f: {  	_ =	swait.ge [sflag:s18], $0x1900  }
0x250: {  	[sflag:s18] =	ssyncset.done $0x0  }
0x251: {  	s26 =	simm.s32 $0x2980;
	[sflag:s18] =	ssyncadd.s32 $0xFFFFE700  }
0x252: {  	[spmem:s3] =	stream.indirect.scatter.add.f32 [tilespmem:s14], [sflag:$0x8], $0x80, s26, s8, $0xb8;
	[tilespmem:$0x1FC00] =	vst v63  }
0x253: {  	_ =	swait.ge [sflag:s0], $0x1900  }
0x254: {  	[sflag:s0] =	ssyncset.done $0x0  }
0x255: {  	s26 =	simm.s32 $0x200;
	[sflag:s0] =	ssyncadd.s32 $0xFFFFE700  }
0x256: {  	[tilespmem:s2], [sflag:$0x1] =	stream.indirect.gather [hbm4b:s1+s8], $0x80, s26, s8, $0xb8;
	[tilespmem:$0x1FC00] =	vst v63  }
0x257: {  	_ =	swait.ge [sflag:s19], $0x1900  }
0x258: {  	[sflag:s19] =	ssyncset.done $0x0  }
0x259: {  	s26 =	simm.s32 $0x280;
	[sflag:s19] =	ssyncadd.s32 $0xFFFFE700  }
0x25a: {  	[tilespmem:s10], [sflag:$0x2] =	stream.indirect.gather [hbm4b:s1+s8], $0x80, s26, s8, $0xb8;
	[tilespmem:$0x1FC00] =	vst v63  }
0x25b: {  	_ =	swait.ge [sflag:s20], $0x1900  }
0x25c: {  	[sflag:s20] =	ssyncset.done $0x0  }
0x25d: {  	s26 =	simm.s32 $0x300;
	[sflag:s20] =	ssyncadd.s32 $0xFFFFE700  }
0x25e: {  	[tilespmem:s12], [sflag:$0x3] =	stream.indirect.gather [hbm4b:s1+s8], $0x80, s26, s8, $0xb8;
	[tilespmem:$0x1FC00] =	vst v63  }
0x25f: {  	_ =	swait.ge [sflag:s7], $0x1900  }
0x260: {  	[sflag:s7] =	ssyncset.done $0x0  }
0x261: {  	s30 =	simm.s32 $0x800;
	s25 =	simm.s32 $0x380;
	[sflag:s7] =	ssyncadd.s32 $0xFFFFE700  }
.LBB2_12:
0x262: {  	[tilespmem:s14], [sflag:$0x4] =	stream.indirect.gather [hbm4b:s1+s8], $0x80, s25, s8, $0xb8;
	[tilespmem:$0x1FC00] =	vst v63  }
0x263: {  	s25 =	smov.u32 s30  }
0x264: {  	p0 =	sne.s32 s30, $0x4000;
	s30 =	sadd.s32 $0x800, s30;
	_ =	swait.ge [sflag:s15], $0x1900  }
0x265: {  	s25 =	sshra.s32 s25, $0x2;
	[sflag:s15] =	ssyncset.done $0x0  }
0x266: {  	s26 =	sadd.s32 $0x2800, s25;
	[sflag:s15] =	ssyncadd.s32 $0xFFFFE700  }
0x267: {  	[spmem:s3] =	stream.indirect.scatter.add.f32 [tilespmem:s2], [sflag:$0x5], $0x80, s26, s8, $0xb8;
	[tilespmem:$0x1FC00] =	vst v63  }
0x268: {  	_ =	swait.ge [sflag:s16], $0x1900  }
0x269: {  	[sflag:s16] =	ssyncset.done $0x0  }
0x26a: {  	s26 =	sadd.s32 $0x2880, s25;
	[sflag:s16] =	ssyncadd.s32 $0xFFFFE700  }
0x26b: {  	[spmem:s3] =	stream.indirect.scatter.add.f32 [tilespmem:s10], [sflag:$0x6], $0x80, s26, s8, $0xb8;
	[tilespmem:$0x1FC00] =	vst v63  }
0x26c: {  	_ =	swait.ge [sflag:s17], $0x1900  }
0x26d: {  	[sflag:s17] =	ssyncset.done $0x0  }
0x26e: {  	s26 =	sadd.s32 $0x2900, s25;
	[sflag:s17] =	ssyncadd.s32 $0xFFFFE700  }
0x26f: {  	[spmem:s3] =	stream.indirect.scatter.add.f32 [tilespmem:s12], [sflag:$0x7], $0x80, s26, s8, $0xb8;
	[tilespmem:$0x1FC00] =	vst v63  }
0x270: {  	_ =	swait.ge [sflag:s18], $0x1900  }
0x271: {  	[sflag:s18] =	ssyncset.done $0x0  }
0x272: {  	s26 =	sadd.s32 $0x2980, s25;
	[sflag:s18] =	ssyncadd.s32 $0xFFFFE700  }
0x273: {  	[spmem:s3] =	stream.indirect.scatter.add.f32 [tilespmem:s14], [sflag:$0x8], $0x80, s26, s8, $0xb8;
	[tilespmem:$0x1FC00] =	vst v63  }
0x274: {  	_ =	swait.ge [sflag:s0], $0x1900  }
0x275: {  	[sflag:s0] =	ssyncset.done $0x0  }
0x276: {  	s26 =	sadd.s32 $0x200, s25;
	[sflag:s0] =	ssyncadd.s32 $0xFFFFE700  }
0x277: {  	[tilespmem:s2], [sflag:$0x1] =	stream.indirect.gather [hbm4b:s1+s8], $0x80, s26, s8, $0xb8;
	[tilespmem:$0x1FC00] =	vst v63  }
0x278: {  	_ =	swait.ge [sflag:s19], $0x1900  }
0x279: {  	[sflag:s19] =	ssyncset.done $0x0  }
0x27a: {  	s26 =	sadd.s32 $0x280, s25;
	[sflag:s19] =	ssyncadd.s32 $0xFFFFE700  }
0x27b: {  	[tilespmem:s10], [sflag:$0x2] =	stream.indirect.gather [hbm4b:s1+s8], $0x80, s26, s8, $0xb8;
	[tilespmem:$0x1FC00] =	vst v63  }
0x27c: {  	_ =	swait.ge [sflag:s20], $0x1900  }
0x27d: {  	[sflag:s20] =	ssyncset.done $0x0  }
.Ltmp5:
0x27e: {  	s26 =	sadd.s32 $0x300, s25;
	[sflag:s20] =	ssyncadd.s32 $0xFFFFE700;
	(pc) =	sbr.rel @p0 .LBB2_12-.Ltmp5, $4  }
0x27f: {  	[tilespmem:s12], [sflag:$0x3] =	stream.indirect.gather [hbm4b:s1+s8], $0x80, s26, s8, $0xb8;
	[tilespmem:$0x1FC00] =	vst v63  }
0x280: {  	_ =	swait.ge [sflag:s7], $0x1900  }
0x281: {  	[sflag:s7] =	ssyncset.done $0x0  }
0x282: {  	s25 =	sadd.s32 $0x380, s25;
	[sflag:s7] =	ssyncadd.s32 $0xFFFFE700  }
0x283: {  	[tilespmem:s14], [sflag:$0x4] =	stream.indirect.gather [hbm4b:s1+s8], $0x80, s25, s8, $0xb8;
	[tilespmem:$0x1FC00] =	vst v63  }
0x284: {  	_ =	swait.ge [sflag:s15], $0x1900  }
0x285: {  	[sflag:s15] =	ssyncset.done $0x0  }
0x286: {  	[sflag:s15] =	ssyncadd.s32 $0xFFFFE700  }
0x287: {  	[spmem:s3] =	stream.indirect.scatter.add.f32 [tilespmem:s2], [sflag:$0x5], $0x80, s21, s8, $0xb8;
	[tilespmem:$0x1FC00] =	vst v63  }
0x288: {  	_ =	swait.ge [sflag:s16], $0x1900  }
0x289: {  	[sflag:s16] =	ssyncset.done $0x0  }
0x28a: {  	[sflag:s16] =	ssyncadd.s32 $0xFFFFE700  }
0x28b: {  	[spmem:s3] =	stream.indirect.scatter.add.f32 [tilespmem:s10], [sflag:$0x6], $0x80, s22, s8, $0xb8;
	[tilespmem:$0x1FC00] =	vst v63  }
0x28c: {  	_ =	swait.ge [sflag:s17], $0x1900  }
0x28d: {  	[sflag:s17] =	ssyncset.done $0x0  }
0x28e: {  	[sflag:s17] =	ssyncadd.s32 $0xFFFFE700  }
0x28f: {  	[spmem:s3] =	stream.indirect.scatter.add.f32 [tilespmem:s12], [sflag:$0x7], $0x80, s23, s8, $0xb8;
	[tilespmem:$0x1FC00] =	vst v63  }
0x290: {  	_ =	swait.ge [sflag:s18], $0x1900  }
0x291: {  	[sflag:s18] =	ssyncset.done $0x0  }
0x292: {  	[sflag:s18] =	ssyncadd.s32 $0xFFFFE700  }
0x293: {  	[spmem:s3] =	stream.indirect.scatter.add.f32 [tilespmem:s14], [sflag:$0x8], $0x80, s24, s8, $0xb8;
	[tilespmem:$0x1FC00] =	vst v63  }
0x294: {  	_ =	swait.ge [sflag:s0], $0x1900  }
0x295: {  	[sflag:s0] =	ssyncset.done $0x0  }
0x296: {  	[sflag:s0] =	ssyncadd.s32 $0xFFFFE700  }
0x297: {  	_ =	swait.ge [sflag:s19], $0x1900  }
0x298: {  	[sflag:s19] =	ssyncset.done $0x0  }
0x299: {  	[sflag:s19] =	ssyncadd.s32 $0xFFFFE700  }
0x29a: {  	_ =	swait.ge [sflag:s20], $0x1900  }
0x29b: {  	[sflag:s20] =	ssyncset.done $0x0  }
0x29c: {  	[sflag:s20] =	ssyncadd.s32 $0xFFFFE700  }
0x29d: {  	_ =	swait.ge [sflag:s7], $0x1900  }
0x29e: {  	[sflag:s7] =	ssyncset.done $0x0  }
0x29f: {  	s26 =	stileid.u32;
	[sflag:s7] =	ssyncadd.s32 $0xFFFFE700  }
0x2a0: {  	s25 =	sshll.u32 s26, $0x6;
	[bflag:$0x0] =	sbarrier.arrive $0xFFFF  }
0x2a1: {  	s26 =	sshrl.u32 s5, $0x3;
	s25 =	sor.u32 $0x1C0A, s25;
	s30 =	rddreg [dreg:$0x16]  }
0x2a2: {  	[hbm:s30], [sflag:s25] =	dma.local [spmem:s26], $0x2780  }
0x2a3: {  	_ =	swait.ge [sflag:s28], $0x2780  }
0x2a4: {  	s29 =	sadd.s32 $0x1, s29;
	s30 =	rddreg [dreg:$0x17]  }
0x2a5: {  	p0 =	sne.s32 s29, s30  }
.Ltmp6:
0x2a6: {  	_ = 	snop;
	(pc) =	sbr.rel @p0 .LBB2_1-.Ltmp6, $3  }
0x2a7: {  	_ =	sdelay $0x1  }
0x2a8: {  	[sflag:s28] =	ssyncset.done $0x0  }
0x2a9: {  	[sflag:s28] =	ssyncadd.s32 $0xFFFFD880  }
0x2aa: {  	_ =	sfence.sel $0x180000  }
0x2ab: {  	[bflag:$0x0] =	sbarrier.arrive $0xFFFF  }
0x2ac: {  	_ =	strace $0x90000047  }
0x2ad: {  	s0 =	stileid.u32;
	[bflag:$0x2] =	sbarrier.arrive $0xFFFF  }
0x2ae: {  	p0 =	sne.s32 s0, $0x0;
	s0 =	rddreg [dreg:$0x3]  }
0x2af: {  	s0 =	sadd.s32 @!p0 $0x100000, s0  }
0x2b0: {  	[sflag:s0] =	ssyncadd.tile.s32 @!p0 $0x1;
	_ =	shalt  }
.Lfunc_end2:
_tile_overlayer_lowered:
.L_overlay_start_2:
0x2b1: {  	(tag) =	ssettag $0x2  }
0x2b2: {  	s0 =	rddreg [dreg:$0x0];
	s2 =	stileid.u32  }
0x2b3: {  	s1 =	rddreg [dreg:$0x1];
	p0 =	sne.s32 s2, $0x0  }
0x2b4: {  	s3 =	rddreg [dreg:$0x2];
	[bflag:$0x3] =	sbarrier.arrive $0xFFFF;
	s2 =	simm.s32 @!p0 $0x1C0A  }
0x2b5: {  	[timem:s3], [sflag:s2] =	dma.local @!p0 [hbm:s0], s1  }
0x2b6: {  	s0 =	simm.s32 @!p0 $0xA  }
0x2b7: {  	_ =	swait.ge @!p0 [sflag:s0], s1  }
0x2b8: {  	s1 =	ssub.s32 @!p0 $0x0, s1;
	[sflag:s0] =	ssyncset.done @!p0 $0x0  }
0x2b9: {  	[sflag:s0] =	ssyncadd.s32 @!p0 s1  }
0x2ba: {  	[bflag:$0x3] =	sbarrier.arrive $0xFFFF  }
0x2bb: {  	_ =	shalt  }

</sc_bundles>
